<compile_context>
chip_gen: v7x
topology: tpu7x:2x2x1
jax: 0.10.2.dev20260603
libtpu: 0.0.44.dev20260713+nightly
codegen_flags: <defaults>
</compile_context>

<pallas_src>
import functools

import jax
import jax.numpy as jnp
from jax import lax
from jax.experimental import pallas as pl
from jax.experimental.pallas import tpu as pltpu
from jax.experimental.pallas import tpu_sc as plsc

N = 8192
BX = 4096
BY = 4096
NW = 32
R = 4
RPW = BX // NW
NCH = RPW // R
LANES = 16

_mesh = plsc.VectorSubcoreMesh(core_axis_name="c", subcore_axis_name="s")


@functools.partial(
    pl.kernel,
    out_type=jax.ShapeDtypeStruct((BX // R, R * BY), jnp.float32),
    mesh=_mesh,
    compiler_params=pltpu.CompilerParams(
        use_tc_tiling_on_sc=False, needs_layout_passes=False
    ),
    scratch_types=[
        pltpu.VMEM((NCH, 2 * R), jnp.int32),
        pltpu.VMEM((BY,), jnp.int32),
        pltpu.VMEM((LANES,), jnp.float32),
        pltpu.VMEM((2, 2 * R, N // 2), jnp.float32),
        pltpu.VMEM((2, R * BY), jnp.float32),
        pltpu.SemaphoreType.DMA,
        pltpu.SemaphoreType.DMA,
        pltpu.SemaphoreType.DMA,
        pltpu.SemaphoreType.DMA,
    ],
)
def _sc_gather_exp(tab, x2, y, ninv, out,
                   x2_v, y_v, ninv_v, rows_v, out_v, sg0, sg1, so0, so1):
    wid = lax.axis_index("s") * 2 + lax.axis_index("c")
    g0 = wid * NCH

    pltpu.sync_copy(x2.at[pl.ds(g0, NCH)], x2_v)
    pltpu.sync_copy(y, y_v)
    pltpu.sync_copy(ninv, ninv_v)
    ninv16 = ninv_v[...]

    sg = (sg0, sg1)
    so = (so0, so1)

    def start_gather(c):
        b = c & 1
        return pltpu.async_copy(tab.at[x2_v.at[c]], rows_v.at[b], sg[b])

    def compute(c):
        b = c & 1
        rows_b = rows_v.at[b]
        out_b = out_v.at[b]

        def blk(j, carry):
            r = j >> 8
            jb = j & 255
            yv = y_v[pl.ds(jb * LANES, LANES)]
            yh = (yv >> 12) + 2 * r
            yl = yv & 4095
            v = plsc.load_gather(rows_b, [yh, yl])
            out_b[pl.ds(r * BY + jb * LANES, LANES)] = jnp.exp(v * ninv16)
            return carry

        lax.fori_loop(0, R * (BY // LANES), blk, 0)

    gh = [start_gather(0), start_gather(1)]
    sh = [None, None]
    for c in range(NCH):
        b = c & 1
        gh[b].wait()
        if sh[b] is not None:
            sh[b].wait()
        compute(c)
        sh[b] = pltpu.async_copy(out_v.at[b], out.at[g0 + c], so[b])
        if c + 2 < NCH:
            gh[b] = start_gather(c + 2)
    sh[0].wait()
    sh[1].wait()


def kernel(x, y, distance, scale):
    s = jnp.clip(jax.nn.softplus(scale), 1e-10, 10000.0)
    ninv = jnp.broadcast_to(-1.0 / s, (LANES,)).astype(jnp.float32)
    xi = x.astype(jnp.int32)
    x2 = jnp.stack([xi * 2, xi * 2 + 1], axis=1).reshape(BX // R, 2 * R)
    yi = y.astype(jnp.int32)
    tab = distance.reshape(2 * N, N // 2)
    out = _sc_gather_exp(tab, x2, yi, ninv)
    return out.reshape(BX, BY)

# --- scband reference (transcript-rebuilt; emitter-appended) ---
"""Pipeline reference for scband-kernel-6210522710019 (READ-ONLY COPY).

The authoritative reference and input builder live on the scoring server;
editing this copy changes nothing except your own understanding.
"""

import jax, jax.numpy as jnp
import numpy as np

N = 8192
BX = 4096
BY = 4096

def setup_inputs(seed: int = 0) -> dict:
    key = jax.random.key(seed)
    k1, k2, k3 = jax.random.split(key, 3)
    distance = jax.random.uniform(k1, (N, N), dtype=jnp.float32)
    x = jax.random.randint(k2, (BX,), 0, N, dtype=jnp.int32)
    y = jax.random.randint(k3, (BY,), 0, N, dtype=jnp.int32)
    scale = jnp.array([1.0], dtype=jnp.float32)
    return {"x": x, "y": y, "distance": distance, "scale": scale}

def reference(x, y, distance, scale):
    # distance[x][:, y] : two-stage gather (rows then cols)
    rows = jnp.take(distance, x.astype(jnp.int32), axis=0)
    dm = jnp.take(rows, y.astype(jnp.int32), axis=1)
    s = jnp.clip(jax.nn.softplus(scale), 1e-10, 10000.0)
    return jnp.exp(-dm / s)

if __name__ == "__main__":
    import jax
    _d = setup_inputs()
    print(jax.jit(kernel)(*tuple(_d.values())))

</pallas_src>

<mosaic_0001>
#map = affine_map<(d0, d1) -> (0, 0)>
#map1 = affine_map<(d0, d1) -> (0)>
module attributes {stable_mosaic.version = 14 : i64} {
  func.func @_sc_gather_exp(%arg0: i32, %arg1: i32, %arg2: memref<16384x4096xf32, #tpu.memory_space<hbm>>, %arg3: memref<1024x8xi32, #tpu.memory_space<hbm>>, %arg4: memref<4096xi32, #tpu.memory_space<hbm>>, %arg5: memref<16xf32, #tpu.memory_space<hbm>>, %arg6: memref<1024x16384xf32, #tpu.memory_space<hbm>>, %arg7: memref<32x8xi32, #tpu.memory_space<vmem>>, %arg8: memref<4096xi32, #tpu.memory_space<vmem>>, %arg9: memref<16xf32, #tpu.memory_space<vmem>>, %arg10: memref<2x8x4096xf32, #tpu.memory_space<vmem>>, %arg11: memref<2x16384xf32, #tpu.memory_space<vmem>>, %arg12: memref<!tpu.dma_semaphore, #tpu.memory_space<semaphore_mem>>, %arg13: memref<!tpu.dma_semaphore, #tpu.memory_space<semaphore_mem>>, %arg14: memref<!tpu.dma_semaphore, #tpu.memory_space<semaphore_mem>>, %arg15: memref<!tpu.dma_semaphore, #tpu.memory_space<semaphore_mem>>) attributes {dimension_semantics = [#tpu.dimension_semantics<core_parallel>, #tpu.dimension_semantics<subcore_parallel>], iteration_bounds = array<i64: 2, 16>, scalar_prefetch = 0 : i64, scratch_operands = 9 : i64, tpu.core_type = #tpu.core_type<sc_vector_subcore>, window_params = [{transform_indices = #map}, {transform_indices = #map}, {transform_indices = #map1}, {transform_indices = #map1}, {transform_indices = #map}]} {
    %mul3A = arith.constant 2 : i32
    %mul3A_0 = arith.muli %arg1, %mul3A : i32
    %add3A = arith.addi %mul3A_0, %arg0 : i32
    %mul3A_1 = arith.constant 32 : i32
    %mul3A_2 = arith.muli %add3A, %mul3A_1 : i32
    "tpu.region"() ({
      %run_scoped3A = tpu.sem_alloc : memref<!tpu.dma_semaphore, #tpu.memory_space<semaphore_mem>>
      %dma_start3A_1921 = arith.constant 0 : i32
      %dma_start3A_1922 = tpu.memref_slice %arg3[%mul3A_2, %dma_start3A_1921] : memref<1024x8xi32, #tpu.memory_space<hbm>> -> memref<32x8xi32, #tpu.memory_space<hbm>>
      %dma_start3A_1923 = arith.constant 0 : i32
      %dma_start3A_1924 = tpu.memref_slice %arg3[%mul3A_2, %dma_start3A_1923] : memref<1024x8xi32, #tpu.memory_space<hbm>> -> memref<32x8xi32, #tpu.memory_space<hbm>>
      tpu.enqueue_dma source(%dma_start3A_1924 : memref<32x8xi32, #tpu.memory_space<hbm>>) target(%arg7 : memref<32x8xi32, #tpu.memory_space<vmem>>) target_semaphore(%run_scoped3A : memref<!tpu.dma_semaphore, #tpu.memory_space<semaphore_mem>>)
      %dma_wait3A_1925 = arith.constant 0 : i32
      %dma_wait3A_1926 = tpu.memref_slice %arg3[%mul3A_2, %dma_wait3A_1925] : memref<1024x8xi32, #tpu.memory_space<hbm>> -> memref<32x8xi32, #tpu.memory_space<hbm>>
      %dma_wait3A_1927 = arith.constant 0 : i32
      %dma_wait3A_1928 = tpu.memref_slice %arg3[%mul3A_2, %dma_wait3A_1927] : memref<1024x8xi32, #tpu.memory_space<hbm>> -> memref<32x8xi32, #tpu.memory_space<hbm>>
      tpu.wait_dma2 semaphore(%run_scoped3A : memref<!tpu.dma_semaphore, #tpu.memory_space<semaphore_mem>>) src(%dma_wait3A_1928 : memref<32x8xi32, #tpu.memory_space<hbm>>) dst(%arg7 : memref<32x8xi32, #tpu.memory_space<vmem>>)
      tpu.yield
    }) : () -> ()
    "tpu.region"() ({
      %run_scoped3A = tpu.sem_alloc : memref<!tpu.dma_semaphore, #tpu.memory_space<semaphore_mem>>
      tpu.enqueue_dma source(%arg4 : memref<4096xi32, #tpu.memory_space<hbm>>) target(%arg8 : memref<4096xi32, #tpu.memory_space<vmem>>) target_semaphore(%run_scoped3A : memref<!tpu.dma_semaphore, #tpu.memory_space<semaphore_mem>>)
      tpu.wait_dma2 semaphore(%run_scoped3A : memref<!tpu.dma_semaphore, #tpu.memory_space<semaphore_mem>>) src(%arg4 : memref<4096xi32, #tpu.memory_space<hbm>>) dst(%arg8 : memref<4096xi32, #tpu.memory_space<vmem>>)
      tpu.yield
    }) : () -> ()
    "tpu.region"() ({
      %run_scoped3A = tpu.sem_alloc : memref<!tpu.dma_semaphore, #tpu.memory_space<semaphore_mem>>
      tpu.enqueue_dma source(%arg5 : memref<16xf32, #tpu.memory_space<hbm>>) target(%arg9 : memref<16xf32, #tpu.memory_space<vmem>>) target_semaphore(%run_scoped3A : memref<!tpu.dma_semaphore, #tpu.memory_space<semaphore_mem>>)
      tpu.wait_dma2 semaphore(%run_scoped3A : memref<!tpu.dma_semaphore, #tpu.memory_space<semaphore_mem>>) src(%arg5 : memref<16xf32, #tpu.memory_space<hbm>>) dst(%arg9 : memref<16xf32, #tpu.memory_space<vmem>>)
      tpu.yield
    }) : () -> ()
    %get3A = arith.constant 0 : index
    %get3A_3 = tpu.vector_load %arg9[%get3A] {strides = array<i32>} : memref<16xf32, #tpu.memory_space<vmem>>, vector<16xf32>,
    %dma_start3A = arith.constant 0 : i32
    %dma_start3A_4 = arith.constant 0 : i32
    %dma_start3A_5 = arith.constant 0 : i32
    %dma_start3A_6 = arith.constant 0 : i32
    %dma_start3A_7 = tpu.memref_slice %arg10[%dma_start3A_4, %dma_start3A_5, %dma_start3A_6] : memref<2x8x4096xf32, #tpu.memory_space<vmem>> -> memref<1x8x4096xf32, #tpu.memory_space<vmem>>
    %dma_start3A_8 = tpu.memref_squeeze %dma_start3A_7 : memref<1x8x4096xf32, #tpu.memory_space<vmem>> -> memref<8x4096xf32, #tpu.memory_space<vmem>>
    %dma_start3A_9 = arith.constant 0 : i32
    %dma_start3A_10 = tpu.memref_slice %arg7[%dma_start3A, %dma_start3A_9] : memref<32x8xi32, #tpu.memory_space<vmem>> -> memref<1x8xi32, #tpu.memory_space<vmem>>
    %dma_start3A_11 = tpu.memref_squeeze %dma_start3A_10 : memref<1x8xi32, #tpu.memory_space<vmem>> -> memref<8xi32, #tpu.memory_space<vmem>>
    %dma_start3A_12 = arith.constant 0 : i32
    %dma_start3A_13 = arith.constant 0 : i32
    %dma_start3A_14 = tpu.memref_slice %arg2[%dma_start3A_12, %dma_start3A_13] : memref<16384x4096xf32, #tpu.memory_space<hbm>> -> memref<16384x4096xf32, #tpu.memory_space<hbm>>
    tpu.enqueue_indirect_dma source(%dma_start3A_14 : memref<16384x4096xf32, #tpu.memory_space<hbm>>) target(%dma_start3A_8 : memref<8x4096xf32, #tpu.memory_space<vmem>>) offsets(%dma_start3A_11 : memref<8xi32, #tpu.memory_space<vmem>>) semaphore(%arg12 : memref<!tpu.dma_semaphore, #tpu.memory_space<semaphore_mem>>)
    %dma_start3A_15 = arith.constant 1 : i32
    %dma_start3A_16 = arith.constant 1 : i32
    %dma_start3A_17 = arith.constant 0 : i32
    %dma_start3A_18 = arith.constant 0 : i32
    %dma_start3A_19 = tpu.memref_slice %arg10[%dma_start3A_16, %dma_start3A_17, %dma_start3A_18] : memref<2x8x4096xf32, #tpu.memory_space<vmem>> -> memref<1x8x4096xf32, #tpu.memory_space<vmem>>
    %dma_start3A_20 = tpu.memref_squeeze %dma_start3A_19 : memref<1x8x4096xf32, #tpu.memory_space<vmem>> -> memref<8x4096xf32, #tpu.memory_space<vmem>>
    %dma_start3A_21 = arith.constant 0 : i32
    %dma_start3A_22 = tpu.memref_slice %arg7[%dma_start3A_15, %dma_start3A_21] : memref<32x8xi32, #tpu.memory_space<vmem>> -> memref<1x8xi32, #tpu.memory_space<vmem>>
    %dma_start3A_23 = tpu.memref_squeeze %dma_start3A_22 : memref<1x8xi32, #tpu.memory_space<vmem>> -> memref<8xi32, #tpu.memory_space<vmem>>
    %dma_start3A_24 = arith.constant 0 : i32
    %dma_start3A_25 = arith.constant 0 : i32
    %dma_start3A_26 = tpu.memref_slice %arg2[%dma_start3A_24, %dma_start3A_25] : memref<16384x4096xf32, #tpu.memory_space<hbm>> -> memref<16384x4096xf32, #tpu.memory_space<hbm>>
    tpu.enqueue_indirect_dma source(%dma_start3A_26 : memref<16384x4096xf32, #tpu.memory_space<hbm>>) target(%dma_start3A_20 : memref<8x4096xf32, #tpu.memory_space<vmem>>) offsets(%dma_start3A_23 : memref<8xi32, #tpu.memory_space<vmem>>) semaphore(%arg13 : memref<!tpu.dma_semaphore, #tpu.memory_space<semaphore_mem>>)
    %dma_wait3A = arith.constant 0 : i32
    %dma_wait3A_27 = arith.constant 0 : i32
    %dma_wait3A_28 = arith.constant 0 : i32
    %dma_wait3A_29 = arith.constant 0 : i32
    %dma_wait3A_30 = tpu.memref_slice %arg10[%dma_wait3A_27, %dma_wait3A_28, %dma_wait3A_29] : memref<2x8x4096xf32, #tpu.memory_space<vmem>> -> memref<1x8x4096xf32, #tpu.memory_space<vmem>>
    %dma_wait3A_31 = tpu.memref_squeeze %dma_wait3A_30 : memref<1x8x4096xf32, #tpu.memory_space<vmem>> -> memref<8x4096xf32, #tpu.memory_space<vmem>>
    %dma_wait3A_32 = arith.constant 0 : i32
    %dma_wait3A_33 = tpu.memref_slice %arg7[%dma_wait3A, %dma_wait3A_32] : memref<32x8xi32, #tpu.memory_space<vmem>> -> memref<1x8xi32, #tpu.memory_space<vmem>>
    %dma_wait3A_34 = tpu.memref_squeeze %dma_wait3A_33 : memref<1x8xi32, #tpu.memory_space<vmem>> -> memref<8xi32, #tpu.memory_space<vmem>>
    %dma_wait3A_35 = arith.constant 0 : i32
    %dma_wait3A_36 = arith.constant 0 : i32
    %dma_wait3A_37 = tpu.memref_slice %arg2[%dma_wait3A_35, %dma_wait3A_36] : memref<16384x4096xf32, #tpu.memory_space<hbm>> -> memref<16384x4096xf32, #tpu.memory_space<hbm>>
    tpu.wait_indirect_dma semaphore(%arg12 : memref<!tpu.dma_semaphore, #tpu.memory_space<semaphore_mem>>) src(%dma_wait3A_37 : memref<16384x4096xf32, #tpu.memory_space<hbm>>) dst(%dma_wait3A_31 : memref<8x4096xf32, #tpu.memory_space<vmem>>)
    %scan3A = arith.constant 0 : i32
    %scan3A_38 = arith.constant 0 : i32
    %scan3A_39 = arith.constant 0 : i32
    %scan3A_40 = arith.constant 0 : i32
    %scan3A_41 = arith.constant 1024 : i32
    %scan3A_42 = arith.addi %scan3A_40, %scan3A_41 : i32
    %scan3A_43 = arith.constant 1 : i32
    scf.for %scan3A_1921 = %scan3A_40 to %scan3A_42 step %scan3A_43  : i32 {
      %shift_right_arithmetic3A = arith.constant 8 : i32
      %shift_right_arithmetic3A_1922 = arith.shrsi %scan3A_1921, %shift_right_arithmetic3A : i32
      %and3A = arith.constant 255 : i32
      %and3A_1923 = arith.andi %scan3A_1921, %and3A : i32
      %mul3A_1924 = arith.constant 16 : i32
      %mul3A_1925 = arith.muli %and3A_1923, %mul3A_1924 : i32
      %get3A_1926 = arith.index_cast %mul3A_1925 : i32 to index
      %get3A_1927 = tpu.vector_load %arg8[%get3A_1926] {strides = array<i32>} : memref<4096xi32, #tpu.memory_space<vmem>>, vector<16xi32>,
      %shift_right_arithmetic3A_1928 = arith.constant 12 : i32
      %shift_right_arithmetic3A_1929 = vector.broadcast %shift_right_arithmetic3A_1928 : i32 to vector<16xi32>
      %shift_right_arithmetic3A_1930 = arith.shrsi %get3A_1927, %shift_right_arithmetic3A_1929 : vector<16xi32>
      %mul3A_1931 = arith.constant 2 : i32
      %mul3A_1932 = arith.muli %mul3A_1931, %shift_right_arithmetic3A_1922 : i32
      %add3A_1933 = vector.broadcast %mul3A_1932 : i32 to vector<16xi32>
      %add3A_1934 = arith.addi %shift_right_arithmetic3A_1930, %add3A_1933 : vector<16xi32>
      %and3A_1935 = arith.constant 4095 : i32
      %and3A_1936 = vector.broadcast %and3A_1935 : i32 to vector<16xi32>
      %and3A_1937 = arith.andi %get3A_1927, %and3A_1936 : vector<16xi32>
      %gather3A = arith.constant 0 : i32
      %gather3A_1938 = arith.constant 0 : i32
      %gather3A_1939 = tpu.memref_slice %arg10[%scan3A_38, %gather3A, %gather3A_1938] : memref<2x8x4096xf32, #tpu.memory_space<vmem>> -> memref<1x8x4096xf32, #tpu.memory_space<vmem>>
      %gather3A_1940 = tpu.memref_squeeze %gather3A_1939 : memref<1x8x4096xf32, #tpu.memory_space<vmem>> -> memref<8x4096xf32, #tpu.memory_space<vmem>>
      %gather3A_1941 = tpu.vector_load_idx %gather3A_1940[%add3A_1934, %and3A_1937] : memref<8x4096xf32, #tpu.memory_space<vmem>>[vector<16xi32>, vector<16xi32>], vector<16xf32>,
      %mul3A_1942 = arith.mulf %gather3A_1941, %get3A_3 : vector<16xf32>
      %exp3A = math.exp %mul3A_1942 : vector<16xf32>
      %mul3A_1943 = arith.constant 4096 : i32
      %mul3A_1944 = arith.muli %shift_right_arithmetic3A_1922, %mul3A_1943 : i32
      %mul3A_1945 = arith.constant 16 : i32
      %mul3A_1946 = arith.muli %and3A_1923, %mul3A_1945 : i32
      %add3A_1947 = arith.addi %mul3A_1944, %mul3A_1946 : i32
      %swap3A = arith.constant 0 : i32
      %swap3A_1948 = tpu.memref_slice %arg11[%scan3A_39, %swap3A] : memref<2x16384xf32, #tpu.memory_space<vmem>> -> memref<1x16384xf32, #tpu.memory_space<vmem>>
      %swap3A_1949 = tpu.memref_squeeze %swap3A_1948 : memref<1x16384xf32, #tpu.memory_space<vmem>> -> memref<16384xf32, #tpu.memory_space<vmem>>
      %swap3A_1950 = arith.index_cast %add3A_1947 : i32 to index
      %swap3A_1951 = tpu.vector_load %swap3A_1949[%swap3A_1950] {strides = array<i32>} : memref<16384xf32, #tpu.memory_space<vmem>>, vector<16xf32>,
      tpu.vector_store %swap3A_1949[%swap3A_1950], %exp3A {strides = array<i32>} : memref<16384xf32, #tpu.memory_space<vmem>>, vector<16xf32>,
    }
    %scan3A_44 = arith.constant 1024 : i32
    %add3A_45 = arith.constant 0 : i32
    %add3A_46 = arith.addi %mul3A_2, %add3A_45 : i32
    %dma_start3A_47 = arith.constant 0 : i32
    %dma_start3A_48 = arith.constant 0 : i32
    %dma_start3A_49 = tpu.memref_slice %arg11[%dma_start3A_47, %dma_start3A_48] : memref<2x16384xf32, #tpu.memory_space<vmem>> -> memref<1x16384xf32, #tpu.memory_space<vmem>>
    %dma_start3A_50 = tpu.memref_squeeze %dma_start3A_49 : memref<1x16384xf32, #tpu.memory_space<vmem>> -> memref<16384xf32, #tpu.memory_space<vmem>>
    %dma_start3A_51 = arith.constant 0 : i32
    %dma_start3A_52 = tpu.memref_slice %arg6[%add3A_46, %dma_start3A_51] : memref<1024x16384xf32, #tpu.memory_space<hbm>> -> memref<1x16384xf32, #tpu.memory_space<hbm>>
    %dma_start3A_53 = tpu.memref_squeeze %dma_start3A_52 : memref<1x16384xf32, #tpu.memory_space<hbm>> -> memref<16384xf32, #tpu.memory_space<hbm>>
    %dma_start3A_54 = arith.constant 0 : i32
    %dma_start3A_55 = tpu.memref_slice %arg6[%add3A_46, %dma_start3A_54] : memref<1024x16384xf32, #tpu.memory_space<hbm>> -> memref<1x16384xf32, #tpu.memory_space<hbm>>
    %dma_start3A_56 = tpu.memref_squeeze %dma_start3A_55 : memref<1x16384xf32, #tpu.memory_space<hbm>> -> memref<16384xf32, #tpu.memory_space<hbm>>
    %dma_start3A_57 = arith.constant 0 : i32
    %dma_start3A_58 = tpu.memref_slice %arg11[%dma_start3A_47, %dma_start3A_57] : memref<2x16384xf32, #tpu.memory_space<vmem>> -> memref<1x16384xf32, #tpu.memory_space<vmem>>
    %dma_start3A_59 = tpu.memref_squeeze %dma_start3A_58 : memref<1x16384xf32, #tpu.memory_space<vmem>> -> memref<16384xf32, #tpu.memory_space<vmem>>
    tpu.enqueue_dma source(%dma_start3A_59 : memref<16384xf32, #tpu.memory_space<vmem>>) target(%dma_start3A_56 : memref<16384xf32, #tpu.memory_space<hbm>>) target_semaphore(%arg14 : memref<!tpu.dma_semaphore, #tpu.memory_space<semaphore_mem>>)
    %dma_start3A_60 = arith.constant 2 : i32
    %dma_start3A_61 = arith.constant 0 : i32
    %dma_start3A_62 = arith.constant 0 : i32
    %dma_start3A_63 = arith.constant 0 : i32
    %dma_start3A_64 = tpu.memref_slice %arg10[%dma_start3A_61, %dma_start3A_62, %dma_start3A_63] : memref<2x8x4096xf32, #tpu.memory_space<vmem>> -> memref<1x8x4096xf32, #tpu.memory_space<vmem>>
    %dma_start3A_65 = tpu.memref_squeeze %dma_start3A_64 : memref<1x8x4096xf32, #tpu.memory_space<vmem>> -> memref<8x4096xf32, #tpu.memory_space<vmem>>
    %dma_start3A_66 = arith.constant 0 : i32
    %dma_start3A_67 = tpu.memref_slice %arg7[%dma_start3A_60, %dma_start3A_66] : memref<32x8xi32, #tpu.memory_space<vmem>> -> memref<1x8xi32, #tpu.memory_space<vmem>>
    %dma_start3A_68 = tpu.memref_squeeze %dma_start3A_67 : memref<1x8xi32, #tpu.memory_space<vmem>> -> memref<8xi32, #tpu.memory_space<vmem>>
    %dma_start3A_69 = arith.constant 0 : i32
    %dma_start3A_70 = arith.constant 0 : i32
    %dma_start3A_71 = tpu.memref_slice %arg2[%dma_start3A_69, %dma_start3A_70] : memref<16384x4096xf32, #tpu.memory_space<hbm>> -> memref<16384x4096xf32, #tpu.memory_space<hbm>>
    tpu.enqueue_indirect_dma source(%dma_start3A_71 : memref<16384x4096xf32, #tpu.memory_space<hbm>>) target(%dma_start3A_65 : memref<8x4096xf32, #tpu.memory_space<vmem>>) offsets(%dma_start3A_68 : memref<8xi32, #tpu.memory_space<vmem>>) semaphore(%arg12 : memref<!tpu.dma_semaphore, #tpu.memory_space<semaphore_mem>>)
    %dma_wait3A_72 = arith.constant 1 : i32
    %dma_wait3A_73 = arith.constant 1 : i32
    %dma_wait3A_74 = arith.constant 0 : i32
    %dma_wait3A_75 = arith.constant 0 : i32
    %dma_wait3A_76 = tpu.memref_slice %arg10[%dma_wait3A_73, %dma_wait3A_74, %dma_wait3A_75] : memref<2x8x4096xf32, #tpu.memory_space<vmem>> -> memref<1x8x4096xf32, #tpu.memory_space<vmem>>
    %dma_wait3A_77 = tpu.memref_squeeze %dma_wait3A_76 : memref<1x8x4096xf32, #tpu.memory_space<vmem>> -> memref<8x4096xf32, #tpu.memory_space<vmem>>
    %dma_wait3A_78 = arith.constant 0 : i32
    %dma_wait3A_79 = tpu.memref_slice %arg7[%dma_wait3A_72, %dma_wait3A_78] : memref<32x8xi32, #tpu.memory_space<vmem>> -> memref<1x8xi32, #tpu.memory_space<vmem>>
    %dma_wait3A_80 = tpu.memref_squeeze %dma_wait3A_79 : memref<1x8xi32, #tpu.memory_space<vmem>> -> memref<8xi32, #tpu.memory_space<vmem>>
    %dma_wait3A_81 = arith.constant 0 : i32
    %dma_wait3A_82 = arith.constant 0 : i32
    %dma_wait3A_83 = tpu.memref_slice %arg2[%dma_wait3A_81, %dma_wait3A_82] : memref<16384x4096xf32, #tpu.memory_space<hbm>> -> memref<16384x4096xf32, #tpu.memory_space<hbm>>
    tpu.wait_indirect_dma semaphore(%arg13 : memref<!tpu.dma_semaphore, #tpu.memory_space<semaphore_mem>>) src(%dma_wait3A_83 : memref<16384x4096xf32, #tpu.memory_space<hbm>>) dst(%dma_wait3A_77 : memref<8x4096xf32, #tpu.memory_space<vmem>>)
    %scan3A_84 = arith.constant 0 : i32
    %scan3A_85 = arith.constant 1 : i32
    %scan3A_86 = arith.constant 1 : i32
    %scan3A_87 = arith.constant 0 : i32
    %scan3A_88 = arith.constant 1024 : i32
    %scan3A_89 = arith.addi %scan3A_87, %scan3A_88 : i32
    %scan3A_90 = arith.constant 1 : i32
    scf.for %scan3A_1921 = %scan3A_87 to %scan3A_89 step %scan3A_90  : i32 {
      %shift_right_arithmetic3A = arith.constant 8 : i32
      %shift_right_arithmetic3A_1922 = arith.shrsi %scan3A_1921, %shift_right_arithmetic3A : i32
      %and3A = arith.constant 255 : i32
      %and3A_1923 = arith.andi %scan3A_1921, %and3A : i32
      %mul3A_1924 = arith.constant 16 : i32
      %mul3A_1925 = arith.muli %and3A_1923, %mul3A_1924 : i32
      %get3A_1926 = arith.index_cast %mul3A_1925 : i32 to index
      %get3A_1927 = tpu.vector_load %arg8[%get3A_1926] {strides = array<i32>} : memref<4096xi32, #tpu.memory_space<vmem>>, vector<16xi32>,
      %shift_right_arithmetic3A_1928 = arith.constant 12 : i32
      %shift_right_arithmetic3A_1929 = vector.broadcast %shift_right_arithmetic3A_1928 : i32 to vector<16xi32>
      %shift_right_arithmetic3A_1930 = arith.shrsi %get3A_1927, %shift_right_arithmetic3A_1929 : vector<16xi32>
      %mul3A_1931 = arith.constant 2 : i32
      %mul3A_1932 = arith.muli %mul3A_1931, %shift_right_arithmetic3A_1922 : i32
      %add3A_1933 = vector.broadcast %mul3A_1932 : i32 to vector<16xi32>
      %add3A_1934 = arith.addi %shift_right_arithmetic3A_1930, %add3A_1933 : vector<16xi32>
      %and3A_1935 = arith.constant 4095 : i32
      %and3A_1936 = vector.broadcast %and3A_1935 : i32 to vector<16xi32>
      %and3A_1937 = arith.andi %get3A_1927, %and3A_1936 : vector<16xi32>
      %gather3A = arith.constant 0 : i32
      %gather3A_1938 = arith.constant 0 : i32
      %gather3A_1939 = tpu.memref_slice %arg10[%scan3A_85, %gather3A, %gather3A_1938] : memref<2x8x4096xf32, #tpu.memory_space<vmem>> -> memref<1x8x4096xf32, #tpu.memory_space<vmem>>
      %gather3A_1940 = tpu.memref_squeeze %gather3A_1939 : memref<1x8x4096xf32, #tpu.memory_space<vmem>> -> memref<8x4096xf32, #tpu.memory_space<vmem>>
      %gather3A_1941 = tpu.vector_load_idx %gather3A_1940[%add3A_1934, %and3A_1937] : memref<8x4096xf32, #tpu.memory_space<vmem>>[vector<16xi32>, vector<16xi32>], vector<16xf32>,
      %mul3A_1942 = arith.mulf %gather3A_1941, %get3A_3 : vector<16xf32>
      %exp3A = math.exp %mul3A_1942 : vector<16xf32>
      %mul3A_1943 = arith.constant 4096 : i32
      %mul3A_1944 = arith.muli %shift_right_arithmetic3A_1922, %mul3A_1943 : i32
      %mul3A_1945 = arith.constant 16 : i32
      %mul3A_1946 = arith.muli %and3A_1923, %mul3A_1945 : i32
      %add3A_1947 = arith.addi %mul3A_1944, %mul3A_1946 : i32
      %swap3A = arith.constant 0 : i32
      %swap3A_1948 = tpu.memref_slice %arg11[%scan3A_86, %swap3A] : memref<2x16384xf32, #tpu.memory_space<vmem>> -> memref<1x16384xf32, #tpu.memory_space<vmem>>
      %swap3A_1949 = tpu.memref_squeeze %swap3A_1948 : memref<1x16384xf32, #tpu.memory_space<vmem>> -> memref<16384xf32, #tpu.memory_space<vmem>>
      %swap3A_1950 = arith.index_cast %add3A_1947 : i32 to index
      %swap3A_1951 = tpu.vector_load %swap3A_1949[%swap3A_1950] {strides = array<i32>} : memref<16384xf32, #tpu.memory_space<vmem>>, vector<16xf32>,
      tpu.vector_store %swap3A_1949[%swap3A_1950], %exp3A {strides = array<i32>} : memref<16384xf32, #tpu.memory_space<vmem>>, vector<16xf32>,
    }
    %scan3A_91 = arith.constant 1024 : i32
    %add3A_92 = arith.constant 1 : i32
    %add3A_93 = arith.addi %mul3A_2, %add3A_92 : i32
    %dma_start3A_94 = arith.constant 1 : i32
    %dma_start3A_95 = arith.constant 0 : i32
    %dma_start3A_96 = tpu.memref_slice %arg11[%dma_start3A_94, %dma_start3A_95] : memref<2x16384xf32, #tpu.memory_space<vmem>> -> memref<1x16384xf32, #tpu.memory_space<vmem>>
    %dma_start3A_97 = tpu.memref_squeeze %dma_start3A_96 : memref<1x16384xf32, #tpu.memory_space<vmem>> -> memref<16384xf32, #tpu.memory_space<vmem>>
    %dma_start3A_98 = arith.constant 0 : i32
    %dma_start3A_99 = tpu.memref_slice %arg6[%add3A_93, %dma_start3A_98] : memref<1024x16384xf32, #tpu.memory_space<hbm>> -> memref<1x16384xf32, #tpu.memory_space<hbm>>
    %dma_start3A_100 = tpu.memref_squeeze %dma_start3A_99 : memref<1x16384xf32, #tpu.memory_space<hbm>> -> memref<16384xf32, #tpu.memory_space<hbm>>
    %dma_start3A_101 = arith.constant 0 : i32
    %dma_start3A_102 = tpu.memref_slice %arg6[%add3A_93, %dma_start3A_101] : memref<1024x16384xf32, #tpu.memory_space<hbm>> -> memref<1x16384xf32, #tpu.memory_space<hbm>>
    %dma_start3A_103 = tpu.memref_squeeze %dma_start3A_102 : memref<1x16384xf32, #tpu.memory_space<hbm>> -> memref<16384xf32, #tpu.memory_space<hbm>>
    %dma_start3A_104 = arith.constant 0 : i32
    %dma_start3A_105 = tpu.memref_slice %arg11[%dma_start3A_94, %dma_start3A_104] : memref<2x16384xf32, #tpu.memory_space<vmem>> -> memref<1x16384xf32, #tpu.memory_space<vmem>>
    %dma_start3A_106 = tpu.memref_squeeze %dma_start3A_105 : memref<1x16384xf32, #tpu.memory_space<vmem>> -> memref<16384xf32, #tpu.memory_space<vmem>>
    tpu.enqueue_dma source(%dma_start3A_106 : memref<16384xf32, #tpu.memory_space<vmem>>) target(%dma_start3A_103 : memref<16384xf32, #tpu.memory_space<hbm>>) target_semaphore(%arg15 : memref<!tpu.dma_semaphore, #tpu.memory_space<semaphore_mem>>)
    %dma_start3A_107 = arith.constant 3 : i32
    %dma_start3A_108 = arith.constant 1 : i32
    %dma_start3A_109 = arith.constant 0 : i32
    %dma_start3A_110 = arith.constant 0 : i32
    %dma_start3A_111 = tpu.memref_slice %arg10[%dma_start3A_108, %dma_start3A_109, %dma_start3A_110] : memref<2x8x4096xf32, #tpu.memory_space<vmem>> -> memref<1x8x4096xf32, #tpu.memory_space<vmem>>
    %dma_start3A_112 = tpu.memref_squeeze %dma_start3A_111 : memref<1x8x4096xf32, #tpu.memory_space<vmem>> -> memref<8x4096xf32, #tpu.memory_space<vmem>>
    %dma_start3A_113 = arith.constant 0 : i32
    %dma_start3A_114 = tpu.memref_slice %arg7[%dma_start3A_107, %dma_start3A_113] : memref<32x8xi32, #tpu.memory_space<vmem>> -> memref<1x8xi32, #tpu.memory_space<vmem>>
    %dma_start3A_115 = tpu.memref_squeeze %dma_start3A_114 : memref<1x8xi32, #tpu.memory_space<vmem>> -> memref<8xi32, #tpu.memory_space<vmem>>
    %dma_start3A_116 = arith.constant 0 : i32
    %dma_start3A_117 = arith.constant 0 : i32
    %dma_start3A_118 = tpu.memref_slice %arg2[%dma_start3A_116, %dma_start3A_117] : memref<16384x4096xf32, #tpu.memory_space<hbm>> -> memref<16384x4096xf32, #tpu.memory_space<hbm>>
    tpu.enqueue_indirect_dma source(%dma_start3A_118 : memref<16384x4096xf32, #tpu.memory_space<hbm>>) target(%dma_start3A_112 : memref<8x4096xf32, #tpu.memory_space<vmem>>) offsets(%dma_start3A_115 : memref<8xi32, #tpu.memory_space<vmem>>) semaphore(%arg13 : memref<!tpu.dma_semaphore, #tpu.memory_space<semaphore_mem>>)
    %dma_wait3A_119 = arith.constant 2 : i32
    %dma_wait3A_120 = arith.constant 0 : i32
    %dma_wait3A_121 = arith.constant 0 : i32
    %dma_wait3A_122 = arith.constant 0 : i32
    %dma_wait3A_123 = tpu.memref_slice %arg10[%dma_wait3A_120, %dma_wait3A_121, %dma_wait3A_122] : memref<2x8x4096xf32, #tpu.memory_space<vmem>> -> memref<1x8x4096xf32, #tpu.memory_space<vmem>>
    %dma_wait3A_124 = tpu.memref_squeeze %dma_wait3A_123 : memref<1x8x4096xf32, #tpu.memory_space<vmem>> -> memref<8x4096xf32, #tpu.memory_space<vmem>>
    %dma_wait3A_125 = arith.constant 0 : i32
    %dma_wait3A_126 = tpu.memref_slice %arg7[%dma_wait3A_119, %dma_wait3A_125] : memref<32x8xi32, #tpu.memory_space<vmem>> -> memref<1x8xi32, #tpu.memory_space<vmem>>
    %dma_wait3A_127 = tpu.memref_squeeze %dma_wait3A_126 : memref<1x8xi32, #tpu.memory_space<vmem>> -> memref<8xi32, #tpu.memory_space<vmem>>
    %dma_wait3A_128 = arith.constant 0 : i32
    %dma_wait3A_129 = arith.constant 0 : i32
    %dma_wait3A_130 = tpu.memref_slice %arg2[%dma_wait3A_128, %dma_wait3A_129] : memref<16384x4096xf32, #tpu.memory_space<hbm>> -> memref<16384x4096xf32, #tpu.memory_space<hbm>>
    tpu.wait_indirect_dma semaphore(%arg12 : memref<!tpu.dma_semaphore, #tpu.memory_space<semaphore_mem>>) src(%dma_wait3A_130 : memref<16384x4096xf32, #tpu.memory_space<hbm>>) dst(%dma_wait3A_124 : memref<8x4096xf32, #tpu.memory_space<vmem>>)
    %dma_wait3A_131 = arith.constant 0 : i32
    %dma_wait3A_132 = arith.constant 0 : i32
    %dma_wait3A_133 = tpu.memref_slice %arg11[%dma_wait3A_131, %dma_wait3A_132] : memref<2x16384xf32, #tpu.memory_space<vmem>> -> memref<1x16384xf32, #tpu.memory_space<vmem>>
    %dma_wait3A_134 = tpu.memref_squeeze %dma_wait3A_133 : memref<1x16384xf32, #tpu.memory_space<vmem>> -> memref<16384xf32, #tpu.memory_space<vmem>>
    %dma_wait3A_135 = arith.constant 0 : i32
    %dma_wait3A_136 = tpu.memref_slice %arg6[%add3A_46, %dma_wait3A_135] : memref<1024x16384xf32, #tpu.memory_space<hbm>> -> memref<1x16384xf32, #tpu.memory_space<hbm>>
    %dma_wait3A_137 = tpu.memref_squeeze %dma_wait3A_136 : memref<1x16384xf32, #tpu.memory_space<hbm>> -> memref<16384xf32, #tpu.memory_space<hbm>>
    %dma_wait3A_138 = arith.constant 0 : i32
    %dma_wait3A_139 = tpu.memref_slice %arg6[%add3A_46, %dma_wait3A_138] : memref<1024x16384xf32, #tpu.memory_space<hbm>> -> memref<1x16384xf32, #tpu.memory_space<hbm>>
    %dma_wait3A_140 = tpu.memref_squeeze %dma_wait3A_139 : memref<1x16384xf32, #tpu.memory_space<hbm>> -> memref<16384xf32, #tpu.memory_space<hbm>>
    %dma_wait3A_141 = arith.constant 0 : i32
    %dma_wait3A_142 = tpu.memref_slice %arg11[%dma_wait3A_131, %dma_wait3A_141] : memref<2x16384xf32, #tpu.memory_space<vmem>> -> memref<1x16384xf32, #tpu.memory_space<vmem>>
    %dma_wait3A_143 = tpu.memref_squeeze %dma_wait3A_142 : memref<1x16384xf32, #tpu.memory_space<vmem>> -> memref<16384xf32, #tpu.memory_space<vmem>>
    tpu.wait_dma2 semaphore(%arg14 : memref<!tpu.dma_semaphore, #tpu.memory_space<semaphore_mem>>) src(%dma_wait3A_143 : memref<16384xf32, #tpu.memory_space<vmem>>) dst(%dma_wait3A_140 : memref<16384xf32, #tpu.memory_space<hbm>>)
    %scan3A_144 = arith.constant 0 : i32
    %scan3A_145 = arith.constant 0 : i32
    %scan3A_146 = arith.constant 0 : i32
    %scan3A_147 = arith.constant 0 : i32
    %scan3A_148 = arith.constant 1024 : i32
    %scan3A_149 = arith.addi %scan3A_147, %scan3A_148 : i32
    %scan3A_150 = arith.constant 1 : i32
    scf.for %scan3A_1921 = %scan3A_147 to %scan3A_149 step %scan3A_150  : i32 {
      %shift_right_arithmetic3A = arith.constant 8 : i32
      %shift_right_arithmetic3A_1922 = arith.shrsi %scan3A_1921, %shift_right_arithmetic3A : i32
      %and3A = arith.constant 255 : i32
      %and3A_1923 = arith.andi %scan3A_1921, %and3A : i32
      %mul3A_1924 = arith.constant 16 : i32
      %mul3A_1925 = arith.muli %and3A_1923, %mul3A_1924 : i32
      %get3A_1926 = arith.index_cast %mul3A_1925 : i32 to index
      %get3A_1927 = tpu.vector_load %arg8[%get3A_1926] {strides = array<i32>} : memref<4096xi32, #tpu.memory_space<vmem>>, vector<16xi32>,
      %shift_right_arithmetic3A_1928 = arith.constant 12 : i32
      %shift_right_arithmetic3A_1929 = vector.broadcast %shift_right_arithmetic3A_1928 : i32 to vector<16xi32>
      %shift_right_arithmetic3A_1930 = arith.shrsi %get3A_1927, %shift_right_arithmetic3A_1929 : vector<16xi32>
      %mul3A_1931 = arith.constant 2 : i32
      %mul3A_1932 = arith.muli %mul3A_1931, %shift_right_arithmetic3A_1922 : i32
      %add3A_1933 = vector.broadcast %mul3A_1932 : i32 to vector<16xi32>
      %add3A_1934 = arith.addi %shift_right_arithmetic3A_1930, %add3A_1933 : vector<16xi32>
      %and3A_1935 = arith.constant 4095 : i32
      %and3A_1936 = vector.broadcast %and3A_1935 : i32 to vector<16xi32>
      %and3A_1937 = arith.andi %get3A_1927, %and3A_1936 : vector<16xi32>
      %gather3A = arith.constant 0 : i32
      %gather3A_1938 = arith.constant 0 : i32
      %gather3A_1939 = tpu.memref_slice %arg10[%scan3A_145, %gather3A, %gather3A_1938] : memref<2x8x4096xf32, #tpu.memory_space<vmem>> -> memref<1x8x4096xf32, #tpu.memory_space<vmem>>
      %gather3A_1940 = tpu.memref_squeeze %gather3A_1939 : memref<1x8x4096xf32, #tpu.memory_space<vmem>> -> memref<8x4096xf32, #tpu.memory_space<vmem>>
      %gather3A_1941 = tpu.vector_load_idx %gather3A_1940[%add3A_1934, %and3A_1937] : memref<8x4096xf32, #tpu.memory_space<vmem>>[vector<16xi32>, vector<16xi32>], vector<16xf32>,
      %mul3A_1942 = arith.mulf %gather3A_1941, %get3A_3 : vector<16xf32>
      %exp3A = math.exp %mul3A_1942 : vector<16xf32>
      %mul3A_1943 = arith.constant 4096 : i32
      %mul3A_1944 = arith.muli %shift_right_arithmetic3A_1922, %mul3A_1943 : i32
      %mul3A_1945 = arith.constant 16 : i32
      %mul3A_1946 = arith.muli %and3A_1923, %mul3A_1945 : i32
      %add3A_1947 = arith.addi %mul3A_1944, %mul3A_1946 : i32
      %swap3A = arith.constant 0 : i32
      %swap3A_1948 = tpu.memref_slice %arg11[%scan3A_146, %swap3A] : memref<2x16384xf32, #tpu.memory_space<vmem>> -> memref<1x16384xf32, #tpu.memory_space<vmem>>
      %swap3A_1949 = tpu.memref_squeeze %swap3A_1948 : memref<1x16384xf32, #tpu.memory_space<vmem>> -> memref<16384xf32, #tpu.memory_space<vmem>>
      %swap3A_1950 = arith.index_cast %add3A_1947 : i32 to index
      %swap3A_1951 = tpu.vector_load %swap3A_1949[%swap3A_1950] {strides = array<i32>} : memref<16384xf32, #tpu.memory_space<vmem>>, vector<16xf32>,
      tpu.vector_store %swap3A_1949[%swap3A_1950], %exp3A {strides = array<i32>} : memref<16384xf32, #tpu.memory_space<vmem>>, vector<16xf32>,
    }
    %scan3A_151 = arith.constant 1024 : i32
    %add3A_152 = arith.constant 2 : i32
    %add3A_153 = arith.addi %mul3A_2, %add3A_152 : i32
    %dma_start3A_154 = arith.constant 0 : i32
    %dma_start3A_155 = arith.constant 0 : i32
    %dma_start3A_156 = tpu.memref_slice %arg11[%dma_start3A_154, %dma_start3A_155] : memref<2x16384xf32, #tpu.memory_space<vmem>> -> memref<1x16384xf32, #tpu.memory_space<vmem>>
    %dma_start3A_157 = tpu.memref_squeeze %dma_start3A_156 : memref<1x16384xf32, #tpu.memory_space<vmem>> -> memref<16384xf32, #tpu.memory_space<vmem>>
    %dma_start3A_158 = arith.constant 0 : i32
    %dma_start3A_159 = tpu.memref_slice %arg6[%add3A_153, %dma_start3A_158] : memref<1024x16384xf32, #tpu.memory_space<hbm>> -> memref<1x16384xf32, #tpu.memory_space<hbm>>
    %dma_start3A_160 = tpu.memref_squeeze %dma_start3A_159 : memref<1x16384xf32, #tpu.memory_space<hbm>> -> memref<16384xf32, #tpu.memory_space<hbm>>
    %dma_start3A_161 = arith.constant 0 : i32
    %dma_start3A_162 = tpu.memref_slice %arg6[%add3A_153, %dma_start3A_161] : memref<1024x16384xf32, #tpu.memory_space<hbm>> -> memref<1x16384xf32, #tpu.memory_space<hbm>>
    %dma_start3A_163 = tpu.memref_squeeze %dma_start3A_162 : memref<1x16384xf32, #tpu.memory_space<hbm>> -> memref<16384xf32, #tpu.memory_space<hbm>>
    %dma_start3A_164 = arith.constant 0 : i32
    %dma_start3A_165 = tpu.memref_slice %arg11[%dma_start3A_154, %dma_start3A_164] : memref<2x16384xf32, #tpu.memory_space<vmem>> -> memref<1x16384xf32, #tpu.memory_space<vmem>>
    %dma_start3A_166 = tpu.memref_squeeze %dma_start3A_165 : memref<1x16384xf32, #tpu.memory_space<vmem>> -> memref<16384xf32, #tpu.memory_space<vmem>>
    tpu.enqueue_dma source(%dma_start3A_166 : memref<16384xf32, #tpu.memory_space<vmem>>) target(%dma_start3A_163 : memref<16384xf32, #tpu.memory_space<hbm>>) target_semaphore(%arg14 : memref<!tpu.dma_semaphore, #tpu.memory_space<semaphore_mem>>)
    %dma_start3A_167 = arith.constant 4 : i32
    %dma_start3A_168 = arith.constant 0 : i32
    %dma_start3A_169 = arith.constant 0 : i32
    %dma_start3A_170 = arith.constant 0 : i32
    %dma_start3A_171 = tpu.memref_slice %arg10[%dma_start3A_168, %dma_start3A_169, %dma_start3A_170] : memref<2x8x4096xf32, #tpu.memory_space<vmem>> -> memref<1x8x4096xf32, #tpu.memory_space<vmem>>
    %dma_start3A_172 = tpu.memref_squeeze %dma_start3A_171 : memref<1x8x4096xf32, #tpu.memory_space<vmem>> -> memref<8x4096xf32, #tpu.memory_space<vmem>>
    %dma_start3A_173 = arith.constant 0 : i32
    %dma_start3A_174 = tpu.memref_slice %arg7[%dma_start3A_167, %dma_start3A_173] : memref<32x8xi32, #tpu.memory_space<vmem>> -> memref<1x8xi32, #tpu.memory_space<vmem>>
    %dma_start3A_175 = tpu.memref_squeeze %dma_start3A_174 : memref<1x8xi32, #tpu.memory_space<vmem>> -> memref<8xi32, #tpu.memory_space<vmem>>
    %dma_start3A_176 = arith.constant 0 : i32
    %dma_start3A_177 = arith.constant 0 : i32
    %dma_start3A_178 = tpu.memref_slice %arg2[%dma_start3A_176, %dma_start3A_177] : memref<16384x4096xf32, #tpu.memory_space<hbm>> -> memref<16384x4096xf32, #tpu.memory_space<hbm>>
    tpu.enqueue_indirect_dma source(%dma_start3A_178 : memref<16384x4096xf32, #tpu.memory_space<hbm>>) target(%dma_start3A_172 : memref<8x4096xf32, #tpu.memory_space<vmem>>) offsets(%dma_start3A_175 : memref<8xi32, #tpu.memory_space<vmem>>) semaphore(%arg12 : memref<!tpu.dma_semaphore, #tpu.memory_space<semaphore_mem>>)
    %dma_wait3A_179 = arith.constant 3 : i32
    %dma_wait3A_180 = arith.constant 1 : i32
    %dma_wait3A_181 = arith.constant 0 : i32
    %dma_wait3A_182 = arith.constant 0 : i32
    %dma_wait3A_183 = tpu.memref_slice %arg10[%dma_wait3A_180, %dma_wait3A_181, %dma_wait3A_182] : memref<2x8x4096xf32, #tpu.memory_space<vmem>> -> memref<1x8x4096xf32, #tpu.memory_space<vmem>>
    %dma_wait3A_184 = tpu.memref_squeeze %dma_wait3A_183 : memref<1x8x4096xf32, #tpu.memory_space<vmem>> -> memref<8x4096xf32, #tpu.memory_space<vmem>>
    %dma_wait3A_185 = arith.constant 0 : i32
    %dma_wait3A_186 = tpu.memref_slice %arg7[%dma_wait3A_179, %dma_wait3A_185] : memref<32x8xi32, #tpu.memory_space<vmem>> -> memref<1x8xi32, #tpu.memory_space<vmem>>
    %dma_wait3A_187 = tpu.memref_squeeze %dma_wait3A_186 : memref<1x8xi32, #tpu.memory_space<vmem>> -> memref<8xi32, #tpu.memory_space<vmem>>
    %dma_wait3A_188 = arith.constant 0 : i32
    %dma_wait3A_189 = arith.constant 0 : i32
    %dma_wait3A_190 = tpu.memref_slice %arg2[%dma_wait3A_188, %dma_wait3A_189] : memref<16384x4096xf32, #tpu.memory_space<hbm>> -> memref<16384x4096xf32, #tpu.memory_space<hbm>>
    tpu.wait_indirect_dma semaphore(%arg13 : memref<!tpu.dma_semaphore, #tpu.memory_space<semaphore_mem>>) src(%dma_wait3A_190 : memref<16384x4096xf32, #tpu.memory_space<hbm>>) dst(%dma_wait3A_184 : memref<8x4096xf32, #tpu.memory_space<vmem>>)
    %dma_wait3A_191 = arith.constant 1 : i32
    %dma_wait3A_192 = arith.constant 0 : i32
    %dma_wait3A_193 = tpu.memref_slice %arg11[%dma_wait3A_191, %dma_wait3A_192] : memref<2x16384xf32, #tpu.memory_space<vmem>> -> memref<1x16384xf32, #tpu.memory_space<vmem>>
    %dma_wait3A_194 = tpu.memref_squeeze %dma_wait3A_193 : memref<1x16384xf32, #tpu.memory_space<vmem>> -> memref<16384xf32, #tpu.memory_space<vmem>>
    %dma_wait3A_195 = arith.constant 0 : i32
    %dma_wait3A_196 = tpu.memref_slice %arg6[%add3A_93, %dma_wait3A_195] : memref<1024x16384xf32, #tpu.memory_space<hbm>> -> memref<1x16384xf32, #tpu.memory_space<hbm>>
    %dma_wait3A_197 = tpu.memref_squeeze %dma_wait3A_196 : memref<1x16384xf32, #tpu.memory_space<hbm>> -> memref<16384xf32, #tpu.memory_space<hbm>>
    %dma_wait3A_198 = arith.constant 0 : i32
    %dma_wait3A_199 = tpu.memref_slice %arg6[%add3A_93, %dma_wait3A_198] : memref<1024x16384xf32, #tpu.memory_space<hbm>> -> memref<1x16384xf32, #tpu.memory_space<hbm>>
    %dma_wait3A_200 = tpu.memref_squeeze %dma_wait3A_199 : memref<1x16384xf32, #tpu.memory_space<hbm>> -> memref<16384xf32, #tpu.memory_space<hbm>>
    %dma_wait3A_201 = arith.constant 0 : i32
    %dma_wait3A_202 = tpu.memref_slice %arg11[%dma_wait3A_191, %dma_wait3A_201] : memref<2x16384xf32, #tpu.memory_space<vmem>> -> memref<1x16384xf32, #tpu.memory_space<vmem>>
    %dma_wait3A_203 = tpu.memref_squeeze %dma_wait3A_202 : memref<1x16384xf32, #tpu.memory_space<vmem>> -> memref<16384xf32, #tpu.memory_space<vmem>>
    tpu.wait_dma2 semaphore(%arg15 : memref<!tpu.dma_semaphore, #tpu.memory_space<semaphore_mem>>) src(%dma_wait3A_203 : memref<16384xf32, #tpu.memory_space<vmem>>) dst(%dma_wait3A_200 : memref<16384xf32, #tpu.memory_space<hbm>>)
    %scan3A_204 = arith.constant 0 : i32
    %scan3A_205 = arith.constant 1 : i32
    %scan3A_206 = arith.constant 1 : i32
    %scan3A_207 = arith.constant 0 : i32
    %scan3A_208 = arith.constant 1024 : i32
    %scan3A_209 = arith.addi %scan3A_207, %scan3A_208 : i32
    %scan3A_210 = arith.constant 1 : i32
    scf.for %scan3A_1921 = %scan3A_207 to %scan3A_209 step %scan3A_210  : i32 {
      %shift_right_arithmetic3A = arith.constant 8 : i32
      %shift_right_arithmetic3A_1922 = arith.shrsi %scan3A_1921, %shift_right_arithmetic3A : i32
      %and3A = arith.constant 255 : i32
      %and3A_1923 = arith.andi %scan3A_1921, %and3A : i32
      %mul3A_1924 = arith.constant 16 : i32
      %mul3A_1925 = arith.muli %and3A_1923, %mul3A_1924 : i32
      %get3A_1926 = arith.index_cast %mul3A_1925 : i32 to index
      %get3A_1927 = tpu.vector_load %arg8[%get3A_1926] {strides = array<i32>} : memref<4096xi32, #tpu.memory_space<vmem>>, vector<16xi32>,
      %shift_right_arithmetic3A_1928 = arith.constant 12 : i32
      %shift_right_arithmetic3A_1929 = vector.broadcast %shift_right_arithmetic3A_1928 : i32 to vector<16xi32>
      %shift_right_arithmetic3A_1930 = arith.shrsi %get3A_1927, %shift_right_arithmetic3A_1929 : vector<16xi32>
      %mul3A_1931 = arith.constant 2 : i32
      %mul3A_1932 = arith.muli %mul3A_1931, %shift_right_arithmetic3A_1922 : i32
      %add3A_1933 = vector.broadcast %mul3A_1932 : i32 to vector<16xi32>
      %add3A_1934 = arith.addi %shift_right_arithmetic3A_1930, %add3A_1933 : vector<16xi32>
      %and3A_1935 = arith.constant 4095 : i32
      %and3A_1936 = vector.broadcast %and3A_1935 : i32 to vector<16xi32>
      %and3A_1937 = arith.andi %get3A_1927, %and3A_1936 : vector<16xi32>
      %gather3A = arith.constant 0 : i32
      %gather3A_1938 = arith.constant 0 : i32
      %gather3A_1939 = tpu.memref_slice %arg10[%scan3A_205, %gather3A, %gather3A_1938] : memref<2x8x4096xf32, #tpu.memory_space<vmem>> -> memref<1x8x4096xf32, #tpu.memory_space<vmem>>
      %gather3A_1940 = tpu.memref_squeeze %gather3A_1939 : memref<1x8x4096xf32, #tpu.memory_space<vmem>> -> memref<8x4096xf32, #tpu.memory_space<vmem>>
      %gather3A_1941 = tpu.vector_load_idx %gather3A_1940[%add3A_1934, %and3A_1937] : memref<8x4096xf32, #tpu.memory_space<vmem>>[vector<16xi32>, vector<16xi32>], vector<16xf32>,
      %mul3A_1942 = arith.mulf %gather3A_1941, %get3A_3 : vector<16xf32>
      %exp3A = math.exp %mul3A_1942 : vector<16xf32>
      %mul3A_1943 = arith.constant 4096 : i32
      %mul3A_1944 = arith.muli %shift_right_arithmetic3A_1922, %mul3A_1943 : i32
      %mul3A_1945 = arith.constant 16 : i32
      %mul3A_1946 = arith.muli %and3A_1923, %mul3A_1945 : i32
      %add3A_1947 = arith.addi %mul3A_1944, %mul3A_1946 : i32
      %swap3A = arith.constant 0 : i32
      %swap3A_1948 = tpu.memref_slice %arg11[%scan3A_206, %swap3A] : memref<2x16384xf32, #tpu.memory_space<vmem>> -> memref<1x16384xf32, #tpu.memory_space<vmem>>
      %swap3A_1949 = tpu.memref_squeeze %swap3A_1948 : memref<1x16384xf32, #tpu.memory_space<vmem>> -> memref<16384xf32, #tpu.memory_space<vmem>>
      %swap3A_1950 = arith.index_cast %add3A_1947 : i32 to index
      %swap3A_1951 = tpu.vector_load %swap3A_1949[%swap3A_1950] {strides = array<i32>} : memref<16384xf32, #tpu.memory_space<vmem>>, vector<16xf32>,
      tpu.vector_store %swap3A_1949[%swap3A_1950], %exp3A {strides = array<i32>} : memref<16384xf32, #tpu.memory_space<vmem>>, vector<16xf32>,
    }
    %scan3A_211 = arith.constant 1024 : i32
    %add3A_212 = arith.constant 3 : i32
    %add3A_213 = arith.addi %mul3A_2, %add3A_212 : i32
    %dma_start3A_214 = arith.constant 1 : i32
    %dma_start3A_215 = arith.constant 0 : i32
    %dma_start3A_216 = tpu.memref_slice %arg11[%dma_start3A_214, %dma_start3A_215] : memref<2x16384xf32, #tpu.memory_space<vmem>> -> memref<1x16384xf32, #tpu.memory_space<vmem>>
    %dma_start3A_217 = tpu.memref_squeeze %dma_start3A_216 : memref<1x16384xf32, #tpu.memory_space<vmem>> -> memref<16384xf32, #tpu.memory_space<vmem>>
    %dma_start3A_218 = arith.constant 0 : i32
    %dma_start3A_219 = tpu.memref_slice %arg6[%add3A_213, %dma_start3A_218] : memref<1024x16384xf32, #tpu.memory_space<hbm>> -> memref<1x16384xf32, #tpu.memory_space<hbm>>
    %dma_start3A_220 = tpu.memref_squeeze %dma_start3A_219 : memref<1x16384xf32, #tpu.memory_space<hbm>> -> memref<16384xf32, #tpu.memory_space<hbm>>
    %dma_start3A_221 = arith.constant 0 : i32
    %dma_start3A_222 = tpu.memref_slice %arg6[%add3A_213, %dma_start3A_221] : memref<1024x16384xf32, #tpu.memory_space<hbm>> -> memref<1x16384xf32, #tpu.memory_space<hbm>>
    %dma_start3A_223 = tpu.memref_squeeze %dma_start3A_222 : memref<1x16384xf32, #tpu.memory_space<hbm>> -> memref<16384xf32, #tpu.memory_space<hbm>>
    %dma_start3A_224 = arith.constant 0 : i32
    %dma_start3A_225 = tpu.memref_slice %arg11[%dma_start3A_214, %dma_start3A_224] : memref<2x16384xf32, #tpu.memory_space<vmem>> -> memref<1x16384xf32, #tpu.memory_space<vmem>>
    %dma_start3A_226 = tpu.memref_squeeze %dma_start3A_225 : memref<1x16384xf32, #tpu.memory_space<vmem>> -> memref<16384xf32, #tpu.memory_space<vmem>>
    tpu.enqueue_dma source(%dma_start3A_226 : memref<16384xf32, #tpu.memory_space<vmem>>) target(%dma_start3A_223 : memref<16384xf32, #tpu.memory_space<hbm>>) target_semaphore(%arg15 : memref<!tpu.dma_semaphore, #tpu.memory_space<semaphore_mem>>)
    %dma_start3A_227 = arith.constant 5 : i32
    %dma_start3A_228 = arith.constant 1 : i32
    %dma_start3A_229 = arith.constant 0 : i32
    %dma_start3A_230 = arith.constant 0 : i32
    %dma_start3A_231 = tpu.memref_slice %arg10[%dma_start3A_228, %dma_start3A_229, %dma_start3A_230] : memref<2x8x4096xf32, #tpu.memory_space<vmem>> -> memref<1x8x4096xf32, #tpu.memory_space<vmem>>
    %dma_start3A_232 = tpu.memref_squeeze %dma_start3A_231 : memref<1x8x4096xf32, #tpu.memory_space<vmem>> -> memref<8x4096xf32, #tpu.memory_space<vmem>>
    %dma_start3A_233 = arith.constant 0 : i32
    %dma_start3A_234 = tpu.memref_slice %arg7[%dma_start3A_227, %dma_start3A_233] : memref<32x8xi32, #tpu.memory_space<vmem>> -> memref<1x8xi32, #tpu.memory_space<vmem>>
    %dma_start3A_235 = tpu.memref_squeeze %dma_start3A_234 : memref<1x8xi32, #tpu.memory_space<vmem>> -> memref<8xi32, #tpu.memory_space<vmem>>
    %dma_start3A_236 = arith.constant 0 : i32
    %dma_start3A_237 = arith.constant 0 : i32
    %dma_start3A_238 = tpu.memref_slice %arg2[%dma_start3A_236, %dma_start3A_237] : memref<16384x4096xf32, #tpu.memory_space<hbm>> -> memref<16384x4096xf32, #tpu.memory_space<hbm>>
    tpu.enqueue_indirect_dma source(%dma_start3A_238 : memref<16384x4096xf32, #tpu.memory_space<hbm>>) target(%dma_start3A_232 : memref<8x4096xf32, #tpu.memory_space<vmem>>) offsets(%dma_start3A_235 : memref<8xi32, #tpu.memory_space<vmem>>) semaphore(%arg13 : memref<!tpu.dma_semaphore, #tpu.memory_space<semaphore_mem>>)
    %dma_wait3A_239 = arith.constant 4 : i32
    %dma_wait3A_240 = arith.constant 0 : i32
    %dma_wait3A_241 = arith.constant 0 : i32
    %dma_wait3A_242 = arith.constant 0 : i32
    %dma_wait3A_243 = tpu.memref_slice %arg10[%dma_wait3A_240, %dma_wait3A_241, %dma_wait3A_242] : memref<2x8x4096xf32, #tpu.memory_space<vmem>> -> memref<1x8x4096xf32, #tpu.memory_space<vmem>>
    %dma_wait3A_244 = tpu.memref_squeeze %dma_wait3A_243 : memref<1x8x4096xf32, #tpu.memory_space<vmem>> -> memref<8x4096xf32, #tpu.memory_space<vmem>>
    %dma_wait3A_245 = arith.constant 0 : i32
    %dma_wait3A_246 = tpu.memref_slice %arg7[%dma_wait3A_239, %dma_wait3A_245] : memref<32x8xi32, #tpu.memory_space<vmem>> -> memref<1x8xi32, #tpu.memory_space<vmem>>
    %dma_wait3A_247 = tpu.memref_squeeze %dma_wait3A_246 : memref<1x8xi32, #tpu.memory_space<vmem>> -> memref<8xi32, #tpu.memory_space<vmem>>
    %dma_wait3A_248 = arith.constant 0 : i32
    %dma_wait3A_249 = arith.constant 0 : i32
    %dma_wait3A_250 = tpu.memref_slice %arg2[%dma_wait3A_248, %dma_wait3A_249] : memref<16384x4096xf32, #tpu.memory_space<hbm>> -> memref<16384x4096xf32, #tpu.memory_space<hbm>>
    tpu.wait_indirect_dma semaphore(%arg12 : memref<!tpu.dma_semaphore, #tpu.memory_space<semaphore_mem>>) src(%dma_wait3A_250 : memref<16384x4096xf32, #tpu.memory_space<hbm>>) dst(%dma_wait3A_244 : memref<8x4096xf32, #tpu.memory_space<vmem>>)
    %dma_wait3A_251 = arith.constant 0 : i32
    %dma_wait3A_252 = arith.constant 0 : i32
    %dma_wait3A_253 = tpu.memref_slice %arg11[%dma_wait3A_251, %dma_wait3A_252] : memref<2x16384xf32, #tpu.memory_space<vmem>> -> memref<1x16384xf32, #tpu.memory_space<vmem>>
    %dma_wait3A_254 = tpu.memref_squeeze %dma_wait3A_253 : memref<1x16384xf32, #tpu.memory_space<vmem>> -> memref<16384xf32, #tpu.memory_space<vmem>>
    %dma_wait3A_255 = arith.constant 0 : i32
    %dma_wait3A_256 = tpu.memref_slice %arg6[%add3A_153, %dma_wait3A_255] : memref<1024x16384xf32, #tpu.memory_space<hbm>> -> memref<1x16384xf32, #tpu.memory_space<hbm>>
    %dma_wait3A_257 = tpu.memref_squeeze %dma_wait3A_256 : memref<1x16384xf32, #tpu.memory_space<hbm>> -> memref<16384xf32, #tpu.memory_space<hbm>>
    %dma_wait3A_258 = arith.constant 0 : i32
    %dma_wait3A_259 = tpu.memref_slice %arg6[%add3A_153, %dma_wait3A_258] : memref<1024x16384xf32, #tpu.memory_space<hbm>> -> memref<1x16384xf32, #tpu.memory_space<hbm>>
    %dma_wait3A_260 = tpu.memref_squeeze %dma_wait3A_259 : memref<1x16384xf32, #tpu.memory_space<hbm>> -> memref<16384xf32, #tpu.memory_space<hbm>>
    %dma_wait3A_261 = arith.constant 0 : i32
    %dma_wait3A_262 = tpu.memref_slice %arg11[%dma_wait3A_251, %dma_wait3A_261] : memref<2x16384xf32, #tpu.memory_space<vmem>> -> memref<1x16384xf32, #tpu.memory_space<vmem>>
    %dma_wait3A_263 = tpu.memref_squeeze %dma_wait3A_262 : memref<1x16384xf32, #tpu.memory_space<vmem>> -> memref<16384xf32, #tpu.memory_space<vmem>>
    tpu.wait_dma2 semaphore(%arg14 : memref<!tpu.dma_semaphore, #tpu.memory_space<semaphore_mem>>) src(%dma_wait3A_263 : memref<16384xf32, #tpu.memory_space<vmem>>) dst(%dma_wait3A_260 : memref<16384xf32, #tpu.memory_space<hbm>>)
    %scan3A_264 = arith.constant 0 : i32
    %scan3A_265 = arith.constant 0 : i32
    %scan3A_266 = arith.constant 0 : i32
    %scan3A_267 = arith.constant 0 : i32
    %scan3A_268 = arith.constant 1024 : i32
    %scan3A_269 = arith.addi %scan3A_267, %scan3A_268 : i32
    %scan3A_270 = arith.constant 1 : i32
    scf.for %scan3A_1921 = %scan3A_267 to %scan3A_269 step %scan3A_270  : i32 {
      %shift_right_arithmetic3A = arith.constant 8 : i32
      %shift_right_arithmetic3A_1922 = arith.shrsi %scan3A_1921, %shift_right_arithmetic3A : i32
      %and3A = arith.constant 255 : i32
      %and3A_1923 = arith.andi %scan3A_1921, %and3A : i32
      %mul3A_1924 = arith.constant 16 : i32
      %mul3A_1925 = arith.muli %and3A_1923, %mul3A_1924 : i32
      %get3A_1926 = arith.index_cast %mul3A_1925 : i32 to index
      %get3A_1927 = tpu.vector_load %arg8[%get3A_1926] {strides = array<i32>} : memref<4096xi32, #tpu.memory_space<vmem>>, vector<16xi32>,
      %shift_right_arithmetic3A_1928 = arith.constant 12 : i32
      %shift_right_arithmetic3A_1929 = vector.broadcast %shift_right_arithmetic3A_1928 : i32 to vector<16xi32>
      %shift_right_arithmetic3A_1930 = arith.shrsi %get3A_1927, %shift_right_arithmetic3A_1929 : vector<16xi32>
      %mul3A_1931 = arith.constant 2 : i32
      %mul3A_1932 = arith.muli %mul3A_1931, %shift_right_arithmetic3A_1922 : i32
      %add3A_1933 = vector.broadcast %mul3A_1932 : i32 to vector<16xi32>
      %add3A_1934 = arith.addi %shift_right_arithmetic3A_1930, %add3A_1933 : vector<16xi32>
      %and3A_1935 = arith.constant 4095 : i32
      %and3A_1936 = vector.broadcast %and3A_1935 : i32 to vector<16xi32>
      %and3A_1937 = arith.andi %get3A_1927, %and3A_1936 : vector<16xi32>
      %gather3A = arith.constant 0 : i32
      %gather3A_1938 = arith.constant 0 : i32
      %gather3A_1939 = tpu.memref_slice %arg10[%scan3A_265, %gather3A, %gather3A_1938] : memref<2x8x4096xf32, #tpu.memory_space<vmem>> -> memref<1x8x4096xf32, #tpu.memory_space<vmem>>
      %gather3A_1940 = tpu.memref_squeeze %gather3A_1939 : memref<1x8x4096xf32, #tpu.memory_space<vmem>> -> memref<8x4096xf32, #tpu.memory_space<vmem>>
      %gather3A_1941 = tpu.vector_load_idx %gather3A_1940[%add3A_1934, %and3A_1937] : memref<8x4096xf32, #tpu.memory_space<vmem>>[vector<16xi32>, vector<16xi32>], vector<16xf32>,
      %mul3A_1942 = arith.mulf %gather3A_1941, %get3A_3 : vector<16xf32>
      %exp3A = math.exp %mul3A_1942 : vector<16xf32>
      %mul3A_1943 = arith.constant 4096 : i32
      %mul3A_1944 = arith.muli %shift_right_arithmetic3A_1922, %mul3A_1943 : i32
      %mul3A_1945 = arith.constant 16 : i32
      %mul3A_1946 = arith.muli %and3A_1923, %mul3A_1945 : i32
      %add3A_1947 = arith.addi %mul3A_1944, %mul3A_1946 : i32
      %swap3A = arith.constant 0 : i32
      %swap3A_1948 = tpu.memref_slice %arg11[%scan3A_266, %swap3A] : memref<2x16384xf32, #tpu.memory_space<vmem>> -> memref<1x16384xf32, #tpu.memory_space<vmem>>
      %swap3A_1949 = tpu.memref_squeeze %swap3A_1948 : memref<1x16384xf32, #tpu.memory_space<vmem>> -> memref<16384xf32, #tpu.memory_space<vmem>>
      %swap3A_1950 = arith.index_cast %add3A_1947 : i32 to index
      %swap3A_1951 = tpu.vector_load %swap3A_1949[%swap3A_1950] {strides = array<i32>} : memref<16384xf32, #tpu.memory_space<vmem>>, vector<16xf32>,
      tpu.vector_store %swap3A_1949[%swap3A_1950], %exp3A {strides = array<i32>} : memref<16384xf32, #tpu.memory_space<vmem>>, vector<16xf32>,
    }
    %scan3A_271 = arith.constant 1024 : i32
    %add3A_272 = arith.constant 4 : i32
    %add3A_273 = arith.addi %mul3A_2, %add3A_272 : i32
    %dma_start3A_274 = arith.constant 0 : i32
    %dma_start3A_275 = arith.constant 0 : i32
    %dma_start3A_276 = tpu.memref_slice %arg11[%dma_start3A_274, %dma_start3A_275] : memref<2x16384xf32, #tpu.memory_space<vmem>> -> memref<1x16384xf32, #tpu.memory_space<vmem>>
    %dma_start3A_277 = tpu.memref_squeeze %dma_start3A_276 : memref<1x16384xf32, #tpu.memory_space<vmem>> -> memref<16384xf32, #tpu.memory_space<vmem>>
    %dma_start3A_278 = arith.constant 0 : i32
    %dma_start3A_279 = tpu.memref_slice %arg6[%add3A_273, %dma_start3A_278] : memref<1024x16384xf32, #tpu.memory_space<hbm>> -> memref<1x16384xf32, #tpu.memory_space<hbm>>
    %dma_start3A_280 = tpu.memref_squeeze %dma_start3A_279 : memref<1x16384xf32, #tpu.memory_space<hbm>> -> memref<16384xf32, #tpu.memory_space<hbm>>
    %dma_start3A_281 = arith.constant 0 : i32
    %dma_start3A_282 = tpu.memref_slice %arg6[%add3A_273, %dma_start3A_281] : memref<1024x16384xf32, #tpu.memory_space<hbm>> -> memref<1x16384xf32, #tpu.memory_space<hbm>>
    %dma_start3A_283 = tpu.memref_squeeze %dma_start3A_282 : memref<1x16384xf32, #tpu.memory_space<hbm>> -> memref<16384xf32, #tpu.memory_space<hbm>>
    %dma_start3A_284 = arith.constant 0 : i32
    %dma_start3A_285 = tpu.memref_slice %arg11[%dma_start3A_274, %dma_start3A_284] : memref<2x16384xf32, #tpu.memory_space<vmem>> -> memref<1x16384xf32, #tpu.memory_space<vmem>>
    %dma_start3A_286 = tpu.memref_squeeze %dma_start3A_285 : memref<1x16384xf32, #tpu.memory_space<vmem>> -> memref<16384xf32, #tpu.memory_space<vmem>>
    tpu.enqueue_dma source(%dma_start3A_286 : memref<16384xf32, #tpu.memory_space<vmem>>) target(%dma_start3A_283 : memref<16384xf32, #tpu.memory_space<hbm>>) target_semaphore(%arg14 : memref<!tpu.dma_semaphore, #tpu.memory_space<semaphore_mem>>)
    %dma_start3A_287 = arith.constant 6 : i32
    %dma_start3A_288 = arith.constant 0 : i32
    %dma_start3A_289 = arith.constant 0 : i32
    %dma_start3A_290 = arith.constant 0 : i32
    %dma_start3A_291 = tpu.memref_slice %arg10[%dma_start3A_288, %dma_start3A_289, %dma_start3A_290] : memref<2x8x4096xf32, #tpu.memory_space<vmem>> -> memref<1x8x4096xf32, #tpu.memory_space<vmem>>
    %dma_start3A_292 = tpu.memref_squeeze %dma_start3A_291 : memref<1x8x4096xf32, #tpu.memory_space<vmem>> -> memref<8x4096xf32, #tpu.memory_space<vmem>>
    %dma_start3A_293 = arith.constant 0 : i32
    %dma_start3A_294 = tpu.memref_slice %arg7[%dma_start3A_287, %dma_start3A_293] : memref<32x8xi32, #tpu.memory_space<vmem>> -> memref<1x8xi32, #tpu.memory_space<vmem>>
    %dma_start3A_295 = tpu.memref_squeeze %dma_start3A_294 : memref<1x8xi32, #tpu.memory_space<vmem>> -> memref<8xi32, #tpu.memory_space<vmem>>
    %dma_start3A_296 = arith.constant 0 : i32
    %dma_start3A_297 = arith.constant 0 : i32
    %dma_start3A_298 = tpu.memref_slice %arg2[%dma_start3A_296, %dma_start3A_297] : memref<16384x4096xf32, #tpu.memory_space<hbm>> -> memref<16384x4096xf32, #tpu.memory_space<hbm>>
    tpu.enqueue_indirect_dma source(%dma_start3A_298 : memref<16384x4096xf32, #tpu.memory_space<hbm>>) target(%dma_start3A_292 : memref<8x4096xf32, #tpu.memory_space<vmem>>) offsets(%dma_start3A_295 : memref<8xi32, #tpu.memory_space<vmem>>) semaphore(%arg12 : memref<!tpu.dma_semaphore, #tpu.memory_space<semaphore_mem>>)
    %dma_wait3A_299 = arith.constant 5 : i32
    %dma_wait3A_300 = arith.constant 1 : i32
    %dma_wait3A_301 = arith.constant 0 : i32
    %dma_wait3A_302 = arith.constant 0 : i32
    %dma_wait3A_303 = tpu.memref_slice %arg10[%dma_wait3A_300, %dma_wait3A_301, %dma_wait3A_302] : memref<2x8x4096xf32, #tpu.memory_space<vmem>> -> memref<1x8x4096xf32, #tpu.memory_space<vmem>>
    %dma_wait3A_304 = tpu.memref_squeeze %dma_wait3A_303 : memref<1x8x4096xf32, #tpu.memory_space<vmem>> -> memref<8x4096xf32, #tpu.memory_space<vmem>>
    %dma_wait3A_305 = arith.constant 0 : i32
    %dma_wait3A_306 = tpu.memref_slice %arg7[%dma_wait3A_299, %dma_wait3A_305] : memref<32x8xi32, #tpu.memory_space<vmem>> -> memref<1x8xi32, #tpu.memory_space<vmem>>
    %dma_wait3A_307 = tpu.memref_squeeze %dma_wait3A_306 : memref<1x8xi32, #tpu.memory_space<vmem>> -> memref<8xi32, #tpu.memory_space<vmem>>
    %dma_wait3A_308 = arith.constant 0 : i32
    %dma_wait3A_309 = arith.constant 0 : i32
    %dma_wait3A_310 = tpu.memref_slice %arg2[%dma_wait3A_308, %dma_wait3A_309] : memref<16384x4096xf32, #tpu.memory_space<hbm>> -> memref<16384x4096xf32, #tpu.memory_space<hbm>>
    tpu.wait_indirect_dma semaphore(%arg13 : memref<!tpu.dma_semaphore, #tpu.memory_space<semaphore_mem>>) src(%dma_wait3A_310 : memref<16384x4096xf32, #tpu.memory_space<hbm>>) dst(%dma_wait3A_304 : memref<8x4096xf32, #tpu.memory_space<vmem>>)
    %dma_wait3A_311 = arith.constant 1 : i32
    %dma_wait3A_312 = arith.constant 0 : i32
    %dma_wait3A_313 = tpu.memref_slice %arg11[%dma_wait3A_311, %dma_wait3A_312] : memref<2x16384xf32, #tpu.memory_space<vmem>> -> memref<1x16384xf32, #tpu.memory_space<vmem>>
    %dma_wait3A_314 = tpu.memref_squeeze %dma_wait3A_313 : memref<1x16384xf32, #tpu.memory_space<vmem>> -> memref<16384xf32, #tpu.memory_space<vmem>>
    %dma_wait3A_315 = arith.constant 0 : i32
    %dma_wait3A_316 = tpu.memref_slice %arg6[%add3A_213, %dma_wait3A_315] : memref<1024x16384xf32, #tpu.memory_space<hbm>> -> memref<1x16384xf32, #tpu.memory_space<hbm>>
    %dma_wait3A_317 = tpu.memref_squeeze %dma_wait3A_316 : memref<1x16384xf32, #tpu.memory_space<hbm>> -> memref<16384xf32, #tpu.memory_space<hbm>>
    %dma_wait3A_318 = arith.constant 0 : i32
    %dma_wait3A_319 = tpu.memref_slice %arg6[%add3A_213, %dma_wait3A_318] : memref<1024x16384xf32, #tpu.memory_space<hbm>> -> memref<1x16384xf32, #tpu.memory_space<hbm>>
    %dma_wait3A_320 = tpu.memref_squeeze %dma_wait3A_319 : memref<1x16384xf32, #tpu.memory_space<hbm>> -> memref<16384xf32, #tpu.memory_space<hbm>>
    %dma_wait3A_321 = arith.constant 0 : i32
    %dma_wait3A_322 = tpu.memref_slice %arg11[%dma_wait3A_311, %dma_wait3A_321] : memref<2x16384xf32, #tpu.memory_space<vmem>> -> memref<1x16384xf32, #tpu.memory_space<vmem>>
    %dma_wait3A_323 = tpu.memref_squeeze %dma_wait3A_322 : memref<1x16384xf32, #tpu.memory_space<vmem>> -> memref<16384xf32, #tpu.memory_space<vmem>>
    tpu.wait_dma2 semaphore(%arg15 : memref<!tpu.dma_semaphore, #tpu.memory_space<semaphore_mem>>) src(%dma_wait3A_323 : memref<16384xf32, #tpu.memory_space<vmem>>) dst(%dma_wait3A_320 : memref<16384xf32, #tpu.memory_space<hbm>>)
    %scan3A_324 = arith.constant 0 : i32
    %scan3A_325 = arith.constant 1 : i32
    %scan3A_326 = arith.constant 1 : i32
    %scan3A_327 = arith.constant 0 : i32
    %scan3A_328 = arith.constant 1024 : i32
    %scan3A_329 = arith.addi %scan3A_327, %scan3A_328 : i32
    %scan3A_330 = arith.constant 1 : i32
    scf.for %scan3A_1921 = %scan3A_327 to %scan3A_329 step %scan3A_330  : i32 {
      %shift_right_arithmetic3A = arith.constant 8 : i32
      %shift_right_arithmetic3A_1922 = arith.shrsi %scan3A_1921, %shift_right_arithmetic3A : i32
      %and3A = arith.constant 255 : i32
      %and3A_1923 = arith.andi %scan3A_1921, %and3A : i32
      %mul3A_1924 = arith.constant 16 : i32
      %mul3A_1925 = arith.muli %and3A_1923, %mul3A_1924 : i32
      %get3A_1926 = arith.index_cast %mul3A_1925 : i32 to index
      %get3A_1927 = tpu.vector_load %arg8[%get3A_1926] {strides = array<i32>} : memref<4096xi32, #tpu.memory_space<vmem>>, vector<16xi32>,
      %shift_right_arithmetic3A_1928 = arith.constant 12 : i32
      %shift_right_arithmetic3A_1929 = vector.broadcast %shift_right_arithmetic3A_1928 : i32 to vector<16xi32>
      %shift_right_arithmetic3A_1930 = arith.shrsi %get3A_1927, %shift_right_arithmetic3A_1929 : vector<16xi32>
      %mul3A_1931 = arith.constant 2 : i32
      %mul3A_1932 = arith.muli %mul3A_1931, %shift_right_arithmetic3A_1922 : i32
      %add3A_1933 = vector.broadcast %mul3A_1932 : i32 to vector<16xi32>
      %add3A_1934 = arith.addi %shift_right_arithmetic3A_1930, %add3A_1933 : vector<16xi32>
      %and3A_1935 = arith.constant 4095 : i32
      %and3A_1936 = vector.broadcast %and3A_1935 : i32 to vector<16xi32>
      %and3A_1937 = arith.andi %get3A_1927, %and3A_1936 : vector<16xi32>
      %gather3A = arith.constant 0 : i32
      %gather3A_1938 = arith.constant 0 : i32
      %gather3A_1939 = tpu.memref_slice %arg10[%scan3A_325, %gather3A, %gather3A_1938] : memref<2x8x4096xf32, #tpu.memory_space<vmem>> -> memref<1x8x4096xf32, #tpu.memory_space<vmem>>
      %gather3A_1940 = tpu.memref_squeeze %gather3A_1939 : memref<1x8x4096xf32, #tpu.memory_space<vmem>> -> memref<8x4096xf32, #tpu.memory_space<vmem>>
      %gather3A_1941 = tpu.vector_load_idx %gather3A_1940[%add3A_1934, %and3A_1937] : memref<8x4096xf32, #tpu.memory_space<vmem>>[vector<16xi32>, vector<16xi32>], vector<16xf32>,
      %mul3A_1942 = arith.mulf %gather3A_1941, %get3A_3 : vector<16xf32>
      %exp3A = math.exp %mul3A_1942 : vector<16xf32>
      %mul3A_1943 = arith.constant 4096 : i32
      %mul3A_1944 = arith.muli %shift_right_arithmetic3A_1922, %mul3A_1943 : i32
      %mul3A_1945 = arith.constant 16 : i32
      %mul3A_1946 = arith.muli %and3A_1923, %mul3A_1945 : i32
      %add3A_1947 = arith.addi %mul3A_1944, %mul3A_1946 : i32
      %swap3A = arith.constant 0 : i32
      %swap3A_1948 = tpu.memref_slice %arg11[%scan3A_326, %swap3A] : memref<2x16384xf32, #tpu.memory_space<vmem>> -> memref<1x16384xf32, #tpu.memory_space<vmem>>
      %swap3A_1949 = tpu.memref_squeeze %swap3A_1948 : memref<1x16384xf32, #tpu.memory_space<vmem>> -> memref<16384xf32, #tpu.memory_space<vmem>>
      %swap3A_1950 = arith.index_cast %add3A_1947 : i32 to index
      %swap3A_1951 = tpu.vector_load %swap3A_1949[%swap3A_1950] {strides = array<i32>} : memref<16384xf32, #tpu.memory_space<vmem>>, vector<16xf32>,
      tpu.vector_store %swap3A_1949[%swap3A_1950], %exp3A {strides = array<i32>} : memref<16384xf32, #tpu.memory_space<vmem>>, vector<16xf32>,
    }
    %scan3A_331 = arith.constant 1024 : i32
    %add3A_332 = arith.constant 5 : i32
    %add3A_333 = arith.addi %mul3A_2, %add3A_332 : i32
    %dma_start3A_334 = arith.constant 1 : i32
    %dma_start3A_335 = arith.constant 0 : i32
    %dma_start3A_336 = tpu.memref_slice %arg11[%dma_start3A_334, %dma_start3A_335] : memref<2x16384xf32, #tpu.memory_space<vmem>> -> memref<1x16384xf32, #tpu.memory_space<vmem>>
    %dma_start3A_337 = tpu.memref_squeeze %dma_start3A_336 : memref<1x16384xf32, #tpu.memory_space<vmem>> -> memref<16384xf32, #tpu.memory_space<vmem>>
    %dma_start3A_338 = arith.constant 0 : i32
    %dma_start3A_339 = tpu.memref_slice %arg6[%add3A_333, %dma_start3A_338] : memref<1024x16384xf32, #tpu.memory_space<hbm>> -> memref<1x16384xf32, #tpu.memory_space<hbm>>
    %dma_start3A_340 = tpu.memref_squeeze %dma_start3A_339 : memref<1x16384xf32, #tpu.memory_space<hbm>> -> memref<16384xf32, #tpu.memory_space<hbm>>
    %dma_start3A_341 = arith.constant 0 : i32
    %dma_start3A_342 = tpu.memref_slice %arg6[%add3A_333, %dma_start3A_341] : memref<1024x16384xf32, #tpu.memory_space<hbm>> -> memref<1x16384xf32, #tpu.memory_space<hbm>>
    %dma_start3A_343 = tpu.memref_squeeze %dma_start3A_342 : memref<1x16384xf32, #tpu.memory_space<hbm>> -> memref<16384xf32, #tpu.memory_space<hbm>>
    %dma_start3A_344 = arith.constant 0 : i32
    %dma_start3A_345 = tpu.memref_slice %arg11[%dma_start3A_334, %dma_start3A_344] : memref<2x16384xf32, #tpu.memory_space<vmem>> -> memref<1x16384xf32, #tpu.memory_space<vmem>>
    %dma_start3A_346 = tpu.memref_squeeze %dma_start3A_345 : memref<1x16384xf32, #tpu.memory_space<vmem>> -> memref<16384xf32, #tpu.memory_space<vmem>>
    tpu.enqueue_dma source(%dma_start3A_346 : memref<16384xf32, #tpu.memory_space<vmem>>) target(%dma_start3A_343 : memref<16384xf32, #tpu.memory_space<hbm>>) target_semaphore(%arg15 : memref<!tpu.dma_semaphore, #tpu.memory_space<semaphore_mem>>)
    %dma_start3A_347 = arith.constant 7 : i32
    %dma_start3A_348 = arith.constant 1 : i32
    %dma_start3A_349 = arith.constant 0 : i32
    %dma_start3A_350 = arith.constant 0 : i32
    %dma_start3A_351 = tpu.memref_slice %arg10[%dma_start3A_348, %dma_start3A_349, %dma_start3A_350] : memref<2x8x4096xf32, #tpu.memory_space<vmem>> -> memref<1x8x4096xf32, #tpu.memory_space<vmem>>
    %dma_start3A_352 = tpu.memref_squeeze %dma_start3A_351 : memref<1x8x4096xf32, #tpu.memory_space<vmem>> -> memref<8x4096xf32, #tpu.memory_space<vmem>>
    %dma_start3A_353 = arith.constant 0 : i32
    %dma_start3A_354 = tpu.memref_slice %arg7[%dma_start3A_347, %dma_start3A_353] : memref<32x8xi32, #tpu.memory_space<vmem>> -> memref<1x8xi32, #tpu.memory_space<vmem>>
    %dma_start3A_355 = tpu.memref_squeeze %dma_start3A_354 : memref<1x8xi32, #tpu.memory_space<vmem>> -> memref<8xi32, #tpu.memory_space<vmem>>
    %dma_start3A_356 = arith.constant 0 : i32
    %dma_start3A_357 = arith.constant 0 : i32
    %dma_start3A_358 = tpu.memref_slice %arg2[%dma_start3A_356, %dma_start3A_357] : memref<16384x4096xf32, #tpu.memory_space<hbm>> -> memref<16384x4096xf32, #tpu.memory_space<hbm>>
    tpu.enqueue_indirect_dma source(%dma_start3A_358 : memref<16384x4096xf32, #tpu.memory_space<hbm>>) target(%dma_start3A_352 : memref<8x4096xf32, #tpu.memory_space<vmem>>) offsets(%dma_start3A_355 : memref<8xi32, #tpu.memory_space<vmem>>) semaphore(%arg13 : memref<!tpu.dma_semaphore, #tpu.memory_space<semaphore_mem>>)
    %dma_wait3A_359 = arith.constant 6 : i32
    %dma_wait3A_360 = arith.constant 0 : i32
    %dma_wait3A_361 = arith.constant 0 : i32
    %dma_wait3A_362 = arith.constant 0 : i32
    %dma_wait3A_363 = tpu.memref_slice %arg10[%dma_wait3A_360, %dma_wait3A_361, %dma_wait3A_362] : memref<2x8x4096xf32, #tpu.memory_space<vmem>> -> memref<1x8x4096xf32, #tpu.memory_space<vmem>>
    %dma_wait3A_364 = tpu.memref_squeeze %dma_wait3A_363 : memref<1x8x4096xf32, #tpu.memory_space<vmem>> -> memref<8x4096xf32, #tpu.memory_space<vmem>>
    %dma_wait3A_365 = arith.constant 0 : i32
    %dma_wait3A_366 = tpu.memref_slice %arg7[%dma_wait3A_359, %dma_wait3A_365] : memref<32x8xi32, #tpu.memory_space<vmem>> -> memref<1x8xi32, #tpu.memory_space<vmem>>
    %dma_wait3A_367 = tpu.memref_squeeze %dma_wait3A_366 : memref<1x8xi32, #tpu.memory_space<vmem>> -> memref<8xi32, #tpu.memory_space<vmem>>
    %dma_wait3A_368 = arith.constant 0 : i32
    %dma_wait3A_369 = arith.constant 0 : i32
    %dma_wait3A_370 = tpu.memref_slice %arg2[%dma_wait3A_368, %dma_wait3A_369] : memref<16384x4096xf32, #tpu.memory_space<hbm>> -> memref<16384x4096xf32, #tpu.memory_space<hbm>>
    tpu.wait_indirect_dma semaphore(%arg12 : memref<!tpu.dma_semaphore, #tpu.memory_space<semaphore_mem>>) src(%dma_wait3A_370 : memref<16384x4096xf32, #tpu.memory_space<hbm>>) dst(%dma_wait3A_364 : memref<8x4096xf32, #tpu.memory_space<vmem>>)
    %dma_wait3A_371 = arith.constant 0 : i32
    %dma_wait3A_372 = arith.constant 0 : i32
    %dma_wait3A_373 = tpu.memref_slice %arg11[%dma_wait3A_371, %dma_wait3A_372] : memref<2x16384xf32, #tpu.memory_space<vmem>> -> memref<1x16384xf32, #tpu.memory_space<vmem>>
    %dma_wait3A_374 = tpu.memref_squeeze %dma_wait3A_373 : memref<1x16384xf32, #tpu.memory_space<vmem>> -> memref<16384xf32, #tpu.memory_space<vmem>>
    %dma_wait3A_375 = arith.constant 0 : i32
    %dma_wait3A_376 = tpu.memref_slice %arg6[%add3A_273, %dma_wait3A_375] : memref<1024x16384xf32, #tpu.memory_space<hbm>> -> memref<1x16384xf32, #tpu.memory_space<hbm>>
    %dma_wait3A_377 = tpu.memref_squeeze %dma_wait3A_376 : memref<1x16384xf32, #tpu.memory_space<hbm>> -> memref<16384xf32, #tpu.memory_space<hbm>>
    %dma_wait3A_378 = arith.constant 0 : i32
    %dma_wait3A_379 = tpu.memref_slice %arg6[%add3A_273, %dma_wait3A_378] : memref<1024x16384xf32, #tpu.memory_space<hbm>> -> memref<1x16384xf32, #tpu.memory_space<hbm>>
    %dma_wait3A_380 = tpu.memref_squeeze %dma_wait3A_379 : memref<1x16384xf32, #tpu.memory_space<hbm>> -> memref<16384xf32, #tpu.memory_space<hbm>>
    %dma_wait3A_381 = arith.constant 0 : i32
    %dma_wait3A_382 = tpu.memref_slice %arg11[%dma_wait3A_371, %dma_wait3A_381] : memref<2x16384xf32, #tpu.memory_space<vmem>> -> memref<1x16384xf32, #tpu.memory_space<vmem>>
    %dma_wait3A_383 = tpu.memref_squeeze %dma_wait3A_382 : memref<1x16384xf32, #tpu.memory_space<vmem>> -> memref<16384xf32, #tpu.memory_space<vmem>>
    tpu.wait_dma2 semaphore(%arg14 : memref<!tpu.dma_semaphore, #tpu.memory_space<semaphore_mem>>) src(%dma_wait3A_383 : memref<16384xf32, #tpu.memory_space<vmem>>) dst(%dma_wait3A_380 : memref<16384xf32, #tpu.memory_space<hbm>>)
    %scan3A_384 = arith.constant 0 : i32
    %scan3A_385 = arith.constant 0 : i32
    %scan3A_386 = arith.constant 0 : i32
    %scan3A_387 = arith.constant 0 : i32
    %scan3A_388 = arith.constant 1024 : i32
    %scan3A_389 = arith.addi %scan3A_387, %scan3A_388 : i32
    %scan3A_390 = arith.constant 1 : i32
    scf.for %scan3A_1921 = %scan3A_387 to %scan3A_389 step %scan3A_390  : i32 {
      %shift_right_arithmetic3A = arith.constant 8 : i32
      %shift_right_arithmetic3A_1922 = arith.shrsi %scan3A_1921, %shift_right_arithmetic3A : i32
      %and3A = arith.constant 255 : i32
      %and3A_1923 = arith.andi %scan3A_1921, %and3A : i32
      %mul3A_1924 = arith.constant 16 : i32
      %mul3A_1925 = arith.muli %and3A_1923, %mul3A_1924 : i32
      %get3A_1926 = arith.index_cast %mul3A_1925 : i32 to index
      %get3A_1927 = tpu.vector_load %arg8[%get3A_1926] {strides = array<i32>} : memref<4096xi32, #tpu.memory_space<vmem>>, vector<16xi32>,
      %shift_right_arithmetic3A_1928 = arith.constant 12 : i32
      %shift_right_arithmetic3A_1929 = vector.broadcast %shift_right_arithmetic3A_1928 : i32 to vector<16xi32>
      %shift_right_arithmetic3A_1930 = arith.shrsi %get3A_1927, %shift_right_arithmetic3A_1929 : vector<16xi32>
      %mul3A_1931 = arith.constant 2 : i32
      %mul3A_1932 = arith.muli %mul3A_1931, %shift_right_arithmetic3A_1922 : i32
      %add3A_1933 = vector.broadcast %mul3A_1932 : i32 to vector<16xi32>
      %add3A_1934 = arith.addi %shift_right_arithmetic3A_1930, %add3A_1933 : vector<16xi32>
      %and3A_1935 = arith.constant 4095 : i32
      %and3A_1936 = vector.broadcast %and3A_1935 : i32 to vector<16xi32>
      %and3A_1937 = arith.andi %get3A_1927, %and3A_1936 : vector<16xi32>
      %gather3A = arith.constant 0 : i32
      %gather3A_1938 = arith.constant 0 : i32
      %gather3A_1939 = tpu.memref_slice %arg10[%scan3A_385, %gather3A, %gather3A_1938] : memref<2x8x4096xf32, #tpu.memory_space<vmem>> -> memref<1x8x4096xf32, #tpu.memory_space<vmem>>
      %gather3A_1940 = tpu.memref_squeeze %gather3A_1939 : memref<1x8x4096xf32, #tpu.memory_space<vmem>> -> memref<8x4096xf32, #tpu.memory_space<vmem>>
      %gather3A_1941 = tpu.vector_load_idx %gather3A_1940[%add3A_1934, %and3A_1937] : memref<8x4096xf32, #tpu.memory_space<vmem>>[vector<16xi32>, vector<16xi32>], vector<16xf32>,
      %mul3A_1942 = arith.mulf %gather3A_1941, %get3A_3 : vector<16xf32>
      %exp3A = math.exp %mul3A_1942 : vector<16xf32>
      %mul3A_1943 = arith.constant 4096 : i32
      %mul3A_1944 = arith.muli %shift_right_arithmetic3A_1922, %mul3A_1943 : i32
      %mul3A_1945 = arith.constant 16 : i32
      %mul3A_1946 = arith.muli %and3A_1923, %mul3A_1945 : i32
      %add3A_1947 = arith.addi %mul3A_1944, %mul3A_1946 : i32
      %swap3A = arith.constant 0 : i32
      %swap3A_1948 = tpu.memref_slice %arg11[%scan3A_386, %swap3A] : memref<2x16384xf32, #tpu.memory_space<vmem>> -> memref<1x16384xf32, #tpu.memory_space<vmem>>
      %swap3A_1949 = tpu.memref_squeeze %swap3A_1948 : memref<1x16384xf32, #tpu.memory_space<vmem>> -> memref<16384xf32, #tpu.memory_space<vmem>>
      %swap3A_1950 = arith.index_cast %add3A_1947 : i32 to index
      %swap3A_1951 = tpu.vector_load %swap3A_1949[%swap3A_1950] {strides = array<i32>} : memref<16384xf32, #tpu.memory_space<vmem>>, vector<16xf32>,
      tpu.vector_store %swap3A_1949[%swap3A_1950], %exp3A {strides = array<i32>} : memref<16384xf32, #tpu.memory_space<vmem>>, vector<16xf32>,
    }
    %scan3A_391 = arith.constant 1024 : i32
    %add3A_392 = arith.constant 6 : i32
    %add3A_393 = arith.addi %mul3A_2, %add3A_392 : i32
    %dma_start3A_394 = arith.constant 0 : i32
    %dma_start3A_395 = arith.constant 0 : i32
    %dma_start3A_396 = tpu.memref_slice %arg11[%dma_start3A_394, %dma_start3A_395] : memref<2x16384xf32, #tpu.memory_space<vmem>> -> memref<1x16384xf32, #tpu.memory_space<vmem>>
    %dma_start3A_397 = tpu.memref_squeeze %dma_start3A_396 : memref<1x16384xf32, #tpu.memory_space<vmem>> -> memref<16384xf32, #tpu.memory_space<vmem>>
    %dma_start3A_398 = arith.constant 0 : i32
    %dma_start3A_399 = tpu.memref_slice %arg6[%add3A_393, %dma_start3A_398] : memref<1024x16384xf32, #tpu.memory_space<hbm>> -> memref<1x16384xf32, #tpu.memory_space<hbm>>
    %dma_start3A_400 = tpu.memref_squeeze %dma_start3A_399 : memref<1x16384xf32, #tpu.memory_space<hbm>> -> memref<16384xf32, #tpu.memory_space<hbm>>
    %dma_start3A_401 = arith.constant 0 : i32
    %dma_start3A_402 = tpu.memref_slice %arg6[%add3A_393, %dma_start3A_401] : memref<1024x16384xf32, #tpu.memory_space<hbm>> -> memref<1x16384xf32, #tpu.memory_space<hbm>>
    %dma_start3A_403 = tpu.memref_squeeze %dma_start3A_402 : memref<1x16384xf32, #tpu.memory_space<hbm>> -> memref<16384xf32, #tpu.memory_space<hbm>>
    %dma_start3A_404 = arith.constant 0 : i32
    %dma_start3A_405 = tpu.memref_slice %arg11[%dma_start3A_394, %dma_start3A_404] : memref<2x16384xf32, #tpu.memory_space<vmem>> -> memref<1x16384xf32, #tpu.memory_space<vmem>>
    %dma_start3A_406 = tpu.memref_squeeze %dma_start3A_405 : memref<1x16384xf32, #tpu.memory_space<vmem>> -> memref<16384xf32, #tpu.memory_space<vmem>>
    tpu.enqueue_dma source(%dma_start3A_406 : memref<16384xf32, #tpu.memory_space<vmem>>) target(%dma_start3A_403 : memref<16384xf32, #tpu.memory_space<hbm>>) target_semaphore(%arg14 : memref<!tpu.dma_semaphore, #tpu.memory_space<semaphore_mem>>)
    %dma_start3A_407 = arith.constant 8 : i32
    %dma_start3A_408 = arith.constant 0 : i32
    %dma_start3A_409 = arith.constant 0 : i32
    %dma_start3A_410 = arith.constant 0 : i32
    %dma_start3A_411 = tpu.memref_slice %arg10[%dma_start3A_408, %dma_start3A_409, %dma_start3A_410] : memref<2x8x4096xf32, #tpu.memory_space<vmem>> -> memref<1x8x4096xf32, #tpu.memory_space<vmem>>
    %dma_start3A_412 = tpu.memref_squeeze %dma_start3A_411 : memref<1x8x4096xf32, #tpu.memory_space<vmem>> -> memref<8x4096xf32, #tpu.memory_space<vmem>>
    %dma_start3A_413 = arith.constant 0 : i32
    %dma_start3A_414 = tpu.memref_slice %arg7[%dma_start3A_407, %dma_start3A_413] : memref<32x8xi32, #tpu.memory_space<vmem>> -> memref<1x8xi32, #tpu.memory_space<vmem>>
    %dma_start3A_415 = tpu.memref_squeeze %dma_start3A_414 : memref<1x8xi32, #tpu.memory_space<vmem>> -> memref<8xi32, #tpu.memory_space<vmem>>
    %dma_start3A_416 = arith.constant 0 : i32
    %dma_start3A_417 = arith.constant 0 : i32
    %dma_start3A_418 = tpu.memref_slice %arg2[%dma_start3A_416, %dma_start3A_417] : memref<16384x4096xf32, #tpu.memory_space<hbm>> -> memref<16384x4096xf32, #tpu.memory_space<hbm>>
    tpu.enqueue_indirect_dma source(%dma_start3A_418 : memref<16384x4096xf32, #tpu.memory_space<hbm>>) target(%dma_start3A_412 : memref<8x4096xf32, #tpu.memory_space<vmem>>) offsets(%dma_start3A_415 : memref<8xi32, #tpu.memory_space<vmem>>) semaphore(%arg12 : memref<!tpu.dma_semaphore, #tpu.memory_space<semaphore_mem>>)
    %dma_wait3A_419 = arith.constant 7 : i32
    %dma_wait3A_420 = arith.constant 1 : i32
    %dma_wait3A_421 = arith.constant 0 : i32
    %dma_wait3A_422 = arith.constant 0 : i32
    %dma_wait3A_423 = tpu.memref_slice %arg10[%dma_wait3A_420, %dma_wait3A_421, %dma_wait3A_422] : memref<2x8x4096xf32, #tpu.memory_space<vmem>> -> memref<1x8x4096xf32, #tpu.memory_space<vmem>>
    %dma_wait3A_424 = tpu.memref_squeeze %dma_wait3A_423 : memref<1x8x4096xf32, #tpu.memory_space<vmem>> -> memref<8x4096xf32, #tpu.memory_space<vmem>>
    %dma_wait3A_425 = arith.constant 0 : i32
    %dma_wait3A_426 = tpu.memref_slice %arg7[%dma_wait3A_419, %dma_wait3A_425] : memref<32x8xi32, #tpu.memory_space<vmem>> -> memref<1x8xi32, #tpu.memory_space<vmem>>
    %dma_wait3A_427 = tpu.memref_squeeze %dma_wait3A_426 : memref<1x8xi32, #tpu.memory_space<vmem>> -> memref<8xi32, #tpu.memory_space<vmem>>
    %dma_wait3A_428 = arith.constant 0 : i32
    %dma_wait3A_429 = arith.constant 0 : i32
    %dma_wait3A_430 = tpu.memref_slice %arg2[%dma_wait3A_428, %dma_wait3A_429] : memref<16384x4096xf32, #tpu.memory_space<hbm>> -> memref<16384x4096xf32, #tpu.memory_space<hbm>>
    tpu.wait_indirect_dma semaphore(%arg13 : memref<!tpu.dma_semaphore, #tpu.memory_space<semaphore_mem>>) src(%dma_wait3A_430 : memref<16384x4096xf32, #tpu.memory_space<hbm>>) dst(%dma_wait3A_424 : memref<8x4096xf32, #tpu.memory_space<vmem>>)
    %dma_wait3A_431 = arith.constant 1 : i32
    %dma_wait3A_432 = arith.constant 0 : i32
    %dma_wait3A_433 = tpu.memref_slice %arg11[%dma_wait3A_431, %dma_wait3A_432] : memref<2x16384xf32, #tpu.memory_space<vmem>> -> memref<1x16384xf32, #tpu.memory_space<vmem>>
    %dma_wait3A_434 = tpu.memref_squeeze %dma_wait3A_433 : memref<1x16384xf32, #tpu.memory_space<vmem>> -> memref<16384xf32, #tpu.memory_space<vmem>>
    %dma_wait3A_435 = arith.constant 0 : i32
    %dma_wait3A_436 = tpu.memref_slice %arg6[%add3A_333, %dma_wait3A_435] : memref<1024x16384xf32, #tpu.memory_space<hbm>> -> memref<1x16384xf32, #tpu.memory_space<hbm>>
    %dma_wait3A_437 = tpu.memref_squeeze %dma_wait3A_436 : memref<1x16384xf32, #tpu.memory_space<hbm>> -> memref<16384xf32, #tpu.memory_space<hbm>>
    %dma_wait3A_438 = arith.constant 0 : i32
    %dma_wait3A_439 = tpu.memref_slice %arg6[%add3A_333, %dma_wait3A_438] : memref<1024x16384xf32, #tpu.memory_space<hbm>> -> memref<1x16384xf32, #tpu.memory_space<hbm>>
    %dma_wait3A_440 = tpu.memref_squeeze %dma_wait3A_439 : memref<1x16384xf32, #tpu.memory_space<hbm>> -> memref<16384xf32, #tpu.memory_space<hbm>>
    %dma_wait3A_441 = arith.constant 0 : i32
    %dma_wait3A_442 = tpu.memref_slice %arg11[%dma_wait3A_431, %dma_wait3A_441] : memref<2x16384xf32, #tpu.memory_space<vmem>> -> memref<1x16384xf32, #tpu.memory_space<vmem>>
    %dma_wait3A_443 = tpu.memref_squeeze %dma_wait3A_442 : memref<1x16384xf32, #tpu.memory_space<vmem>> -> memref<16384xf32, #tpu.memory_space<vmem>>
    tpu.wait_dma2 semaphore(%arg15 : memref<!tpu.dma_semaphore, #tpu.memory_space<semaphore_mem>>) src(%dma_wait3A_443 : memref<16384xf32, #tpu.memory_space<vmem>>) dst(%dma_wait3A_440 : memref<16384xf32, #tpu.memory_space<hbm>>)
    %scan3A_444 = arith.constant 0 : i32
    %scan3A_445 = arith.constant 1 : i32
    %scan3A_446 = arith.constant 1 : i32
    %scan3A_447 = arith.constant 0 : i32
    %scan3A_448 = arith.constant 1024 : i32
    %scan3A_449 = arith.addi %scan3A_447, %scan3A_448 : i32
    %scan3A_450 = arith.constant 1 : i32
    scf.for %scan3A_1921 = %scan3A_447 to %scan3A_449 step %scan3A_450  : i32 {
      %shift_right_arithmetic3A = arith.constant 8 : i32
      %shift_right_arithmetic3A_1922 = arith.shrsi %scan3A_1921, %shift_right_arithmetic3A : i32
      %and3A = arith.constant 255 : i32
      %and3A_1923 = arith.andi %scan3A_1921, %and3A : i32
      %mul3A_1924 = arith.constant 16 : i32
      %mul3A_1925 = arith.muli %and3A_1923, %mul3A_1924 : i32
      %get3A_1926 = arith.index_cast %mul3A_1925 : i32 to index
      %get3A_1927 = tpu.vector_load %arg8[%get3A_1926] {strides = array<i32>} : memref<4096xi32, #tpu.memory_space<vmem>>, vector<16xi32>,
      %shift_right_arithmetic3A_1928 = arith.constant 12 : i32
      %shift_right_arithmetic3A_1929 = vector.broadcast %shift_right_arithmetic3A_1928 : i32 to vector<16xi32>
      %shift_right_arithmetic3A_1930 = arith.shrsi %get3A_1927, %shift_right_arithmetic3A_1929 : vector<16xi32>
      %mul3A_1931 = arith.constant 2 : i32
      %mul3A_1932 = arith.muli %mul3A_1931, %shift_right_arithmetic3A_1922 : i32
      %add3A_1933 = vector.broadcast %mul3A_1932 : i32 to vector<16xi32>
      %add3A_1934 = arith.addi %shift_right_arithmetic3A_1930, %add3A_1933 : vector<16xi32>
      %and3A_1935 = arith.constant 4095 : i32
      %and3A_1936 = vector.broadcast %and3A_1935 : i32 to vector<16xi32>
      %and3A_1937 = arith.andi %get3A_1927, %and3A_1936 : vector<16xi32>
      %gather3A = arith.constant 0 : i32
      %gather3A_1938 = arith.constant 0 : i32
      %gather3A_1939 = tpu.memref_slice %arg10[%scan3A_445, %gather3A, %gather3A_1938] : memref<2x8x4096xf32, #tpu.memory_space<vmem>> -> memref<1x8x4096xf32, #tpu.memory_space<vmem>>
      %gather3A_1940 = tpu.memref_squeeze %gather3A_1939 : memref<1x8x4096xf32, #tpu.memory_space<vmem>> -> memref<8x4096xf32, #tpu.memory_space<vmem>>
      %gather3A_1941 = tpu.vector_load_idx %gather3A_1940[%add3A_1934, %and3A_1937] : memref<8x4096xf32, #tpu.memory_space<vmem>>[vector<16xi32>, vector<16xi32>], vector<16xf32>,
      %mul3A_1942 = arith.mulf %gather3A_1941, %get3A_3 : vector<16xf32>
      %exp3A = math.exp %mul3A_1942 : vector<16xf32>
      %mul3A_1943 = arith.constant 4096 : i32
      %mul3A_1944 = arith.muli %shift_right_arithmetic3A_1922, %mul3A_1943 : i32
      %mul3A_1945 = arith.constant 16 : i32
      %mul3A_1946 = arith.muli %and3A_1923, %mul3A_1945 : i32
      %add3A_1947 = arith.addi %mul3A_1944, %mul3A_1946 : i32
      %swap3A = arith.constant 0 : i32
      %swap3A_1948 = tpu.memref_slice %arg11[%scan3A_446, %swap3A] : memref<2x16384xf32, #tpu.memory_space<vmem>> -> memref<1x16384xf32, #tpu.memory_space<vmem>>
      %swap3A_1949 = tpu.memref_squeeze %swap3A_1948 : memref<1x16384xf32, #tpu.memory_space<vmem>> -> memref<16384xf32, #tpu.memory_space<vmem>>
      %swap3A_1950 = arith.index_cast %add3A_1947 : i32 to index
      %swap3A_1951 = tpu.vector_load %swap3A_1949[%swap3A_1950] {strides = array<i32>} : memref<16384xf32, #tpu.memory_space<vmem>>, vector<16xf32>,
      tpu.vector_store %swap3A_1949[%swap3A_1950], %exp3A {strides = array<i32>} : memref<16384xf32, #tpu.memory_space<vmem>>, vector<16xf32>,
    }
    %scan3A_451 = arith.constant 1024 : i32
    %add3A_452 = arith.constant 7 : i32
    %add3A_453 = arith.addi %mul3A_2, %add3A_452 : i32
    %dma_start3A_454 = arith.constant 1 : i32
    %dma_start3A_455 = arith.constant 0 : i32
    %dma_start3A_456 = tpu.memref_slice %arg11[%dma_start3A_454, %dma_start3A_455] : memref<2x16384xf32, #tpu.memory_space<vmem>> -> memref<1x16384xf32, #tpu.memory_space<vmem>>
    %dma_start3A_457 = tpu.memref_squeeze %dma_start3A_456 : memref<1x16384xf32, #tpu.memory_space<vmem>> -> memref<16384xf32, #tpu.memory_space<vmem>>
    %dma_start3A_458 = arith.constant 0 : i32
    %dma_start3A_459 = tpu.memref_slice %arg6[%add3A_453, %dma_start3A_458] : memref<1024x16384xf32, #tpu.memory_space<hbm>> -> memref<1x16384xf32, #tpu.memory_space<hbm>>
    %dma_start3A_460 = tpu.memref_squeeze %dma_start3A_459 : memref<1x16384xf32, #tpu.memory_space<hbm>> -> memref<16384xf32, #tpu.memory_space<hbm>>
    %dma_start3A_461 = arith.constant 0 : i32
    %dma_start3A_462 = tpu.memref_slice %arg6[%add3A_453, %dma_start3A_461] : memref<1024x16384xf32, #tpu.memory_space<hbm>> -> memref<1x16384xf32, #tpu.memory_space<hbm>>
    %dma_start3A_463 = tpu.memref_squeeze %dma_start3A_462 : memref<1x16384xf32, #tpu.memory_space<hbm>> -> memref<16384xf32, #tpu.memory_space<hbm>>
    %dma_start3A_464 = arith.constant 0 : i32
    %dma_start3A_465 = tpu.memref_slice %arg11[%dma_start3A_454, %dma_start3A_464] : memref<2x16384xf32, #tpu.memory_space<vmem>> -> memref<1x16384xf32, #tpu.memory_space<vmem>>
    %dma_start3A_466 = tpu.memref_squeeze %dma_start3A_465 : memref<1x16384xf32, #tpu.memory_space<vmem>> -> memref<16384xf32, #tpu.memory_space<vmem>>
    tpu.enqueue_dma source(%dma_start3A_466 : memref<16384xf32, #tpu.memory_space<vmem>>) target(%dma_start3A_463 : memref<16384xf32, #tpu.memory_space<hbm>>) target_semaphore(%arg15 : memref<!tpu.dma_semaphore, #tpu.memory_space<semaphore_mem>>)
    %dma_start3A_467 = arith.constant 9 : i32
    %dma_start3A_468 = arith.constant 1 : i32
    %dma_start3A_469 = arith.constant 0 : i32
    %dma_start3A_470 = arith.constant 0 : i32
    %dma_start3A_471 = tpu.memref_slice %arg10[%dma_start3A_468, %dma_start3A_469, %dma_start3A_470] : memref<2x8x4096xf32, #tpu.memory_space<vmem>> -> memref<1x8x4096xf32, #tpu.memory_space<vmem>>
    %dma_start3A_472 = tpu.memref_squeeze %dma_start3A_471 : memref<1x8x4096xf32, #tpu.memory_space<vmem>> -> memref<8x4096xf32, #tpu.memory_space<vmem>>
    %dma_start3A_473 = arith.constant 0 : i32
    %dma_start3A_474 = tpu.memref_slice %arg7[%dma_start3A_467, %dma_start3A_473] : memref<32x8xi32, #tpu.memory_space<vmem>> -> memref<1x8xi32, #tpu.memory_space<vmem>>
    %dma_start3A_475 = tpu.memref_squeeze %dma_start3A_474 : memref<1x8xi32, #tpu.memory_space<vmem>> -> memref<8xi32, #tpu.memory_space<vmem>>
    %dma_start3A_476 = arith.constant 0 : i32
    %dma_start3A_477 = arith.constant 0 : i32
    %dma_start3A_478 = tpu.memref_slice %arg2[%dma_start3A_476, %dma_start3A_477] : memref<16384x4096xf32, #tpu.memory_space<hbm>> -> memref<16384x4096xf32, #tpu.memory_space<hbm>>
    tpu.enqueue_indirect_dma source(%dma_start3A_478 : memref<16384x4096xf32, #tpu.memory_space<hbm>>) target(%dma_start3A_472 : memref<8x4096xf32, #tpu.memory_space<vmem>>) offsets(%dma_start3A_475 : memref<8xi32, #tpu.memory_space<vmem>>) semaphore(%arg13 : memref<!tpu.dma_semaphore, #tpu.memory_space<semaphore_mem>>)
    %dma_wait3A_479 = arith.constant 8 : i32
    %dma_wait3A_480 = arith.constant 0 : i32
    %dma_wait3A_481 = arith.constant 0 : i32
    %dma_wait3A_482 = arith.constant 0 : i32
    %dma_wait3A_483 = tpu.memref_slice %arg10[%dma_wait3A_480, %dma_wait3A_481, %dma_wait3A_482] : memref<2x8x4096xf32, #tpu.memory_space<vmem>> -> memref<1x8x4096xf32, #tpu.memory_space<vmem>>
    %dma_wait3A_484 = tpu.memref_squeeze %dma_wait3A_483 : memref<1x8x4096xf32, #tpu.memory_space<vmem>> -> memref<8x4096xf32, #tpu.memory_space<vmem>>
    %dma_wait3A_485 = arith.constant 0 : i32
    %dma_wait3A_486 = tpu.memref_slice %arg7[%dma_wait3A_479, %dma_wait3A_485] : memref<32x8xi32, #tpu.memory_space<vmem>> -> memref<1x8xi32, #tpu.memory_space<vmem>>
    %dma_wait3A_487 = tpu.memref_squeeze %dma_wait3A_486 : memref<1x8xi32, #tpu.memory_space<vmem>> -> memref<8xi32, #tpu.memory_space<vmem>>
    %dma_wait3A_488 = arith.constant 0 : i32
    %dma_wait3A_489 = arith.constant 0 : i32
    %dma_wait3A_490 = tpu.memref_slice %arg2[%dma_wait3A_488, %dma_wait3A_489] : memref<16384x4096xf32, #tpu.memory_space<hbm>> -> memref<16384x4096xf32, #tpu.memory_space<hbm>>
    tpu.wait_indirect_dma semaphore(%arg12 : memref<!tpu.dma_semaphore, #tpu.memory_space<semaphore_mem>>) src(%dma_wait3A_490 : memref<16384x4096xf32, #tpu.memory_space<hbm>>) dst(%dma_wait3A_484 : memref<8x4096xf32, #tpu.memory_space<vmem>>)
    %dma_wait3A_491 = arith.constant 0 : i32
    %dma_wait3A_492 = arith.constant 0 : i32
    %dma_wait3A_493 = tpu.memref_slice %arg11[%dma_wait3A_491, %dma_wait3A_492] : memref<2x16384xf32, #tpu.memory_space<vmem>> -> memref<1x16384xf32, #tpu.memory_space<vmem>>
    %dma_wait3A_494 = tpu.memref_squeeze %dma_wait3A_493 : memref<1x16384xf32, #tpu.memory_space<vmem>> -> memref<16384xf32, #tpu.memory_space<vmem>>
    %dma_wait3A_495 = arith.constant 0 : i32
    %dma_wait3A_496 = tpu.memref_slice %arg6[%add3A_393, %dma_wait3A_495] : memref<1024x16384xf32, #tpu.memory_space<hbm>> -> memref<1x16384xf32, #tpu.memory_space<hbm>>
    %dma_wait3A_497 = tpu.memref_squeeze %dma_wait3A_496 : memref<1x16384xf32, #tpu.memory_space<hbm>> -> memref<16384xf32, #tpu.memory_space<hbm>>
    %dma_wait3A_498 = arith.constant 0 : i32
    %dma_wait3A_499 = tpu.memref_slice %arg6[%add3A_393, %dma_wait3A_498] : memref<1024x16384xf32, #tpu.memory_space<hbm>> -> memref<1x16384xf32, #tpu.memory_space<hbm>>
    %dma_wait3A_500 = tpu.memref_squeeze %dma_wait3A_499 : memref<1x16384xf32, #tpu.memory_space<hbm>> -> memref<16384xf32, #tpu.memory_space<hbm>>
    %dma_wait3A_501 = arith.constant 0 : i32
    %dma_wait3A_502 = tpu.memref_slice %arg11[%dma_wait3A_491, %dma_wait3A_501] : memref<2x16384xf32, #tpu.memory_space<vmem>> -> memref<1x16384xf32, #tpu.memory_space<vmem>>
    %dma_wait3A_503 = tpu.memref_squeeze %dma_wait3A_502 : memref<1x16384xf32, #tpu.memory_space<vmem>> -> memref<16384xf32, #tpu.memory_space<vmem>>
    tpu.wait_dma2 semaphore(%arg14 : memref<!tpu.dma_semaphore, #tpu.memory_space<semaphore_mem>>) src(%dma_wait3A_503 : memref<16384xf32, #tpu.memory_space<vmem>>) dst(%dma_wait3A_500 : memref<16384xf32, #tpu.memory_space<hbm>>)
    %scan3A_504 = arith.constant 0 : i32
    %scan3A_505 = arith.constant 0 : i32
    %scan3A_506 = arith.constant 0 : i32
    %scan3A_507 = arith.constant 0 : i32
    %scan3A_508 = arith.constant 1024 : i32
    %scan3A_509 = arith.addi %scan3A_507, %scan3A_508 : i32
    %scan3A_510 = arith.constant 1 : i32
    scf.for %scan3A_1921 = %scan3A_507 to %scan3A_509 step %scan3A_510  : i32 {
      %shift_right_arithmetic3A = arith.constant 8 : i32
      %shift_right_arithmetic3A_1922 = arith.shrsi %scan3A_1921, %shift_right_arithmetic3A : i32
      %and3A = arith.constant 255 : i32
      %and3A_1923 = arith.andi %scan3A_1921, %and3A : i32
      %mul3A_1924 = arith.constant 16 : i32
      %mul3A_1925 = arith.muli %and3A_1923, %mul3A_1924 : i32
      %get3A_1926 = arith.index_cast %mul3A_1925 : i32 to index
      %get3A_1927 = tpu.vector_load %arg8[%get3A_1926] {strides = array<i32>} : memref<4096xi32, #tpu.memory_space<vmem>>, vector<16xi32>,
      %shift_right_arithmetic3A_1928 = arith.constant 12 : i32
      %shift_right_arithmetic3A_1929 = vector.broadcast %shift_right_arithmetic3A_1928 : i32 to vector<16xi32>
      %shift_right_arithmetic3A_1930 = arith.shrsi %get3A_1927, %shift_right_arithmetic3A_1929 : vector<16xi32>
      %mul3A_1931 = arith.constant 2 : i32
      %mul3A_1932 = arith.muli %mul3A_1931, %shift_right_arithmetic3A_1922 : i32
      %add3A_1933 = vector.broadcast %mul3A_1932 : i32 to vector<16xi32>
      %add3A_1934 = arith.addi %shift_right_arithmetic3A_1930, %add3A_1933 : vector<16xi32>
      %and3A_1935 = arith.constant 4095 : i32
      %and3A_1936 = vector.broadcast %and3A_1935 : i32 to vector<16xi32>
      %and3A_1937 = arith.andi %get3A_1927, %and3A_1936 : vector<16xi32>
      %gather3A = arith.constant 0 : i32
      %gather3A_1938 = arith.constant 0 : i32
      %gather3A_1939 = tpu.memref_slice %arg10[%scan3A_505, %gather3A, %gather3A_1938] : memref<2x8x4096xf32, #tpu.memory_space<vmem>> -> memref<1x8x4096xf32, #tpu.memory_space<vmem>>
      %gather3A_1940 = tpu.memref_squeeze %gather3A_1939 : memref<1x8x4096xf32, #tpu.memory_space<vmem>> -> memref<8x4096xf32, #tpu.memory_space<vmem>>
      %gather3A_1941 = tpu.vector_load_idx %gather3A_1940[%add3A_1934, %and3A_1937] : memref<8x4096xf32, #tpu.memory_space<vmem>>[vector<16xi32>, vector<16xi32>], vector<16xf32>,
      %mul3A_1942 = arith.mulf %gather3A_1941, %get3A_3 : vector<16xf32>
      %exp3A = math.exp %mul3A_1942 : vector<16xf32>
      %mul3A_1943 = arith.constant 4096 : i32
      %mul3A_1944 = arith.muli %shift_right_arithmetic3A_1922, %mul3A_1943 : i32
      %mul3A_1945 = arith.constant 16 : i32
      %mul3A_1946 = arith.muli %and3A_1923, %mul3A_1945 : i32
      %add3A_1947 = arith.addi %mul3A_1944, %mul3A_1946 : i32
      %swap3A = arith.constant 0 : i32
      %swap3A_1948 = tpu.memref_slice %arg11[%scan3A_506, %swap3A] : memref<2x16384xf32, #tpu.memory_space<vmem>> -> memref<1x16384xf32, #tpu.memory_space<vmem>>
      %swap3A_1949 = tpu.memref_squeeze %swap3A_1948 : memref<1x16384xf32, #tpu.memory_space<vmem>> -> memref<16384xf32, #tpu.memory_space<vmem>>
      %swap3A_1950 = arith.index_cast %add3A_1947 : i32 to index
      %swap3A_1951 = tpu.vector_load %swap3A_1949[%swap3A_1950] {strides = array<i32>} : memref<16384xf32, #tpu.memory_space<vmem>>, vector<16xf32>,
      tpu.vector_store %swap3A_1949[%swap3A_1950], %exp3A {strides = array<i32>} : memref<16384xf32, #tpu.memory_space<vmem>>, vector<16xf32>,
    }
    %scan3A_511 = arith.constant 1024 : i32
    %add3A_512 = arith.constant 8 : i32
    %add3A_513 = arith.addi %mul3A_2, %add3A_512 : i32
    %dma_start3A_514 = arith.constant 0 : i32
    %dma_start3A_515 = arith.constant 0 : i32
    %dma_start3A_516 = tpu.memref_slice %arg11[%dma_start3A_514, %dma_start3A_515] : memref<2x16384xf32, #tpu.memory_space<vmem>> -> memref<1x16384xf32, #tpu.memory_space<vmem>>
    %dma_start3A_517 = tpu.memref_squeeze %dma_start3A_516 : memref<1x16384xf32, #tpu.memory_space<vmem>> -> memref<16384xf32, #tpu.memory_space<vmem>>
    %dma_start3A_518 = arith.constant 0 : i32
    %dma_start3A_519 = tpu.memref_slice %arg6[%add3A_513, %dma_start3A_518] : memref<1024x16384xf32, #tpu.memory_space<hbm>> -> memref<1x16384xf32, #tpu.memory_space<hbm>>
    %dma_start3A_520 = tpu.memref_squeeze %dma_start3A_519 : memref<1x16384xf32, #tpu.memory_space<hbm>> -> memref<16384xf32, #tpu.memory_space<hbm>>
    %dma_start3A_521 = arith.constant 0 : i32
    %dma_start3A_522 = tpu.memref_slice %arg6[%add3A_513, %dma_start3A_521] : memref<1024x16384xf32, #tpu.memory_space<hbm>> -> memref<1x16384xf32, #tpu.memory_space<hbm>>
    %dma_start3A_523 = tpu.memref_squeeze %dma_start3A_522 : memref<1x16384xf32, #tpu.memory_space<hbm>> -> memref<16384xf32, #tpu.memory_space<hbm>>
    %dma_start3A_524 = arith.constant 0 : i32
    %dma_start3A_525 = tpu.memref_slice %arg11[%dma_start3A_514, %dma_start3A_524] : memref<2x16384xf32, #tpu.memory_space<vmem>> -> memref<1x16384xf32, #tpu.memory_space<vmem>>
    %dma_start3A_526 = tpu.memref_squeeze %dma_start3A_525 : memref<1x16384xf32, #tpu.memory_space<vmem>> -> memref<16384xf32, #tpu.memory_space<vmem>>
    tpu.enqueue_dma source(%dma_start3A_526 : memref<16384xf32, #tpu.memory_space<vmem>>) target(%dma_start3A_523 : memref<16384xf32, #tpu.memory_space<hbm>>) target_semaphore(%arg14 : memref<!tpu.dma_semaphore, #tpu.memory_space<semaphore_mem>>)
    %dma_start3A_527 = arith.constant 10 : i32
    %dma_start3A_528 = arith.constant 0 : i32
    %dma_start3A_529 = arith.constant 0 : i32
    %dma_start3A_530 = arith.constant 0 : i32
    %dma_start3A_531 = tpu.memref_slice %arg10[%dma_start3A_528, %dma_start3A_529, %dma_start3A_530] : memref<2x8x4096xf32, #tpu.memory_space<vmem>> -> memref<1x8x4096xf32, #tpu.memory_space<vmem>>
    %dma_start3A_532 = tpu.memref_squeeze %dma_start3A_531 : memref<1x8x4096xf32, #tpu.memory_space<vmem>> -> memref<8x4096xf32, #tpu.memory_space<vmem>>
    %dma_start3A_533 = arith.constant 0 : i32
    %dma_start3A_534 = tpu.memref_slice %arg7[%dma_start3A_527, %dma_start3A_533] : memref<32x8xi32, #tpu.memory_space<vmem>> -> memref<1x8xi32, #tpu.memory_space<vmem>>
    %dma_start3A_535 = tpu.memref_squeeze %dma_start3A_534 : memref<1x8xi32, #tpu.memory_space<vmem>> -> memref<8xi32, #tpu.memory_space<vmem>>
    %dma_start3A_536 = arith.constant 0 : i32
    %dma_start3A_537 = arith.constant 0 : i32
    %dma_start3A_538 = tpu.memref_slice %arg2[%dma_start3A_536, %dma_start3A_537] : memref<16384x4096xf32, #tpu.memory_space<hbm>> -> memref<16384x4096xf32, #tpu.memory_space<hbm>>
    tpu.enqueue_indirect_dma source(%dma_start3A_538 : memref<16384x4096xf32, #tpu.memory_space<hbm>>) target(%dma_start3A_532 : memref<8x4096xf32, #tpu.memory_space<vmem>>) offsets(%dma_start3A_535 : memref<8xi32, #tpu.memory_space<vmem>>) semaphore(%arg12 : memref<!tpu.dma_semaphore, #tpu.memory_space<semaphore_mem>>)
    %dma_wait3A_539 = arith.constant 9 : i32
    %dma_wait3A_540 = arith.constant 1 : i32
    %dma_wait3A_541 = arith.constant 0 : i32
    %dma_wait3A_542 = arith.constant 0 : i32
    %dma_wait3A_543 = tpu.memref_slice %arg10[%dma_wait3A_540, %dma_wait3A_541, %dma_wait3A_542] : memref<2x8x4096xf32, #tpu.memory_space<vmem>> -> memref<1x8x4096xf32, #tpu.memory_space<vmem>>
    %dma_wait3A_544 = tpu.memref_squeeze %dma_wait3A_543 : memref<1x8x4096xf32, #tpu.memory_space<vmem>> -> memref<8x4096xf32, #tpu.memory_space<vmem>>
    %dma_wait3A_545 = arith.constant 0 : i32
    %dma_wait3A_546 = tpu.memref_slice %arg7[%dma_wait3A_539, %dma_wait3A_545] : memref<32x8xi32, #tpu.memory_space<vmem>> -> memref<1x8xi32, #tpu.memory_space<vmem>>
    %dma_wait3A_547 = tpu.memref_squeeze %dma_wait3A_546 : memref<1x8xi32, #tpu.memory_space<vmem>> -> memref<8xi32, #tpu.memory_space<vmem>>
    %dma_wait3A_548 = arith.constant 0 : i32
    %dma_wait3A_549 = arith.constant 0 : i32
    %dma_wait3A_550 = tpu.memref_slice %arg2[%dma_wait3A_548, %dma_wait3A_549] : memref<16384x4096xf32, #tpu.memory_space<hbm>> -> memref<16384x4096xf32, #tpu.memory_space<hbm>>
    tpu.wait_indirect_dma semaphore(%arg13 : memref<!tpu.dma_semaphore, #tpu.memory_space<semaphore_mem>>) src(%dma_wait3A_550 : memref<16384x4096xf32, #tpu.memory_space<hbm>>) dst(%dma_wait3A_544 : memref<8x4096xf32, #tpu.memory_space<vmem>>)
    %dma_wait3A_551 = arith.constant 1 : i32
    %dma_wait3A_552 = arith.constant 0 : i32
    %dma_wait3A_553 = tpu.memref_slice %arg11[%dma_wait3A_551, %dma_wait3A_552] : memref<2x16384xf32, #tpu.memory_space<vmem>> -> memref<1x16384xf32, #tpu.memory_space<vmem>>
    %dma_wait3A_554 = tpu.memref_squeeze %dma_wait3A_553 : memref<1x16384xf32, #tpu.memory_space<vmem>> -> memref<16384xf32, #tpu.memory_space<vmem>>
    %dma_wait3A_555 = arith.constant 0 : i32
    %dma_wait3A_556 = tpu.memref_slice %arg6[%add3A_453, %dma_wait3A_555] : memref<1024x16384xf32, #tpu.memory_space<hbm>> -> memref<1x16384xf32, #tpu.memory_space<hbm>>
    %dma_wait3A_557 = tpu.memref_squeeze %dma_wait3A_556 : memref<1x16384xf32, #tpu.memory_space<hbm>> -> memref<16384xf32, #tpu.memory_space<hbm>>
    %dma_wait3A_558 = arith.constant 0 : i32
    %dma_wait3A_559 = tpu.memref_slice %arg6[%add3A_453, %dma_wait3A_558] : memref<1024x16384xf32, #tpu.memory_space<hbm>> -> memref<1x16384xf32, #tpu.memory_space<hbm>>
    %dma_wait3A_560 = tpu.memref_squeeze %dma_wait3A_559 : memref<1x16384xf32, #tpu.memory_space<hbm>> -> memref<16384xf32, #tpu.memory_space<hbm>>
    %dma_wait3A_561 = arith.constant 0 : i32
    %dma_wait3A_562 = tpu.memref_slice %arg11[%dma_wait3A_551, %dma_wait3A_561] : memref<2x16384xf32, #tpu.memory_space<vmem>> -> memref<1x16384xf32, #tpu.memory_space<vmem>>
    %dma_wait3A_563 = tpu.memref_squeeze %dma_wait3A_562 : memref<1x16384xf32, #tpu.memory_space<vmem>> -> memref<16384xf32, #tpu.memory_space<vmem>>
    tpu.wait_dma2 semaphore(%arg15 : memref<!tpu.dma_semaphore, #tpu.memory_space<semaphore_mem>>) src(%dma_wait3A_563 : memref<16384xf32, #tpu.memory_space<vmem>>) dst(%dma_wait3A_560 : memref<16384xf32, #tpu.memory_space<hbm>>)
    %scan3A_564 = arith.constant 0 : i32
    %scan3A_565 = arith.constant 1 : i32
    %scan3A_566 = arith.constant 1 : i32
    %scan3A_567 = arith.constant 0 : i32
    %scan3A_568 = arith.constant 1024 : i32
    %scan3A_569 = arith.addi %scan3A_567, %scan3A_568 : i32
    %scan3A_570 = arith.constant 1 : i32
    scf.for %scan3A_1921 = %scan3A_567 to %scan3A_569 step %scan3A_570  : i32 {
      %shift_right_arithmetic3A = arith.constant 8 : i32
      %shift_right_arithmetic3A_1922 = arith.shrsi %scan3A_1921, %shift_right_arithmetic3A : i32
      %and3A = arith.constant 255 : i32
      %and3A_1923 = arith.andi %scan3A_1921, %and3A : i32
      %mul3A_1924 = arith.constant 16 : i32
      %mul3A_1925 = arith.muli %and3A_1923, %mul3A_1924 : i32
      %get3A_1926 = arith.index_cast %mul3A_1925 : i32 to index
      %get3A_1927 = tpu.vector_load %arg8[%get3A_1926] {strides = array<i32>} : memref<4096xi32, #tpu.memory_space<vmem>>, vector<16xi32>,
      %shift_right_arithmetic3A_1928 = arith.constant 12 : i32
      %shift_right_arithmetic3A_1929 = vector.broadcast %shift_right_arithmetic3A_1928 : i32 to vector<16xi32>
      %shift_right_arithmetic3A_1930 = arith.shrsi %get3A_1927, %shift_right_arithmetic3A_1929 : vector<16xi32>
      %mul3A_1931 = arith.constant 2 : i32
      %mul3A_1932 = arith.muli %mul3A_1931, %shift_right_arithmetic3A_1922 : i32
      %add3A_1933 = vector.broadcast %mul3A_1932 : i32 to vector<16xi32>
      %add3A_1934 = arith.addi %shift_right_arithmetic3A_1930, %add3A_1933 : vector<16xi32>
      %and3A_1935 = arith.constant 4095 : i32
      %and3A_1936 = vector.broadcast %and3A_1935 : i32 to vector<16xi32>
      %and3A_1937 = arith.andi %get3A_1927, %and3A_1936 : vector<16xi32>
      %gather3A = arith.constant 0 : i32
      %gather3A_1938 = arith.constant 0 : i32
      %gather3A_1939 = tpu.memref_slice %arg10[%scan3A_565, %gather3A, %gather3A_1938] : memref<2x8x4096xf32, #tpu.memory_space<vmem>> -> memref<1x8x4096xf32, #tpu.memory_space<vmem>>
      %gather3A_1940 = tpu.memref_squeeze %gather3A_1939 : memref<1x8x4096xf32, #tpu.memory_space<vmem>> -> memref<8x4096xf32, #tpu.memory_space<vmem>>
      %gather3A_1941 = tpu.vector_load_idx %gather3A_1940[%add3A_1934, %and3A_1937] : memref<8x4096xf32, #tpu.memory_space<vmem>>[vector<16xi32>, vector<16xi32>], vector<16xf32>,
      %mul3A_1942 = arith.mulf %gather3A_1941, %get3A_3 : vector<16xf32>
      %exp3A = math.exp %mul3A_1942 : vector<16xf32>
      %mul3A_1943 = arith.constant 4096 : i32
      %mul3A_1944 = arith.muli %shift_right_arithmetic3A_1922, %mul3A_1943 : i32
      %mul3A_1945 = arith.constant 16 : i32
      %mul3A_1946 = arith.muli %and3A_1923, %mul3A_1945 : i32
      %add3A_1947 = arith.addi %mul3A_1944, %mul3A_1946 : i32
      %swap3A = arith.constant 0 : i32
      %swap3A_1948 = tpu.memref_slice %arg11[%scan3A_566, %swap3A] : memref<2x16384xf32, #tpu.memory_space<vmem>> -> memref<1x16384xf32, #tpu.memory_space<vmem>>
      %swap3A_1949 = tpu.memref_squeeze %swap3A_1948 : memref<1x16384xf32, #tpu.memory_space<vmem>> -> memref<16384xf32, #tpu.memory_space<vmem>>
      %swap3A_1950 = arith.index_cast %add3A_1947 : i32 to index
      %swap3A_1951 = tpu.vector_load %swap3A_1949[%swap3A_1950] {strides = array<i32>} : memref<16384xf32, #tpu.memory_space<vmem>>, vector<16xf32>,
      tpu.vector_store %swap3A_1949[%swap3A_1950], %exp3A {strides = array<i32>} : memref<16384xf32, #tpu.memory_space<vmem>>, vector<16xf32>,
    }
    %scan3A_571 = arith.constant 1024 : i32
    %add3A_572 = arith.constant 9 : i32
    %add3A_573 = arith.addi %mul3A_2, %add3A_572 : i32
    %dma_start3A_574 = arith.constant 1 : i32
    %dma_start3A_575 = arith.constant 0 : i32
    %dma_start3A_576 = tpu.memref_slice %arg11[%dma_start3A_574, %dma_start3A_575] : memref<2x16384xf32, #tpu.memory_space<vmem>> -> memref<1x16384xf32, #tpu.memory_space<vmem>>
    %dma_start3A_577 = tpu.memref_squeeze %dma_start3A_576 : memref<1x16384xf32, #tpu.memory_space<vmem>> -> memref<16384xf32, #tpu.memory_space<vmem>>
    %dma_start3A_578 = arith.constant 0 : i32
    %dma_start3A_579 = tpu.memref_slice %arg6[%add3A_573, %dma_start3A_578] : memref<1024x16384xf32, #tpu.memory_space<hbm>> -> memref<1x16384xf32, #tpu.memory_space<hbm>>
    %dma_start3A_580 = tpu.memref_squeeze %dma_start3A_579 : memref<1x16384xf32, #tpu.memory_space<hbm>> -> memref<16384xf32, #tpu.memory_space<hbm>>
    %dma_start3A_581 = arith.constant 0 : i32
    %dma_start3A_582 = tpu.memref_slice %arg6[%add3A_573, %dma_start3A_581] : memref<1024x16384xf32, #tpu.memory_space<hbm>> -> memref<1x16384xf32, #tpu.memory_space<hbm>>
    %dma_start3A_583 = tpu.memref_squeeze %dma_start3A_582 : memref<1x16384xf32, #tpu.memory_space<hbm>> -> memref<16384xf32, #tpu.memory_space<hbm>>
    %dma_start3A_584 = arith.constant 0 : i32
    %dma_start3A_585 = tpu.memref_slice %arg11[%dma_start3A_574, %dma_start3A_584] : memref<2x16384xf32, #tpu.memory_space<vmem>> -> memref<1x16384xf32, #tpu.memory_space<vmem>>
    %dma_start3A_586 = tpu.memref_squeeze %dma_start3A_585 : memref<1x16384xf32, #tpu.memory_space<vmem>> -> memref<16384xf32, #tpu.memory_space<vmem>>
    tpu.enqueue_dma source(%dma_start3A_586 : memref<16384xf32, #tpu.memory_space<vmem>>) target(%dma_start3A_583 : memref<16384xf32, #tpu.memory_space<hbm>>) target_semaphore(%arg15 : memref<!tpu.dma_semaphore, #tpu.memory_space<semaphore_mem>>)
    %dma_start3A_587 = arith.constant 11 : i32
    %dma_start3A_588 = arith.constant 1 : i32
    %dma_start3A_589 = arith.constant 0 : i32
    %dma_start3A_590 = arith.constant 0 : i32
    %dma_start3A_591 = tpu.memref_slice %arg10[%dma_start3A_588, %dma_start3A_589, %dma_start3A_590] : memref<2x8x4096xf32, #tpu.memory_space<vmem>> -> memref<1x8x4096xf32, #tpu.memory_space<vmem>>
    %dma_start3A_592 = tpu.memref_squeeze %dma_start3A_591 : memref<1x8x4096xf32, #tpu.memory_space<vmem>> -> memref<8x4096xf32, #tpu.memory_space<vmem>>
    %dma_start3A_593 = arith.constant 0 : i32
    %dma_start3A_594 = tpu.memref_slice %arg7[%dma_start3A_587, %dma_start3A_593] : memref<32x8xi32, #tpu.memory_space<vmem>> -> memref<1x8xi32, #tpu.memory_space<vmem>>
    %dma_start3A_595 = tpu.memref_squeeze %dma_start3A_594 : memref<1x8xi32, #tpu.memory_space<vmem>> -> memref<8xi32, #tpu.memory_space<vmem>>
    %dma_start3A_596 = arith.constant 0 : i32
    %dma_start3A_597 = arith.constant 0 : i32
    %dma_start3A_598 = tpu.memref_slice %arg2[%dma_start3A_596, %dma_start3A_597] : memref<16384x4096xf32, #tpu.memory_space<hbm>> -> memref<16384x4096xf32, #tpu.memory_space<hbm>>
    tpu.enqueue_indirect_dma source(%dma_start3A_598 : memref<16384x4096xf32, #tpu.memory_space<hbm>>) target(%dma_start3A_592 : memref<8x4096xf32, #tpu.memory_space<vmem>>) offsets(%dma_start3A_595 : memref<8xi32, #tpu.memory_space<vmem>>) semaphore(%arg13 : memref<!tpu.dma_semaphore, #tpu.memory_space<semaphore_mem>>)
    %dma_wait3A_599 = arith.constant 10 : i32
    %dma_wait3A_600 = arith.constant 0 : i32
    %dma_wait3A_601 = arith.constant 0 : i32
    %dma_wait3A_602 = arith.constant 0 : i32
    %dma_wait3A_603 = tpu.memref_slice %arg10[%dma_wait3A_600, %dma_wait3A_601, %dma_wait3A_602] : memref<2x8x4096xf32, #tpu.memory_space<vmem>> -> memref<1x8x4096xf32, #tpu.memory_space<vmem>>
    %dma_wait3A_604 = tpu.memref_squeeze %dma_wait3A_603 : memref<1x8x4096xf32, #tpu.memory_space<vmem>> -> memref<8x4096xf32, #tpu.memory_space<vmem>>
    %dma_wait3A_605 = arith.constant 0 : i32
    %dma_wait3A_606 = tpu.memref_slice %arg7[%dma_wait3A_599, %dma_wait3A_605] : memref<32x8xi32, #tpu.memory_space<vmem>> -> memref<1x8xi32, #tpu.memory_space<vmem>>
    %dma_wait3A_607 = tpu.memref_squeeze %dma_wait3A_606 : memref<1x8xi32, #tpu.memory_space<vmem>> -> memref<8xi32, #tpu.memory_space<vmem>>
    %dma_wait3A_608 = arith.constant 0 : i32
    %dma_wait3A_609 = arith.constant 0 : i32
    %dma_wait3A_610 = tpu.memref_slice %arg2[%dma_wait3A_608, %dma_wait3A_609] : memref<16384x4096xf32, #tpu.memory_space<hbm>> -> memref<16384x4096xf32, #tpu.memory_space<hbm>>
    tpu.wait_indirect_dma semaphore(%arg12 : memref<!tpu.dma_semaphore, #tpu.memory_space<semaphore_mem>>) src(%dma_wait3A_610 : memref<16384x4096xf32, #tpu.memory_space<hbm>>) dst(%dma_wait3A_604 : memref<8x4096xf32, #tpu.memory_space<vmem>>)
    %dma_wait3A_611 = arith.constant 0 : i32
    %dma_wait3A_612 = arith.constant 0 : i32
    %dma_wait3A_613 = tpu.memref_slice %arg11[%dma_wait3A_611, %dma_wait3A_612] : memref<2x16384xf32, #tpu.memory_space<vmem>> -> memref<1x16384xf32, #tpu.memory_space<vmem>>
    %dma_wait3A_614 = tpu.memref_squeeze %dma_wait3A_613 : memref<1x16384xf32, #tpu.memory_space<vmem>> -> memref<16384xf32, #tpu.memory_space<vmem>>
    %dma_wait3A_615 = arith.constant 0 : i32
    %dma_wait3A_616 = tpu.memref_slice %arg6[%add3A_513, %dma_wait3A_615] : memref<1024x16384xf32, #tpu.memory_space<hbm>> -> memref<1x16384xf32, #tpu.memory_space<hbm>>
    %dma_wait3A_617 = tpu.memref_squeeze %dma_wait3A_616 : memref<1x16384xf32, #tpu.memory_space<hbm>> -> memref<16384xf32, #tpu.memory_space<hbm>>
    %dma_wait3A_618 = arith.constant 0 : i32
    %dma_wait3A_619 = tpu.memref_slice %arg6[%add3A_513, %dma_wait3A_618] : memref<1024x16384xf32, #tpu.memory_space<hbm>> -> memref<1x16384xf32, #tpu.memory_space<hbm>>
    %dma_wait3A_620 = tpu.memref_squeeze %dma_wait3A_619 : memref<1x16384xf32, #tpu.memory_space<hbm>> -> memref<16384xf32, #tpu.memory_space<hbm>>
    %dma_wait3A_621 = arith.constant 0 : i32
    %dma_wait3A_622 = tpu.memref_slice %arg11[%dma_wait3A_611, %dma_wait3A_621] : memref<2x16384xf32, #tpu.memory_space<vmem>> -> memref<1x16384xf32, #tpu.memory_space<vmem>>
    %dma_wait3A_623 = tpu.memref_squeeze %dma_wait3A_622 : memref<1x16384xf32, #tpu.memory_space<vmem>> -> memref<16384xf32, #tpu.memory_space<vmem>>
    tpu.wait_dma2 semaphore(%arg14 : memref<!tpu.dma_semaphore, #tpu.memory_space<semaphore_mem>>) src(%dma_wait3A_623 : memref<16384xf32, #tpu.memory_space<vmem>>) dst(%dma_wait3A_620 : memref<16384xf32, #tpu.memory_space<hbm>>)
    %scan3A_624 = arith.constant 0 : i32
    %scan3A_625 = arith.constant 0 : i32
    %scan3A_626 = arith.constant 0 : i32
    %scan3A_627 = arith.constant 0 : i32
    %scan3A_628 = arith.constant 1024 : i32
    %scan3A_629 = arith.addi %scan3A_627, %scan3A_628 : i32
    %scan3A_630 = arith.constant 1 : i32
    scf.for %scan3A_1921 = %scan3A_627 to %scan3A_629 step %scan3A_630  : i32 {
      %shift_right_arithmetic3A = arith.constant 8 : i32
      %shift_right_arithmetic3A_1922 = arith.shrsi %scan3A_1921, %shift_right_arithmetic3A : i32
      %and3A = arith.constant 255 : i32
      %and3A_1923 = arith.andi %scan3A_1921, %and3A : i32
      %mul3A_1924 = arith.constant 16 : i32
      %mul3A_1925 = arith.muli %and3A_1923, %mul3A_1924 : i32
      %get3A_1926 = arith.index_cast %mul3A_1925 : i32 to index
      %get3A_1927 = tpu.vector_load %arg8[%get3A_1926] {strides = array<i32>} : memref<4096xi32, #tpu.memory_space<vmem>>, vector<16xi32>,
      %shift_right_arithmetic3A_1928 = arith.constant 12 : i32
      %shift_right_arithmetic3A_1929 = vector.broadcast %shift_right_arithmetic3A_1928 : i32 to vector<16xi32>
      %shift_right_arithmetic3A_1930 = arith.shrsi %get3A_1927, %shift_right_arithmetic3A_1929 : vector<16xi32>
      %mul3A_1931 = arith.constant 2 : i32
      %mul3A_1932 = arith.muli %mul3A_1931, %shift_right_arithmetic3A_1922 : i32
      %add3A_1933 = vector.broadcast %mul3A_1932 : i32 to vector<16xi32>
      %add3A_1934 = arith.addi %shift_right_arithmetic3A_1930, %add3A_1933 : vector<16xi32>
      %and3A_1935 = arith.constant 4095 : i32
      %and3A_1936 = vector.broadcast %and3A_1935 : i32 to vector<16xi32>
      %and3A_1937 = arith.andi %get3A_1927, %and3A_1936 : vector<16xi32>
      %gather3A = arith.constant 0 : i32
      %gather3A_1938 = arith.constant 0 : i32
      %gather3A_1939 = tpu.memref_slice %arg10[%scan3A_625, %gather3A, %gather3A_1938] : memref<2x8x4096xf32, #tpu.memory_space<vmem>> -> memref<1x8x4096xf32, #tpu.memory_space<vmem>>
      %gather3A_1940 = tpu.memref_squeeze %gather3A_1939 : memref<1x8x4096xf32, #tpu.memory_space<vmem>> -> memref<8x4096xf32, #tpu.memory_space<vmem>>
      %gather3A_1941 = tpu.vector_load_idx %gather3A_1940[%add3A_1934, %and3A_1937] : memref<8x4096xf32, #tpu.memory_space<vmem>>[vector<16xi32>, vector<16xi32>], vector<16xf32>,
      %mul3A_1942 = arith.mulf %gather3A_1941, %get3A_3 : vector<16xf32>
      %exp3A = math.exp %mul3A_1942 : vector<16xf32>
      %mul3A_1943 = arith.constant 4096 : i32
      %mul3A_1944 = arith.muli %shift_right_arithmetic3A_1922, %mul3A_1943 : i32
      %mul3A_1945 = arith.constant 16 : i32
      %mul3A_1946 = arith.muli %and3A_1923, %mul3A_1945 : i32
      %add3A_1947 = arith.addi %mul3A_1944, %mul3A_1946 : i32
      %swap3A = arith.constant 0 : i32
      %swap3A_1948 = tpu.memref_slice %arg11[%scan3A_626, %swap3A] : memref<2x16384xf32, #tpu.memory_space<vmem>> -> memref<1x16384xf32, #tpu.memory_space<vmem>>
      %swap3A_1949 = tpu.memref_squeeze %swap3A_1948 : memref<1x16384xf32, #tpu.memory_space<vmem>> -> memref<16384xf32, #tpu.memory_space<vmem>>
      %swap3A_1950 = arith.index_cast %add3A_1947 : i32 to index
      %swap3A_1951 = tpu.vector_load %swap3A_1949[%swap3A_1950] {strides = array<i32>} : memref<16384xf32, #tpu.memory_space<vmem>>, vector<16xf32>,
      tpu.vector_store %swap3A_1949[%swap3A_1950], %exp3A {strides = array<i32>} : memref<16384xf32, #tpu.memory_space<vmem>>, vector<16xf32>,
    }
    %scan3A_631 = arith.constant 1024 : i32
    %add3A_632 = arith.constant 10 : i32
    %add3A_633 = arith.addi %mul3A_2, %add3A_632 : i32
    %dma_start3A_634 = arith.constant 0 : i32
    %dma_start3A_635 = arith.constant 0 : i32
    %dma_start3A_636 = tpu.memref_slice %arg11[%dma_start3A_634, %dma_start3A_635] : memref<2x16384xf32, #tpu.memory_space<vmem>> -> memref<1x16384xf32, #tpu.memory_space<vmem>>
    %dma_start3A_637 = tpu.memref_squeeze %dma_start3A_636 : memref<1x16384xf32, #tpu.memory_space<vmem>> -> memref<16384xf32, #tpu.memory_space<vmem>>
    %dma_start3A_638 = arith.constant 0 : i32
    %dma_start3A_639 = tpu.memref_slice %arg6[%add3A_633, %dma_start3A_638] : memref<1024x16384xf32, #tpu.memory_space<hbm>> -> memref<1x16384xf32, #tpu.memory_space<hbm>>
    %dma_start3A_640 = tpu.memref_squeeze %dma_start3A_639 : memref<1x16384xf32, #tpu.memory_space<hbm>> -> memref<16384xf32, #tpu.memory_space<hbm>>
    %dma_start3A_641 = arith.constant 0 : i32
    %dma_start3A_642 = tpu.memref_slice %arg6[%add3A_633, %dma_start3A_641] : memref<1024x16384xf32, #tpu.memory_space<hbm>> -> memref<1x16384xf32, #tpu.memory_space<hbm>>
    %dma_start3A_643 = tpu.memref_squeeze %dma_start3A_642 : memref<1x16384xf32, #tpu.memory_space<hbm>> -> memref<16384xf32, #tpu.memory_space<hbm>>
    %dma_start3A_644 = arith.constant 0 : i32
    %dma_start3A_645 = tpu.memref_slice %arg11[%dma_start3A_634, %dma_start3A_644] : memref<2x16384xf32, #tpu.memory_space<vmem>> -> memref<1x16384xf32, #tpu.memory_space<vmem>>
    %dma_start3A_646 = tpu.memref_squeeze %dma_start3A_645 : memref<1x16384xf32, #tpu.memory_space<vmem>> -> memref<16384xf32, #tpu.memory_space<vmem>>
    tpu.enqueue_dma source(%dma_start3A_646 : memref<16384xf32, #tpu.memory_space<vmem>>) target(%dma_start3A_643 : memref<16384xf32, #tpu.memory_space<hbm>>) target_semaphore(%arg14 : memref<!tpu.dma_semaphore, #tpu.memory_space<semaphore_mem>>)
    %dma_start3A_647 = arith.constant 12 : i32
    %dma_start3A_648 = arith.constant 0 : i32
    %dma_start3A_649 = arith.constant 0 : i32
    %dma_start3A_650 = arith.constant 0 : i32
    %dma_start3A_651 = tpu.memref_slice %arg10[%dma_start3A_648, %dma_start3A_649, %dma_start3A_650] : memref<2x8x4096xf32, #tpu.memory_space<vmem>> -> memref<1x8x4096xf32, #tpu.memory_space<vmem>>
    %dma_start3A_652 = tpu.memref_squeeze %dma_start3A_651 : memref<1x8x4096xf32, #tpu.memory_space<vmem>> -> memref<8x4096xf32, #tpu.memory_space<vmem>>
    %dma_start3A_653 = arith.constant 0 : i32
    %dma_start3A_654 = tpu.memref_slice %arg7[%dma_start3A_647, %dma_start3A_653] : memref<32x8xi32, #tpu.memory_space<vmem>> -> memref<1x8xi32, #tpu.memory_space<vmem>>
    %dma_start3A_655 = tpu.memref_squeeze %dma_start3A_654 : memref<1x8xi32, #tpu.memory_space<vmem>> -> memref<8xi32, #tpu.memory_space<vmem>>
    %dma_start3A_656 = arith.constant 0 : i32
    %dma_start3A_657 = arith.constant 0 : i32
    %dma_start3A_658 = tpu.memref_slice %arg2[%dma_start3A_656, %dma_start3A_657] : memref<16384x4096xf32, #tpu.memory_space<hbm>> -> memref<16384x4096xf32, #tpu.memory_space<hbm>>
    tpu.enqueue_indirect_dma source(%dma_start3A_658 : memref<16384x4096xf32, #tpu.memory_space<hbm>>) target(%dma_start3A_652 : memref<8x4096xf32, #tpu.memory_space<vmem>>) offsets(%dma_start3A_655 : memref<8xi32, #tpu.memory_space<vmem>>) semaphore(%arg12 : memref<!tpu.dma_semaphore, #tpu.memory_space<semaphore_mem>>)
    %dma_wait3A_659 = arith.constant 11 : i32
    %dma_wait3A_660 = arith.constant 1 : i32
    %dma_wait3A_661 = arith.constant 0 : i32
    %dma_wait3A_662 = arith.constant 0 : i32
    %dma_wait3A_663 = tpu.memref_slice %arg10[%dma_wait3A_660, %dma_wait3A_661, %dma_wait3A_662] : memref<2x8x4096xf32, #tpu.memory_space<vmem>> -> memref<1x8x4096xf32, #tpu.memory_space<vmem>>
    %dma_wait3A_664 = tpu.memref_squeeze %dma_wait3A_663 : memref<1x8x4096xf32, #tpu.memory_space<vmem>> -> memref<8x4096xf32, #tpu.memory_space<vmem>>
    %dma_wait3A_665 = arith.constant 0 : i32
    %dma_wait3A_666 = tpu.memref_slice %arg7[%dma_wait3A_659, %dma_wait3A_665] : memref<32x8xi32, #tpu.memory_space<vmem>> -> memref<1x8xi32, #tpu.memory_space<vmem>>
    %dma_wait3A_667 = tpu.memref_squeeze %dma_wait3A_666 : memref<1x8xi32, #tpu.memory_space<vmem>> -> memref<8xi32, #tpu.memory_space<vmem>>
    %dma_wait3A_668 = arith.constant 0 : i32
    %dma_wait3A_669 = arith.constant 0 : i32
    %dma_wait3A_670 = tpu.memref_slice %arg2[%dma_wait3A_668, %dma_wait3A_669] : memref<16384x4096xf32, #tpu.memory_space<hbm>> -> memref<16384x4096xf32, #tpu.memory_space<hbm>>
    tpu.wait_indirect_dma semaphore(%arg13 : memref<!tpu.dma_semaphore, #tpu.memory_space<semaphore_mem>>) src(%dma_wait3A_670 : memref<16384x4096xf32, #tpu.memory_space<hbm>>) dst(%dma_wait3A_664 : memref<8x4096xf32, #tpu.memory_space<vmem>>)
    %dma_wait3A_671 = arith.constant 1 : i32
    %dma_wait3A_672 = arith.constant 0 : i32
    %dma_wait3A_673 = tpu.memref_slice %arg11[%dma_wait3A_671, %dma_wait3A_672] : memref<2x16384xf32, #tpu.memory_space<vmem>> -> memref<1x16384xf32, #tpu.memory_space<vmem>>
    %dma_wait3A_674 = tpu.memref_squeeze %dma_wait3A_673 : memref<1x16384xf32, #tpu.memory_space<vmem>> -> memref<16384xf32, #tpu.memory_space<vmem>>
    %dma_wait3A_675 = arith.constant 0 : i32
    %dma_wait3A_676 = tpu.memref_slice %arg6[%add3A_573, %dma_wait3A_675] : memref<1024x16384xf32, #tpu.memory_space<hbm>> -> memref<1x16384xf32, #tpu.memory_space<hbm>>
    %dma_wait3A_677 = tpu.memref_squeeze %dma_wait3A_676 : memref<1x16384xf32, #tpu.memory_space<hbm>> -> memref<16384xf32, #tpu.memory_space<hbm>>
    %dma_wait3A_678 = arith.constant 0 : i32
    %dma_wait3A_679 = tpu.memref_slice %arg6[%add3A_573, %dma_wait3A_678] : memref<1024x16384xf32, #tpu.memory_space<hbm>> -> memref<1x16384xf32, #tpu.memory_space<hbm>>
    %dma_wait3A_680 = tpu.memref_squeeze %dma_wait3A_679 : memref<1x16384xf32, #tpu.memory_space<hbm>> -> memref<16384xf32, #tpu.memory_space<hbm>>
    %dma_wait3A_681 = arith.constant 0 : i32
    %dma_wait3A_682 = tpu.memref_slice %arg11[%dma_wait3A_671, %dma_wait3A_681] : memref<2x16384xf32, #tpu.memory_space<vmem>> -> memref<1x16384xf32, #tpu.memory_space<vmem>>
    %dma_wait3A_683 = tpu.memref_squeeze %dma_wait3A_682 : memref<1x16384xf32, #tpu.memory_space<vmem>> -> memref<16384xf32, #tpu.memory_space<vmem>>
    tpu.wait_dma2 semaphore(%arg15 : memref<!tpu.dma_semaphore, #tpu.memory_space<semaphore_mem>>) src(%dma_wait3A_683 : memref<16384xf32, #tpu.memory_space<vmem>>) dst(%dma_wait3A_680 : memref<16384xf32, #tpu.memory_space<hbm>>)
    %scan3A_684 = arith.constant 0 : i32
    %scan3A_685 = arith.constant 1 : i32
    %scan3A_686 = arith.constant 1 : i32
    %scan3A_687 = arith.constant 0 : i32
    %scan3A_688 = arith.constant 1024 : i32
    %scan3A_689 = arith.addi %scan3A_687, %scan3A_688 : i32
    %scan3A_690 = arith.constant 1 : i32
    scf.for %scan3A_1921 = %scan3A_687 to %scan3A_689 step %scan3A_690  : i32 {
      %shift_right_arithmetic3A = arith.constant 8 : i32
      %shift_right_arithmetic3A_1922 = arith.shrsi %scan3A_1921, %shift_right_arithmetic3A : i32
      %and3A = arith.constant 255 : i32
      %and3A_1923 = arith.andi %scan3A_1921, %and3A : i32
      %mul3A_1924 = arith.constant 16 : i32
      %mul3A_1925 = arith.muli %and3A_1923, %mul3A_1924 : i32
      %get3A_1926 = arith.index_cast %mul3A_1925 : i32 to index
      %get3A_1927 = tpu.vector_load %arg8[%get3A_1926] {strides = array<i32>} : memref<4096xi32, #tpu.memory_space<vmem>>, vector<16xi32>,
      %shift_right_arithmetic3A_1928 = arith.constant 12 : i32
      %shift_right_arithmetic3A_1929 = vector.broadcast %shift_right_arithmetic3A_1928 : i32 to vector<16xi32>
      %shift_right_arithmetic3A_1930 = arith.shrsi %get3A_1927, %shift_right_arithmetic3A_1929 : vector<16xi32>
      %mul3A_1931 = arith.constant 2 : i32
      %mul3A_1932 = arith.muli %mul3A_1931, %shift_right_arithmetic3A_1922 : i32
      %add3A_1933 = vector.broadcast %mul3A_1932 : i32 to vector<16xi32>
      %add3A_1934 = arith.addi %shift_right_arithmetic3A_1930, %add3A_1933 : vector<16xi32>
      %and3A_1935 = arith.constant 4095 : i32
      %and3A_1936 = vector.broadcast %and3A_1935 : i32 to vector<16xi32>
      %and3A_1937 = arith.andi %get3A_1927, %and3A_1936 : vector<16xi32>
      %gather3A = arith.constant 0 : i32
      %gather3A_1938 = arith.constant 0 : i32
      %gather3A_1939 = tpu.memref_slice %arg10[%scan3A_685, %gather3A, %gather3A_1938] : memref<2x8x4096xf32, #tpu.memory_space<vmem>> -> memref<1x8x4096xf32, #tpu.memory_space<vmem>>
      %gather3A_1940 = tpu.memref_squeeze %gather3A_1939 : memref<1x8x4096xf32, #tpu.memory_space<vmem>> -> memref<8x4096xf32, #tpu.memory_space<vmem>>
      %gather3A_1941 = tpu.vector_load_idx %gather3A_1940[%add3A_1934, %and3A_1937] : memref<8x4096xf32, #tpu.memory_space<vmem>>[vector<16xi32>, vector<16xi32>], vector<16xf32>,
      %mul3A_1942 = arith.mulf %gather3A_1941, %get3A_3 : vector<16xf32>
      %exp3A = math.exp %mul3A_1942 : vector<16xf32>
      %mul3A_1943 = arith.constant 4096 : i32
      %mul3A_1944 = arith.muli %shift_right_arithmetic3A_1922, %mul3A_1943 : i32
      %mul3A_1945 = arith.constant 16 : i32
      %mul3A_1946 = arith.muli %and3A_1923, %mul3A_1945 : i32
      %add3A_1947 = arith.addi %mul3A_1944, %mul3A_1946 : i32
      %swap3A = arith.constant 0 : i32
      %swap3A_1948 = tpu.memref_slice %arg11[%scan3A_686, %swap3A] : memref<2x16384xf32, #tpu.memory_space<vmem>> -> memref<1x16384xf32, #tpu.memory_space<vmem>>
      %swap3A_1949 = tpu.memref_squeeze %swap3A_1948 : memref<1x16384xf32, #tpu.memory_space<vmem>> -> memref<16384xf32, #tpu.memory_space<vmem>>
      %swap3A_1950 = arith.index_cast %add3A_1947 : i32 to index
      %swap3A_1951 = tpu.vector_load %swap3A_1949[%swap3A_1950] {strides = array<i32>} : memref<16384xf32, #tpu.memory_space<vmem>>, vector<16xf32>,
      tpu.vector_store %swap3A_1949[%swap3A_1950], %exp3A {strides = array<i32>} : memref<16384xf32, #tpu.memory_space<vmem>>, vector<16xf32>,
    }
    %scan3A_691 = arith.constant 1024 : i32
    %add3A_692 = arith.constant 11 : i32
    %add3A_693 = arith.addi %mul3A_2, %add3A_692 : i32
    %dma_start3A_694 = arith.constant 1 : i32
    %dma_start3A_695 = arith.constant 0 : i32
    %dma_start3A_696 = tpu.memref_slice %arg11[%dma_start3A_694, %dma_start3A_695] : memref<2x16384xf32, #tpu.memory_space<vmem>> -> memref<1x16384xf32, #tpu.memory_space<vmem>>
    %dma_start3A_697 = tpu.memref_squeeze %dma_start3A_696 : memref<1x16384xf32, #tpu.memory_space<vmem>> -> memref<16384xf32, #tpu.memory_space<vmem>>
    %dma_start3A_698 = arith.constant 0 : i32
    %dma_start3A_699 = tpu.memref_slice %arg6[%add3A_693, %dma_start3A_698] : memref<1024x16384xf32, #tpu.memory_space<hbm>> -> memref<1x16384xf32, #tpu.memory_space<hbm>>
    %dma_start3A_700 = tpu.memref_squeeze %dma_start3A_699 : memref<1x16384xf32, #tpu.memory_space<hbm>> -> memref<16384xf32, #tpu.memory_space<hbm>>
    %dma_start3A_701 = arith.constant 0 : i32
    %dma_start3A_702 = tpu.memref_slice %arg6[%add3A_693, %dma_start3A_701] : memref<1024x16384xf32, #tpu.memory_space<hbm>> -> memref<1x16384xf32, #tpu.memory_space<hbm>>
    %dma_start3A_703 = tpu.memref_squeeze %dma_start3A_702 : memref<1x16384xf32, #tpu.memory_space<hbm>> -> memref<16384xf32, #tpu.memory_space<hbm>>
    %dma_start3A_704 = arith.constant 0 : i32
    %dma_start3A_705 = tpu.memref_slice %arg11[%dma_start3A_694, %dma_start3A_704] : memref<2x16384xf32, #tpu.memory_space<vmem>> -> memref<1x16384xf32, #tpu.memory_space<vmem>>
    %dma_start3A_706 = tpu.memref_squeeze %dma_start3A_705 : memref<1x16384xf32, #tpu.memory_space<vmem>> -> memref<16384xf32, #tpu.memory_space<vmem>>
    tpu.enqueue_dma source(%dma_start3A_706 : memref<16384xf32, #tpu.memory_space<vmem>>) target(%dma_start3A_703 : memref<16384xf32, #tpu.memory_space<hbm>>) target_semaphore(%arg15 : memref<!tpu.dma_semaphore, #tpu.memory_space<semaphore_mem>>)
    %dma_start3A_707 = arith.constant 13 : i32
    %dma_start3A_708 = arith.constant 1 : i32
    %dma_start3A_709 = arith.constant 0 : i32
    %dma_start3A_710 = arith.constant 0 : i32
    %dma_start3A_711 = tpu.memref_slice %arg10[%dma_start3A_708, %dma_start3A_709, %dma_start3A_710] : memref<2x8x4096xf32, #tpu.memory_space<vmem>> -> memref<1x8x4096xf32, #tpu.memory_space<vmem>>
    %dma_start3A_712 = tpu.memref_squeeze %dma_start3A_711 : memref<1x8x4096xf32, #tpu.memory_space<vmem>> -> memref<8x4096xf32, #tpu.memory_space<vmem>>
    %dma_start3A_713 = arith.constant 0 : i32
    %dma_start3A_714 = tpu.memref_slice %arg7[%dma_start3A_707, %dma_start3A_713] : memref<32x8xi32, #tpu.memory_space<vmem>> -> memref<1x8xi32, #tpu.memory_space<vmem>>
    %dma_start3A_715 = tpu.memref_squeeze %dma_start3A_714 : memref<1x8xi32, #tpu.memory_space<vmem>> -> memref<8xi32, #tpu.memory_space<vmem>>
    %dma_start3A_716 = arith.constant 0 : i32
    %dma_start3A_717 = arith.constant 0 : i32
    %dma_start3A_718 = tpu.memref_slice %arg2[%dma_start3A_716, %dma_start3A_717] : memref<16384x4096xf32, #tpu.memory_space<hbm>> -> memref<16384x4096xf32, #tpu.memory_space<hbm>>
    tpu.enqueue_indirect_dma source(%dma_start3A_718 : memref<16384x4096xf32, #tpu.memory_space<hbm>>) target(%dma_start3A_712 : memref<8x4096xf32, #tpu.memory_space<vmem>>) offsets(%dma_start3A_715 : memref<8xi32, #tpu.memory_space<vmem>>) semaphore(%arg13 : memref<!tpu.dma_semaphore, #tpu.memory_space<semaphore_mem>>)
    %dma_wait3A_719 = arith.constant 12 : i32
    %dma_wait3A_720 = arith.constant 0 : i32
    %dma_wait3A_721 = arith.constant 0 : i32
    %dma_wait3A_722 = arith.constant 0 : i32
    %dma_wait3A_723 = tpu.memref_slice %arg10[%dma_wait3A_720, %dma_wait3A_721, %dma_wait3A_722] : memref<2x8x4096xf32, #tpu.memory_space<vmem>> -> memref<1x8x4096xf32, #tpu.memory_space<vmem>>
    %dma_wait3A_724 = tpu.memref_squeeze %dma_wait3A_723 : memref<1x8x4096xf32, #tpu.memory_space<vmem>> -> memref<8x4096xf32, #tpu.memory_space<vmem>>
    %dma_wait3A_725 = arith.constant 0 : i32
    %dma_wait3A_726 = tpu.memref_slice %arg7[%dma_wait3A_719, %dma_wait3A_725] : memref<32x8xi32, #tpu.memory_space<vmem>> -> memref<1x8xi32, #tpu.memory_space<vmem>>
    %dma_wait3A_727 = tpu.memref_squeeze %dma_wait3A_726 : memref<1x8xi32, #tpu.memory_space<vmem>> -> memref<8xi32, #tpu.memory_space<vmem>>
    %dma_wait3A_728 = arith.constant 0 : i32
    %dma_wait3A_729 = arith.constant 0 : i32
    %dma_wait3A_730 = tpu.memref_slice %arg2[%dma_wait3A_728, %dma_wait3A_729] : memref<16384x4096xf32, #tpu.memory_space<hbm>> -> memref<16384x4096xf32, #tpu.memory_space<hbm>>
    tpu.wait_indirect_dma semaphore(%arg12 : memref<!tpu.dma_semaphore, #tpu.memory_space<semaphore_mem>>) src(%dma_wait3A_730 : memref<16384x4096xf32, #tpu.memory_space<hbm>>) dst(%dma_wait3A_724 : memref<8x4096xf32, #tpu.memory_space<vmem>>)
    %dma_wait3A_731 = arith.constant 0 : i32
    %dma_wait3A_732 = arith.constant 0 : i32
    %dma_wait3A_733 = tpu.memref_slice %arg11[%dma_wait3A_731, %dma_wait3A_732] : memref<2x16384xf32, #tpu.memory_space<vmem>> -> memref<1x16384xf32, #tpu.memory_space<vmem>>
    %dma_wait3A_734 = tpu.memref_squeeze %dma_wait3A_733 : memref<1x16384xf32, #tpu.memory_space<vmem>> -> memref<16384xf32, #tpu.memory_space<vmem>>
    %dma_wait3A_735 = arith.constant 0 : i32
    %dma_wait3A_736 = tpu.memref_slice %arg6[%add3A_633, %dma_wait3A_735] : memref<1024x16384xf32, #tpu.memory_space<hbm>> -> memref<1x16384xf32, #tpu.memory_space<hbm>>
    %dma_wait3A_737 = tpu.memref_squeeze %dma_wait3A_736 : memref<1x16384xf32, #tpu.memory_space<hbm>> -> memref<16384xf32, #tpu.memory_space<hbm>>
    %dma_wait3A_738 = arith.constant 0 : i32
    %dma_wait3A_739 = tpu.memref_slice %arg6[%add3A_633, %dma_wait3A_738] : memref<1024x16384xf32, #tpu.memory_space<hbm>> -> memref<1x16384xf32, #tpu.memory_space<hbm>>
    %dma_wait3A_740 = tpu.memref_squeeze %dma_wait3A_739 : memref<1x16384xf32, #tpu.memory_space<hbm>> -> memref<16384xf32, #tpu.memory_space<hbm>>
    %dma_wait3A_741 = arith.constant 0 : i32
    %dma_wait3A_742 = tpu.memref_slice %arg11[%dma_wait3A_731, %dma_wait3A_741] : memref<2x16384xf32, #tpu.memory_space<vmem>> -> memref<1x16384xf32, #tpu.memory_space<vmem>>
    %dma_wait3A_743 = tpu.memref_squeeze %dma_wait3A_742 : memref<1x16384xf32, #tpu.memory_space<vmem>> -> memref<16384xf32, #tpu.memory_space<vmem>>
    tpu.wait_dma2 semaphore(%arg14 : memref<!tpu.dma_semaphore, #tpu.memory_space<semaphore_mem>>) src(%dma_wait3A_743 : memref<16384xf32, #tpu.memory_space<vmem>>) dst(%dma_wait3A_740 : memref<16384xf32, #tpu.memory_space<hbm>>)
    %scan3A_744 = arith.constant 0 : i32
    %scan3A_745 = arith.constant 0 : i32
    %scan3A_746 = arith.constant 0 : i32
    %scan3A_747 = arith.constant 0 : i32
    %scan3A_748 = arith.constant 1024 : i32
    %scan3A_749 = arith.addi %scan3A_747, %scan3A_748 : i32
    %scan3A_750 = arith.constant 1 : i32
    scf.for %scan3A_1921 = %scan3A_747 to %scan3A_749 step %scan3A_750  : i32 {
      %shift_right_arithmetic3A = arith.constant 8 : i32
      %shift_right_arithmetic3A_1922 = arith.shrsi %scan3A_1921, %shift_right_arithmetic3A : i32
      %and3A = arith.constant 255 : i32
      %and3A_1923 = arith.andi %scan3A_1921, %and3A : i32
      %mul3A_1924 = arith.constant 16 : i32
      %mul3A_1925 = arith.muli %and3A_1923, %mul3A_1924 : i32
      %get3A_1926 = arith.index_cast %mul3A_1925 : i32 to index
      %get3A_1927 = tpu.vector_load %arg8[%get3A_1926] {strides = array<i32>} : memref<4096xi32, #tpu.memory_space<vmem>>, vector<16xi32>,
      %shift_right_arithmetic3A_1928 = arith.constant 12 : i32
      %shift_right_arithmetic3A_1929 = vector.broadcast %shift_right_arithmetic3A_1928 : i32 to vector<16xi32>
      %shift_right_arithmetic3A_1930 = arith.shrsi %get3A_1927, %shift_right_arithmetic3A_1929 : vector<16xi32>
      %mul3A_1931 = arith.constant 2 : i32
      %mul3A_1932 = arith.muli %mul3A_1931, %shift_right_arithmetic3A_1922 : i32
      %add3A_1933 = vector.broadcast %mul3A_1932 : i32 to vector<16xi32>
      %add3A_1934 = arith.addi %shift_right_arithmetic3A_1930, %add3A_1933 : vector<16xi32>
      %and3A_1935 = arith.constant 4095 : i32
      %and3A_1936 = vector.broadcast %and3A_1935 : i32 to vector<16xi32>
      %and3A_1937 = arith.andi %get3A_1927, %and3A_1936 : vector<16xi32>
      %gather3A = arith.constant 0 : i32
      %gather3A_1938 = arith.constant 0 : i32
      %gather3A_1939 = tpu.memref_slice %arg10[%scan3A_745, %gather3A, %gather3A_1938] : memref<2x8x4096xf32, #tpu.memory_space<vmem>> -> memref<1x8x4096xf32, #tpu.memory_space<vmem>>
      %gather3A_1940 = tpu.memref_squeeze %gather3A_1939 : memref<1x8x4096xf32, #tpu.memory_space<vmem>> -> memref<8x4096xf32, #tpu.memory_space<vmem>>
      %gather3A_1941 = tpu.vector_load_idx %gather3A_1940[%add3A_1934, %and3A_1937] : memref<8x4096xf32, #tpu.memory_space<vmem>>[vector<16xi32>, vector<16xi32>], vector<16xf32>,
      %mul3A_1942 = arith.mulf %gather3A_1941, %get3A_3 : vector<16xf32>
      %exp3A = math.exp %mul3A_1942 : vector<16xf32>
      %mul3A_1943 = arith.constant 4096 : i32
      %mul3A_1944 = arith.muli %shift_right_arithmetic3A_1922, %mul3A_1943 : i32
      %mul3A_1945 = arith.constant 16 : i32
      %mul3A_1946 = arith.muli %and3A_1923, %mul3A_1945 : i32
      %add3A_1947 = arith.addi %mul3A_1944, %mul3A_1946 : i32
      %swap3A = arith.constant 0 : i32
      %swap3A_1948 = tpu.memref_slice %arg11[%scan3A_746, %swap3A] : memref<2x16384xf32, #tpu.memory_space<vmem>> -> memref<1x16384xf32, #tpu.memory_space<vmem>>
      %swap3A_1949 = tpu.memref_squeeze %swap3A_1948 : memref<1x16384xf32, #tpu.memory_space<vmem>> -> memref<16384xf32, #tpu.memory_space<vmem>>
      %swap3A_1950 = arith.index_cast %add3A_1947 : i32 to index
      %swap3A_1951 = tpu.vector_load %swap3A_1949[%swap3A_1950] {strides = array<i32>} : memref<16384xf32, #tpu.memory_space<vmem>>, vector<16xf32>,
      tpu.vector_store %swap3A_1949[%swap3A_1950], %exp3A {strides = array<i32>} : memref<16384xf32, #tpu.memory_space<vmem>>, vector<16xf32>,
    }
    %scan3A_751 = arith.constant 1024 : i32
    %add3A_752 = arith.constant 12 : i32
    %add3A_753 = arith.addi %mul3A_2, %add3A_752 : i32
    %dma_start3A_754 = arith.constant 0 : i32
    %dma_start3A_755 = arith.constant 0 : i32
    %dma_start3A_756 = tpu.memref_slice %arg11[%dma_start3A_754, %dma_start3A_755] : memref<2x16384xf32, #tpu.memory_space<vmem>> -> memref<1x16384xf32, #tpu.memory_space<vmem>>
    %dma_start3A_757 = tpu.memref_squeeze %dma_start3A_756 : memref<1x16384xf32, #tpu.memory_space<vmem>> -> memref<16384xf32, #tpu.memory_space<vmem>>
    %dma_start3A_758 = arith.constant 0 : i32
    %dma_start3A_759 = tpu.memref_slice %arg6[%add3A_753, %dma_start3A_758] : memref<1024x16384xf32, #tpu.memory_space<hbm>> -> memref<1x16384xf32, #tpu.memory_space<hbm>>
    %dma_start3A_760 = tpu.memref_squeeze %dma_start3A_759 : memref<1x16384xf32, #tpu.memory_space<hbm>> -> memref<16384xf32, #tpu.memory_space<hbm>>
    %dma_start3A_761 = arith.constant 0 : i32
    %dma_start3A_762 = tpu.memref_slice %arg6[%add3A_753, %dma_start3A_761] : memref<1024x16384xf32, #tpu.memory_space<hbm>> -> memref<1x16384xf32, #tpu.memory_space<hbm>>
    %dma_start3A_763 = tpu.memref_squeeze %dma_start3A_762 : memref<1x16384xf32, #tpu.memory_space<hbm>> -> memref<16384xf32, #tpu.memory_space<hbm>>
    %dma_start3A_764 = arith.constant 0 : i32
    %dma_start3A_765 = tpu.memref_slice %arg11[%dma_start3A_754, %dma_start3A_764] : memref<2x16384xf32, #tpu.memory_space<vmem>> -> memref<1x16384xf32, #tpu.memory_space<vmem>>
    %dma_start3A_766 = tpu.memref_squeeze %dma_start3A_765 : memref<1x16384xf32, #tpu.memory_space<vmem>> -> memref<16384xf32, #tpu.memory_space<vmem>>
    tpu.enqueue_dma source(%dma_start3A_766 : memref<16384xf32, #tpu.memory_space<vmem>>) target(%dma_start3A_763 : memref<16384xf32, #tpu.memory_space<hbm>>) target_semaphore(%arg14 : memref<!tpu.dma_semaphore, #tpu.memory_space<semaphore_mem>>)
    %dma_start3A_767 = arith.constant 14 : i32
    %dma_start3A_768 = arith.constant 0 : i32
    %dma_start3A_769 = arith.constant 0 : i32
    %dma_start3A_770 = arith.constant 0 : i32
    %dma_start3A_771 = tpu.memref_slice %arg10[%dma_start3A_768, %dma_start3A_769, %dma_start3A_770] : memref<2x8x4096xf32, #tpu.memory_space<vmem>> -> memref<1x8x4096xf32, #tpu.memory_space<vmem>>
    %dma_start3A_772 = tpu.memref_squeeze %dma_start3A_771 : memref<1x8x4096xf32, #tpu.memory_space<vmem>> -> memref<8x4096xf32, #tpu.memory_space<vmem>>
    %dma_start3A_773 = arith.constant 0 : i32
    %dma_start3A_774 = tpu.memref_slice %arg7[%dma_start3A_767, %dma_start3A_773] : memref<32x8xi32, #tpu.memory_space<vmem>> -> memref<1x8xi32, #tpu.memory_space<vmem>>
    %dma_start3A_775 = tpu.memref_squeeze %dma_start3A_774 : memref<1x8xi32, #tpu.memory_space<vmem>> -> memref<8xi32, #tpu.memory_space<vmem>>
    %dma_start3A_776 = arith.constant 0 : i32
    %dma_start3A_777 = arith.constant 0 : i32
    %dma_start3A_778 = tpu.memref_slice %arg2[%dma_start3A_776, %dma_start3A_777] : memref<16384x4096xf32, #tpu.memory_space<hbm>> -> memref<16384x4096xf32, #tpu.memory_space<hbm>>
    tpu.enqueue_indirect_dma source(%dma_start3A_778 : memref<16384x4096xf32, #tpu.memory_space<hbm>>) target(%dma_start3A_772 : memref<8x4096xf32, #tpu.memory_space<vmem>>) offsets(%dma_start3A_775 : memref<8xi32, #tpu.memory_space<vmem>>) semaphore(%arg12 : memref<!tpu.dma_semaphore, #tpu.memory_space<semaphore_mem>>)
    %dma_wait3A_779 = arith.constant 13 : i32
    %dma_wait3A_780 = arith.constant 1 : i32
    %dma_wait3A_781 = arith.constant 0 : i32
    %dma_wait3A_782 = arith.constant 0 : i32
    %dma_wait3A_783 = tpu.memref_slice %arg10[%dma_wait3A_780, %dma_wait3A_781, %dma_wait3A_782] : memref<2x8x4096xf32, #tpu.memory_space<vmem>> -> memref<1x8x4096xf32, #tpu.memory_space<vmem>>
    %dma_wait3A_784 = tpu.memref_squeeze %dma_wait3A_783 : memref<1x8x4096xf32, #tpu.memory_space<vmem>> -> memref<8x4096xf32, #tpu.memory_space<vmem>>
    %dma_wait3A_785 = arith.constant 0 : i32
    %dma_wait3A_786 = tpu.memref_slice %arg7[%dma_wait3A_779, %dma_wait3A_785] : memref<32x8xi32, #tpu.memory_space<vmem>> -> memref<1x8xi32, #tpu.memory_space<vmem>>
    %dma_wait3A_787 = tpu.memref_squeeze %dma_wait3A_786 : memref<1x8xi32, #tpu.memory_space<vmem>> -> memref<8xi32, #tpu.memory_space<vmem>>
    %dma_wait3A_788 = arith.constant 0 : i32
    %dma_wait3A_789 = arith.constant 0 : i32
    %dma_wait3A_790 = tpu.memref_slice %arg2[%dma_wait3A_788, %dma_wait3A_789] : memref<16384x4096xf32, #tpu.memory_space<hbm>> -> memref<16384x4096xf32, #tpu.memory_space<hbm>>
    tpu.wait_indirect_dma semaphore(%arg13 : memref<!tpu.dma_semaphore, #tpu.memory_space<semaphore_mem>>) src(%dma_wait3A_790 : memref<16384x4096xf32, #tpu.memory_space<hbm>>) dst(%dma_wait3A_784 : memref<8x4096xf32, #tpu.memory_space<vmem>>)
    %dma_wait3A_791 = arith.constant 1 : i32
    %dma_wait3A_792 = arith.constant 0 : i32
    %dma_wait3A_793 = tpu.memref_slice %arg11[%dma_wait3A_791, %dma_wait3A_792] : memref<2x16384xf32, #tpu.memory_space<vmem>> -> memref<1x16384xf32, #tpu.memory_space<vmem>>
    %dma_wait3A_794 = tpu.memref_squeeze %dma_wait3A_793 : memref<1x16384xf32, #tpu.memory_space<vmem>> -> memref<16384xf32, #tpu.memory_space<vmem>>
    %dma_wait3A_795 = arith.constant 0 : i32
    %dma_wait3A_796 = tpu.memref_slice %arg6[%add3A_693, %dma_wait3A_795] : memref<1024x16384xf32, #tpu.memory_space<hbm>> -> memref<1x16384xf32, #tpu.memory_space<hbm>>
    %dma_wait3A_797 = tpu.memref_squeeze %dma_wait3A_796 : memref<1x16384xf32, #tpu.memory_space<hbm>> -> memref<16384xf32, #tpu.memory_space<hbm>>
    %dma_wait3A_798 = arith.constant 0 : i32
    %dma_wait3A_799 = tpu.memref_slice %arg6[%add3A_693, %dma_wait3A_798] : memref<1024x16384xf32, #tpu.memory_space<hbm>> -> memref<1x16384xf32, #tpu.memory_space<hbm>>
    %dma_wait3A_800 = tpu.memref_squeeze %dma_wait3A_799 : memref<1x16384xf32, #tpu.memory_space<hbm>> -> memref<16384xf32, #tpu.memory_space<hbm>>
    %dma_wait3A_801 = arith.constant 0 : i32
    %dma_wait3A_802 = tpu.memref_slice %arg11[%dma_wait3A_791, %dma_wait3A_801] : memref<2x16384xf32, #tpu.memory_space<vmem>> -> memref<1x16384xf32, #tpu.memory_space<vmem>>
    %dma_wait3A_803 = tpu.memref_squeeze %dma_wait3A_802 : memref<1x16384xf32, #tpu.memory_space<vmem>> -> memref<16384xf32, #tpu.memory_space<vmem>>
    tpu.wait_dma2 semaphore(%arg15 : memref<!tpu.dma_semaphore, #tpu.memory_space<semaphore_mem>>) src(%dma_wait3A_803 : memref<16384xf32, #tpu.memory_space<vmem>>) dst(%dma_wait3A_800 : memref<16384xf32, #tpu.memory_space<hbm>>)
    %scan3A_804 = arith.constant 0 : i32
    %scan3A_805 = arith.constant 1 : i32
    %scan3A_806 = arith.constant 1 : i32
    %scan3A_807 = arith.constant 0 : i32
    %scan3A_808 = arith.constant 1024 : i32
    %scan3A_809 = arith.addi %scan3A_807, %scan3A_808 : i32
    %scan3A_810 = arith.constant 1 : i32
    scf.for %scan3A_1921 = %scan3A_807 to %scan3A_809 step %scan3A_810  : i32 {
      %shift_right_arithmetic3A = arith.constant 8 : i32
      %shift_right_arithmetic3A_1922 = arith.shrsi %scan3A_1921, %shift_right_arithmetic3A : i32
      %and3A = arith.constant 255 : i32
      %and3A_1923 = arith.andi %scan3A_1921, %and3A : i32
      %mul3A_1924 = arith.constant 16 : i32
      %mul3A_1925 = arith.muli %and3A_1923, %mul3A_1924 : i32
      %get3A_1926 = arith.index_cast %mul3A_1925 : i32 to index
      %get3A_1927 = tpu.vector_load %arg8[%get3A_1926] {strides = array<i32>} : memref<4096xi32, #tpu.memory_space<vmem>>, vector<16xi32>,
      %shift_right_arithmetic3A_1928 = arith.constant 12 : i32
      %shift_right_arithmetic3A_1929 = vector.broadcast %shift_right_arithmetic3A_1928 : i32 to vector<16xi32>
      %shift_right_arithmetic3A_1930 = arith.shrsi %get3A_1927, %shift_right_arithmetic3A_1929 : vector<16xi32>
      %mul3A_1931 = arith.constant 2 : i32
      %mul3A_1932 = arith.muli %mul3A_1931, %shift_right_arithmetic3A_1922 : i32
      %add3A_1933 = vector.broadcast %mul3A_1932 : i32 to vector<16xi32>
      %add3A_1934 = arith.addi %shift_right_arithmetic3A_1930, %add3A_1933 : vector<16xi32>
      %and3A_1935 = arith.constant 4095 : i32
      %and3A_1936 = vector.broadcast %and3A_1935 : i32 to vector<16xi32>
      %and3A_1937 = arith.andi %get3A_1927, %and3A_1936 : vector<16xi32>
      %gather3A = arith.constant 0 : i32
      %gather3A_1938 = arith.constant 0 : i32
      %gather3A_1939 = tpu.memref_slice %arg10[%scan3A_805, %gather3A, %gather3A_1938] : memref<2x8x4096xf32, #tpu.memory_space<vmem>> -> memref<1x8x4096xf32, #tpu.memory_space<vmem>>
      %gather3A_1940 = tpu.memref_squeeze %gather3A_1939 : memref<1x8x4096xf32, #tpu.memory_space<vmem>> -> memref<8x4096xf32, #tpu.memory_space<vmem>>
      %gather3A_1941 = tpu.vector_load_idx %gather3A_1940[%add3A_1934, %and3A_1937] : memref<8x4096xf32, #tpu.memory_space<vmem>>[vector<16xi32>, vector<16xi32>], vector<16xf32>,
      %mul3A_1942 = arith.mulf %gather3A_1941, %get3A_3 : vector<16xf32>
      %exp3A = math.exp %mul3A_1942 : vector<16xf32>
      %mul3A_1943 = arith.constant 4096 : i32
      %mul3A_1944 = arith.muli %shift_right_arithmetic3A_1922, %mul3A_1943 : i32
      %mul3A_1945 = arith.constant 16 : i32
      %mul3A_1946 = arith.muli %and3A_1923, %mul3A_1945 : i32
      %add3A_1947 = arith.addi %mul3A_1944, %mul3A_1946 : i32
      %swap3A = arith.constant 0 : i32
      %swap3A_1948 = tpu.memref_slice %arg11[%scan3A_806, %swap3A] : memref<2x16384xf32, #tpu.memory_space<vmem>> -> memref<1x16384xf32, #tpu.memory_space<vmem>>
      %swap3A_1949 = tpu.memref_squeeze %swap3A_1948 : memref<1x16384xf32, #tpu.memory_space<vmem>> -> memref<16384xf32, #tpu.memory_space<vmem>>
      %swap3A_1950 = arith.index_cast %add3A_1947 : i32 to index
      %swap3A_1951 = tpu.vector_load %swap3A_1949[%swap3A_1950] {strides = array<i32>} : memref<16384xf32, #tpu.memory_space<vmem>>, vector<16xf32>,
      tpu.vector_store %swap3A_1949[%swap3A_1950], %exp3A {strides = array<i32>} : memref<16384xf32, #tpu.memory_space<vmem>>, vector<16xf32>,
    }
    %scan3A_811 = arith.constant 1024 : i32
    %add3A_812 = arith.constant 13 : i32
    %add3A_813 = arith.addi %mul3A_2, %add3A_812 : i32
    %dma_start3A_814 = arith.constant 1 : i32
    %dma_start3A_815 = arith.constant 0 : i32
    %dma_start3A_816 = tpu.memref_slice %arg11[%dma_start3A_814, %dma_start3A_815] : memref<2x16384xf32, #tpu.memory_space<vmem>> -> memref<1x16384xf32, #tpu.memory_space<vmem>>
    %dma_start3A_817 = tpu.memref_squeeze %dma_start3A_816 : memref<1x16384xf32, #tpu.memory_space<vmem>> -> memref<16384xf32, #tpu.memory_space<vmem>>
    %dma_start3A_818 = arith.constant 0 : i32
    %dma_start3A_819 = tpu.memref_slice %arg6[%add3A_813, %dma_start3A_818] : memref<1024x16384xf32, #tpu.memory_space<hbm>> -> memref<1x16384xf32, #tpu.memory_space<hbm>>
    %dma_start3A_820 = tpu.memref_squeeze %dma_start3A_819 : memref<1x16384xf32, #tpu.memory_space<hbm>> -> memref<16384xf32, #tpu.memory_space<hbm>>
    %dma_start3A_821 = arith.constant 0 : i32
    %dma_start3A_822 = tpu.memref_slice %arg6[%add3A_813, %dma_start3A_821] : memref<1024x16384xf32, #tpu.memory_space<hbm>> -> memref<1x16384xf32, #tpu.memory_space<hbm>>
    %dma_start3A_823 = tpu.memref_squeeze %dma_start3A_822 : memref<1x16384xf32, #tpu.memory_space<hbm>> -> memref<16384xf32, #tpu.memory_space<hbm>>
    %dma_start3A_824 = arith.constant 0 : i32
    %dma_start3A_825 = tpu.memref_slice %arg11[%dma_start3A_814, %dma_start3A_824] : memref<2x16384xf32, #tpu.memory_space<vmem>> -> memref<1x16384xf32, #tpu.memory_space<vmem>>
    %dma_start3A_826 = tpu.memref_squeeze %dma_start3A_825 : memref<1x16384xf32, #tpu.memory_space<vmem>> -> memref<16384xf32, #tpu.memory_space<vmem>>
    tpu.enqueue_dma source(%dma_start3A_826 : memref<16384xf32, #tpu.memory_space<vmem>>) target(%dma_start3A_823 : memref<16384xf32, #tpu.memory_space<hbm>>) target_semaphore(%arg15 : memref<!tpu.dma_semaphore, #tpu.memory_space<semaphore_mem>>)
    %dma_start3A_827 = arith.constant 15 : i32
    %dma_start3A_828 = arith.constant 1 : i32
    %dma_start3A_829 = arith.constant 0 : i32
    %dma_start3A_830 = arith.constant 0 : i32
    %dma_start3A_831 = tpu.memref_slice %arg10[%dma_start3A_828, %dma_start3A_829, %dma_start3A_830] : memref<2x8x4096xf32, #tpu.memory_space<vmem>> -> memref<1x8x4096xf32, #tpu.memory_space<vmem>>
    %dma_start3A_832 = tpu.memref_squeeze %dma_start3A_831 : memref<1x8x4096xf32, #tpu.memory_space<vmem>> -> memref<8x4096xf32, #tpu.memory_space<vmem>>
    %dma_start3A_833 = arith.constant 0 : i32
    %dma_start3A_834 = tpu.memref_slice %arg7[%dma_start3A_827, %dma_start3A_833] : memref<32x8xi32, #tpu.memory_space<vmem>> -> memref<1x8xi32, #tpu.memory_space<vmem>>
    %dma_start3A_835 = tpu.memref_squeeze %dma_start3A_834 : memref<1x8xi32, #tpu.memory_space<vmem>> -> memref<8xi32, #tpu.memory_space<vmem>>
    %dma_start3A_836 = arith.constant 0 : i32
    %dma_start3A_837 = arith.constant 0 : i32
    %dma_start3A_838 = tpu.memref_slice %arg2[%dma_start3A_836, %dma_start3A_837] : memref<16384x4096xf32, #tpu.memory_space<hbm>> -> memref<16384x4096xf32, #tpu.memory_space<hbm>>
    tpu.enqueue_indirect_dma source(%dma_start3A_838 : memref<16384x4096xf32, #tpu.memory_space<hbm>>) target(%dma_start3A_832 : memref<8x4096xf32, #tpu.memory_space<vmem>>) offsets(%dma_start3A_835 : memref<8xi32, #tpu.memory_space<vmem>>) semaphore(%arg13 : memref<!tpu.dma_semaphore, #tpu.memory_space<semaphore_mem>>)
    %dma_wait3A_839 = arith.constant 14 : i32
    %dma_wait3A_840 = arith.constant 0 : i32
    %dma_wait3A_841 = arith.constant 0 : i32
    %dma_wait3A_842 = arith.constant 0 : i32
    %dma_wait3A_843 = tpu.memref_slice %arg10[%dma_wait3A_840, %dma_wait3A_841, %dma_wait3A_842] : memref<2x8x4096xf32, #tpu.memory_space<vmem>> -> memref<1x8x4096xf32, #tpu.memory_space<vmem>>
    %dma_wait3A_844 = tpu.memref_squeeze %dma_wait3A_843 : memref<1x8x4096xf32, #tpu.memory_space<vmem>> -> memref<8x4096xf32, #tpu.memory_space<vmem>>
    %dma_wait3A_845 = arith.constant 0 : i32
    %dma_wait3A_846 = tpu.memref_slice %arg7[%dma_wait3A_839, %dma_wait3A_845] : memref<32x8xi32, #tpu.memory_space<vmem>> -> memref<1x8xi32, #tpu.memory_space<vmem>>
    %dma_wait3A_847 = tpu.memref_squeeze %dma_wait3A_846 : memref<1x8xi32, #tpu.memory_space<vmem>> -> memref<8xi32, #tpu.memory_space<vmem>>
    %dma_wait3A_848 = arith.constant 0 : i32
    %dma_wait3A_849 = arith.constant 0 : i32
    %dma_wait3A_850 = tpu.memref_slice %arg2[%dma_wait3A_848, %dma_wait3A_849] : memref<16384x4096xf32, #tpu.memory_space<hbm>> -> memref<16384x4096xf32, #tpu.memory_space<hbm>>
    tpu.wait_indirect_dma semaphore(%arg12 : memref<!tpu.dma_semaphore, #tpu.memory_space<semaphore_mem>>) src(%dma_wait3A_850 : memref<16384x4096xf32, #tpu.memory_space<hbm>>) dst(%dma_wait3A_844 : memref<8x4096xf32, #tpu.memory_space<vmem>>)
    %dma_wait3A_851 = arith.constant 0 : i32
    %dma_wait3A_852 = arith.constant 0 : i32
    %dma_wait3A_853 = tpu.memref_slice %arg11[%dma_wait3A_851, %dma_wait3A_852] : memref<2x16384xf32, #tpu.memory_space<vmem>> -> memref<1x16384xf32, #tpu.memory_space<vmem>>
    %dma_wait3A_854 = tpu.memref_squeeze %dma_wait3A_853 : memref<1x16384xf32, #tpu.memory_space<vmem>> -> memref<16384xf32, #tpu.memory_space<vmem>>
    %dma_wait3A_855 = arith.constant 0 : i32
    %dma_wait3A_856 = tpu.memref_slice %arg6[%add3A_753, %dma_wait3A_855] : memref<1024x16384xf32, #tpu.memory_space<hbm>> -> memref<1x16384xf32, #tpu.memory_space<hbm>>
    %dma_wait3A_857 = tpu.memref_squeeze %dma_wait3A_856 : memref<1x16384xf32, #tpu.memory_space<hbm>> -> memref<16384xf32, #tpu.memory_space<hbm>>
    %dma_wait3A_858 = arith.constant 0 : i32
    %dma_wait3A_859 = tpu.memref_slice %arg6[%add3A_753, %dma_wait3A_858] : memref<1024x16384xf32, #tpu.memory_space<hbm>> -> memref<1x16384xf32, #tpu.memory_space<hbm>>
    %dma_wait3A_860 = tpu.memref_squeeze %dma_wait3A_859 : memref<1x16384xf32, #tpu.memory_space<hbm>> -> memref<16384xf32, #tpu.memory_space<hbm>>
    %dma_wait3A_861 = arith.constant 0 : i32
    %dma_wait3A_862 = tpu.memref_slice %arg11[%dma_wait3A_851, %dma_wait3A_861] : memref<2x16384xf32, #tpu.memory_space<vmem>> -> memref<1x16384xf32, #tpu.memory_space<vmem>>
    %dma_wait3A_863 = tpu.memref_squeeze %dma_wait3A_862 : memref<1x16384xf32, #tpu.memory_space<vmem>> -> memref<16384xf32, #tpu.memory_space<vmem>>
    tpu.wait_dma2 semaphore(%arg14 : memref<!tpu.dma_semaphore, #tpu.memory_space<semaphore_mem>>) src(%dma_wait3A_863 : memref<16384xf32, #tpu.memory_space<vmem>>) dst(%dma_wait3A_860 : memref<16384xf32, #tpu.memory_space<hbm>>)
    %scan3A_864 = arith.constant 0 : i32
    %scan3A_865 = arith.constant 0 : i32
    %scan3A_866 = arith.constant 0 : i32
    %scan3A_867 = arith.constant 0 : i32
    %scan3A_868 = arith.constant 1024 : i32
    %scan3A_869 = arith.addi %scan3A_867, %scan3A_868 : i32
    %scan3A_870 = arith.constant 1 : i32
    scf.for %scan3A_1921 = %scan3A_867 to %scan3A_869 step %scan3A_870  : i32 {
      %shift_right_arithmetic3A = arith.constant 8 : i32
      %shift_right_arithmetic3A_1922 = arith.shrsi %scan3A_1921, %shift_right_arithmetic3A : i32
      %and3A = arith.constant 255 : i32
      %and3A_1923 = arith.andi %scan3A_1921, %and3A : i32
      %mul3A_1924 = arith.constant 16 : i32
      %mul3A_1925 = arith.muli %and3A_1923, %mul3A_1924 : i32
      %get3A_1926 = arith.index_cast %mul3A_1925 : i32 to index
      %get3A_1927 = tpu.vector_load %arg8[%get3A_1926] {strides = array<i32>} : memref<4096xi32, #tpu.memory_space<vmem>>, vector<16xi32>,
      %shift_right_arithmetic3A_1928 = arith.constant 12 : i32
      %shift_right_arithmetic3A_1929 = vector.broadcast %shift_right_arithmetic3A_1928 : i32 to vector<16xi32>
      %shift_right_arithmetic3A_1930 = arith.shrsi %get3A_1927, %shift_right_arithmetic3A_1929 : vector<16xi32>
      %mul3A_1931 = arith.constant 2 : i32
      %mul3A_1932 = arith.muli %mul3A_1931, %shift_right_arithmetic3A_1922 : i32
      %add3A_1933 = vector.broadcast %mul3A_1932 : i32 to vector<16xi32>
      %add3A_1934 = arith.addi %shift_right_arithmetic3A_1930, %add3A_1933 : vector<16xi32>
      %and3A_1935 = arith.constant 4095 : i32
      %and3A_1936 = vector.broadcast %and3A_1935 : i32 to vector<16xi32>
      %and3A_1937 = arith.andi %get3A_1927, %and3A_1936 : vector<16xi32>
      %gather3A = arith.constant 0 : i32
      %gather3A_1938 = arith.constant 0 : i32
      %gather3A_1939 = tpu.memref_slice %arg10[%scan3A_865, %gather3A, %gather3A_1938] : memref<2x8x4096xf32, #tpu.memory_space<vmem>> -> memref<1x8x4096xf32, #tpu.memory_space<vmem>>
      %gather3A_1940 = tpu.memref_squeeze %gather3A_1939 : memref<1x8x4096xf32, #tpu.memory_space<vmem>> -> memref<8x4096xf32, #tpu.memory_space<vmem>>
      %gather3A_1941 = tpu.vector_load_idx %gather3A_1940[%add3A_1934, %and3A_1937] : memref<8x4096xf32, #tpu.memory_space<vmem>>[vector<16xi32>, vector<16xi32>], vector<16xf32>,
      %mul3A_1942 = arith.mulf %gather3A_1941, %get3A_3 : vector<16xf32>
      %exp3A = math.exp %mul3A_1942 : vector<16xf32>
      %mul3A_1943 = arith.constant 4096 : i32
      %mul3A_1944 = arith.muli %shift_right_arithmetic3A_1922, %mul3A_1943 : i32
      %mul3A_1945 = arith.constant 16 : i32
      %mul3A_1946 = arith.muli %and3A_1923, %mul3A_1945 : i32
      %add3A_1947 = arith.addi %mul3A_1944, %mul3A_1946 : i32
      %swap3A = arith.constant 0 : i32
      %swap3A_1948 = tpu.memref_slice %arg11[%scan3A_866, %swap3A] : memref<2x16384xf32, #tpu.memory_space<vmem>> -> memref<1x16384xf32, #tpu.memory_space<vmem>>
      %swap3A_1949 = tpu.memref_squeeze %swap3A_1948 : memref<1x16384xf32, #tpu.memory_space<vmem>> -> memref<16384xf32, #tpu.memory_space<vmem>>
      %swap3A_1950 = arith.index_cast %add3A_1947 : i32 to index
      %swap3A_1951 = tpu.vector_load %swap3A_1949[%swap3A_1950] {strides = array<i32>} : memref<16384xf32, #tpu.memory_space<vmem>>, vector<16xf32>,
      tpu.vector_store %swap3A_1949[%swap3A_1950], %exp3A {strides = array<i32>} : memref<16384xf32, #tpu.memory_space<vmem>>, vector<16xf32>,
    }
    %scan3A_871 = arith.constant 1024 : i32
    %add3A_872 = arith.constant 14 : i32
    %add3A_873 = arith.addi %mul3A_2, %add3A_872 : i32
    %dma_start3A_874 = arith.constant 0 : i32
    %dma_start3A_875 = arith.constant 0 : i32
    %dma_start3A_876 = tpu.memref_slice %arg11[%dma_start3A_874, %dma_start3A_875] : memref<2x16384xf32, #tpu.memory_space<vmem>> -> memref<1x16384xf32, #tpu.memory_space<vmem>>
    %dma_start3A_877 = tpu.memref_squeeze %dma_start3A_876 : memref<1x16384xf32, #tpu.memory_space<vmem>> -> memref<16384xf32, #tpu.memory_space<vmem>>
    %dma_start3A_878 = arith.constant 0 : i32
    %dma_start3A_879 = tpu.memref_slice %arg6[%add3A_873, %dma_start3A_878] : memref<1024x16384xf32, #tpu.memory_space<hbm>> -> memref<1x16384xf32, #tpu.memory_space<hbm>>
    %dma_start3A_880 = tpu.memref_squeeze %dma_start3A_879 : memref<1x16384xf32, #tpu.memory_space<hbm>> -> memref<16384xf32, #tpu.memory_space<hbm>>
    %dma_start3A_881 = arith.constant 0 : i32
    %dma_start3A_882 = tpu.memref_slice %arg6[%add3A_873, %dma_start3A_881] : memref<1024x16384xf32, #tpu.memory_space<hbm>> -> memref<1x16384xf32, #tpu.memory_space<hbm>>
    %dma_start3A_883 = tpu.memref_squeeze %dma_start3A_882 : memref<1x16384xf32, #tpu.memory_space<hbm>> -> memref<16384xf32, #tpu.memory_space<hbm>>
    %dma_start3A_884 = arith.constant 0 : i32
    %dma_start3A_885 = tpu.memref_slice %arg11[%dma_start3A_874, %dma_start3A_884] : memref<2x16384xf32, #tpu.memory_space<vmem>> -> memref<1x16384xf32, #tpu.memory_space<vmem>>
    %dma_start3A_886 = tpu.memref_squeeze %dma_start3A_885 : memref<1x16384xf32, #tpu.memory_space<vmem>> -> memref<16384xf32, #tpu.memory_space<vmem>>
    tpu.enqueue_dma source(%dma_start3A_886 : memref<16384xf32, #tpu.memory_space<vmem>>) target(%dma_start3A_883 : memref<16384xf32, #tpu.memory_space<hbm>>) target_semaphore(%arg14 : memref<!tpu.dma_semaphore, #tpu.memory_space<semaphore_mem>>)
    %dma_start3A_887 = arith.constant 16 : i32
    %dma_start3A_888 = arith.constant 0 : i32
    %dma_start3A_889 = arith.constant 0 : i32
    %dma_start3A_890 = arith.constant 0 : i32
    %dma_start3A_891 = tpu.memref_slice %arg10[%dma_start3A_888, %dma_start3A_889, %dma_start3A_890] : memref<2x8x4096xf32, #tpu.memory_space<vmem>> -> memref<1x8x4096xf32, #tpu.memory_space<vmem>>
    %dma_start3A_892 = tpu.memref_squeeze %dma_start3A_891 : memref<1x8x4096xf32, #tpu.memory_space<vmem>> -> memref<8x4096xf32, #tpu.memory_space<vmem>>
    %dma_start3A_893 = arith.constant 0 : i32
    %dma_start3A_894 = tpu.memref_slice %arg7[%dma_start3A_887, %dma_start3A_893] : memref<32x8xi32, #tpu.memory_space<vmem>> -> memref<1x8xi32, #tpu.memory_space<vmem>>
    %dma_start3A_895 = tpu.memref_squeeze %dma_start3A_894 : memref<1x8xi32, #tpu.memory_space<vmem>> -> memref<8xi32, #tpu.memory_space<vmem>>
    %dma_start3A_896 = arith.constant 0 : i32
    %dma_start3A_897 = arith.constant 0 : i32
    %dma_start3A_898 = tpu.memref_slice %arg2[%dma_start3A_896, %dma_start3A_897] : memref<16384x4096xf32, #tpu.memory_space<hbm>> -> memref<16384x4096xf32, #tpu.memory_space<hbm>>
    tpu.enqueue_indirect_dma source(%dma_start3A_898 : memref<16384x4096xf32, #tpu.memory_space<hbm>>) target(%dma_start3A_892 : memref<8x4096xf32, #tpu.memory_space<vmem>>) offsets(%dma_start3A_895 : memref<8xi32, #tpu.memory_space<vmem>>) semaphore(%arg12 : memref<!tpu.dma_semaphore, #tpu.memory_space<semaphore_mem>>)
    %dma_wait3A_899 = arith.constant 15 : i32
    %dma_wait3A_900 = arith.constant 1 : i32
    %dma_wait3A_901 = arith.constant 0 : i32
    %dma_wait3A_902 = arith.constant 0 : i32
    %dma_wait3A_903 = tpu.memref_slice %arg10[%dma_wait3A_900, %dma_wait3A_901, %dma_wait3A_902] : memref<2x8x4096xf32, #tpu.memory_space<vmem>> -> memref<1x8x4096xf32, #tpu.memory_space<vmem>>
    %dma_wait3A_904 = tpu.memref_squeeze %dma_wait3A_903 : memref<1x8x4096xf32, #tpu.memory_space<vmem>> -> memref<8x4096xf32, #tpu.memory_space<vmem>>
    %dma_wait3A_905 = arith.constant 0 : i32
    %dma_wait3A_906 = tpu.memref_slice %arg7[%dma_wait3A_899, %dma_wait3A_905] : memref<32x8xi32, #tpu.memory_space<vmem>> -> memref<1x8xi32, #tpu.memory_space<vmem>>
    %dma_wait3A_907 = tpu.memref_squeeze %dma_wait3A_906 : memref<1x8xi32, #tpu.memory_space<vmem>> -> memref<8xi32, #tpu.memory_space<vmem>>
    %dma_wait3A_908 = arith.constant 0 : i32
    %dma_wait3A_909 = arith.constant 0 : i32
    %dma_wait3A_910 = tpu.memref_slice %arg2[%dma_wait3A_908, %dma_wait3A_909] : memref<16384x4096xf32, #tpu.memory_space<hbm>> -> memref<16384x4096xf32, #tpu.memory_space<hbm>>
    tpu.wait_indirect_dma semaphore(%arg13 : memref<!tpu.dma_semaphore, #tpu.memory_space<semaphore_mem>>) src(%dma_wait3A_910 : memref<16384x4096xf32, #tpu.memory_space<hbm>>) dst(%dma_wait3A_904 : memref<8x4096xf32, #tpu.memory_space<vmem>>)
    %dma_wait3A_911 = arith.constant 1 : i32
    %dma_wait3A_912 = arith.constant 0 : i32
    %dma_wait3A_913 = tpu.memref_slice %arg11[%dma_wait3A_911, %dma_wait3A_912] : memref<2x16384xf32, #tpu.memory_space<vmem>> -> memref<1x16384xf32, #tpu.memory_space<vmem>>
    %dma_wait3A_914 = tpu.memref_squeeze %dma_wait3A_913 : memref<1x16384xf32, #tpu.memory_space<vmem>> -> memref<16384xf32, #tpu.memory_space<vmem>>
    %dma_wait3A_915 = arith.constant 0 : i32
    %dma_wait3A_916 = tpu.memref_slice %arg6[%add3A_813, %dma_wait3A_915] : memref<1024x16384xf32, #tpu.memory_space<hbm>> -> memref<1x16384xf32, #tpu.memory_space<hbm>>
    %dma_wait3A_917 = tpu.memref_squeeze %dma_wait3A_916 : memref<1x16384xf32, #tpu.memory_space<hbm>> -> memref<16384xf32, #tpu.memory_space<hbm>>
    %dma_wait3A_918 = arith.constant 0 : i32
    %dma_wait3A_919 = tpu.memref_slice %arg6[%add3A_813, %dma_wait3A_918] : memref<1024x16384xf32, #tpu.memory_space<hbm>> -> memref<1x16384xf32, #tpu.memory_space<hbm>>
    %dma_wait3A_920 = tpu.memref_squeeze %dma_wait3A_919 : memref<1x16384xf32, #tpu.memory_space<hbm>> -> memref<16384xf32, #tpu.memory_space<hbm>>
    %dma_wait3A_921 = arith.constant 0 : i32
    %dma_wait3A_922 = tpu.memref_slice %arg11[%dma_wait3A_911, %dma_wait3A_921] : memref<2x16384xf32, #tpu.memory_space<vmem>> -> memref<1x16384xf32, #tpu.memory_space<vmem>>
    %dma_wait3A_923 = tpu.memref_squeeze %dma_wait3A_922 : memref<1x16384xf32, #tpu.memory_space<vmem>> -> memref<16384xf32, #tpu.memory_space<vmem>>
    tpu.wait_dma2 semaphore(%arg15 : memref<!tpu.dma_semaphore, #tpu.memory_space<semaphore_mem>>) src(%dma_wait3A_923 : memref<16384xf32, #tpu.memory_space<vmem>>) dst(%dma_wait3A_920 : memref<16384xf32, #tpu.memory_space<hbm>>)
    %scan3A_924 = arith.constant 0 : i32
    %scan3A_925 = arith.constant 1 : i32
    %scan3A_926 = arith.constant 1 : i32
    %scan3A_927 = arith.constant 0 : i32
    %scan3A_928 = arith.constant 1024 : i32
    %scan3A_929 = arith.addi %scan3A_927, %scan3A_928 : i32
    %scan3A_930 = arith.constant 1 : i32
    scf.for %scan3A_1921 = %scan3A_927 to %scan3A_929 step %scan3A_930  : i32 {
      %shift_right_arithmetic3A = arith.constant 8 : i32
      %shift_right_arithmetic3A_1922 = arith.shrsi %scan3A_1921, %shift_right_arithmetic3A : i32
      %and3A = arith.constant 255 : i32
      %and3A_1923 = arith.andi %scan3A_1921, %and3A : i32
      %mul3A_1924 = arith.constant 16 : i32
      %mul3A_1925 = arith.muli %and3A_1923, %mul3A_1924 : i32
      %get3A_1926 = arith.index_cast %mul3A_1925 : i32 to index
      %get3A_1927 = tpu.vector_load %arg8[%get3A_1926] {strides = array<i32>} : memref<4096xi32, #tpu.memory_space<vmem>>, vector<16xi32>,
      %shift_right_arithmetic3A_1928 = arith.constant 12 : i32
      %shift_right_arithmetic3A_1929 = vector.broadcast %shift_right_arithmetic3A_1928 : i32 to vector<16xi32>
      %shift_right_arithmetic3A_1930 = arith.shrsi %get3A_1927, %shift_right_arithmetic3A_1929 : vector<16xi32>
      %mul3A_1931 = arith.constant 2 : i32
      %mul3A_1932 = arith.muli %mul3A_1931, %shift_right_arithmetic3A_1922 : i32
      %add3A_1933 = vector.broadcast %mul3A_1932 : i32 to vector<16xi32>
      %add3A_1934 = arith.addi %shift_right_arithmetic3A_1930, %add3A_1933 : vector<16xi32>
      %and3A_1935 = arith.constant 4095 : i32
      %and3A_1936 = vector.broadcast %and3A_1935 : i32 to vector<16xi32>
      %and3A_1937 = arith.andi %get3A_1927, %and3A_1936 : vector<16xi32>
      %gather3A = arith.constant 0 : i32
      %gather3A_1938 = arith.constant 0 : i32
      %gather3A_1939 = tpu.memref_slice %arg10[%scan3A_925, %gather3A, %gather3A_1938] : memref<2x8x4096xf32, #tpu.memory_space<vmem>> -> memref<1x8x4096xf32, #tpu.memory_space<vmem>>
      %gather3A_1940 = tpu.memref_squeeze %gather3A_1939 : memref<1x8x4096xf32, #tpu.memory_space<vmem>> -> memref<8x4096xf32, #tpu.memory_space<vmem>>
      %gather3A_1941 = tpu.vector_load_idx %gather3A_1940[%add3A_1934, %and3A_1937] : memref<8x4096xf32, #tpu.memory_space<vmem>>[vector<16xi32>, vector<16xi32>], vector<16xf32>,
      %mul3A_1942 = arith.mulf %gather3A_1941, %get3A_3 : vector<16xf32>
      %exp3A = math.exp %mul3A_1942 : vector<16xf32>
      %mul3A_1943 = arith.constant 4096 : i32
      %mul3A_1944 = arith.muli %shift_right_arithmetic3A_1922, %mul3A_1943 : i32
      %mul3A_1945 = arith.constant 16 : i32
      %mul3A_1946 = arith.muli %and3A_1923, %mul3A_1945 : i32
      %add3A_1947 = arith.addi %mul3A_1944, %mul3A_1946 : i32
      %swap3A = arith.constant 0 : i32
      %swap3A_1948 = tpu.memref_slice %arg11[%scan3A_926, %swap3A] : memref<2x16384xf32, #tpu.memory_space<vmem>> -> memref<1x16384xf32, #tpu.memory_space<vmem>>
      %swap3A_1949 = tpu.memref_squeeze %swap3A_1948 : memref<1x16384xf32, #tpu.memory_space<vmem>> -> memref<16384xf32, #tpu.memory_space<vmem>>
      %swap3A_1950 = arith.index_cast %add3A_1947 : i32 to index
      %swap3A_1951 = tpu.vector_load %swap3A_1949[%swap3A_1950] {strides = array<i32>} : memref<16384xf32, #tpu.memory_space<vmem>>, vector<16xf32>,
      tpu.vector_store %swap3A_1949[%swap3A_1950], %exp3A {strides = array<i32>} : memref<16384xf32, #tpu.memory_space<vmem>>, vector<16xf32>,
    }
    %scan3A_931 = arith.constant 1024 : i32
    %add3A_932 = arith.constant 15 : i32
    %add3A_933 = arith.addi %mul3A_2, %add3A_932 : i32
    %dma_start3A_934 = arith.constant 1 : i32
    %dma_start3A_935 = arith.constant 0 : i32
    %dma_start3A_936 = tpu.memref_slice %arg11[%dma_start3A_934, %dma_start3A_935] : memref<2x16384xf32, #tpu.memory_space<vmem>> -> memref<1x16384xf32, #tpu.memory_space<vmem>>
    %dma_start3A_937 = tpu.memref_squeeze %dma_start3A_936 : memref<1x16384xf32, #tpu.memory_space<vmem>> -> memref<16384xf32, #tpu.memory_space<vmem>>
    %dma_start3A_938 = arith.constant 0 : i32
    %dma_start3A_939 = tpu.memref_slice %arg6[%add3A_933, %dma_start3A_938] : memref<1024x16384xf32, #tpu.memory_space<hbm>> -> memref<1x16384xf32, #tpu.memory_space<hbm>>
    %dma_start3A_940 = tpu.memref_squeeze %dma_start3A_939 : memref<1x16384xf32, #tpu.memory_space<hbm>> -> memref<16384xf32, #tpu.memory_space<hbm>>
    %dma_start3A_941 = arith.constant 0 : i32
    %dma_start3A_942 = tpu.memref_slice %arg6[%add3A_933, %dma_start3A_941] : memref<1024x16384xf32, #tpu.memory_space<hbm>> -> memref<1x16384xf32, #tpu.memory_space<hbm>>
    %dma_start3A_943 = tpu.memref_squeeze %dma_start3A_942 : memref<1x16384xf32, #tpu.memory_space<hbm>> -> memref<16384xf32, #tpu.memory_space<hbm>>
    %dma_start3A_944 = arith.constant 0 : i32
    %dma_start3A_945 = tpu.memref_slice %arg11[%dma_start3A_934, %dma_start3A_944] : memref<2x16384xf32, #tpu.memory_space<vmem>> -> memref<1x16384xf32, #tpu.memory_space<vmem>>
    %dma_start3A_946 = tpu.memref_squeeze %dma_start3A_945 : memref<1x16384xf32, #tpu.memory_space<vmem>> -> memref<16384xf32, #tpu.memory_space<vmem>>
    tpu.enqueue_dma source(%dma_start3A_946 : memref<16384xf32, #tpu.memory_space<vmem>>) target(%dma_start3A_943 : memref<16384xf32, #tpu.memory_space<hbm>>) target_semaphore(%arg15 : memref<!tpu.dma_semaphore, #tpu.memory_space<semaphore_mem>>)
    %dma_start3A_947 = arith.constant 17 : i32
    %dma_start3A_948 = arith.constant 1 : i32
    %dma_start3A_949 = arith.constant 0 : i32
    %dma_start3A_950 = arith.constant 0 : i32
    %dma_start3A_951 = tpu.memref_slice %arg10[%dma_start3A_948, %dma_start3A_949, %dma_start3A_950] : memref<2x8x4096xf32, #tpu.memory_space<vmem>> -> memref<1x8x4096xf32, #tpu.memory_space<vmem>>
    %dma_start3A_952 = tpu.memref_squeeze %dma_start3A_951 : memref<1x8x4096xf32, #tpu.memory_space<vmem>> -> memref<8x4096xf32, #tpu.memory_space<vmem>>
    %dma_start3A_953 = arith.constant 0 : i32
    %dma_start3A_954 = tpu.memref_slice %arg7[%dma_start3A_947, %dma_start3A_953] : memref<32x8xi32, #tpu.memory_space<vmem>> -> memref<1x8xi32, #tpu.memory_space<vmem>>
    %dma_start3A_955 = tpu.memref_squeeze %dma_start3A_954 : memref<1x8xi32, #tpu.memory_space<vmem>> -> memref<8xi32, #tpu.memory_space<vmem>>
    %dma_start3A_956 = arith.constant 0 : i32
    %dma_start3A_957 = arith.constant 0 : i32
    %dma_start3A_958 = tpu.memref_slice %arg2[%dma_start3A_956, %dma_start3A_957] : memref<16384x4096xf32, #tpu.memory_space<hbm>> -> memref<16384x4096xf32, #tpu.memory_space<hbm>>
    tpu.enqueue_indirect_dma source(%dma_start3A_958 : memref<16384x4096xf32, #tpu.memory_space<hbm>>) target(%dma_start3A_952 : memref<8x4096xf32, #tpu.memory_space<vmem>>) offsets(%dma_start3A_955 : memref<8xi32, #tpu.memory_space<vmem>>) semaphore(%arg13 : memref<!tpu.dma_semaphore, #tpu.memory_space<semaphore_mem>>)
    %dma_wait3A_959 = arith.constant 16 : i32
    %dma_wait3A_960 = arith.constant 0 : i32
    %dma_wait3A_961 = arith.constant 0 : i32
    %dma_wait3A_962 = arith.constant 0 : i32
    %dma_wait3A_963 = tpu.memref_slice %arg10[%dma_wait3A_960, %dma_wait3A_961, %dma_wait3A_962] : memref<2x8x4096xf32, #tpu.memory_space<vmem>> -> memref<1x8x4096xf32, #tpu.memory_space<vmem>>
    %dma_wait3A_964 = tpu.memref_squeeze %dma_wait3A_963 : memref<1x8x4096xf32, #tpu.memory_space<vmem>> -> memref<8x4096xf32, #tpu.memory_space<vmem>>
    %dma_wait3A_965 = arith.constant 0 : i32
    %dma_wait3A_966 = tpu.memref_slice %arg7[%dma_wait3A_959, %dma_wait3A_965] : memref<32x8xi32, #tpu.memory_space<vmem>> -> memref<1x8xi32, #tpu.memory_space<vmem>>
    %dma_wait3A_967 = tpu.memref_squeeze %dma_wait3A_966 : memref<1x8xi32, #tpu.memory_space<vmem>> -> memref<8xi32, #tpu.memory_space<vmem>>
    %dma_wait3A_968 = arith.constant 0 : i32
    %dma_wait3A_969 = arith.constant 0 : i32
    %dma_wait3A_970 = tpu.memref_slice %arg2[%dma_wait3A_968, %dma_wait3A_969] : memref<16384x4096xf32, #tpu.memory_space<hbm>> -> memref<16384x4096xf32, #tpu.memory_space<hbm>>
    tpu.wait_indirect_dma semaphore(%arg12 : memref<!tpu.dma_semaphore, #tpu.memory_space<semaphore_mem>>) src(%dma_wait3A_970 : memref<16384x4096xf32, #tpu.memory_space<hbm>>) dst(%dma_wait3A_964 : memref<8x4096xf32, #tpu.memory_space<vmem>>)
    %dma_wait3A_971 = arith.constant 0 : i32
    %dma_wait3A_972 = arith.constant 0 : i32
    %dma_wait3A_973 = tpu.memref_slice %arg11[%dma_wait3A_971, %dma_wait3A_972] : memref<2x16384xf32, #tpu.memory_space<vmem>> -> memref<1x16384xf32, #tpu.memory_space<vmem>>
    %dma_wait3A_974 = tpu.memref_squeeze %dma_wait3A_973 : memref<1x16384xf32, #tpu.memory_space<vmem>> -> memref<16384xf32, #tpu.memory_space<vmem>>
    %dma_wait3A_975 = arith.constant 0 : i32
    %dma_wait3A_976 = tpu.memref_slice %arg6[%add3A_873, %dma_wait3A_975] : memref<1024x16384xf32, #tpu.memory_space<hbm>> -> memref<1x16384xf32, #tpu.memory_space<hbm>>
    %dma_wait3A_977 = tpu.memref_squeeze %dma_wait3A_976 : memref<1x16384xf32, #tpu.memory_space<hbm>> -> memref<16384xf32, #tpu.memory_space<hbm>>
    %dma_wait3A_978 = arith.constant 0 : i32
    %dma_wait3A_979 = tpu.memref_slice %arg6[%add3A_873, %dma_wait3A_978] : memref<1024x16384xf32, #tpu.memory_space<hbm>> -> memref<1x16384xf32, #tpu.memory_space<hbm>>
    %dma_wait3A_980 = tpu.memref_squeeze %dma_wait3A_979 : memref<1x16384xf32, #tpu.memory_space<hbm>> -> memref<16384xf32, #tpu.memory_space<hbm>>
    %dma_wait3A_981 = arith.constant 0 : i32
    %dma_wait3A_982 = tpu.memref_slice %arg11[%dma_wait3A_971, %dma_wait3A_981] : memref<2x16384xf32, #tpu.memory_space<vmem>> -> memref<1x16384xf32, #tpu.memory_space<vmem>>
    %dma_wait3A_983 = tpu.memref_squeeze %dma_wait3A_982 : memref<1x16384xf32, #tpu.memory_space<vmem>> -> memref<16384xf32, #tpu.memory_space<vmem>>
    tpu.wait_dma2 semaphore(%arg14 : memref<!tpu.dma_semaphore, #tpu.memory_space<semaphore_mem>>) src(%dma_wait3A_983 : memref<16384xf32, #tpu.memory_space<vmem>>) dst(%dma_wait3A_980 : memref<16384xf32, #tpu.memory_space<hbm>>)
    %scan3A_984 = arith.constant 0 : i32
    %scan3A_985 = arith.constant 0 : i32
    %scan3A_986 = arith.constant 0 : i32
    %scan3A_987 = arith.constant 0 : i32
    %scan3A_988 = arith.constant 1024 : i32
    %scan3A_989 = arith.addi %scan3A_987, %scan3A_988 : i32
    %scan3A_990 = arith.constant 1 : i32
    scf.for %scan3A_1921 = %scan3A_987 to %scan3A_989 step %scan3A_990  : i32 {
      %shift_right_arithmetic3A = arith.constant 8 : i32
      %shift_right_arithmetic3A_1922 = arith.shrsi %scan3A_1921, %shift_right_arithmetic3A : i32
      %and3A = arith.constant 255 : i32
      %and3A_1923 = arith.andi %scan3A_1921, %and3A : i32
      %mul3A_1924 = arith.constant 16 : i32
      %mul3A_1925 = arith.muli %and3A_1923, %mul3A_1924 : i32
      %get3A_1926 = arith.index_cast %mul3A_1925 : i32 to index
      %get3A_1927 = tpu.vector_load %arg8[%get3A_1926] {strides = array<i32>} : memref<4096xi32, #tpu.memory_space<vmem>>, vector<16xi32>,
      %shift_right_arithmetic3A_1928 = arith.constant 12 : i32
      %shift_right_arithmetic3A_1929 = vector.broadcast %shift_right_arithmetic3A_1928 : i32 to vector<16xi32>
      %shift_right_arithmetic3A_1930 = arith.shrsi %get3A_1927, %shift_right_arithmetic3A_1929 : vector<16xi32>
      %mul3A_1931 = arith.constant 2 : i32
      %mul3A_1932 = arith.muli %mul3A_1931, %shift_right_arithmetic3A_1922 : i32
      %add3A_1933 = vector.broadcast %mul3A_1932 : i32 to vector<16xi32>
      %add3A_1934 = arith.addi %shift_right_arithmetic3A_1930, %add3A_1933 : vector<16xi32>
      %and3A_1935 = arith.constant 4095 : i32
      %and3A_1936 = vector.broadcast %and3A_1935 : i32 to vector<16xi32>
      %and3A_1937 = arith.andi %get3A_1927, %and3A_1936 : vector<16xi32>
      %gather3A = arith.constant 0 : i32
      %gather3A_1938 = arith.constant 0 : i32
      %gather3A_1939 = tpu.memref_slice %arg10[%scan3A_985, %gather3A, %gather3A_1938] : memref<2x8x4096xf32, #tpu.memory_space<vmem>> -> memref<1x8x4096xf32, #tpu.memory_space<vmem>>
      %gather3A_1940 = tpu.memref_squeeze %gather3A_1939 : memref<1x8x4096xf32, #tpu.memory_space<vmem>> -> memref<8x4096xf32, #tpu.memory_space<vmem>>
      %gather3A_1941 = tpu.vector_load_idx %gather3A_1940[%add3A_1934, %and3A_1937] : memref<8x4096xf32, #tpu.memory_space<vmem>>[vector<16xi32>, vector<16xi32>], vector<16xf32>,
      %mul3A_1942 = arith.mulf %gather3A_1941, %get3A_3 : vector<16xf32>
      %exp3A = math.exp %mul3A_1942 : vector<16xf32>
      %mul3A_1943 = arith.constant 4096 : i32
      %mul3A_1944 = arith.muli %shift_right_arithmetic3A_1922, %mul3A_1943 : i32
      %mul3A_1945 = arith.constant 16 : i32
      %mul3A_1946 = arith.muli %and3A_1923, %mul3A_1945 : i32
      %add3A_1947 = arith.addi %mul3A_1944, %mul3A_1946 : i32
      %swap3A = arith.constant 0 : i32
      %swap3A_1948 = tpu.memref_slice %arg11[%scan3A_986, %swap3A] : memref<2x16384xf32, #tpu.memory_space<vmem>> -> memref<1x16384xf32, #tpu.memory_space<vmem>>
      %swap3A_1949 = tpu.memref_squeeze %swap3A_1948 : memref<1x16384xf32, #tpu.memory_space<vmem>> -> memref<16384xf32, #tpu.memory_space<vmem>>
      %swap3A_1950 = arith.index_cast %add3A_1947 : i32 to index
      %swap3A_1951 = tpu.vector_load %swap3A_1949[%swap3A_1950] {strides = array<i32>} : memref<16384xf32, #tpu.memory_space<vmem>>, vector<16xf32>,
      tpu.vector_store %swap3A_1949[%swap3A_1950], %exp3A {strides = array<i32>} : memref<16384xf32, #tpu.memory_space<vmem>>, vector<16xf32>,
    }
    %scan3A_991 = arith.constant 1024 : i32
    %add3A_992 = arith.constant 16 : i32
    %add3A_993 = arith.addi %mul3A_2, %add3A_992 : i32
    %dma_start3A_994 = arith.constant 0 : i32
    %dma_start3A_995 = arith.constant 0 : i32
    %dma_start3A_996 = tpu.memref_slice %arg11[%dma_start3A_994, %dma_start3A_995] : memref<2x16384xf32, #tpu.memory_space<vmem>> -> memref<1x16384xf32, #tpu.memory_space<vmem>>
    %dma_start3A_997 = tpu.memref_squeeze %dma_start3A_996 : memref<1x16384xf32, #tpu.memory_space<vmem>> -> memref<16384xf32, #tpu.memory_space<vmem>>
    %dma_start3A_998 = arith.constant 0 : i32
    %dma_start3A_999 = tpu.memref_slice %arg6[%add3A_993, %dma_start3A_998] : memref<1024x16384xf32, #tpu.memory_space<hbm>> -> memref<1x16384xf32, #tpu.memory_space<hbm>>
    %dma_start3A_1000 = tpu.memref_squeeze %dma_start3A_999 : memref<1x16384xf32, #tpu.memory_space<hbm>> -> memref<16384xf32, #tpu.memory_space<hbm>>
    %dma_start3A_1001 = arith.constant 0 : i32
    %dma_start3A_1002 = tpu.memref_slice %arg6[%add3A_993, %dma_start3A_1001] : memref<1024x16384xf32, #tpu.memory_space<hbm>> -> memref<1x16384xf32, #tpu.memory_space<hbm>>
    %dma_start3A_1003 = tpu.memref_squeeze %dma_start3A_1002 : memref<1x16384xf32, #tpu.memory_space<hbm>> -> memref<16384xf32, #tpu.memory_space<hbm>>
    %dma_start3A_1004 = arith.constant 0 : i32
    %dma_start3A_1005 = tpu.memref_slice %arg11[%dma_start3A_994, %dma_start3A_1004] : memref<2x16384xf32, #tpu.memory_space<vmem>> -> memref<1x16384xf32, #tpu.memory_space<vmem>>
    %dma_start3A_1006 = tpu.memref_squeeze %dma_start3A_1005 : memref<1x16384xf32, #tpu.memory_space<vmem>> -> memref<16384xf32, #tpu.memory_space<vmem>>
    tpu.enqueue_dma source(%dma_start3A_1006 : memref<16384xf32, #tpu.memory_space<vmem>>) target(%dma_start3A_1003 : memref<16384xf32, #tpu.memory_space<hbm>>) target_semaphore(%arg14 : memref<!tpu.dma_semaphore, #tpu.memory_space<semaphore_mem>>)
    %dma_start3A_1007 = arith.constant 18 : i32
    %dma_start3A_1008 = arith.constant 0 : i32
    %dma_start3A_1009 = arith.constant 0 : i32
    %dma_start3A_1010 = arith.constant 0 : i32
    %dma_start3A_1011 = tpu.memref_slice %arg10[%dma_start3A_1008, %dma_start3A_1009, %dma_start3A_1010] : memref<2x8x4096xf32, #tpu.memory_space<vmem>> -> memref<1x8x4096xf32, #tpu.memory_space<vmem>>
    %dma_start3A_1012 = tpu.memref_squeeze %dma_start3A_1011 : memref<1x8x4096xf32, #tpu.memory_space<vmem>> -> memref<8x4096xf32, #tpu.memory_space<vmem>>
    %dma_start3A_1013 = arith.constant 0 : i32
    %dma_start3A_1014 = tpu.memref_slice %arg7[%dma_start3A_1007, %dma_start3A_1013] : memref<32x8xi32, #tpu.memory_space<vmem>> -> memref<1x8xi32, #tpu.memory_space<vmem>>
    %dma_start3A_1015 = tpu.memref_squeeze %dma_start3A_1014 : memref<1x8xi32, #tpu.memory_space<vmem>> -> memref<8xi32, #tpu.memory_space<vmem>>
    %dma_start3A_1016 = arith.constant 0 : i32
    %dma_start3A_1017 = arith.constant 0 : i32
    %dma_start3A_1018 = tpu.memref_slice %arg2[%dma_start3A_1016, %dma_start3A_1017] : memref<16384x4096xf32, #tpu.memory_space<hbm>> -> memref<16384x4096xf32, #tpu.memory_space<hbm>>
    tpu.enqueue_indirect_dma source(%dma_start3A_1018 : memref<16384x4096xf32, #tpu.memory_space<hbm>>) target(%dma_start3A_1012 : memref<8x4096xf32, #tpu.memory_space<vmem>>) offsets(%dma_start3A_1015 : memref<8xi32, #tpu.memory_space<vmem>>) semaphore(%arg12 : memref<!tpu.dma_semaphore, #tpu.memory_space<semaphore_mem>>)
    %dma_wait3A_1019 = arith.constant 17 : i32
    %dma_wait3A_1020 = arith.constant 1 : i32
    %dma_wait3A_1021 = arith.constant 0 : i32
    %dma_wait3A_1022 = arith.constant 0 : i32
    %dma_wait3A_1023 = tpu.memref_slice %arg10[%dma_wait3A_1020, %dma_wait3A_1021, %dma_wait3A_1022] : memref<2x8x4096xf32, #tpu.memory_space<vmem>> -> memref<1x8x4096xf32, #tpu.memory_space<vmem>>
    %dma_wait3A_1024 = tpu.memref_squeeze %dma_wait3A_1023 : memref<1x8x4096xf32, #tpu.memory_space<vmem>> -> memref<8x4096xf32, #tpu.memory_space<vmem>>
    %dma_wait3A_1025 = arith.constant 0 : i32
    %dma_wait3A_1026 = tpu.memref_slice %arg7[%dma_wait3A_1019, %dma_wait3A_1025] : memref<32x8xi32, #tpu.memory_space<vmem>> -> memref<1x8xi32, #tpu.memory_space<vmem>>
    %dma_wait3A_1027 = tpu.memref_squeeze %dma_wait3A_1026 : memref<1x8xi32, #tpu.memory_space<vmem>> -> memref<8xi32, #tpu.memory_space<vmem>>
    %dma_wait3A_1028 = arith.constant 0 : i32
    %dma_wait3A_1029 = arith.constant 0 : i32
    %dma_wait3A_1030 = tpu.memref_slice %arg2[%dma_wait3A_1028, %dma_wait3A_1029] : memref<16384x4096xf32, #tpu.memory_space<hbm>> -> memref<16384x4096xf32, #tpu.memory_space<hbm>>
    tpu.wait_indirect_dma semaphore(%arg13 : memref<!tpu.dma_semaphore, #tpu.memory_space<semaphore_mem>>) src(%dma_wait3A_1030 : memref<16384x4096xf32, #tpu.memory_space<hbm>>) dst(%dma_wait3A_1024 : memref<8x4096xf32, #tpu.memory_space<vmem>>)
    %dma_wait3A_1031 = arith.constant 1 : i32
    %dma_wait3A_1032 = arith.constant 0 : i32
    %dma_wait3A_1033 = tpu.memref_slice %arg11[%dma_wait3A_1031, %dma_wait3A_1032] : memref<2x16384xf32, #tpu.memory_space<vmem>> -> memref<1x16384xf32, #tpu.memory_space<vmem>>
    %dma_wait3A_1034 = tpu.memref_squeeze %dma_wait3A_1033 : memref<1x16384xf32, #tpu.memory_space<vmem>> -> memref<16384xf32, #tpu.memory_space<vmem>>
    %dma_wait3A_1035 = arith.constant 0 : i32
    %dma_wait3A_1036 = tpu.memref_slice %arg6[%add3A_933, %dma_wait3A_1035] : memref<1024x16384xf32, #tpu.memory_space<hbm>> -> memref<1x16384xf32, #tpu.memory_space<hbm>>
    %dma_wait3A_1037 = tpu.memref_squeeze %dma_wait3A_1036 : memref<1x16384xf32, #tpu.memory_space<hbm>> -> memref<16384xf32, #tpu.memory_space<hbm>>
    %dma_wait3A_1038 = arith.constant 0 : i32
    %dma_wait3A_1039 = tpu.memref_slice %arg6[%add3A_933, %dma_wait3A_1038] : memref<1024x16384xf32, #tpu.memory_space<hbm>> -> memref<1x16384xf32, #tpu.memory_space<hbm>>
    %dma_wait3A_1040 = tpu.memref_squeeze %dma_wait3A_1039 : memref<1x16384xf32, #tpu.memory_space<hbm>> -> memref<16384xf32, #tpu.memory_space<hbm>>
    %dma_wait3A_1041 = arith.constant 0 : i32
    %dma_wait3A_1042 = tpu.memref_slice %arg11[%dma_wait3A_1031, %dma_wait3A_1041] : memref<2x16384xf32, #tpu.memory_space<vmem>> -> memref<1x16384xf32, #tpu.memory_space<vmem>>
    %dma_wait3A_1043 = tpu.memref_squeeze %dma_wait3A_1042 : memref<1x16384xf32, #tpu.memory_space<vmem>> -> memref<16384xf32, #tpu.memory_space<vmem>>
    tpu.wait_dma2 semaphore(%arg15 : memref<!tpu.dma_semaphore, #tpu.memory_space<semaphore_mem>>) src(%dma_wait3A_1043 : memref<16384xf32, #tpu.memory_space<vmem>>) dst(%dma_wait3A_1040 : memref<16384xf32, #tpu.memory_space<hbm>>)
    %scan3A_1044 = arith.constant 0 : i32
    %scan3A_1045 = arith.constant 1 : i32
    %scan3A_1046 = arith.constant 1 : i32
    %scan3A_1047 = arith.constant 0 : i32
    %scan3A_1048 = arith.constant 1024 : i32
    %scan3A_1049 = arith.addi %scan3A_1047, %scan3A_1048 : i32
    %scan3A_1050 = arith.constant 1 : i32
    scf.for %scan3A_1921 = %scan3A_1047 to %scan3A_1049 step %scan3A_1050  : i32 {
      %shift_right_arithmetic3A = arith.constant 8 : i32
      %shift_right_arithmetic3A_1922 = arith.shrsi %scan3A_1921, %shift_right_arithmetic3A : i32
      %and3A = arith.constant 255 : i32
      %and3A_1923 = arith.andi %scan3A_1921, %and3A : i32
      %mul3A_1924 = arith.constant 16 : i32
      %mul3A_1925 = arith.muli %and3A_1923, %mul3A_1924 : i32
      %get3A_1926 = arith.index_cast %mul3A_1925 : i32 to index
      %get3A_1927 = tpu.vector_load %arg8[%get3A_1926] {strides = array<i32>} : memref<4096xi32, #tpu.memory_space<vmem>>, vector<16xi32>,
      %shift_right_arithmetic3A_1928 = arith.constant 12 : i32
      %shift_right_arithmetic3A_1929 = vector.broadcast %shift_right_arithmetic3A_1928 : i32 to vector<16xi32>
      %shift_right_arithmetic3A_1930 = arith.shrsi %get3A_1927, %shift_right_arithmetic3A_1929 : vector<16xi32>
      %mul3A_1931 = arith.constant 2 : i32
      %mul3A_1932 = arith.muli %mul3A_1931, %shift_right_arithmetic3A_1922 : i32
      %add3A_1933 = vector.broadcast %mul3A_1932 : i32 to vector<16xi32>
      %add3A_1934 = arith.addi %shift_right_arithmetic3A_1930, %add3A_1933 : vector<16xi32>
      %and3A_1935 = arith.constant 4095 : i32
      %and3A_1936 = vector.broadcast %and3A_1935 : i32 to vector<16xi32>
      %and3A_1937 = arith.andi %get3A_1927, %and3A_1936 : vector<16xi32>
      %gather3A = arith.constant 0 : i32
      %gather3A_1938 = arith.constant 0 : i32
      %gather3A_1939 = tpu.memref_slice %arg10[%scan3A_1045, %gather3A, %gather3A_1938] : memref<2x8x4096xf32, #tpu.memory_space<vmem>> -> memref<1x8x4096xf32, #tpu.memory_space<vmem>>
      %gather3A_1940 = tpu.memref_squeeze %gather3A_1939 : memref<1x8x4096xf32, #tpu.memory_space<vmem>> -> memref<8x4096xf32, #tpu.memory_space<vmem>>
      %gather3A_1941 = tpu.vector_load_idx %gather3A_1940[%add3A_1934, %and3A_1937] : memref<8x4096xf32, #tpu.memory_space<vmem>>[vector<16xi32>, vector<16xi32>], vector<16xf32>,
      %mul3A_1942 = arith.mulf %gather3A_1941, %get3A_3 : vector<16xf32>
      %exp3A = math.exp %mul3A_1942 : vector<16xf32>
      %mul3A_1943 = arith.constant 4096 : i32
      %mul3A_1944 = arith.muli %shift_right_arithmetic3A_1922, %mul3A_1943 : i32
      %mul3A_1945 = arith.constant 16 : i32
      %mul3A_1946 = arith.muli %and3A_1923, %mul3A_1945 : i32
      %add3A_1947 = arith.addi %mul3A_1944, %mul3A_1946 : i32
      %swap3A = arith.constant 0 : i32
      %swap3A_1948 = tpu.memref_slice %arg11[%scan3A_1046, %swap3A] : memref<2x16384xf32, #tpu.memory_space<vmem>> -> memref<1x16384xf32, #tpu.memory_space<vmem>>
      %swap3A_1949 = tpu.memref_squeeze %swap3A_1948 : memref<1x16384xf32, #tpu.memory_space<vmem>> -> memref<16384xf32, #tpu.memory_space<vmem>>
      %swap3A_1950 = arith.index_cast %add3A_1947 : i32 to index
      %swap3A_1951 = tpu.vector_load %swap3A_1949[%swap3A_1950] {strides = array<i32>} : memref<16384xf32, #tpu.memory_space<vmem>>, vector<16xf32>,
      tpu.vector_store %swap3A_1949[%swap3A_1950], %exp3A {strides = array<i32>} : memref<16384xf32, #tpu.memory_space<vmem>>, vector<16xf32>,
    }
    %scan3A_1051 = arith.constant 1024 : i32
    %add3A_1052 = arith.constant 17 : i32
    %add3A_1053 = arith.addi %mul3A_2, %add3A_1052 : i32
    %dma_start3A_1054 = arith.constant 1 : i32
    %dma_start3A_1055 = arith.constant 0 : i32
    %dma_start3A_1056 = tpu.memref_slice %arg11[%dma_start3A_1054, %dma_start3A_1055] : memref<2x16384xf32, #tpu.memory_space<vmem>> -> memref<1x16384xf32, #tpu.memory_space<vmem>>
    %dma_start3A_1057 = tpu.memref_squeeze %dma_start3A_1056 : memref<1x16384xf32, #tpu.memory_space<vmem>> -> memref<16384xf32, #tpu.memory_space<vmem>>
    %dma_start3A_1058 = arith.constant 0 : i32
    %dma_start3A_1059 = tpu.memref_slice %arg6[%add3A_1053, %dma_start3A_1058] : memref<1024x16384xf32, #tpu.memory_space<hbm>> -> memref<1x16384xf32, #tpu.memory_space<hbm>>
    %dma_start3A_1060 = tpu.memref_squeeze %dma_start3A_1059 : memref<1x16384xf32, #tpu.memory_space<hbm>> -> memref<16384xf32, #tpu.memory_space<hbm>>
    %dma_start3A_1061 = arith.constant 0 : i32
    %dma_start3A_1062 = tpu.memref_slice %arg6[%add3A_1053, %dma_start3A_1061] : memref<1024x16384xf32, #tpu.memory_space<hbm>> -> memref<1x16384xf32, #tpu.memory_space<hbm>>
    %dma_start3A_1063 = tpu.memref_squeeze %dma_start3A_1062 : memref<1x16384xf32, #tpu.memory_space<hbm>> -> memref<16384xf32, #tpu.memory_space<hbm>>
    %dma_start3A_1064 = arith.constant 0 : i32
    %dma_start3A_1065 = tpu.memref_slice %arg11[%dma_start3A_1054, %dma_start3A_1064] : memref<2x16384xf32, #tpu.memory_space<vmem>> -> memref<1x16384xf32, #tpu.memory_space<vmem>>
    %dma_start3A_1066 = tpu.memref_squeeze %dma_start3A_1065 : memref<1x16384xf32, #tpu.memory_space<vmem>> -> memref<16384xf32, #tpu.memory_space<vmem>>
    tpu.enqueue_dma source(%dma_start3A_1066 : memref<16384xf32, #tpu.memory_space<vmem>>) target(%dma_start3A_1063 : memref<16384xf32, #tpu.memory_space<hbm>>) target_semaphore(%arg15 : memref<!tpu.dma_semaphore, #tpu.memory_space<semaphore_mem>>)
    %dma_start3A_1067 = arith.constant 19 : i32
    %dma_start3A_1068 = arith.constant 1 : i32
    %dma_start3A_1069 = arith.constant 0 : i32
    %dma_start3A_1070 = arith.constant 0 : i32
    %dma_start3A_1071 = tpu.memref_slice %arg10[%dma_start3A_1068, %dma_start3A_1069, %dma_start3A_1070] : memref<2x8x4096xf32, #tpu.memory_space<vmem>> -> memref<1x8x4096xf32, #tpu.memory_space<vmem>>
    %dma_start3A_1072 = tpu.memref_squeeze %dma_start3A_1071 : memref<1x8x4096xf32, #tpu.memory_space<vmem>> -> memref<8x4096xf32, #tpu.memory_space<vmem>>
    %dma_start3A_1073 = arith.constant 0 : i32
    %dma_start3A_1074 = tpu.memref_slice %arg7[%dma_start3A_1067, %dma_start3A_1073] : memref<32x8xi32, #tpu.memory_space<vmem>> -> memref<1x8xi32, #tpu.memory_space<vmem>>
    %dma_start3A_1075 = tpu.memref_squeeze %dma_start3A_1074 : memref<1x8xi32, #tpu.memory_space<vmem>> -> memref<8xi32, #tpu.memory_space<vmem>>
    %dma_start3A_1076 = arith.constant 0 : i32
    %dma_start3A_1077 = arith.constant 0 : i32
    %dma_start3A_1078 = tpu.memref_slice %arg2[%dma_start3A_1076, %dma_start3A_1077] : memref<16384x4096xf32, #tpu.memory_space<hbm>> -> memref<16384x4096xf32, #tpu.memory_space<hbm>>
    tpu.enqueue_indirect_dma source(%dma_start3A_1078 : memref<16384x4096xf32, #tpu.memory_space<hbm>>) target(%dma_start3A_1072 : memref<8x4096xf32, #tpu.memory_space<vmem>>) offsets(%dma_start3A_1075 : memref<8xi32, #tpu.memory_space<vmem>>) semaphore(%arg13 : memref<!tpu.dma_semaphore, #tpu.memory_space<semaphore_mem>>)
    %dma_wait3A_1079 = arith.constant 18 : i32
    %dma_wait3A_1080 = arith.constant 0 : i32
    %dma_wait3A_1081 = arith.constant 0 : i32
    %dma_wait3A_1082 = arith.constant 0 : i32
    %dma_wait3A_1083 = tpu.memref_slice %arg10[%dma_wait3A_1080, %dma_wait3A_1081, %dma_wait3A_1082] : memref<2x8x4096xf32, #tpu.memory_space<vmem>> -> memref<1x8x4096xf32, #tpu.memory_space<vmem>>
    %dma_wait3A_1084 = tpu.memref_squeeze %dma_wait3A_1083 : memref<1x8x4096xf32, #tpu.memory_space<vmem>> -> memref<8x4096xf32, #tpu.memory_space<vmem>>
    %dma_wait3A_1085 = arith.constant 0 : i32
    %dma_wait3A_1086 = tpu.memref_slice %arg7[%dma_wait3A_1079, %dma_wait3A_1085] : memref<32x8xi32, #tpu.memory_space<vmem>> -> memref<1x8xi32, #tpu.memory_space<vmem>>
    %dma_wait3A_1087 = tpu.memref_squeeze %dma_wait3A_1086 : memref<1x8xi32, #tpu.memory_space<vmem>> -> memref<8xi32, #tpu.memory_space<vmem>>
    %dma_wait3A_1088 = arith.constant 0 : i32
    %dma_wait3A_1089 = arith.constant 0 : i32
    %dma_wait3A_1090 = tpu.memref_slice %arg2[%dma_wait3A_1088, %dma_wait3A_1089] : memref<16384x4096xf32, #tpu.memory_space<hbm>> -> memref<16384x4096xf32, #tpu.memory_space<hbm>>
    tpu.wait_indirect_dma semaphore(%arg12 : memref<!tpu.dma_semaphore, #tpu.memory_space<semaphore_mem>>) src(%dma_wait3A_1090 : memref<16384x4096xf32, #tpu.memory_space<hbm>>) dst(%dma_wait3A_1084 : memref<8x4096xf32, #tpu.memory_space<vmem>>)
    %dma_wait3A_1091 = arith.constant 0 : i32
    %dma_wait3A_1092 = arith.constant 0 : i32
    %dma_wait3A_1093 = tpu.memref_slice %arg11[%dma_wait3A_1091, %dma_wait3A_1092] : memref<2x16384xf32, #tpu.memory_space<vmem>> -> memref<1x16384xf32, #tpu.memory_space<vmem>>
    %dma_wait3A_1094 = tpu.memref_squeeze %dma_wait3A_1093 : memref<1x16384xf32, #tpu.memory_space<vmem>> -> memref<16384xf32, #tpu.memory_space<vmem>>
    %dma_wait3A_1095 = arith.constant 0 : i32
    %dma_wait3A_1096 = tpu.memref_slice %arg6[%add3A_993, %dma_wait3A_1095] : memref<1024x16384xf32, #tpu.memory_space<hbm>> -> memref<1x16384xf32, #tpu.memory_space<hbm>>
    %dma_wait3A_1097 = tpu.memref_squeeze %dma_wait3A_1096 : memref<1x16384xf32, #tpu.memory_space<hbm>> -> memref<16384xf32, #tpu.memory_space<hbm>>
    %dma_wait3A_1098 = arith.constant 0 : i32
    %dma_wait3A_1099 = tpu.memref_slice %arg6[%add3A_993, %dma_wait3A_1098] : memref<1024x16384xf32, #tpu.memory_space<hbm>> -> memref<1x16384xf32, #tpu.memory_space<hbm>>
    %dma_wait3A_1100 = tpu.memref_squeeze %dma_wait3A_1099 : memref<1x16384xf32, #tpu.memory_space<hbm>> -> memref<16384xf32, #tpu.memory_space<hbm>>
    %dma_wait3A_1101 = arith.constant 0 : i32
    %dma_wait3A_1102 = tpu.memref_slice %arg11[%dma_wait3A_1091, %dma_wait3A_1101] : memref<2x16384xf32, #tpu.memory_space<vmem>> -> memref<1x16384xf32, #tpu.memory_space<vmem>>
    %dma_wait3A_1103 = tpu.memref_squeeze %dma_wait3A_1102 : memref<1x16384xf32, #tpu.memory_space<vmem>> -> memref<16384xf32, #tpu.memory_space<vmem>>
    tpu.wait_dma2 semaphore(%arg14 : memref<!tpu.dma_semaphore, #tpu.memory_space<semaphore_mem>>) src(%dma_wait3A_1103 : memref<16384xf32, #tpu.memory_space<vmem>>) dst(%dma_wait3A_1100 : memref<16384xf32, #tpu.memory_space<hbm>>)
    %scan3A_1104 = arith.constant 0 : i32
    %scan3A_1105 = arith.constant 0 : i32
    %scan3A_1106 = arith.constant 0 : i32
    %scan3A_1107 = arith.constant 0 : i32
    %scan3A_1108 = arith.constant 1024 : i32
    %scan3A_1109 = arith.addi %scan3A_1107, %scan3A_1108 : i32
    %scan3A_1110 = arith.constant 1 : i32
    scf.for %scan3A_1921 = %scan3A_1107 to %scan3A_1109 step %scan3A_1110  : i32 {
      %shift_right_arithmetic3A = arith.constant 8 : i32
      %shift_right_arithmetic3A_1922 = arith.shrsi %scan3A_1921, %shift_right_arithmetic3A : i32
      %and3A = arith.constant 255 : i32
      %and3A_1923 = arith.andi %scan3A_1921, %and3A : i32
      %mul3A_1924 = arith.constant 16 : i32
      %mul3A_1925 = arith.muli %and3A_1923, %mul3A_1924 : i32
      %get3A_1926 = arith.index_cast %mul3A_1925 : i32 to index
      %get3A_1927 = tpu.vector_load %arg8[%get3A_1926] {strides = array<i32>} : memref<4096xi32, #tpu.memory_space<vmem>>, vector<16xi32>,
      %shift_right_arithmetic3A_1928 = arith.constant 12 : i32
      %shift_right_arithmetic3A_1929 = vector.broadcast %shift_right_arithmetic3A_1928 : i32 to vector<16xi32>
      %shift_right_arithmetic3A_1930 = arith.shrsi %get3A_1927, %shift_right_arithmetic3A_1929 : vector<16xi32>
      %mul3A_1931 = arith.constant 2 : i32
      %mul3A_1932 = arith.muli %mul3A_1931, %shift_right_arithmetic3A_1922 : i32
      %add3A_1933 = vector.broadcast %mul3A_1932 : i32 to vector<16xi32>
      %add3A_1934 = arith.addi %shift_right_arithmetic3A_1930, %add3A_1933 : vector<16xi32>
      %and3A_1935 = arith.constant 4095 : i32
      %and3A_1936 = vector.broadcast %and3A_1935 : i32 to vector<16xi32>
      %and3A_1937 = arith.andi %get3A_1927, %and3A_1936 : vector<16xi32>
      %gather3A = arith.constant 0 : i32
      %gather3A_1938 = arith.constant 0 : i32
      %gather3A_1939 = tpu.memref_slice %arg10[%scan3A_1105, %gather3A, %gather3A_1938] : memref<2x8x4096xf32, #tpu.memory_space<vmem>> -> memref<1x8x4096xf32, #tpu.memory_space<vmem>>
      %gather3A_1940 = tpu.memref_squeeze %gather3A_1939 : memref<1x8x4096xf32, #tpu.memory_space<vmem>> -> memref<8x4096xf32, #tpu.memory_space<vmem>>
      %gather3A_1941 = tpu.vector_load_idx %gather3A_1940[%add3A_1934, %and3A_1937] : memref<8x4096xf32, #tpu.memory_space<vmem>>[vector<16xi32>, vector<16xi32>], vector<16xf32>,
      %mul3A_1942 = arith.mulf %gather3A_1941, %get3A_3 : vector<16xf32>
      %exp3A = math.exp %mul3A_1942 : vector<16xf32>
      %mul3A_1943 = arith.constant 4096 : i32
      %mul3A_1944 = arith.muli %shift_right_arithmetic3A_1922, %mul3A_1943 : i32
      %mul3A_1945 = arith.constant 16 : i32
      %mul3A_1946 = arith.muli %and3A_1923, %mul3A_1945 : i32
      %add3A_1947 = arith.addi %mul3A_1944, %mul3A_1946 : i32
      %swap3A = arith.constant 0 : i32
      %swap3A_1948 = tpu.memref_slice %arg11[%scan3A_1106, %swap3A] : memref<2x16384xf32, #tpu.memory_space<vmem>> -> memref<1x16384xf32, #tpu.memory_space<vmem>>
      %swap3A_1949 = tpu.memref_squeeze %swap3A_1948 : memref<1x16384xf32, #tpu.memory_space<vmem>> -> memref<16384xf32, #tpu.memory_space<vmem>>
      %swap3A_1950 = arith.index_cast %add3A_1947 : i32 to index
      %swap3A_1951 = tpu.vector_load %swap3A_1949[%swap3A_1950] {strides = array<i32>} : memref<16384xf32, #tpu.memory_space<vmem>>, vector<16xf32>,
      tpu.vector_store %swap3A_1949[%swap3A_1950], %exp3A {strides = array<i32>} : memref<16384xf32, #tpu.memory_space<vmem>>, vector<16xf32>,
    }
    %scan3A_1111 = arith.constant 1024 : i32
    %add3A_1112 = arith.constant 18 : i32
    %add3A_1113 = arith.addi %mul3A_2, %add3A_1112 : i32
    %dma_start3A_1114 = arith.constant 0 : i32
    %dma_start3A_1115 = arith.constant 0 : i32
    %dma_start3A_1116 = tpu.memref_slice %arg11[%dma_start3A_1114, %dma_start3A_1115] : memref<2x16384xf32, #tpu.memory_space<vmem>> -> memref<1x16384xf32, #tpu.memory_space<vmem>>
    %dma_start3A_1117 = tpu.memref_squeeze %dma_start3A_1116 : memref<1x16384xf32, #tpu.memory_space<vmem>> -> memref<16384xf32, #tpu.memory_space<vmem>>
    %dma_start3A_1118 = arith.constant 0 : i32
    %dma_start3A_1119 = tpu.memref_slice %arg6[%add3A_1113, %dma_start3A_1118] : memref<1024x16384xf32, #tpu.memory_space<hbm>> -> memref<1x16384xf32, #tpu.memory_space<hbm>>
    %dma_start3A_1120 = tpu.memref_squeeze %dma_start3A_1119 : memref<1x16384xf32, #tpu.memory_space<hbm>> -> memref<16384xf32, #tpu.memory_space<hbm>>
    %dma_start3A_1121 = arith.constant 0 : i32
    %dma_start3A_1122 = tpu.memref_slice %arg6[%add3A_1113, %dma_start3A_1121] : memref<1024x16384xf32, #tpu.memory_space<hbm>> -> memref<1x16384xf32, #tpu.memory_space<hbm>>
    %dma_start3A_1123 = tpu.memref_squeeze %dma_start3A_1122 : memref<1x16384xf32, #tpu.memory_space<hbm>> -> memref<16384xf32, #tpu.memory_space<hbm>>
    %dma_start3A_1124 = arith.constant 0 : i32
    %dma_start3A_1125 = tpu.memref_slice %arg11[%dma_start3A_1114, %dma_start3A_1124] : memref<2x16384xf32, #tpu.memory_space<vmem>> -> memref<1x16384xf32, #tpu.memory_space<vmem>>
    %dma_start3A_1126 = tpu.memref_squeeze %dma_start3A_1125 : memref<1x16384xf32, #tpu.memory_space<vmem>> -> memref<16384xf32, #tpu.memory_space<vmem>>
    tpu.enqueue_dma source(%dma_start3A_1126 : memref<16384xf32, #tpu.memory_space<vmem>>) target(%dma_start3A_1123 : memref<16384xf32, #tpu.memory_space<hbm>>) target_semaphore(%arg14 : memref<!tpu.dma_semaphore, #tpu.memory_space<semaphore_mem>>)
    %dma_start3A_1127 = arith.constant 20 : i32
    %dma_start3A_1128 = arith.constant 0 : i32
    %dma_start3A_1129 = arith.constant 0 : i32
    %dma_start3A_1130 = arith.constant 0 : i32
    %dma_start3A_1131 = tpu.memref_slice %arg10[%dma_start3A_1128, %dma_start3A_1129, %dma_start3A_1130] : memref<2x8x4096xf32, #tpu.memory_space<vmem>> -> memref<1x8x4096xf32, #tpu.memory_space<vmem>>
    %dma_start3A_1132 = tpu.memref_squeeze %dma_start3A_1131 : memref<1x8x4096xf32, #tpu.memory_space<vmem>> -> memref<8x4096xf32, #tpu.memory_space<vmem>>
    %dma_start3A_1133 = arith.constant 0 : i32
    %dma_start3A_1134 = tpu.memref_slice %arg7[%dma_start3A_1127, %dma_start3A_1133] : memref<32x8xi32, #tpu.memory_space<vmem>> -> memref<1x8xi32, #tpu.memory_space<vmem>>
    %dma_start3A_1135 = tpu.memref_squeeze %dma_start3A_1134 : memref<1x8xi32, #tpu.memory_space<vmem>> -> memref<8xi32, #tpu.memory_space<vmem>>
    %dma_start3A_1136 = arith.constant 0 : i32
    %dma_start3A_1137 = arith.constant 0 : i32
    %dma_start3A_1138 = tpu.memref_slice %arg2[%dma_start3A_1136, %dma_start3A_1137] : memref<16384x4096xf32, #tpu.memory_space<hbm>> -> memref<16384x4096xf32, #tpu.memory_space<hbm>>
    tpu.enqueue_indirect_dma source(%dma_start3A_1138 : memref<16384x4096xf32, #tpu.memory_space<hbm>>) target(%dma_start3A_1132 : memref<8x4096xf32, #tpu.memory_space<vmem>>) offsets(%dma_start3A_1135 : memref<8xi32, #tpu.memory_space<vmem>>) semaphore(%arg12 : memref<!tpu.dma_semaphore, #tpu.memory_space<semaphore_mem>>)
    %dma_wait3A_1139 = arith.constant 19 : i32
    %dma_wait3A_1140 = arith.constant 1 : i32
    %dma_wait3A_1141 = arith.constant 0 : i32
    %dma_wait3A_1142 = arith.constant 0 : i32
    %dma_wait3A_1143 = tpu.memref_slice %arg10[%dma_wait3A_1140, %dma_wait3A_1141, %dma_wait3A_1142] : memref<2x8x4096xf32, #tpu.memory_space<vmem>> -> memref<1x8x4096xf32, #tpu.memory_space<vmem>>
    %dma_wait3A_1144 = tpu.memref_squeeze %dma_wait3A_1143 : memref<1x8x4096xf32, #tpu.memory_space<vmem>> -> memref<8x4096xf32, #tpu.memory_space<vmem>>
    %dma_wait3A_1145 = arith.constant 0 : i32
    %dma_wait3A_1146 = tpu.memref_slice %arg7[%dma_wait3A_1139, %dma_wait3A_1145] : memref<32x8xi32, #tpu.memory_space<vmem>> -> memref<1x8xi32, #tpu.memory_space<vmem>>
    %dma_wait3A_1147 = tpu.memref_squeeze %dma_wait3A_1146 : memref<1x8xi32, #tpu.memory_space<vmem>> -> memref<8xi32, #tpu.memory_space<vmem>>
    %dma_wait3A_1148 = arith.constant 0 : i32
    %dma_wait3A_1149 = arith.constant 0 : i32
    %dma_wait3A_1150 = tpu.memref_slice %arg2[%dma_wait3A_1148, %dma_wait3A_1149] : memref<16384x4096xf32, #tpu.memory_space<hbm>> -> memref<16384x4096xf32, #tpu.memory_space<hbm>>
    tpu.wait_indirect_dma semaphore(%arg13 : memref<!tpu.dma_semaphore, #tpu.memory_space<semaphore_mem>>) src(%dma_wait3A_1150 : memref<16384x4096xf32, #tpu.memory_space<hbm>>) dst(%dma_wait3A_1144 : memref<8x4096xf32, #tpu.memory_space<vmem>>)
    %dma_wait3A_1151 = arith.constant 1 : i32
    %dma_wait3A_1152 = arith.constant 0 : i32
    %dma_wait3A_1153 = tpu.memref_slice %arg11[%dma_wait3A_1151, %dma_wait3A_1152] : memref<2x16384xf32, #tpu.memory_space<vmem>> -> memref<1x16384xf32, #tpu.memory_space<vmem>>
    %dma_wait3A_1154 = tpu.memref_squeeze %dma_wait3A_1153 : memref<1x16384xf32, #tpu.memory_space<vmem>> -> memref<16384xf32, #tpu.memory_space<vmem>>
    %dma_wait3A_1155 = arith.constant 0 : i32
    %dma_wait3A_1156 = tpu.memref_slice %arg6[%add3A_1053, %dma_wait3A_1155] : memref<1024x16384xf32, #tpu.memory_space<hbm>> -> memref<1x16384xf32, #tpu.memory_space<hbm>>
    %dma_wait3A_1157 = tpu.memref_squeeze %dma_wait3A_1156 : memref<1x16384xf32, #tpu.memory_space<hbm>> -> memref<16384xf32, #tpu.memory_space<hbm>>
    %dma_wait3A_1158 = arith.constant 0 : i32
    %dma_wait3A_1159 = tpu.memref_slice %arg6[%add3A_1053, %dma_wait3A_1158] : memref<1024x16384xf32, #tpu.memory_space<hbm>> -> memref<1x16384xf32, #tpu.memory_space<hbm>>
    %dma_wait3A_1160 = tpu.memref_squeeze %dma_wait3A_1159 : memref<1x16384xf32, #tpu.memory_space<hbm>> -> memref<16384xf32, #tpu.memory_space<hbm>>
    %dma_wait3A_1161 = arith.constant 0 : i32
    %dma_wait3A_1162 = tpu.memref_slice %arg11[%dma_wait3A_1151, %dma_wait3A_1161] : memref<2x16384xf32, #tpu.memory_space<vmem>> -> memref<1x16384xf32, #tpu.memory_space<vmem>>
    %dma_wait3A_1163 = tpu.memref_squeeze %dma_wait3A_1162 : memref<1x16384xf32, #tpu.memory_space<vmem>> -> memref<16384xf32, #tpu.memory_space<vmem>>
    tpu.wait_dma2 semaphore(%arg15 : memref<!tpu.dma_semaphore, #tpu.memory_space<semaphore_mem>>) src(%dma_wait3A_1163 : memref<16384xf32, #tpu.memory_space<vmem>>) dst(%dma_wait3A_1160 : memref<16384xf32, #tpu.memory_space<hbm>>)
    %scan3A_1164 = arith.constant 0 : i32
    %scan3A_1165 = arith.constant 1 : i32
    %scan3A_1166 = arith.constant 1 : i32
    %scan3A_1167 = arith.constant 0 : i32
    %scan3A_1168 = arith.constant 1024 : i32
    %scan3A_1169 = arith.addi %scan3A_1167, %scan3A_1168 : i32
    %scan3A_1170 = arith.constant 1 : i32
    scf.for %scan3A_1921 = %scan3A_1167 to %scan3A_1169 step %scan3A_1170  : i32 {
      %shift_right_arithmetic3A = arith.constant 8 : i32
      %shift_right_arithmetic3A_1922 = arith.shrsi %scan3A_1921, %shift_right_arithmetic3A : i32
      %and3A = arith.constant 255 : i32
      %and3A_1923 = arith.andi %scan3A_1921, %and3A : i32
      %mul3A_1924 = arith.constant 16 : i32
      %mul3A_1925 = arith.muli %and3A_1923, %mul3A_1924 : i32
      %get3A_1926 = arith.index_cast %mul3A_1925 : i32 to index
      %get3A_1927 = tpu.vector_load %arg8[%get3A_1926] {strides = array<i32>} : memref<4096xi32, #tpu.memory_space<vmem>>, vector<16xi32>,
      %shift_right_arithmetic3A_1928 = arith.constant 12 : i32
      %shift_right_arithmetic3A_1929 = vector.broadcast %shift_right_arithmetic3A_1928 : i32 to vector<16xi32>
      %shift_right_arithmetic3A_1930 = arith.shrsi %get3A_1927, %shift_right_arithmetic3A_1929 : vector<16xi32>
      %mul3A_1931 = arith.constant 2 : i32
      %mul3A_1932 = arith.muli %mul3A_1931, %shift_right_arithmetic3A_1922 : i32
      %add3A_1933 = vector.broadcast %mul3A_1932 : i32 to vector<16xi32>
      %add3A_1934 = arith.addi %shift_right_arithmetic3A_1930, %add3A_1933 : vector<16xi32>
      %and3A_1935 = arith.constant 4095 : i32
      %and3A_1936 = vector.broadcast %and3A_1935 : i32 to vector<16xi32>
      %and3A_1937 = arith.andi %get3A_1927, %and3A_1936 : vector<16xi32>
      %gather3A = arith.constant 0 : i32
      %gather3A_1938 = arith.constant 0 : i32
      %gather3A_1939 = tpu.memref_slice %arg10[%scan3A_1165, %gather3A, %gather3A_1938] : memref<2x8x4096xf32, #tpu.memory_space<vmem>> -> memref<1x8x4096xf32, #tpu.memory_space<vmem>>
      %gather3A_1940 = tpu.memref_squeeze %gather3A_1939 : memref<1x8x4096xf32, #tpu.memory_space<vmem>> -> memref<8x4096xf32, #tpu.memory_space<vmem>>
      %gather3A_1941 = tpu.vector_load_idx %gather3A_1940[%add3A_1934, %and3A_1937] : memref<8x4096xf32, #tpu.memory_space<vmem>>[vector<16xi32>, vector<16xi32>], vector<16xf32>,
      %mul3A_1942 = arith.mulf %gather3A_1941, %get3A_3 : vector<16xf32>
      %exp3A = math.exp %mul3A_1942 : vector<16xf32>
      %mul3A_1943 = arith.constant 4096 : i32
      %mul3A_1944 = arith.muli %shift_right_arithmetic3A_1922, %mul3A_1943 : i32
      %mul3A_1945 = arith.constant 16 : i32
      %mul3A_1946 = arith.muli %and3A_1923, %mul3A_1945 : i32
      %add3A_1947 = arith.addi %mul3A_1944, %mul3A_1946 : i32
      %swap3A = arith.constant 0 : i32
      %swap3A_1948 = tpu.memref_slice %arg11[%scan3A_1166, %swap3A] : memref<2x16384xf32, #tpu.memory_space<vmem>> -> memref<1x16384xf32, #tpu.memory_space<vmem>>
      %swap3A_1949 = tpu.memref_squeeze %swap3A_1948 : memref<1x16384xf32, #tpu.memory_space<vmem>> -> memref<16384xf32, #tpu.memory_space<vmem>>
      %swap3A_1950 = arith.index_cast %add3A_1947 : i32 to index
      %swap3A_1951 = tpu.vector_load %swap3A_1949[%swap3A_1950] {strides = array<i32>} : memref<16384xf32, #tpu.memory_space<vmem>>, vector<16xf32>,
      tpu.vector_store %swap3A_1949[%swap3A_1950], %exp3A {strides = array<i32>} : memref<16384xf32, #tpu.memory_space<vmem>>, vector<16xf32>,
    }
    %scan3A_1171 = arith.constant 1024 : i32
    %add3A_1172 = arith.constant 19 : i32
    %add3A_1173 = arith.addi %mul3A_2, %add3A_1172 : i32
    %dma_start3A_1174 = arith.constant 1 : i32
    %dma_start3A_1175 = arith.constant 0 : i32
    %dma_start3A_1176 = tpu.memref_slice %arg11[%dma_start3A_1174, %dma_start3A_1175] : memref<2x16384xf32, #tpu.memory_space<vmem>> -> memref<1x16384xf32, #tpu.memory_space<vmem>>
    %dma_start3A_1177 = tpu.memref_squeeze %dma_start3A_1176 : memref<1x16384xf32, #tpu.memory_space<vmem>> -> memref<16384xf32, #tpu.memory_space<vmem>>
    %dma_start3A_1178 = arith.constant 0 : i32
    %dma_start3A_1179 = tpu.memref_slice %arg6[%add3A_1173, %dma_start3A_1178] : memref<1024x16384xf32, #tpu.memory_space<hbm>> -> memref<1x16384xf32, #tpu.memory_space<hbm>>
    %dma_start3A_1180 = tpu.memref_squeeze %dma_start3A_1179 : memref<1x16384xf32, #tpu.memory_space<hbm>> -> memref<16384xf32, #tpu.memory_space<hbm>>
    %dma_start3A_1181 = arith.constant 0 : i32
    %dma_start3A_1182 = tpu.memref_slice %arg6[%add3A_1173, %dma_start3A_1181] : memref<1024x16384xf32, #tpu.memory_space<hbm>> -> memref<1x16384xf32, #tpu.memory_space<hbm>>
    %dma_start3A_1183 = tpu.memref_squeeze %dma_start3A_1182 : memref<1x16384xf32, #tpu.memory_space<hbm>> -> memref<16384xf32, #tpu.memory_space<hbm>>
    %dma_start3A_1184 = arith.constant 0 : i32
    %dma_start3A_1185 = tpu.memref_slice %arg11[%dma_start3A_1174, %dma_start3A_1184] : memref<2x16384xf32, #tpu.memory_space<vmem>> -> memref<1x16384xf32, #tpu.memory_space<vmem>>
    %dma_start3A_1186 = tpu.memref_squeeze %dma_start3A_1185 : memref<1x16384xf32, #tpu.memory_space<vmem>> -> memref<16384xf32, #tpu.memory_space<vmem>>
    tpu.enqueue_dma source(%dma_start3A_1186 : memref<16384xf32, #tpu.memory_space<vmem>>) target(%dma_start3A_1183 : memref<16384xf32, #tpu.memory_space<hbm>>) target_semaphore(%arg15 : memref<!tpu.dma_semaphore, #tpu.memory_space<semaphore_mem>>)
    %dma_start3A_1187 = arith.constant 21 : i32
    %dma_start3A_1188 = arith.constant 1 : i32
    %dma_start3A_1189 = arith.constant 0 : i32
    %dma_start3A_1190 = arith.constant 0 : i32
    %dma_start3A_1191 = tpu.memref_slice %arg10[%dma_start3A_1188, %dma_start3A_1189, %dma_start3A_1190] : memref<2x8x4096xf32, #tpu.memory_space<vmem>> -> memref<1x8x4096xf32, #tpu.memory_space<vmem>>
    %dma_start3A_1192 = tpu.memref_squeeze %dma_start3A_1191 : memref<1x8x4096xf32, #tpu.memory_space<vmem>> -> memref<8x4096xf32, #tpu.memory_space<vmem>>
    %dma_start3A_1193 = arith.constant 0 : i32
    %dma_start3A_1194 = tpu.memref_slice %arg7[%dma_start3A_1187, %dma_start3A_1193] : memref<32x8xi32, #tpu.memory_space<vmem>> -> memref<1x8xi32, #tpu.memory_space<vmem>>
    %dma_start3A_1195 = tpu.memref_squeeze %dma_start3A_1194 : memref<1x8xi32, #tpu.memory_space<vmem>> -> memref<8xi32, #tpu.memory_space<vmem>>
    %dma_start3A_1196 = arith.constant 0 : i32
    %dma_start3A_1197 = arith.constant 0 : i32
    %dma_start3A_1198 = tpu.memref_slice %arg2[%dma_start3A_1196, %dma_start3A_1197] : memref<16384x4096xf32, #tpu.memory_space<hbm>> -> memref<16384x4096xf32, #tpu.memory_space<hbm>>
    tpu.enqueue_indirect_dma source(%dma_start3A_1198 : memref<16384x4096xf32, #tpu.memory_space<hbm>>) target(%dma_start3A_1192 : memref<8x4096xf32, #tpu.memory_space<vmem>>) offsets(%dma_start3A_1195 : memref<8xi32, #tpu.memory_space<vmem>>) semaphore(%arg13 : memref<!tpu.dma_semaphore, #tpu.memory_space<semaphore_mem>>)
    %dma_wait3A_1199 = arith.constant 20 : i32
    %dma_wait3A_1200 = arith.constant 0 : i32
    %dma_wait3A_1201 = arith.constant 0 : i32
    %dma_wait3A_1202 = arith.constant 0 : i32
    %dma_wait3A_1203 = tpu.memref_slice %arg10[%dma_wait3A_1200, %dma_wait3A_1201, %dma_wait3A_1202] : memref<2x8x4096xf32, #tpu.memory_space<vmem>> -> memref<1x8x4096xf32, #tpu.memory_space<vmem>>
    %dma_wait3A_1204 = tpu.memref_squeeze %dma_wait3A_1203 : memref<1x8x4096xf32, #tpu.memory_space<vmem>> -> memref<8x4096xf32, #tpu.memory_space<vmem>>
    %dma_wait3A_1205 = arith.constant 0 : i32
    %dma_wait3A_1206 = tpu.memref_slice %arg7[%dma_wait3A_1199, %dma_wait3A_1205] : memref<32x8xi32, #tpu.memory_space<vmem>> -> memref<1x8xi32, #tpu.memory_space<vmem>>
    %dma_wait3A_1207 = tpu.memref_squeeze %dma_wait3A_1206 : memref<1x8xi32, #tpu.memory_space<vmem>> -> memref<8xi32, #tpu.memory_space<vmem>>
    %dma_wait3A_1208 = arith.constant 0 : i32
    %dma_wait3A_1209 = arith.constant 0 : i32
    %dma_wait3A_1210 = tpu.memref_slice %arg2[%dma_wait3A_1208, %dma_wait3A_1209] : memref<16384x4096xf32, #tpu.memory_space<hbm>> -> memref<16384x4096xf32, #tpu.memory_space<hbm>>
    tpu.wait_indirect_dma semaphore(%arg12 : memref<!tpu.dma_semaphore, #tpu.memory_space<semaphore_mem>>) src(%dma_wait3A_1210 : memref<16384x4096xf32, #tpu.memory_space<hbm>>) dst(%dma_wait3A_1204 : memref<8x4096xf32, #tpu.memory_space<vmem>>)
    %dma_wait3A_1211 = arith.constant 0 : i32
    %dma_wait3A_1212 = arith.constant 0 : i32
    %dma_wait3A_1213 = tpu.memref_slice %arg11[%dma_wait3A_1211, %dma_wait3A_1212] : memref<2x16384xf32, #tpu.memory_space<vmem>> -> memref<1x16384xf32, #tpu.memory_space<vmem>>
    %dma_wait3A_1214 = tpu.memref_squeeze %dma_wait3A_1213 : memref<1x16384xf32, #tpu.memory_space<vmem>> -> memref<16384xf32, #tpu.memory_space<vmem>>
    %dma_wait3A_1215 = arith.constant 0 : i32
    %dma_wait3A_1216 = tpu.memref_slice %arg6[%add3A_1113, %dma_wait3A_1215] : memref<1024x16384xf32, #tpu.memory_space<hbm>> -> memref<1x16384xf32, #tpu.memory_space<hbm>>
    %dma_wait3A_1217 = tpu.memref_squeeze %dma_wait3A_1216 : memref<1x16384xf32, #tpu.memory_space<hbm>> -> memref<16384xf32, #tpu.memory_space<hbm>>
    %dma_wait3A_1218 = arith.constant 0 : i32
    %dma_wait3A_1219 = tpu.memref_slice %arg6[%add3A_1113, %dma_wait3A_1218] : memref<1024x16384xf32, #tpu.memory_space<hbm>> -> memref<1x16384xf32, #tpu.memory_space<hbm>>
    %dma_wait3A_1220 = tpu.memref_squeeze %dma_wait3A_1219 : memref<1x16384xf32, #tpu.memory_space<hbm>> -> memref<16384xf32, #tpu.memory_space<hbm>>
    %dma_wait3A_1221 = arith.constant 0 : i32
    %dma_wait3A_1222 = tpu.memref_slice %arg11[%dma_wait3A_1211, %dma_wait3A_1221] : memref<2x16384xf32, #tpu.memory_space<vmem>> -> memref<1x16384xf32, #tpu.memory_space<vmem>>
    %dma_wait3A_1223 = tpu.memref_squeeze %dma_wait3A_1222 : memref<1x16384xf32, #tpu.memory_space<vmem>> -> memref<16384xf32, #tpu.memory_space<vmem>>
    tpu.wait_dma2 semaphore(%arg14 : memref<!tpu.dma_semaphore, #tpu.memory_space<semaphore_mem>>) src(%dma_wait3A_1223 : memref<16384xf32, #tpu.memory_space<vmem>>) dst(%dma_wait3A_1220 : memref<16384xf32, #tpu.memory_space<hbm>>)
    %scan3A_1224 = arith.constant 0 : i32
    %scan3A_1225 = arith.constant 0 : i32
    %scan3A_1226 = arith.constant 0 : i32
    %scan3A_1227 = arith.constant 0 : i32
    %scan3A_1228 = arith.constant 1024 : i32
    %scan3A_1229 = arith.addi %scan3A_1227, %scan3A_1228 : i32
    %scan3A_1230 = arith.constant 1 : i32
    scf.for %scan3A_1921 = %scan3A_1227 to %scan3A_1229 step %scan3A_1230  : i32 {
      %shift_right_arithmetic3A = arith.constant 8 : i32
      %shift_right_arithmetic3A_1922 = arith.shrsi %scan3A_1921, %shift_right_arithmetic3A : i32
      %and3A = arith.constant 255 : i32
      %and3A_1923 = arith.andi %scan3A_1921, %and3A : i32
      %mul3A_1924 = arith.constant 16 : i32
      %mul3A_1925 = arith.muli %and3A_1923, %mul3A_1924 : i32
      %get3A_1926 = arith.index_cast %mul3A_1925 : i32 to index
      %get3A_1927 = tpu.vector_load %arg8[%get3A_1926] {strides = array<i32>} : memref<4096xi32, #tpu.memory_space<vmem>>, vector<16xi32>,
      %shift_right_arithmetic3A_1928 = arith.constant 12 : i32
      %shift_right_arithmetic3A_1929 = vector.broadcast %shift_right_arithmetic3A_1928 : i32 to vector<16xi32>
      %shift_right_arithmetic3A_1930 = arith.shrsi %get3A_1927, %shift_right_arithmetic3A_1929 : vector<16xi32>
      %mul3A_1931 = arith.constant 2 : i32
      %mul3A_1932 = arith.muli %mul3A_1931, %shift_right_arithmetic3A_1922 : i32
      %add3A_1933 = vector.broadcast %mul3A_1932 : i32 to vector<16xi32>
      %add3A_1934 = arith.addi %shift_right_arithmetic3A_1930, %add3A_1933 : vector<16xi32>
      %and3A_1935 = arith.constant 4095 : i32
      %and3A_1936 = vector.broadcast %and3A_1935 : i32 to vector<16xi32>
      %and3A_1937 = arith.andi %get3A_1927, %and3A_1936 : vector<16xi32>
      %gather3A = arith.constant 0 : i32
      %gather3A_1938 = arith.constant 0 : i32
      %gather3A_1939 = tpu.memref_slice %arg10[%scan3A_1225, %gather3A, %gather3A_1938] : memref<2x8x4096xf32, #tpu.memory_space<vmem>> -> memref<1x8x4096xf32, #tpu.memory_space<vmem>>
      %gather3A_1940 = tpu.memref_squeeze %gather3A_1939 : memref<1x8x4096xf32, #tpu.memory_space<vmem>> -> memref<8x4096xf32, #tpu.memory_space<vmem>>
      %gather3A_1941 = tpu.vector_load_idx %gather3A_1940[%add3A_1934, %and3A_1937] : memref<8x4096xf32, #tpu.memory_space<vmem>>[vector<16xi32>, vector<16xi32>], vector<16xf32>,
      %mul3A_1942 = arith.mulf %gather3A_1941, %get3A_3 : vector<16xf32>
      %exp3A = math.exp %mul3A_1942 : vector<16xf32>
      %mul3A_1943 = arith.constant 4096 : i32
      %mul3A_1944 = arith.muli %shift_right_arithmetic3A_1922, %mul3A_1943 : i32
      %mul3A_1945 = arith.constant 16 : i32
      %mul3A_1946 = arith.muli %and3A_1923, %mul3A_1945 : i32
      %add3A_1947 = arith.addi %mul3A_1944, %mul3A_1946 : i32
      %swap3A = arith.constant 0 : i32
      %swap3A_1948 = tpu.memref_slice %arg11[%scan3A_1226, %swap3A] : memref<2x16384xf32, #tpu.memory_space<vmem>> -> memref<1x16384xf32, #tpu.memory_space<vmem>>
      %swap3A_1949 = tpu.memref_squeeze %swap3A_1948 : memref<1x16384xf32, #tpu.memory_space<vmem>> -> memref<16384xf32, #tpu.memory_space<vmem>>
      %swap3A_1950 = arith.index_cast %add3A_1947 : i32 to index
      %swap3A_1951 = tpu.vector_load %swap3A_1949[%swap3A_1950] {strides = array<i32>} : memref<16384xf32, #tpu.memory_space<vmem>>, vector<16xf32>,
      tpu.vector_store %swap3A_1949[%swap3A_1950], %exp3A {strides = array<i32>} : memref<16384xf32, #tpu.memory_space<vmem>>, vector<16xf32>,
    }
    %scan3A_1231 = arith.constant 1024 : i32
    %add3A_1232 = arith.constant 20 : i32
    %add3A_1233 = arith.addi %mul3A_2, %add3A_1232 : i32
    %dma_start3A_1234 = arith.constant 0 : i32
    %dma_start3A_1235 = arith.constant 0 : i32
    %dma_start3A_1236 = tpu.memref_slice %arg11[%dma_start3A_1234, %dma_start3A_1235] : memref<2x16384xf32, #tpu.memory_space<vmem>> -> memref<1x16384xf32, #tpu.memory_space<vmem>>
    %dma_start3A_1237 = tpu.memref_squeeze %dma_start3A_1236 : memref<1x16384xf32, #tpu.memory_space<vmem>> -> memref<16384xf32, #tpu.memory_space<vmem>>
    %dma_start3A_1238 = arith.constant 0 : i32
    %dma_start3A_1239 = tpu.memref_slice %arg6[%add3A_1233, %dma_start3A_1238] : memref<1024x16384xf32, #tpu.memory_space<hbm>> -> memref<1x16384xf32, #tpu.memory_space<hbm>>
    %dma_start3A_1240 = tpu.memref_squeeze %dma_start3A_1239 : memref<1x16384xf32, #tpu.memory_space<hbm>> -> memref<16384xf32, #tpu.memory_space<hbm>>
    %dma_start3A_1241 = arith.constant 0 : i32
    %dma_start3A_1242 = tpu.memref_slice %arg6[%add3A_1233, %dma_start3A_1241] : memref<1024x16384xf32, #tpu.memory_space<hbm>> -> memref<1x16384xf32, #tpu.memory_space<hbm>>
    %dma_start3A_1243 = tpu.memref_squeeze %dma_start3A_1242 : memref<1x16384xf32, #tpu.memory_space<hbm>> -> memref<16384xf32, #tpu.memory_space<hbm>>
    %dma_start3A_1244 = arith.constant 0 : i32
    %dma_start3A_1245 = tpu.memref_slice %arg11[%dma_start3A_1234, %dma_start3A_1244] : memref<2x16384xf32, #tpu.memory_space<vmem>> -> memref<1x16384xf32, #tpu.memory_space<vmem>>
    %dma_start3A_1246 = tpu.memref_squeeze %dma_start3A_1245 : memref<1x16384xf32, #tpu.memory_space<vmem>> -> memref<16384xf32, #tpu.memory_space<vmem>>
    tpu.enqueue_dma source(%dma_start3A_1246 : memref<16384xf32, #tpu.memory_space<vmem>>) target(%dma_start3A_1243 : memref<16384xf32, #tpu.memory_space<hbm>>) target_semaphore(%arg14 : memref<!tpu.dma_semaphore, #tpu.memory_space<semaphore_mem>>)
    %dma_start3A_1247 = arith.constant 22 : i32
    %dma_start3A_1248 = arith.constant 0 : i32
    %dma_start3A_1249 = arith.constant 0 : i32
    %dma_start3A_1250 = arith.constant 0 : i32
    %dma_start3A_1251 = tpu.memref_slice %arg10[%dma_start3A_1248, %dma_start3A_1249, %dma_start3A_1250] : memref<2x8x4096xf32, #tpu.memory_space<vmem>> -> memref<1x8x4096xf32, #tpu.memory_space<vmem>>
    %dma_start3A_1252 = tpu.memref_squeeze %dma_start3A_1251 : memref<1x8x4096xf32, #tpu.memory_space<vmem>> -> memref<8x4096xf32, #tpu.memory_space<vmem>>
    %dma_start3A_1253 = arith.constant 0 : i32
    %dma_start3A_1254 = tpu.memref_slice %arg7[%dma_start3A_1247, %dma_start3A_1253] : memref<32x8xi32, #tpu.memory_space<vmem>> -> memref<1x8xi32, #tpu.memory_space<vmem>>
    %dma_start3A_1255 = tpu.memref_squeeze %dma_start3A_1254 : memref<1x8xi32, #tpu.memory_space<vmem>> -> memref<8xi32, #tpu.memory_space<vmem>>
    %dma_start3A_1256 = arith.constant 0 : i32
    %dma_start3A_1257 = arith.constant 0 : i32
    %dma_start3A_1258 = tpu.memref_slice %arg2[%dma_start3A_1256, %dma_start3A_1257] : memref<16384x4096xf32, #tpu.memory_space<hbm>> -> memref<16384x4096xf32, #tpu.memory_space<hbm>>
    tpu.enqueue_indirect_dma source(%dma_start3A_1258 : memref<16384x4096xf32, #tpu.memory_space<hbm>>) target(%dma_start3A_1252 : memref<8x4096xf32, #tpu.memory_space<vmem>>) offsets(%dma_start3A_1255 : memref<8xi32, #tpu.memory_space<vmem>>) semaphore(%arg12 : memref<!tpu.dma_semaphore, #tpu.memory_space<semaphore_mem>>)
    %dma_wait3A_1259 = arith.constant 21 : i32
    %dma_wait3A_1260 = arith.constant 1 : i32
    %dma_wait3A_1261 = arith.constant 0 : i32
    %dma_wait3A_1262 = arith.constant 0 : i32
    %dma_wait3A_1263 = tpu.memref_slice %arg10[%dma_wait3A_1260, %dma_wait3A_1261, %dma_wait3A_1262] : memref<2x8x4096xf32, #tpu.memory_space<vmem>> -> memref<1x8x4096xf32, #tpu.memory_space<vmem>>
    %dma_wait3A_1264 = tpu.memref_squeeze %dma_wait3A_1263 : memref<1x8x4096xf32, #tpu.memory_space<vmem>> -> memref<8x4096xf32, #tpu.memory_space<vmem>>
    %dma_wait3A_1265 = arith.constant 0 : i32
    %dma_wait3A_1266 = tpu.memref_slice %arg7[%dma_wait3A_1259, %dma_wait3A_1265] : memref<32x8xi32, #tpu.memory_space<vmem>> -> memref<1x8xi32, #tpu.memory_space<vmem>>
    %dma_wait3A_1267 = tpu.memref_squeeze %dma_wait3A_1266 : memref<1x8xi32, #tpu.memory_space<vmem>> -> memref<8xi32, #tpu.memory_space<vmem>>
    %dma_wait3A_1268 = arith.constant 0 : i32
    %dma_wait3A_1269 = arith.constant 0 : i32
    %dma_wait3A_1270 = tpu.memref_slice %arg2[%dma_wait3A_1268, %dma_wait3A_1269] : memref<16384x4096xf32, #tpu.memory_space<hbm>> -> memref<16384x4096xf32, #tpu.memory_space<hbm>>
    tpu.wait_indirect_dma semaphore(%arg13 : memref<!tpu.dma_semaphore, #tpu.memory_space<semaphore_mem>>) src(%dma_wait3A_1270 : memref<16384x4096xf32, #tpu.memory_space<hbm>>) dst(%dma_wait3A_1264 : memref<8x4096xf32, #tpu.memory_space<vmem>>)
    %dma_wait3A_1271 = arith.constant 1 : i32
    %dma_wait3A_1272 = arith.constant 0 : i32
    %dma_wait3A_1273 = tpu.memref_slice %arg11[%dma_wait3A_1271, %dma_wait3A_1272] : memref<2x16384xf32, #tpu.memory_space<vmem>> -> memref<1x16384xf32, #tpu.memory_space<vmem>>
    %dma_wait3A_1274 = tpu.memref_squeeze %dma_wait3A_1273 : memref<1x16384xf32, #tpu.memory_space<vmem>> -> memref<16384xf32, #tpu.memory_space<vmem>>
    %dma_wait3A_1275 = arith.constant 0 : i32
    %dma_wait3A_1276 = tpu.memref_slice %arg6[%add3A_1173, %dma_wait3A_1275] : memref<1024x16384xf32, #tpu.memory_space<hbm>> -> memref<1x16384xf32, #tpu.memory_space<hbm>>
    %dma_wait3A_1277 = tpu.memref_squeeze %dma_wait3A_1276 : memref<1x16384xf32, #tpu.memory_space<hbm>> -> memref<16384xf32, #tpu.memory_space<hbm>>
    %dma_wait3A_1278 = arith.constant 0 : i32
    %dma_wait3A_1279 = tpu.memref_slice %arg6[%add3A_1173, %dma_wait3A_1278] : memref<1024x16384xf32, #tpu.memory_space<hbm>> -> memref<1x16384xf32, #tpu.memory_space<hbm>>
    %dma_wait3A_1280 = tpu.memref_squeeze %dma_wait3A_1279 : memref<1x16384xf32, #tpu.memory_space<hbm>> -> memref<16384xf32, #tpu.memory_space<hbm>>
    %dma_wait3A_1281 = arith.constant 0 : i32
    %dma_wait3A_1282 = tpu.memref_slice %arg11[%dma_wait3A_1271, %dma_wait3A_1281] : memref<2x16384xf32, #tpu.memory_space<vmem>> -> memref<1x16384xf32, #tpu.memory_space<vmem>>
    %dma_wait3A_1283 = tpu.memref_squeeze %dma_wait3A_1282 : memref<1x16384xf32, #tpu.memory_space<vmem>> -> memref<16384xf32, #tpu.memory_space<vmem>>
    tpu.wait_dma2 semaphore(%arg15 : memref<!tpu.dma_semaphore, #tpu.memory_space<semaphore_mem>>) src(%dma_wait3A_1283 : memref<16384xf32, #tpu.memory_space<vmem>>) dst(%dma_wait3A_1280 : memref<16384xf32, #tpu.memory_space<hbm>>)
    %scan3A_1284 = arith.constant 0 : i32
    %scan3A_1285 = arith.constant 1 : i32
    %scan3A_1286 = arith.constant 1 : i32
    %scan3A_1287 = arith.constant 0 : i32
    %scan3A_1288 = arith.constant 1024 : i32
    %scan3A_1289 = arith.addi %scan3A_1287, %scan3A_1288 : i32
    %scan3A_1290 = arith.constant 1 : i32
    scf.for %scan3A_1921 = %scan3A_1287 to %scan3A_1289 step %scan3A_1290  : i32 {
      %shift_right_arithmetic3A = arith.constant 8 : i32
      %shift_right_arithmetic3A_1922 = arith.shrsi %scan3A_1921, %shift_right_arithmetic3A : i32
      %and3A = arith.constant 255 : i32
      %and3A_1923 = arith.andi %scan3A_1921, %and3A : i32
      %mul3A_1924 = arith.constant 16 : i32
      %mul3A_1925 = arith.muli %and3A_1923, %mul3A_1924 : i32
      %get3A_1926 = arith.index_cast %mul3A_1925 : i32 to index
      %get3A_1927 = tpu.vector_load %arg8[%get3A_1926] {strides = array<i32>} : memref<4096xi32, #tpu.memory_space<vmem>>, vector<16xi32>,
      %shift_right_arithmetic3A_1928 = arith.constant 12 : i32
      %shift_right_arithmetic3A_1929 = vector.broadcast %shift_right_arithmetic3A_1928 : i32 to vector<16xi32>
      %shift_right_arithmetic3A_1930 = arith.shrsi %get3A_1927, %shift_right_arithmetic3A_1929 : vector<16xi32>
      %mul3A_1931 = arith.constant 2 : i32
      %mul3A_1932 = arith.muli %mul3A_1931, %shift_right_arithmetic3A_1922 : i32
      %add3A_1933 = vector.broadcast %mul3A_1932 : i32 to vector<16xi32>
      %add3A_1934 = arith.addi %shift_right_arithmetic3A_1930, %add3A_1933 : vector<16xi32>
      %and3A_1935 = arith.constant 4095 : i32
      %and3A_1936 = vector.broadcast %and3A_1935 : i32 to vector<16xi32>
      %and3A_1937 = arith.andi %get3A_1927, %and3A_1936 : vector<16xi32>
      %gather3A = arith.constant 0 : i32
      %gather3A_1938 = arith.constant 0 : i32
      %gather3A_1939 = tpu.memref_slice %arg10[%scan3A_1285, %gather3A, %gather3A_1938] : memref<2x8x4096xf32, #tpu.memory_space<vmem>> -> memref<1x8x4096xf32, #tpu.memory_space<vmem>>
      %gather3A_1940 = tpu.memref_squeeze %gather3A_1939 : memref<1x8x4096xf32, #tpu.memory_space<vmem>> -> memref<8x4096xf32, #tpu.memory_space<vmem>>
      %gather3A_1941 = tpu.vector_load_idx %gather3A_1940[%add3A_1934, %and3A_1937] : memref<8x4096xf32, #tpu.memory_space<vmem>>[vector<16xi32>, vector<16xi32>], vector<16xf32>,
      %mul3A_1942 = arith.mulf %gather3A_1941, %get3A_3 : vector<16xf32>
      %exp3A = math.exp %mul3A_1942 : vector<16xf32>
      %mul3A_1943 = arith.constant 4096 : i32
      %mul3A_1944 = arith.muli %shift_right_arithmetic3A_1922, %mul3A_1943 : i32
      %mul3A_1945 = arith.constant 16 : i32
      %mul3A_1946 = arith.muli %and3A_1923, %mul3A_1945 : i32
      %add3A_1947 = arith.addi %mul3A_1944, %mul3A_1946 : i32
      %swap3A = arith.constant 0 : i32
      %swap3A_1948 = tpu.memref_slice %arg11[%scan3A_1286, %swap3A] : memref<2x16384xf32, #tpu.memory_space<vmem>> -> memref<1x16384xf32, #tpu.memory_space<vmem>>
      %swap3A_1949 = tpu.memref_squeeze %swap3A_1948 : memref<1x16384xf32, #tpu.memory_space<vmem>> -> memref<16384xf32, #tpu.memory_space<vmem>>
      %swap3A_1950 = arith.index_cast %add3A_1947 : i32 to index
      %swap3A_1951 = tpu.vector_load %swap3A_1949[%swap3A_1950] {strides = array<i32>} : memref<16384xf32, #tpu.memory_space<vmem>>, vector<16xf32>,
      tpu.vector_store %swap3A_1949[%swap3A_1950], %exp3A {strides = array<i32>} : memref<16384xf32, #tpu.memory_space<vmem>>, vector<16xf32>,
    }
    %scan3A_1291 = arith.constant 1024 : i32
    %add3A_1292 = arith.constant 21 : i32
    %add3A_1293 = arith.addi %mul3A_2, %add3A_1292 : i32
    %dma_start3A_1294 = arith.constant 1 : i32
    %dma_start3A_1295 = arith.constant 0 : i32
    %dma_start3A_1296 = tpu.memref_slice %arg11[%dma_start3A_1294, %dma_start3A_1295] : memref<2x16384xf32, #tpu.memory_space<vmem>> -> memref<1x16384xf32, #tpu.memory_space<vmem>>
    %dma_start3A_1297 = tpu.memref_squeeze %dma_start3A_1296 : memref<1x16384xf32, #tpu.memory_space<vmem>> -> memref<16384xf32, #tpu.memory_space<vmem>>
    %dma_start3A_1298 = arith.constant 0 : i32
    %dma_start3A_1299 = tpu.memref_slice %arg6[%add3A_1293, %dma_start3A_1298] : memref<1024x16384xf32, #tpu.memory_space<hbm>> -> memref<1x16384xf32, #tpu.memory_space<hbm>>
    %dma_start3A_1300 = tpu.memref_squeeze %dma_start3A_1299 : memref<1x16384xf32, #tpu.memory_space<hbm>> -> memref<16384xf32, #tpu.memory_space<hbm>>
    %dma_start3A_1301 = arith.constant 0 : i32
    %dma_start3A_1302 = tpu.memref_slice %arg6[%add3A_1293, %dma_start3A_1301] : memref<1024x16384xf32, #tpu.memory_space<hbm>> -> memref<1x16384xf32, #tpu.memory_space<hbm>>
    %dma_start3A_1303 = tpu.memref_squeeze %dma_start3A_1302 : memref<1x16384xf32, #tpu.memory_space<hbm>> -> memref<16384xf32, #tpu.memory_space<hbm>>
    %dma_start3A_1304 = arith.constant 0 : i32
    %dma_start3A_1305 = tpu.memref_slice %arg11[%dma_start3A_1294, %dma_start3A_1304] : memref<2x16384xf32, #tpu.memory_space<vmem>> -> memref<1x16384xf32, #tpu.memory_space<vmem>>
    %dma_start3A_1306 = tpu.memref_squeeze %dma_start3A_1305 : memref<1x16384xf32, #tpu.memory_space<vmem>> -> memref<16384xf32, #tpu.memory_space<vmem>>
    tpu.enqueue_dma source(%dma_start3A_1306 : memref<16384xf32, #tpu.memory_space<vmem>>) target(%dma_start3A_1303 : memref<16384xf32, #tpu.memory_space<hbm>>) target_semaphore(%arg15 : memref<!tpu.dma_semaphore, #tpu.memory_space<semaphore_mem>>)
    %dma_start3A_1307 = arith.constant 23 : i32
    %dma_start3A_1308 = arith.constant 1 : i32
    %dma_start3A_1309 = arith.constant 0 : i32
    %dma_start3A_1310 = arith.constant 0 : i32
    %dma_start3A_1311 = tpu.memref_slice %arg10[%dma_start3A_1308, %dma_start3A_1309, %dma_start3A_1310] : memref<2x8x4096xf32, #tpu.memory_space<vmem>> -> memref<1x8x4096xf32, #tpu.memory_space<vmem>>
    %dma_start3A_1312 = tpu.memref_squeeze %dma_start3A_1311 : memref<1x8x4096xf32, #tpu.memory_space<vmem>> -> memref<8x4096xf32, #tpu.memory_space<vmem>>
    %dma_start3A_1313 = arith.constant 0 : i32
    %dma_start3A_1314 = tpu.memref_slice %arg7[%dma_start3A_1307, %dma_start3A_1313] : memref<32x8xi32, #tpu.memory_space<vmem>> -> memref<1x8xi32, #tpu.memory_space<vmem>>
    %dma_start3A_1315 = tpu.memref_squeeze %dma_start3A_1314 : memref<1x8xi32, #tpu.memory_space<vmem>> -> memref<8xi32, #tpu.memory_space<vmem>>
    %dma_start3A_1316 = arith.constant 0 : i32
    %dma_start3A_1317 = arith.constant 0 : i32
    %dma_start3A_1318 = tpu.memref_slice %arg2[%dma_start3A_1316, %dma_start3A_1317] : memref<16384x4096xf32, #tpu.memory_space<hbm>> -> memref<16384x4096xf32, #tpu.memory_space<hbm>>
    tpu.enqueue_indirect_dma source(%dma_start3A_1318 : memref<16384x4096xf32, #tpu.memory_space<hbm>>) target(%dma_start3A_1312 : memref<8x4096xf32, #tpu.memory_space<vmem>>) offsets(%dma_start3A_1315 : memref<8xi32, #tpu.memory_space<vmem>>) semaphore(%arg13 : memref<!tpu.dma_semaphore, #tpu.memory_space<semaphore_mem>>)
    %dma_wait3A_1319 = arith.constant 22 : i32
    %dma_wait3A_1320 = arith.constant 0 : i32
    %dma_wait3A_1321 = arith.constant 0 : i32
    %dma_wait3A_1322 = arith.constant 0 : i32
    %dma_wait3A_1323 = tpu.memref_slice %arg10[%dma_wait3A_1320, %dma_wait3A_1321, %dma_wait3A_1322] : memref<2x8x4096xf32, #tpu.memory_space<vmem>> -> memref<1x8x4096xf32, #tpu.memory_space<vmem>>
    %dma_wait3A_1324 = tpu.memref_squeeze %dma_wait3A_1323 : memref<1x8x4096xf32, #tpu.memory_space<vmem>> -> memref<8x4096xf32, #tpu.memory_space<vmem>>
    %dma_wait3A_1325 = arith.constant 0 : i32
    %dma_wait3A_1326 = tpu.memref_slice %arg7[%dma_wait3A_1319, %dma_wait3A_1325] : memref<32x8xi32, #tpu.memory_space<vmem>> -> memref<1x8xi32, #tpu.memory_space<vmem>>
    %dma_wait3A_1327 = tpu.memref_squeeze %dma_wait3A_1326 : memref<1x8xi32, #tpu.memory_space<vmem>> -> memref<8xi32, #tpu.memory_space<vmem>>
    %dma_wait3A_1328 = arith.constant 0 : i32
    %dma_wait3A_1329 = arith.constant 0 : i32
    %dma_wait3A_1330 = tpu.memref_slice %arg2[%dma_wait3A_1328, %dma_wait3A_1329] : memref<16384x4096xf32, #tpu.memory_space<hbm>> -> memref<16384x4096xf32, #tpu.memory_space<hbm>>
    tpu.wait_indirect_dma semaphore(%arg12 : memref<!tpu.dma_semaphore, #tpu.memory_space<semaphore_mem>>) src(%dma_wait3A_1330 : memref<16384x4096xf32, #tpu.memory_space<hbm>>) dst(%dma_wait3A_1324 : memref<8x4096xf32, #tpu.memory_space<vmem>>)
    %dma_wait3A_1331 = arith.constant 0 : i32
    %dma_wait3A_1332 = arith.constant 0 : i32
    %dma_wait3A_1333 = tpu.memref_slice %arg11[%dma_wait3A_1331, %dma_wait3A_1332] : memref<2x16384xf32, #tpu.memory_space<vmem>> -> memref<1x16384xf32, #tpu.memory_space<vmem>>
    %dma_wait3A_1334 = tpu.memref_squeeze %dma_wait3A_1333 : memref<1x16384xf32, #tpu.memory_space<vmem>> -> memref<16384xf32, #tpu.memory_space<vmem>>
    %dma_wait3A_1335 = arith.constant 0 : i32
    %dma_wait3A_1336 = tpu.memref_slice %arg6[%add3A_1233, %dma_wait3A_1335] : memref<1024x16384xf32, #tpu.memory_space<hbm>> -> memref<1x16384xf32, #tpu.memory_space<hbm>>
    %dma_wait3A_1337 = tpu.memref_squeeze %dma_wait3A_1336 : memref<1x16384xf32, #tpu.memory_space<hbm>> -> memref<16384xf32, #tpu.memory_space<hbm>>
    %dma_wait3A_1338 = arith.constant 0 : i32
    %dma_wait3A_1339 = tpu.memref_slice %arg6[%add3A_1233, %dma_wait3A_1338] : memref<1024x16384xf32, #tpu.memory_space<hbm>> -> memref<1x16384xf32, #tpu.memory_space<hbm>>
    %dma_wait3A_1340 = tpu.memref_squeeze %dma_wait3A_1339 : memref<1x16384xf32, #tpu.memory_space<hbm>> -> memref<16384xf32, #tpu.memory_space<hbm>>
    %dma_wait3A_1341 = arith.constant 0 : i32
    %dma_wait3A_1342 = tpu.memref_slice %arg11[%dma_wait3A_1331, %dma_wait3A_1341] : memref<2x16384xf32, #tpu.memory_space<vmem>> -> memref<1x16384xf32, #tpu.memory_space<vmem>>
    %dma_wait3A_1343 = tpu.memref_squeeze %dma_wait3A_1342 : memref<1x16384xf32, #tpu.memory_space<vmem>> -> memref<16384xf32, #tpu.memory_space<vmem>>
    tpu.wait_dma2 semaphore(%arg14 : memref<!tpu.dma_semaphore, #tpu.memory_space<semaphore_mem>>) src(%dma_wait3A_1343 : memref<16384xf32, #tpu.memory_space<vmem>>) dst(%dma_wait3A_1340 : memref<16384xf32, #tpu.memory_space<hbm>>)
    %scan3A_1344 = arith.constant 0 : i32
    %scan3A_1345 = arith.constant 0 : i32
    %scan3A_1346 = arith.constant 0 : i32
    %scan3A_1347 = arith.constant 0 : i32
    %scan3A_1348 = arith.constant 1024 : i32
    %scan3A_1349 = arith.addi %scan3A_1347, %scan3A_1348 : i32
    %scan3A_1350 = arith.constant 1 : i32
    scf.for %scan3A_1921 = %scan3A_1347 to %scan3A_1349 step %scan3A_1350  : i32 {
      %shift_right_arithmetic3A = arith.constant 8 : i32
      %shift_right_arithmetic3A_1922 = arith.shrsi %scan3A_1921, %shift_right_arithmetic3A : i32
      %and3A = arith.constant 255 : i32
      %and3A_1923 = arith.andi %scan3A_1921, %and3A : i32
      %mul3A_1924 = arith.constant 16 : i32
      %mul3A_1925 = arith.muli %and3A_1923, %mul3A_1924 : i32
      %get3A_1926 = arith.index_cast %mul3A_1925 : i32 to index
      %get3A_1927 = tpu.vector_load %arg8[%get3A_1926] {strides = array<i32>} : memref<4096xi32, #tpu.memory_space<vmem>>, vector<16xi32>,
      %shift_right_arithmetic3A_1928 = arith.constant 12 : i32
      %shift_right_arithmetic3A_1929 = vector.broadcast %shift_right_arithmetic3A_1928 : i32 to vector<16xi32>
      %shift_right_arithmetic3A_1930 = arith.shrsi %get3A_1927, %shift_right_arithmetic3A_1929 : vector<16xi32>
      %mul3A_1931 = arith.constant 2 : i32
      %mul3A_1932 = arith.muli %mul3A_1931, %shift_right_arithmetic3A_1922 : i32
      %add3A_1933 = vector.broadcast %mul3A_1932 : i32 to vector<16xi32>
      %add3A_1934 = arith.addi %shift_right_arithmetic3A_1930, %add3A_1933 : vector<16xi32>
      %and3A_1935 = arith.constant 4095 : i32
      %and3A_1936 = vector.broadcast %and3A_1935 : i32 to vector<16xi32>
      %and3A_1937 = arith.andi %get3A_1927, %and3A_1936 : vector<16xi32>
      %gather3A = arith.constant 0 : i32
      %gather3A_1938 = arith.constant 0 : i32
      %gather3A_1939 = tpu.memref_slice %arg10[%scan3A_1345, %gather3A, %gather3A_1938] : memref<2x8x4096xf32, #tpu.memory_space<vmem>> -> memref<1x8x4096xf32, #tpu.memory_space<vmem>>
      %gather3A_1940 = tpu.memref_squeeze %gather3A_1939 : memref<1x8x4096xf32, #tpu.memory_space<vmem>> -> memref<8x4096xf32, #tpu.memory_space<vmem>>
      %gather3A_1941 = tpu.vector_load_idx %gather3A_1940[%add3A_1934, %and3A_1937] : memref<8x4096xf32, #tpu.memory_space<vmem>>[vector<16xi32>, vector<16xi32>], vector<16xf32>,
      %mul3A_1942 = arith.mulf %gather3A_1941, %get3A_3 : vector<16xf32>
      %exp3A = math.exp %mul3A_1942 : vector<16xf32>
      %mul3A_1943 = arith.constant 4096 : i32
      %mul3A_1944 = arith.muli %shift_right_arithmetic3A_1922, %mul3A_1943 : i32
      %mul3A_1945 = arith.constant 16 : i32
      %mul3A_1946 = arith.muli %and3A_1923, %mul3A_1945 : i32
      %add3A_1947 = arith.addi %mul3A_1944, %mul3A_1946 : i32
      %swap3A = arith.constant 0 : i32
      %swap3A_1948 = tpu.memref_slice %arg11[%scan3A_1346, %swap3A] : memref<2x16384xf32, #tpu.memory_space<vmem>> -> memref<1x16384xf32, #tpu.memory_space<vmem>>
      %swap3A_1949 = tpu.memref_squeeze %swap3A_1948 : memref<1x16384xf32, #tpu.memory_space<vmem>> -> memref<16384xf32, #tpu.memory_space<vmem>>
      %swap3A_1950 = arith.index_cast %add3A_1947 : i32 to index
      %swap3A_1951 = tpu.vector_load %swap3A_1949[%swap3A_1950] {strides = array<i32>} : memref<16384xf32, #tpu.memory_space<vmem>>, vector<16xf32>,
      tpu.vector_store %swap3A_1949[%swap3A_1950], %exp3A {strides = array<i32>} : memref<16384xf32, #tpu.memory_space<vmem>>, vector<16xf32>,
    }
    %scan3A_1351 = arith.constant 1024 : i32
    %add3A_1352 = arith.constant 22 : i32
    %add3A_1353 = arith.addi %mul3A_2, %add3A_1352 : i32
    %dma_start3A_1354 = arith.constant 0 : i32
    %dma_start3A_1355 = arith.constant 0 : i32
    %dma_start3A_1356 = tpu.memref_slice %arg11[%dma_start3A_1354, %dma_start3A_1355] : memref<2x16384xf32, #tpu.memory_space<vmem>> -> memref<1x16384xf32, #tpu.memory_space<vmem>>
    %dma_start3A_1357 = tpu.memref_squeeze %dma_start3A_1356 : memref<1x16384xf32, #tpu.memory_space<vmem>> -> memref<16384xf32, #tpu.memory_space<vmem>>
    %dma_start3A_1358 = arith.constant 0 : i32
    %dma_start3A_1359 = tpu.memref_slice %arg6[%add3A_1353, %dma_start3A_1358] : memref<1024x16384xf32, #tpu.memory_space<hbm>> -> memref<1x16384xf32, #tpu.memory_space<hbm>>
    %dma_start3A_1360 = tpu.memref_squeeze %dma_start3A_1359 : memref<1x16384xf32, #tpu.memory_space<hbm>> -> memref<16384xf32, #tpu.memory_space<hbm>>
    %dma_start3A_1361 = arith.constant 0 : i32
    %dma_start3A_1362 = tpu.memref_slice %arg6[%add3A_1353, %dma_start3A_1361] : memref<1024x16384xf32, #tpu.memory_space<hbm>> -> memref<1x16384xf32, #tpu.memory_space<hbm>>
    %dma_start3A_1363 = tpu.memref_squeeze %dma_start3A_1362 : memref<1x16384xf32, #tpu.memory_space<hbm>> -> memref<16384xf32, #tpu.memory_space<hbm>>
    %dma_start3A_1364 = arith.constant 0 : i32
    %dma_start3A_1365 = tpu.memref_slice %arg11[%dma_start3A_1354, %dma_start3A_1364] : memref<2x16384xf32, #tpu.memory_space<vmem>> -> memref<1x16384xf32, #tpu.memory_space<vmem>>
    %dma_start3A_1366 = tpu.memref_squeeze %dma_start3A_1365 : memref<1x16384xf32, #tpu.memory_space<vmem>> -> memref<16384xf32, #tpu.memory_space<vmem>>
    tpu.enqueue_dma source(%dma_start3A_1366 : memref<16384xf32, #tpu.memory_space<vmem>>) target(%dma_start3A_1363 : memref<16384xf32, #tpu.memory_space<hbm>>) target_semaphore(%arg14 : memref<!tpu.dma_semaphore, #tpu.memory_space<semaphore_mem>>)
    %dma_start3A_1367 = arith.constant 24 : i32
    %dma_start3A_1368 = arith.constant 0 : i32
    %dma_start3A_1369 = arith.constant 0 : i32
    %dma_start3A_1370 = arith.constant 0 : i32
    %dma_start3A_1371 = tpu.memref_slice %arg10[%dma_start3A_1368, %dma_start3A_1369, %dma_start3A_1370] : memref<2x8x4096xf32, #tpu.memory_space<vmem>> -> memref<1x8x4096xf32, #tpu.memory_space<vmem>>
    %dma_start3A_1372 = tpu.memref_squeeze %dma_start3A_1371 : memref<1x8x4096xf32, #tpu.memory_space<vmem>> -> memref<8x4096xf32, #tpu.memory_space<vmem>>
    %dma_start3A_1373 = arith.constant 0 : i32
    %dma_start3A_1374 = tpu.memref_slice %arg7[%dma_start3A_1367, %dma_start3A_1373] : memref<32x8xi32, #tpu.memory_space<vmem>> -> memref<1x8xi32, #tpu.memory_space<vmem>>
    %dma_start3A_1375 = tpu.memref_squeeze %dma_start3A_1374 : memref<1x8xi32, #tpu.memory_space<vmem>> -> memref<8xi32, #tpu.memory_space<vmem>>
    %dma_start3A_1376 = arith.constant 0 : i32
    %dma_start3A_1377 = arith.constant 0 : i32
    %dma_start3A_1378 = tpu.memref_slice %arg2[%dma_start3A_1376, %dma_start3A_1377] : memref<16384x4096xf32, #tpu.memory_space<hbm>> -> memref<16384x4096xf32, #tpu.memory_space<hbm>>
    tpu.enqueue_indirect_dma source(%dma_start3A_1378 : memref<16384x4096xf32, #tpu.memory_space<hbm>>) target(%dma_start3A_1372 : memref<8x4096xf32, #tpu.memory_space<vmem>>) offsets(%dma_start3A_1375 : memref<8xi32, #tpu.memory_space<vmem>>) semaphore(%arg12 : memref<!tpu.dma_semaphore, #tpu.memory_space<semaphore_mem>>)
    %dma_wait3A_1379 = arith.constant 23 : i32
    %dma_wait3A_1380 = arith.constant 1 : i32
    %dma_wait3A_1381 = arith.constant 0 : i32
    %dma_wait3A_1382 = arith.constant 0 : i32
    %dma_wait3A_1383 = tpu.memref_slice %arg10[%dma_wait3A_1380, %dma_wait3A_1381, %dma_wait3A_1382] : memref<2x8x4096xf32, #tpu.memory_space<vmem>> -> memref<1x8x4096xf32, #tpu.memory_space<vmem>>
    %dma_wait3A_1384 = tpu.memref_squeeze %dma_wait3A_1383 : memref<1x8x4096xf32, #tpu.memory_space<vmem>> -> memref<8x4096xf32, #tpu.memory_space<vmem>>
    %dma_wait3A_1385 = arith.constant 0 : i32
    %dma_wait3A_1386 = tpu.memref_slice %arg7[%dma_wait3A_1379, %dma_wait3A_1385] : memref<32x8xi32, #tpu.memory_space<vmem>> -> memref<1x8xi32, #tpu.memory_space<vmem>>
    %dma_wait3A_1387 = tpu.memref_squeeze %dma_wait3A_1386 : memref<1x8xi32, #tpu.memory_space<vmem>> -> memref<8xi32, #tpu.memory_space<vmem>>
    %dma_wait3A_1388 = arith.constant 0 : i32
    %dma_wait3A_1389 = arith.constant 0 : i32
    %dma_wait3A_1390 = tpu.memref_slice %arg2[%dma_wait3A_1388, %dma_wait3A_1389] : memref<16384x4096xf32, #tpu.memory_space<hbm>> -> memref<16384x4096xf32, #tpu.memory_space<hbm>>
    tpu.wait_indirect_dma semaphore(%arg13 : memref<!tpu.dma_semaphore, #tpu.memory_space<semaphore_mem>>) src(%dma_wait3A_1390 : memref<16384x4096xf32, #tpu.memory_space<hbm>>) dst(%dma_wait3A_1384 : memref<8x4096xf32, #tpu.memory_space<vmem>>)
    %dma_wait3A_1391 = arith.constant 1 : i32
    %dma_wait3A_1392 = arith.constant 0 : i32
    %dma_wait3A_1393 = tpu.memref_slice %arg11[%dma_wait3A_1391, %dma_wait3A_1392] : memref<2x16384xf32, #tpu.memory_space<vmem>> -> memref<1x16384xf32, #tpu.memory_space<vmem>>
    %dma_wait3A_1394 = tpu.memref_squeeze %dma_wait3A_1393 : memref<1x16384xf32, #tpu.memory_space<vmem>> -> memref<16384xf32, #tpu.memory_space<vmem>>
    %dma_wait3A_1395 = arith.constant 0 : i32
    %dma_wait3A_1396 = tpu.memref_slice %arg6[%add3A_1293, %dma_wait3A_1395] : memref<1024x16384xf32, #tpu.memory_space<hbm>> -> memref<1x16384xf32, #tpu.memory_space<hbm>>
    %dma_wait3A_1397 = tpu.memref_squeeze %dma_wait3A_1396 : memref<1x16384xf32, #tpu.memory_space<hbm>> -> memref<16384xf32, #tpu.memory_space<hbm>>
    %dma_wait3A_1398 = arith.constant 0 : i32
    %dma_wait3A_1399 = tpu.memref_slice %arg6[%add3A_1293, %dma_wait3A_1398] : memref<1024x16384xf32, #tpu.memory_space<hbm>> -> memref<1x16384xf32, #tpu.memory_space<hbm>>
    %dma_wait3A_1400 = tpu.memref_squeeze %dma_wait3A_1399 : memref<1x16384xf32, #tpu.memory_space<hbm>> -> memref<16384xf32, #tpu.memory_space<hbm>>
    %dma_wait3A_1401 = arith.constant 0 : i32
    %dma_wait3A_1402 = tpu.memref_slice %arg11[%dma_wait3A_1391, %dma_wait3A_1401] : memref<2x16384xf32, #tpu.memory_space<vmem>> -> memref<1x16384xf32, #tpu.memory_space<vmem>>
    %dma_wait3A_1403 = tpu.memref_squeeze %dma_wait3A_1402 : memref<1x16384xf32, #tpu.memory_space<vmem>> -> memref<16384xf32, #tpu.memory_space<vmem>>
    tpu.wait_dma2 semaphore(%arg15 : memref<!tpu.dma_semaphore, #tpu.memory_space<semaphore_mem>>) src(%dma_wait3A_1403 : memref<16384xf32, #tpu.memory_space<vmem>>) dst(%dma_wait3A_1400 : memref<16384xf32, #tpu.memory_space<hbm>>)
    %scan3A_1404 = arith.constant 0 : i32
    %scan3A_1405 = arith.constant 1 : i32
    %scan3A_1406 = arith.constant 1 : i32
    %scan3A_1407 = arith.constant 0 : i32
    %scan3A_1408 = arith.constant 1024 : i32
    %scan3A_1409 = arith.addi %scan3A_1407, %scan3A_1408 : i32
    %scan3A_1410 = arith.constant 1 : i32
    scf.for %scan3A_1921 = %scan3A_1407 to %scan3A_1409 step %scan3A_1410  : i32 {
      %shift_right_arithmetic3A = arith.constant 8 : i32
      %shift_right_arithmetic3A_1922 = arith.shrsi %scan3A_1921, %shift_right_arithmetic3A : i32
      %and3A = arith.constant 255 : i32
      %and3A_1923 = arith.andi %scan3A_1921, %and3A : i32
      %mul3A_1924 = arith.constant 16 : i32
      %mul3A_1925 = arith.muli %and3A_1923, %mul3A_1924 : i32
      %get3A_1926 = arith.index_cast %mul3A_1925 : i32 to index
      %get3A_1927 = tpu.vector_load %arg8[%get3A_1926] {strides = array<i32>} : memref<4096xi32, #tpu.memory_space<vmem>>, vector<16xi32>,
      %shift_right_arithmetic3A_1928 = arith.constant 12 : i32
      %shift_right_arithmetic3A_1929 = vector.broadcast %shift_right_arithmetic3A_1928 : i32 to vector<16xi32>
      %shift_right_arithmetic3A_1930 = arith.shrsi %get3A_1927, %shift_right_arithmetic3A_1929 : vector<16xi32>
      %mul3A_1931 = arith.constant 2 : i32
      %mul3A_1932 = arith.muli %mul3A_1931, %shift_right_arithmetic3A_1922 : i32
      %add3A_1933 = vector.broadcast %mul3A_1932 : i32 to vector<16xi32>
      %add3A_1934 = arith.addi %shift_right_arithmetic3A_1930, %add3A_1933 : vector<16xi32>
      %and3A_1935 = arith.constant 4095 : i32
      %and3A_1936 = vector.broadcast %and3A_1935 : i32 to vector<16xi32>
      %and3A_1937 = arith.andi %get3A_1927, %and3A_1936 : vector<16xi32>
      %gather3A = arith.constant 0 : i32
      %gather3A_1938 = arith.constant 0 : i32
      %gather3A_1939 = tpu.memref_slice %arg10[%scan3A_1405, %gather3A, %gather3A_1938] : memref<2x8x4096xf32, #tpu.memory_space<vmem>> -> memref<1x8x4096xf32, #tpu.memory_space<vmem>>
      %gather3A_1940 = tpu.memref_squeeze %gather3A_1939 : memref<1x8x4096xf32, #tpu.memory_space<vmem>> -> memref<8x4096xf32, #tpu.memory_space<vmem>>
      %gather3A_1941 = tpu.vector_load_idx %gather3A_1940[%add3A_1934, %and3A_1937] : memref<8x4096xf32, #tpu.memory_space<vmem>>[vector<16xi32>, vector<16xi32>], vector<16xf32>,
      %mul3A_1942 = arith.mulf %gather3A_1941, %get3A_3 : vector<16xf32>
      %exp3A = math.exp %mul3A_1942 : vector<16xf32>
      %mul3A_1943 = arith.constant 4096 : i32
      %mul3A_1944 = arith.muli %shift_right_arithmetic3A_1922, %mul3A_1943 : i32
      %mul3A_1945 = arith.constant 16 : i32
      %mul3A_1946 = arith.muli %and3A_1923, %mul3A_1945 : i32
      %add3A_1947 = arith.addi %mul3A_1944, %mul3A_1946 : i32
      %swap3A = arith.constant 0 : i32
      %swap3A_1948 = tpu.memref_slice %arg11[%scan3A_1406, %swap3A] : memref<2x16384xf32, #tpu.memory_space<vmem>> -> memref<1x16384xf32, #tpu.memory_space<vmem>>
      %swap3A_1949 = tpu.memref_squeeze %swap3A_1948 : memref<1x16384xf32, #tpu.memory_space<vmem>> -> memref<16384xf32, #tpu.memory_space<vmem>>
      %swap3A_1950 = arith.index_cast %add3A_1947 : i32 to index
      %swap3A_1951 = tpu.vector_load %swap3A_1949[%swap3A_1950] {strides = array<i32>} : memref<16384xf32, #tpu.memory_space<vmem>>, vector<16xf32>,
      tpu.vector_store %swap3A_1949[%swap3A_1950], %exp3A {strides = array<i32>} : memref<16384xf32, #tpu.memory_space<vmem>>, vector<16xf32>,
    }
    %scan3A_1411 = arith.constant 1024 : i32
    %add3A_1412 = arith.constant 23 : i32
    %add3A_1413 = arith.addi %mul3A_2, %add3A_1412 : i32
    %dma_start3A_1414 = arith.constant 1 : i32
    %dma_start3A_1415 = arith.constant 0 : i32
    %dma_start3A_1416 = tpu.memref_slice %arg11[%dma_start3A_1414, %dma_start3A_1415] : memref<2x16384xf32, #tpu.memory_space<vmem>> -> memref<1x16384xf32, #tpu.memory_space<vmem>>
    %dma_start3A_1417 = tpu.memref_squeeze %dma_start3A_1416 : memref<1x16384xf32, #tpu.memory_space<vmem>> -> memref<16384xf32, #tpu.memory_space<vmem>>
    %dma_start3A_1418 = arith.constant 0 : i32
    %dma_start3A_1419 = tpu.memref_slice %arg6[%add3A_1413, %dma_start3A_1418] : memref<1024x16384xf32, #tpu.memory_space<hbm>> -> memref<1x16384xf32, #tpu.memory_space<hbm>>
    %dma_start3A_1420 = tpu.memref_squeeze %dma_start3A_1419 : memref<1x16384xf32, #tpu.memory_space<hbm>> -> memref<16384xf32, #tpu.memory_space<hbm>>
    %dma_start3A_1421 = arith.constant 0 : i32
    %dma_start3A_1422 = tpu.memref_slice %arg6[%add3A_1413, %dma_start3A_1421] : memref<1024x16384xf32, #tpu.memory_space<hbm>> -> memref<1x16384xf32, #tpu.memory_space<hbm>>
    %dma_start3A_1423 = tpu.memref_squeeze %dma_start3A_1422 : memref<1x16384xf32, #tpu.memory_space<hbm>> -> memref<16384xf32, #tpu.memory_space<hbm>>
    %dma_start3A_1424 = arith.constant 0 : i32
    %dma_start3A_1425 = tpu.memref_slice %arg11[%dma_start3A_1414, %dma_start3A_1424] : memref<2x16384xf32, #tpu.memory_space<vmem>> -> memref<1x16384xf32, #tpu.memory_space<vmem>>
    %dma_start3A_1426 = tpu.memref_squeeze %dma_start3A_1425 : memref<1x16384xf32, #tpu.memory_space<vmem>> -> memref<16384xf32, #tpu.memory_space<vmem>>
    tpu.enqueue_dma source(%dma_start3A_1426 : memref<16384xf32, #tpu.memory_space<vmem>>) target(%dma_start3A_1423 : memref<16384xf32, #tpu.memory_space<hbm>>) target_semaphore(%arg15 : memref<!tpu.dma_semaphore, #tpu.memory_space<semaphore_mem>>)
    %dma_start3A_1427 = arith.constant 25 : i32
    %dma_start3A_1428 = arith.constant 1 : i32
    %dma_start3A_1429 = arith.constant 0 : i32
    %dma_start3A_1430 = arith.constant 0 : i32
    %dma_start3A_1431 = tpu.memref_slice %arg10[%dma_start3A_1428, %dma_start3A_1429, %dma_start3A_1430] : memref<2x8x4096xf32, #tpu.memory_space<vmem>> -> memref<1x8x4096xf32, #tpu.memory_space<vmem>>
    %dma_start3A_1432 = tpu.memref_squeeze %dma_start3A_1431 : memref<1x8x4096xf32, #tpu.memory_space<vmem>> -> memref<8x4096xf32, #tpu.memory_space<vmem>>
    %dma_start3A_1433 = arith.constant 0 : i32
    %dma_start3A_1434 = tpu.memref_slice %arg7[%dma_start3A_1427, %dma_start3A_1433] : memref<32x8xi32, #tpu.memory_space<vmem>> -> memref<1x8xi32, #tpu.memory_space<vmem>>
    %dma_start3A_1435 = tpu.memref_squeeze %dma_start3A_1434 : memref<1x8xi32, #tpu.memory_space<vmem>> -> memref<8xi32, #tpu.memory_space<vmem>>
    %dma_start3A_1436 = arith.constant 0 : i32
    %dma_start3A_1437 = arith.constant 0 : i32
    %dma_start3A_1438 = tpu.memref_slice %arg2[%dma_start3A_1436, %dma_start3A_1437] : memref<16384x4096xf32, #tpu.memory_space<hbm>> -> memref<16384x4096xf32, #tpu.memory_space<hbm>>
    tpu.enqueue_indirect_dma source(%dma_start3A_1438 : memref<16384x4096xf32, #tpu.memory_space<hbm>>) target(%dma_start3A_1432 : memref<8x4096xf32, #tpu.memory_space<vmem>>) offsets(%dma_start3A_1435 : memref<8xi32, #tpu.memory_space<vmem>>) semaphore(%arg13 : memref<!tpu.dma_semaphore, #tpu.memory_space<semaphore_mem>>)
    %dma_wait3A_1439 = arith.constant 24 : i32
    %dma_wait3A_1440 = arith.constant 0 : i32
    %dma_wait3A_1441 = arith.constant 0 : i32
    %dma_wait3A_1442 = arith.constant 0 : i32
    %dma_wait3A_1443 = tpu.memref_slice %arg10[%dma_wait3A_1440, %dma_wait3A_1441, %dma_wait3A_1442] : memref<2x8x4096xf32, #tpu.memory_space<vmem>> -> memref<1x8x4096xf32, #tpu.memory_space<vmem>>
    %dma_wait3A_1444 = tpu.memref_squeeze %dma_wait3A_1443 : memref<1x8x4096xf32, #tpu.memory_space<vmem>> -> memref<8x4096xf32, #tpu.memory_space<vmem>>
    %dma_wait3A_1445 = arith.constant 0 : i32
    %dma_wait3A_1446 = tpu.memref_slice %arg7[%dma_wait3A_1439, %dma_wait3A_1445] : memref<32x8xi32, #tpu.memory_space<vmem>> -> memref<1x8xi32, #tpu.memory_space<vmem>>
    %dma_wait3A_1447 = tpu.memref_squeeze %dma_wait3A_1446 : memref<1x8xi32, #tpu.memory_space<vmem>> -> memref<8xi32, #tpu.memory_space<vmem>>
    %dma_wait3A_1448 = arith.constant 0 : i32
    %dma_wait3A_1449 = arith.constant 0 : i32
    %dma_wait3A_1450 = tpu.memref_slice %arg2[%dma_wait3A_1448, %dma_wait3A_1449] : memref<16384x4096xf32, #tpu.memory_space<hbm>> -> memref<16384x4096xf32, #tpu.memory_space<hbm>>
    tpu.wait_indirect_dma semaphore(%arg12 : memref<!tpu.dma_semaphore, #tpu.memory_space<semaphore_mem>>) src(%dma_wait3A_1450 : memref<16384x4096xf32, #tpu.memory_space<hbm>>) dst(%dma_wait3A_1444 : memref<8x4096xf32, #tpu.memory_space<vmem>>)
    %dma_wait3A_1451 = arith.constant 0 : i32
    %dma_wait3A_1452 = arith.constant 0 : i32
    %dma_wait3A_1453 = tpu.memref_slice %arg11[%dma_wait3A_1451, %dma_wait3A_1452] : memref<2x16384xf32, #tpu.memory_space<vmem>> -> memref<1x16384xf32, #tpu.memory_space<vmem>>
    %dma_wait3A_1454 = tpu.memref_squeeze %dma_wait3A_1453 : memref<1x16384xf32, #tpu.memory_space<vmem>> -> memref<16384xf32, #tpu.memory_space<vmem>>
    %dma_wait3A_1455 = arith.constant 0 : i32
    %dma_wait3A_1456 = tpu.memref_slice %arg6[%add3A_1353, %dma_wait3A_1455] : memref<1024x16384xf32, #tpu.memory_space<hbm>> -> memref<1x16384xf32, #tpu.memory_space<hbm>>
    %dma_wait3A_1457 = tpu.memref_squeeze %dma_wait3A_1456 : memref<1x16384xf32, #tpu.memory_space<hbm>> -> memref<16384xf32, #tpu.memory_space<hbm>>
    %dma_wait3A_1458 = arith.constant 0 : i32
    %dma_wait3A_1459 = tpu.memref_slice %arg6[%add3A_1353, %dma_wait3A_1458] : memref<1024x16384xf32, #tpu.memory_space<hbm>> -> memref<1x16384xf32, #tpu.memory_space<hbm>>
    %dma_wait3A_1460 = tpu.memref_squeeze %dma_wait3A_1459 : memref<1x16384xf32, #tpu.memory_space<hbm>> -> memref<16384xf32, #tpu.memory_space<hbm>>
    %dma_wait3A_1461 = arith.constant 0 : i32
    %dma_wait3A_1462 = tpu.memref_slice %arg11[%dma_wait3A_1451, %dma_wait3A_1461] : memref<2x16384xf32, #tpu.memory_space<vmem>> -> memref<1x16384xf32, #tpu.memory_space<vmem>>
    %dma_wait3A_1463 = tpu.memref_squeeze %dma_wait3A_1462 : memref<1x16384xf32, #tpu.memory_space<vmem>> -> memref<16384xf32, #tpu.memory_space<vmem>>
    tpu.wait_dma2 semaphore(%arg14 : memref<!tpu.dma_semaphore, #tpu.memory_space<semaphore_mem>>) src(%dma_wait3A_1463 : memref<16384xf32, #tpu.memory_space<vmem>>) dst(%dma_wait3A_1460 : memref<16384xf32, #tpu.memory_space<hbm>>)
    %scan3A_1464 = arith.constant 0 : i32
    %scan3A_1465 = arith.constant 0 : i32
    %scan3A_1466 = arith.constant 0 : i32
    %scan3A_1467 = arith.constant 0 : i32
    %scan3A_1468 = arith.constant 1024 : i32
    %scan3A_1469 = arith.addi %scan3A_1467, %scan3A_1468 : i32
    %scan3A_1470 = arith.constant 1 : i32
    scf.for %scan3A_1921 = %scan3A_1467 to %scan3A_1469 step %scan3A_1470  : i32 {
      %shift_right_arithmetic3A = arith.constant 8 : i32
      %shift_right_arithmetic3A_1922 = arith.shrsi %scan3A_1921, %shift_right_arithmetic3A : i32
      %and3A = arith.constant 255 : i32
      %and3A_1923 = arith.andi %scan3A_1921, %and3A : i32
      %mul3A_1924 = arith.constant 16 : i32
      %mul3A_1925 = arith.muli %and3A_1923, %mul3A_1924 : i32
      %get3A_1926 = arith.index_cast %mul3A_1925 : i32 to index
      %get3A_1927 = tpu.vector_load %arg8[%get3A_1926] {strides = array<i32>} : memref<4096xi32, #tpu.memory_space<vmem>>, vector<16xi32>,
      %shift_right_arithmetic3A_1928 = arith.constant 12 : i32
      %shift_right_arithmetic3A_1929 = vector.broadcast %shift_right_arithmetic3A_1928 : i32 to vector<16xi32>
      %shift_right_arithmetic3A_1930 = arith.shrsi %get3A_1927, %shift_right_arithmetic3A_1929 : vector<16xi32>
      %mul3A_1931 = arith.constant 2 : i32
      %mul3A_1932 = arith.muli %mul3A_1931, %shift_right_arithmetic3A_1922 : i32
      %add3A_1933 = vector.broadcast %mul3A_1932 : i32 to vector<16xi32>
      %add3A_1934 = arith.addi %shift_right_arithmetic3A_1930, %add3A_1933 : vector<16xi32>
      %and3A_1935 = arith.constant 4095 : i32
      %and3A_1936 = vector.broadcast %and3A_1935 : i32 to vector<16xi32>
      %and3A_1937 = arith.andi %get3A_1927, %and3A_1936 : vector<16xi32>
      %gather3A = arith.constant 0 : i32
      %gather3A_1938 = arith.constant 0 : i32
      %gather3A_1939 = tpu.memref_slice %arg10[%scan3A_1465, %gather3A, %gather3A_1938] : memref<2x8x4096xf32, #tpu.memory_space<vmem>> -> memref<1x8x4096xf32, #tpu.memory_space<vmem>>
      %gather3A_1940 = tpu.memref_squeeze %gather3A_1939 : memref<1x8x4096xf32, #tpu.memory_space<vmem>> -> memref<8x4096xf32, #tpu.memory_space<vmem>>
      %gather3A_1941 = tpu.vector_load_idx %gather3A_1940[%add3A_1934, %and3A_1937] : memref<8x4096xf32, #tpu.memory_space<vmem>>[vector<16xi32>, vector<16xi32>], vector<16xf32>,
      %mul3A_1942 = arith.mulf %gather3A_1941, %get3A_3 : vector<16xf32>
      %exp3A = math.exp %mul3A_1942 : vector<16xf32>
      %mul3A_1943 = arith.constant 4096 : i32
      %mul3A_1944 = arith.muli %shift_right_arithmetic3A_1922, %mul3A_1943 : i32
      %mul3A_1945 = arith.constant 16 : i32
      %mul3A_1946 = arith.muli %and3A_1923, %mul3A_1945 : i32
      %add3A_1947 = arith.addi %mul3A_1944, %mul3A_1946 : i32
      %swap3A = arith.constant 0 : i32
      %swap3A_1948 = tpu.memref_slice %arg11[%scan3A_1466, %swap3A] : memref<2x16384xf32, #tpu.memory_space<vmem>> -> memref<1x16384xf32, #tpu.memory_space<vmem>>
      %swap3A_1949 = tpu.memref_squeeze %swap3A_1948 : memref<1x16384xf32, #tpu.memory_space<vmem>> -> memref<16384xf32, #tpu.memory_space<vmem>>
      %swap3A_1950 = arith.index_cast %add3A_1947 : i32 to index
      %swap3A_1951 = tpu.vector_load %swap3A_1949[%swap3A_1950] {strides = array<i32>} : memref<16384xf32, #tpu.memory_space<vmem>>, vector<16xf32>,
      tpu.vector_store %swap3A_1949[%swap3A_1950], %exp3A {strides = array<i32>} : memref<16384xf32, #tpu.memory_space<vmem>>, vector<16xf32>,
    }
    %scan3A_1471 = arith.constant 1024 : i32
    %add3A_1472 = arith.constant 24 : i32
    %add3A_1473 = arith.addi %mul3A_2, %add3A_1472 : i32
    %dma_start3A_1474 = arith.constant 0 : i32
    %dma_start3A_1475 = arith.constant 0 : i32
    %dma_start3A_1476 = tpu.memref_slice %arg11[%dma_start3A_1474, %dma_start3A_1475] : memref<2x16384xf32, #tpu.memory_space<vmem>> -> memref<1x16384xf32, #tpu.memory_space<vmem>>
    %dma_start3A_1477 = tpu.memref_squeeze %dma_start3A_1476 : memref<1x16384xf32, #tpu.memory_space<vmem>> -> memref<16384xf32, #tpu.memory_space<vmem>>
    %dma_start3A_1478 = arith.constant 0 : i32
    %dma_start3A_1479 = tpu.memref_slice %arg6[%add3A_1473, %dma_start3A_1478] : memref<1024x16384xf32, #tpu.memory_space<hbm>> -> memref<1x16384xf32, #tpu.memory_space<hbm>>
    %dma_start3A_1480 = tpu.memref_squeeze %dma_start3A_1479 : memref<1x16384xf32, #tpu.memory_space<hbm>> -> memref<16384xf32, #tpu.memory_space<hbm>>
    %dma_start3A_1481 = arith.constant 0 : i32
    %dma_start3A_1482 = tpu.memref_slice %arg6[%add3A_1473, %dma_start3A_1481] : memref<1024x16384xf32, #tpu.memory_space<hbm>> -> memref<1x16384xf32, #tpu.memory_space<hbm>>
    %dma_start3A_1483 = tpu.memref_squeeze %dma_start3A_1482 : memref<1x16384xf32, #tpu.memory_space<hbm>> -> memref<16384xf32, #tpu.memory_space<hbm>>
    %dma_start3A_1484 = arith.constant 0 : i32
    %dma_start3A_1485 = tpu.memref_slice %arg11[%dma_start3A_1474, %dma_start3A_1484] : memref<2x16384xf32, #tpu.memory_space<vmem>> -> memref<1x16384xf32, #tpu.memory_space<vmem>>
    %dma_start3A_1486 = tpu.memref_squeeze %dma_start3A_1485 : memref<1x16384xf32, #tpu.memory_space<vmem>> -> memref<16384xf32, #tpu.memory_space<vmem>>
    tpu.enqueue_dma source(%dma_start3A_1486 : memref<16384xf32, #tpu.memory_space<vmem>>) target(%dma_start3A_1483 : memref<16384xf32, #tpu.memory_space<hbm>>) target_semaphore(%arg14 : memref<!tpu.dma_semaphore, #tpu.memory_space<semaphore_mem>>)
    %dma_start3A_1487 = arith.constant 26 : i32
    %dma_start3A_1488 = arith.constant 0 : i32
    %dma_start3A_1489 = arith.constant 0 : i32
    %dma_start3A_1490 = arith.constant 0 : i32
    %dma_start3A_1491 = tpu.memref_slice %arg10[%dma_start3A_1488, %dma_start3A_1489, %dma_start3A_1490] : memref<2x8x4096xf32, #tpu.memory_space<vmem>> -> memref<1x8x4096xf32, #tpu.memory_space<vmem>>
    %dma_start3A_1492 = tpu.memref_squeeze %dma_start3A_1491 : memref<1x8x4096xf32, #tpu.memory_space<vmem>> -> memref<8x4096xf32, #tpu.memory_space<vmem>>
    %dma_start3A_1493 = arith.constant 0 : i32
    %dma_start3A_1494 = tpu.memref_slice %arg7[%dma_start3A_1487, %dma_start3A_1493] : memref<32x8xi32, #tpu.memory_space<vmem>> -> memref<1x8xi32, #tpu.memory_space<vmem>>
    %dma_start3A_1495 = tpu.memref_squeeze %dma_start3A_1494 : memref<1x8xi32, #tpu.memory_space<vmem>> -> memref<8xi32, #tpu.memory_space<vmem>>
    %dma_start3A_1496 = arith.constant 0 : i32
    %dma_start3A_1497 = arith.constant 0 : i32
    %dma_start3A_1498 = tpu.memref_slice %arg2[%dma_start3A_1496, %dma_start3A_1497] : memref<16384x4096xf32, #tpu.memory_space<hbm>> -> memref<16384x4096xf32, #tpu.memory_space<hbm>>
    tpu.enqueue_indirect_dma source(%dma_start3A_1498 : memref<16384x4096xf32, #tpu.memory_space<hbm>>) target(%dma_start3A_1492 : memref<8x4096xf32, #tpu.memory_space<vmem>>) offsets(%dma_start3A_1495 : memref<8xi32, #tpu.memory_space<vmem>>) semaphore(%arg12 : memref<!tpu.dma_semaphore, #tpu.memory_space<semaphore_mem>>)
    %dma_wait3A_1499 = arith.constant 25 : i32
    %dma_wait3A_1500 = arith.constant 1 : i32
    %dma_wait3A_1501 = arith.constant 0 : i32
    %dma_wait3A_1502 = arith.constant 0 : i32
    %dma_wait3A_1503 = tpu.memref_slice %arg10[%dma_wait3A_1500, %dma_wait3A_1501, %dma_wait3A_1502] : memref<2x8x4096xf32, #tpu.memory_space<vmem>> -> memref<1x8x4096xf32, #tpu.memory_space<vmem>>
    %dma_wait3A_1504 = tpu.memref_squeeze %dma_wait3A_1503 : memref<1x8x4096xf32, #tpu.memory_space<vmem>> -> memref<8x4096xf32, #tpu.memory_space<vmem>>
    %dma_wait3A_1505 = arith.constant 0 : i32
    %dma_wait3A_1506 = tpu.memref_slice %arg7[%dma_wait3A_1499, %dma_wait3A_1505] : memref<32x8xi32, #tpu.memory_space<vmem>> -> memref<1x8xi32, #tpu.memory_space<vmem>>
    %dma_wait3A_1507 = tpu.memref_squeeze %dma_wait3A_1506 : memref<1x8xi32, #tpu.memory_space<vmem>> -> memref<8xi32, #tpu.memory_space<vmem>>
    %dma_wait3A_1508 = arith.constant 0 : i32
    %dma_wait3A_1509 = arith.constant 0 : i32
    %dma_wait3A_1510 = tpu.memref_slice %arg2[%dma_wait3A_1508, %dma_wait3A_1509] : memref<16384x4096xf32, #tpu.memory_space<hbm>> -> memref<16384x4096xf32, #tpu.memory_space<hbm>>
    tpu.wait_indirect_dma semaphore(%arg13 : memref<!tpu.dma_semaphore, #tpu.memory_space<semaphore_mem>>) src(%dma_wait3A_1510 : memref<16384x4096xf32, #tpu.memory_space<hbm>>) dst(%dma_wait3A_1504 : memref<8x4096xf32, #tpu.memory_space<vmem>>)
    %dma_wait3A_1511 = arith.constant 1 : i32
    %dma_wait3A_1512 = arith.constant 0 : i32
    %dma_wait3A_1513 = tpu.memref_slice %arg11[%dma_wait3A_1511, %dma_wait3A_1512] : memref<2x16384xf32, #tpu.memory_space<vmem>> -> memref<1x16384xf32, #tpu.memory_space<vmem>>
    %dma_wait3A_1514 = tpu.memref_squeeze %dma_wait3A_1513 : memref<1x16384xf32, #tpu.memory_space<vmem>> -> memref<16384xf32, #tpu.memory_space<vmem>>
    %dma_wait3A_1515 = arith.constant 0 : i32
    %dma_wait3A_1516 = tpu.memref_slice %arg6[%add3A_1413, %dma_wait3A_1515] : memref<1024x16384xf32, #tpu.memory_space<hbm>> -> memref<1x16384xf32, #tpu.memory_space<hbm>>
    %dma_wait3A_1517 = tpu.memref_squeeze %dma_wait3A_1516 : memref<1x16384xf32, #tpu.memory_space<hbm>> -> memref<16384xf32, #tpu.memory_space<hbm>>
    %dma_wait3A_1518 = arith.constant 0 : i32
    %dma_wait3A_1519 = tpu.memref_slice %arg6[%add3A_1413, %dma_wait3A_1518] : memref<1024x16384xf32, #tpu.memory_space<hbm>> -> memref<1x16384xf32, #tpu.memory_space<hbm>>
    %dma_wait3A_1520 = tpu.memref_squeeze %dma_wait3A_1519 : memref<1x16384xf32, #tpu.memory_space<hbm>> -> memref<16384xf32, #tpu.memory_space<hbm>>
    %dma_wait3A_1521 = arith.constant 0 : i32
    %dma_wait3A_1522 = tpu.memref_slice %arg11[%dma_wait3A_1511, %dma_wait3A_1521] : memref<2x16384xf32, #tpu.memory_space<vmem>> -> memref<1x16384xf32, #tpu.memory_space<vmem>>
    %dma_wait3A_1523 = tpu.memref_squeeze %dma_wait3A_1522 : memref<1x16384xf32, #tpu.memory_space<vmem>> -> memref<16384xf32, #tpu.memory_space<vmem>>
    tpu.wait_dma2 semaphore(%arg15 : memref<!tpu.dma_semaphore, #tpu.memory_space<semaphore_mem>>) src(%dma_wait3A_1523 : memref<16384xf32, #tpu.memory_space<vmem>>) dst(%dma_wait3A_1520 : memref<16384xf32, #tpu.memory_space<hbm>>)
    %scan3A_1524 = arith.constant 0 : i32
    %scan3A_1525 = arith.constant 1 : i32
    %scan3A_1526 = arith.constant 1 : i32
    %scan3A_1527 = arith.constant 0 : i32
    %scan3A_1528 = arith.constant 1024 : i32
    %scan3A_1529 = arith.addi %scan3A_1527, %scan3A_1528 : i32
    %scan3A_1530 = arith.constant 1 : i32
    scf.for %scan3A_1921 = %scan3A_1527 to %scan3A_1529 step %scan3A_1530  : i32 {
      %shift_right_arithmetic3A = arith.constant 8 : i32
      %shift_right_arithmetic3A_1922 = arith.shrsi %scan3A_1921, %shift_right_arithmetic3A : i32
      %and3A = arith.constant 255 : i32
      %and3A_1923 = arith.andi %scan3A_1921, %and3A : i32
      %mul3A_1924 = arith.constant 16 : i32
      %mul3A_1925 = arith.muli %and3A_1923, %mul3A_1924 : i32
      %get3A_1926 = arith.index_cast %mul3A_1925 : i32 to index
      %get3A_1927 = tpu.vector_load %arg8[%get3A_1926] {strides = array<i32>} : memref<4096xi32, #tpu.memory_space<vmem>>, vector<16xi32>,
      %shift_right_arithmetic3A_1928 = arith.constant 12 : i32
      %shift_right_arithmetic3A_1929 = vector.broadcast %shift_right_arithmetic3A_1928 : i32 to vector<16xi32>
      %shift_right_arithmetic3A_1930 = arith.shrsi %get3A_1927, %shift_right_arithmetic3A_1929 : vector<16xi32>
      %mul3A_1931 = arith.constant 2 : i32
      %mul3A_1932 = arith.muli %mul3A_1931, %shift_right_arithmetic3A_1922 : i32
      %add3A_1933 = vector.broadcast %mul3A_1932 : i32 to vector<16xi32>
      %add3A_1934 = arith.addi %shift_right_arithmetic3A_1930, %add3A_1933 : vector<16xi32>
      %and3A_1935 = arith.constant 4095 : i32
      %and3A_1936 = vector.broadcast %and3A_1935 : i32 to vector<16xi32>
      %and3A_1937 = arith.andi %get3A_1927, %and3A_1936 : vector<16xi32>
      %gather3A = arith.constant 0 : i32
      %gather3A_1938 = arith.constant 0 : i32
      %gather3A_1939 = tpu.memref_slice %arg10[%scan3A_1525, %gather3A, %gather3A_1938] : memref<2x8x4096xf32, #tpu.memory_space<vmem>> -> memref<1x8x4096xf32, #tpu.memory_space<vmem>>
      %gather3A_1940 = tpu.memref_squeeze %gather3A_1939 : memref<1x8x4096xf32, #tpu.memory_space<vmem>> -> memref<8x4096xf32, #tpu.memory_space<vmem>>
      %gather3A_1941 = tpu.vector_load_idx %gather3A_1940[%add3A_1934, %and3A_1937] : memref<8x4096xf32, #tpu.memory_space<vmem>>[vector<16xi32>, vector<16xi32>], vector<16xf32>,
      %mul3A_1942 = arith.mulf %gather3A_1941, %get3A_3 : vector<16xf32>
      %exp3A = math.exp %mul3A_1942 : vector<16xf32>
      %mul3A_1943 = arith.constant 4096 : i32
      %mul3A_1944 = arith.muli %shift_right_arithmetic3A_1922, %mul3A_1943 : i32
      %mul3A_1945 = arith.constant 16 : i32
      %mul3A_1946 = arith.muli %and3A_1923, %mul3A_1945 : i32
      %add3A_1947 = arith.addi %mul3A_1944, %mul3A_1946 : i32
      %swap3A = arith.constant 0 : i32
      %swap3A_1948 = tpu.memref_slice %arg11[%scan3A_1526, %swap3A] : memref<2x16384xf32, #tpu.memory_space<vmem>> -> memref<1x16384xf32, #tpu.memory_space<vmem>>
      %swap3A_1949 = tpu.memref_squeeze %swap3A_1948 : memref<1x16384xf32, #tpu.memory_space<vmem>> -> memref<16384xf32, #tpu.memory_space<vmem>>
      %swap3A_1950 = arith.index_cast %add3A_1947 : i32 to index
      %swap3A_1951 = tpu.vector_load %swap3A_1949[%swap3A_1950] {strides = array<i32>} : memref<16384xf32, #tpu.memory_space<vmem>>, vector<16xf32>,
      tpu.vector_store %swap3A_1949[%swap3A_1950], %exp3A {strides = array<i32>} : memref<16384xf32, #tpu.memory_space<vmem>>, vector<16xf32>,
    }
    %scan3A_1531 = arith.constant 1024 : i32
    %add3A_1532 = arith.constant 25 : i32
    %add3A_1533 = arith.addi %mul3A_2, %add3A_1532 : i32
    %dma_start3A_1534 = arith.constant 1 : i32
    %dma_start3A_1535 = arith.constant 0 : i32
    %dma_start3A_1536 = tpu.memref_slice %arg11[%dma_start3A_1534, %dma_start3A_1535] : memref<2x16384xf32, #tpu.memory_space<vmem>> -> memref<1x16384xf32, #tpu.memory_space<vmem>>
    %dma_start3A_1537 = tpu.memref_squeeze %dma_start3A_1536 : memref<1x16384xf32, #tpu.memory_space<vmem>> -> memref<16384xf32, #tpu.memory_space<vmem>>
    %dma_start3A_1538 = arith.constant 0 : i32
    %dma_start3A_1539 = tpu.memref_slice %arg6[%add3A_1533, %dma_start3A_1538] : memref<1024x16384xf32, #tpu.memory_space<hbm>> -> memref<1x16384xf32, #tpu.memory_space<hbm>>
    %dma_start3A_1540 = tpu.memref_squeeze %dma_start3A_1539 : memref<1x16384xf32, #tpu.memory_space<hbm>> -> memref<16384xf32, #tpu.memory_space<hbm>>
    %dma_start3A_1541 = arith.constant 0 : i32
    %dma_start3A_1542 = tpu.memref_slice %arg6[%add3A_1533, %dma_start3A_1541] : memref<1024x16384xf32, #tpu.memory_space<hbm>> -> memref<1x16384xf32, #tpu.memory_space<hbm>>
    %dma_start3A_1543 = tpu.memref_squeeze %dma_start3A_1542 : memref<1x16384xf32, #tpu.memory_space<hbm>> -> memref<16384xf32, #tpu.memory_space<hbm>>
    %dma_start3A_1544 = arith.constant 0 : i32
    %dma_start3A_1545 = tpu.memref_slice %arg11[%dma_start3A_1534, %dma_start3A_1544] : memref<2x16384xf32, #tpu.memory_space<vmem>> -> memref<1x16384xf32, #tpu.memory_space<vmem>>
    %dma_start3A_1546 = tpu.memref_squeeze %dma_start3A_1545 : memref<1x16384xf32, #tpu.memory_space<vmem>> -> memref<16384xf32, #tpu.memory_space<vmem>>
    tpu.enqueue_dma source(%dma_start3A_1546 : memref<16384xf32, #tpu.memory_space<vmem>>) target(%dma_start3A_1543 : memref<16384xf32, #tpu.memory_space<hbm>>) target_semaphore(%arg15 : memref<!tpu.dma_semaphore, #tpu.memory_space<semaphore_mem>>)
    %dma_start3A_1547 = arith.constant 27 : i32
    %dma_start3A_1548 = arith.constant 1 : i32
    %dma_start3A_1549 = arith.constant 0 : i32
    %dma_start3A_1550 = arith.constant 0 : i32
    %dma_start3A_1551 = tpu.memref_slice %arg10[%dma_start3A_1548, %dma_start3A_1549, %dma_start3A_1550] : memref<2x8x4096xf32, #tpu.memory_space<vmem>> -> memref<1x8x4096xf32, #tpu.memory_space<vmem>>
    %dma_start3A_1552 = tpu.memref_squeeze %dma_start3A_1551 : memref<1x8x4096xf32, #tpu.memory_space<vmem>> -> memref<8x4096xf32, #tpu.memory_space<vmem>>
    %dma_start3A_1553 = arith.constant 0 : i32
    %dma_start3A_1554 = tpu.memref_slice %arg7[%dma_start3A_1547, %dma_start3A_1553] : memref<32x8xi32, #tpu.memory_space<vmem>> -> memref<1x8xi32, #tpu.memory_space<vmem>>
    %dma_start3A_1555 = tpu.memref_squeeze %dma_start3A_1554 : memref<1x8xi32, #tpu.memory_space<vmem>> -> memref<8xi32, #tpu.memory_space<vmem>>
    %dma_start3A_1556 = arith.constant 0 : i32
    %dma_start3A_1557 = arith.constant 0 : i32
    %dma_start3A_1558 = tpu.memref_slice %arg2[%dma_start3A_1556, %dma_start3A_1557] : memref<16384x4096xf32, #tpu.memory_space<hbm>> -> memref<16384x4096xf32, #tpu.memory_space<hbm>>
    tpu.enqueue_indirect_dma source(%dma_start3A_1558 : memref<16384x4096xf32, #tpu.memory_space<hbm>>) target(%dma_start3A_1552 : memref<8x4096xf32, #tpu.memory_space<vmem>>) offsets(%dma_start3A_1555 : memref<8xi32, #tpu.memory_space<vmem>>) semaphore(%arg13 : memref<!tpu.dma_semaphore, #tpu.memory_space<semaphore_mem>>)
    %dma_wait3A_1559 = arith.constant 26 : i32
    %dma_wait3A_1560 = arith.constant 0 : i32
    %dma_wait3A_1561 = arith.constant 0 : i32
    %dma_wait3A_1562 = arith.constant 0 : i32
    %dma_wait3A_1563 = tpu.memref_slice %arg10[%dma_wait3A_1560, %dma_wait3A_1561, %dma_wait3A_1562] : memref<2x8x4096xf32, #tpu.memory_space<vmem>> -> memref<1x8x4096xf32, #tpu.memory_space<vmem>>
    %dma_wait3A_1564 = tpu.memref_squeeze %dma_wait3A_1563 : memref<1x8x4096xf32, #tpu.memory_space<vmem>> -> memref<8x4096xf32, #tpu.memory_space<vmem>>
    %dma_wait3A_1565 = arith.constant 0 : i32
    %dma_wait3A_1566 = tpu.memref_slice %arg7[%dma_wait3A_1559, %dma_wait3A_1565] : memref<32x8xi32, #tpu.memory_space<vmem>> -> memref<1x8xi32, #tpu.memory_space<vmem>>
    %dma_wait3A_1567 = tpu.memref_squeeze %dma_wait3A_1566 : memref<1x8xi32, #tpu.memory_space<vmem>> -> memref<8xi32, #tpu.memory_space<vmem>>
    %dma_wait3A_1568 = arith.constant 0 : i32
    %dma_wait3A_1569 = arith.constant 0 : i32
    %dma_wait3A_1570 = tpu.memref_slice %arg2[%dma_wait3A_1568, %dma_wait3A_1569] : memref<16384x4096xf32, #tpu.memory_space<hbm>> -> memref<16384x4096xf32, #tpu.memory_space<hbm>>
    tpu.wait_indirect_dma semaphore(%arg12 : memref<!tpu.dma_semaphore, #tpu.memory_space<semaphore_mem>>) src(%dma_wait3A_1570 : memref<16384x4096xf32, #tpu.memory_space<hbm>>) dst(%dma_wait3A_1564 : memref<8x4096xf32, #tpu.memory_space<vmem>>)
    %dma_wait3A_1571 = arith.constant 0 : i32
    %dma_wait3A_1572 = arith.constant 0 : i32
    %dma_wait3A_1573 = tpu.memref_slice %arg11[%dma_wait3A_1571, %dma_wait3A_1572] : memref<2x16384xf32, #tpu.memory_space<vmem>> -> memref<1x16384xf32, #tpu.memory_space<vmem>>
    %dma_wait3A_1574 = tpu.memref_squeeze %dma_wait3A_1573 : memref<1x16384xf32, #tpu.memory_space<vmem>> -> memref<16384xf32, #tpu.memory_space<vmem>>
    %dma_wait3A_1575 = arith.constant 0 : i32
    %dma_wait3A_1576 = tpu.memref_slice %arg6[%add3A_1473, %dma_wait3A_1575] : memref<1024x16384xf32, #tpu.memory_space<hbm>> -> memref<1x16384xf32, #tpu.memory_space<hbm>>
    %dma_wait3A_1577 = tpu.memref_squeeze %dma_wait3A_1576 : memref<1x16384xf32, #tpu.memory_space<hbm>> -> memref<16384xf32, #tpu.memory_space<hbm>>
    %dma_wait3A_1578 = arith.constant 0 : i32
    %dma_wait3A_1579 = tpu.memref_slice %arg6[%add3A_1473, %dma_wait3A_1578] : memref<1024x16384xf32, #tpu.memory_space<hbm>> -> memref<1x16384xf32, #tpu.memory_space<hbm>>
    %dma_wait3A_1580 = tpu.memref_squeeze %dma_wait3A_1579 : memref<1x16384xf32, #tpu.memory_space<hbm>> -> memref<16384xf32, #tpu.memory_space<hbm>>
    %dma_wait3A_1581 = arith.constant 0 : i32
    %dma_wait3A_1582 = tpu.memref_slice %arg11[%dma_wait3A_1571, %dma_wait3A_1581] : memref<2x16384xf32, #tpu.memory_space<vmem>> -> memref<1x16384xf32, #tpu.memory_space<vmem>>
    %dma_wait3A_1583 = tpu.memref_squeeze %dma_wait3A_1582 : memref<1x16384xf32, #tpu.memory_space<vmem>> -> memref<16384xf32, #tpu.memory_space<vmem>>
    tpu.wait_dma2 semaphore(%arg14 : memref<!tpu.dma_semaphore, #tpu.memory_space<semaphore_mem>>) src(%dma_wait3A_1583 : memref<16384xf32, #tpu.memory_space<vmem>>) dst(%dma_wait3A_1580 : memref<16384xf32, #tpu.memory_space<hbm>>)
    %scan3A_1584 = arith.constant 0 : i32
    %scan3A_1585 = arith.constant 0 : i32
    %scan3A_1586 = arith.constant 0 : i32
    %scan3A_1587 = arith.constant 0 : i32
    %scan3A_1588 = arith.constant 1024 : i32
    %scan3A_1589 = arith.addi %scan3A_1587, %scan3A_1588 : i32
    %scan3A_1590 = arith.constant 1 : i32
    scf.for %scan3A_1921 = %scan3A_1587 to %scan3A_1589 step %scan3A_1590  : i32 {
      %shift_right_arithmetic3A = arith.constant 8 : i32
      %shift_right_arithmetic3A_1922 = arith.shrsi %scan3A_1921, %shift_right_arithmetic3A : i32
      %and3A = arith.constant 255 : i32
      %and3A_1923 = arith.andi %scan3A_1921, %and3A : i32
      %mul3A_1924 = arith.constant 16 : i32
      %mul3A_1925 = arith.muli %and3A_1923, %mul3A_1924 : i32
      %get3A_1926 = arith.index_cast %mul3A_1925 : i32 to index
      %get3A_1927 = tpu.vector_load %arg8[%get3A_1926] {strides = array<i32>} : memref<4096xi32, #tpu.memory_space<vmem>>, vector<16xi32>,
      %shift_right_arithmetic3A_1928 = arith.constant 12 : i32
      %shift_right_arithmetic3A_1929 = vector.broadcast %shift_right_arithmetic3A_1928 : i32 to vector<16xi32>
      %shift_right_arithmetic3A_1930 = arith.shrsi %get3A_1927, %shift_right_arithmetic3A_1929 : vector<16xi32>
      %mul3A_1931 = arith.constant 2 : i32
      %mul3A_1932 = arith.muli %mul3A_1931, %shift_right_arithmetic3A_1922 : i32
      %add3A_1933 = vector.broadcast %mul3A_1932 : i32 to vector<16xi32>
      %add3A_1934 = arith.addi %shift_right_arithmetic3A_1930, %add3A_1933 : vector<16xi32>
      %and3A_1935 = arith.constant 4095 : i32
      %and3A_1936 = vector.broadcast %and3A_1935 : i32 to vector<16xi32>
      %and3A_1937 = arith.andi %get3A_1927, %and3A_1936 : vector<16xi32>
      %gather3A = arith.constant 0 : i32
      %gather3A_1938 = arith.constant 0 : i32
      %gather3A_1939 = tpu.memref_slice %arg10[%scan3A_1585, %gather3A, %gather3A_1938] : memref<2x8x4096xf32, #tpu.memory_space<vmem>> -> memref<1x8x4096xf32, #tpu.memory_space<vmem>>
      %gather3A_1940 = tpu.memref_squeeze %gather3A_1939 : memref<1x8x4096xf32, #tpu.memory_space<vmem>> -> memref<8x4096xf32, #tpu.memory_space<vmem>>
      %gather3A_1941 = tpu.vector_load_idx %gather3A_1940[%add3A_1934, %and3A_1937] : memref<8x4096xf32, #tpu.memory_space<vmem>>[vector<16xi32>, vector<16xi32>], vector<16xf32>,
      %mul3A_1942 = arith.mulf %gather3A_1941, %get3A_3 : vector<16xf32>
      %exp3A = math.exp %mul3A_1942 : vector<16xf32>
      %mul3A_1943 = arith.constant 4096 : i32
      %mul3A_1944 = arith.muli %shift_right_arithmetic3A_1922, %mul3A_1943 : i32
      %mul3A_1945 = arith.constant 16 : i32
      %mul3A_1946 = arith.muli %and3A_1923, %mul3A_1945 : i32
      %add3A_1947 = arith.addi %mul3A_1944, %mul3A_1946 : i32
      %swap3A = arith.constant 0 : i32
      %swap3A_1948 = tpu.memref_slice %arg11[%scan3A_1586, %swap3A] : memref<2x16384xf32, #tpu.memory_space<vmem>> -> memref<1x16384xf32, #tpu.memory_space<vmem>>
      %swap3A_1949 = tpu.memref_squeeze %swap3A_1948 : memref<1x16384xf32, #tpu.memory_space<vmem>> -> memref<16384xf32, #tpu.memory_space<vmem>>
      %swap3A_1950 = arith.index_cast %add3A_1947 : i32 to index
      %swap3A_1951 = tpu.vector_load %swap3A_1949[%swap3A_1950] {strides = array<i32>} : memref<16384xf32, #tpu.memory_space<vmem>>, vector<16xf32>,
      tpu.vector_store %swap3A_1949[%swap3A_1950], %exp3A {strides = array<i32>} : memref<16384xf32, #tpu.memory_space<vmem>>, vector<16xf32>,
    }
    %scan3A_1591 = arith.constant 1024 : i32
    %add3A_1592 = arith.constant 26 : i32
    %add3A_1593 = arith.addi %mul3A_2, %add3A_1592 : i32
    %dma_start3A_1594 = arith.constant 0 : i32
    %dma_start3A_1595 = arith.constant 0 : i32
    %dma_start3A_1596 = tpu.memref_slice %arg11[%dma_start3A_1594, %dma_start3A_1595] : memref<2x16384xf32, #tpu.memory_space<vmem>> -> memref<1x16384xf32, #tpu.memory_space<vmem>>
    %dma_start3A_1597 = tpu.memref_squeeze %dma_start3A_1596 : memref<1x16384xf32, #tpu.memory_space<vmem>> -> memref<16384xf32, #tpu.memory_space<vmem>>
    %dma_start3A_1598 = arith.constant 0 : i32
    %dma_start3A_1599 = tpu.memref_slice %arg6[%add3A_1593, %dma_start3A_1598] : memref<1024x16384xf32, #tpu.memory_space<hbm>> -> memref<1x16384xf32, #tpu.memory_space<hbm>>
    %dma_start3A_1600 = tpu.memref_squeeze %dma_start3A_1599 : memref<1x16384xf32, #tpu.memory_space<hbm>> -> memref<16384xf32, #tpu.memory_space<hbm>>
    %dma_start3A_1601 = arith.constant 0 : i32
    %dma_start3A_1602 = tpu.memref_slice %arg6[%add3A_1593, %dma_start3A_1601] : memref<1024x16384xf32, #tpu.memory_space<hbm>> -> memref<1x16384xf32, #tpu.memory_space<hbm>>
    %dma_start3A_1603 = tpu.memref_squeeze %dma_start3A_1602 : memref<1x16384xf32, #tpu.memory_space<hbm>> -> memref<16384xf32, #tpu.memory_space<hbm>>
    %dma_start3A_1604 = arith.constant 0 : i32
    %dma_start3A_1605 = tpu.memref_slice %arg11[%dma_start3A_1594, %dma_start3A_1604] : memref<2x16384xf32, #tpu.memory_space<vmem>> -> memref<1x16384xf32, #tpu.memory_space<vmem>>
    %dma_start3A_1606 = tpu.memref_squeeze %dma_start3A_1605 : memref<1x16384xf32, #tpu.memory_space<vmem>> -> memref<16384xf32, #tpu.memory_space<vmem>>
    tpu.enqueue_dma source(%dma_start3A_1606 : memref<16384xf32, #tpu.memory_space<vmem>>) target(%dma_start3A_1603 : memref<16384xf32, #tpu.memory_space<hbm>>) target_semaphore(%arg14 : memref<!tpu.dma_semaphore, #tpu.memory_space<semaphore_mem>>)
    %dma_start3A_1607 = arith.constant 28 : i32
    %dma_start3A_1608 = arith.constant 0 : i32
    %dma_start3A_1609 = arith.constant 0 : i32
    %dma_start3A_1610 = arith.constant 0 : i32
    %dma_start3A_1611 = tpu.memref_slice %arg10[%dma_start3A_1608, %dma_start3A_1609, %dma_start3A_1610] : memref<2x8x4096xf32, #tpu.memory_space<vmem>> -> memref<1x8x4096xf32, #tpu.memory_space<vmem>>
    %dma_start3A_1612 = tpu.memref_squeeze %dma_start3A_1611 : memref<1x8x4096xf32, #tpu.memory_space<vmem>> -> memref<8x4096xf32, #tpu.memory_space<vmem>>
    %dma_start3A_1613 = arith.constant 0 : i32
    %dma_start3A_1614 = tpu.memref_slice %arg7[%dma_start3A_1607, %dma_start3A_1613] : memref<32x8xi32, #tpu.memory_space<vmem>> -> memref<1x8xi32, #tpu.memory_space<vmem>>
    %dma_start3A_1615 = tpu.memref_squeeze %dma_start3A_1614 : memref<1x8xi32, #tpu.memory_space<vmem>> -> memref<8xi32, #tpu.memory_space<vmem>>
    %dma_start3A_1616 = arith.constant 0 : i32
    %dma_start3A_1617 = arith.constant 0 : i32
    %dma_start3A_1618 = tpu.memref_slice %arg2[%dma_start3A_1616, %dma_start3A_1617] : memref<16384x4096xf32, #tpu.memory_space<hbm>> -> memref<16384x4096xf32, #tpu.memory_space<hbm>>
    tpu.enqueue_indirect_dma source(%dma_start3A_1618 : memref<16384x4096xf32, #tpu.memory_space<hbm>>) target(%dma_start3A_1612 : memref<8x4096xf32, #tpu.memory_space<vmem>>) offsets(%dma_start3A_1615 : memref<8xi32, #tpu.memory_space<vmem>>) semaphore(%arg12 : memref<!tpu.dma_semaphore, #tpu.memory_space<semaphore_mem>>)
    %dma_wait3A_1619 = arith.constant 27 : i32
    %dma_wait3A_1620 = arith.constant 1 : i32
    %dma_wait3A_1621 = arith.constant 0 : i32
    %dma_wait3A_1622 = arith.constant 0 : i32
    %dma_wait3A_1623 = tpu.memref_slice %arg10[%dma_wait3A_1620, %dma_wait3A_1621, %dma_wait3A_1622] : memref<2x8x4096xf32, #tpu.memory_space<vmem>> -> memref<1x8x4096xf32, #tpu.memory_space<vmem>>
    %dma_wait3A_1624 = tpu.memref_squeeze %dma_wait3A_1623 : memref<1x8x4096xf32, #tpu.memory_space<vmem>> -> memref<8x4096xf32, #tpu.memory_space<vmem>>
    %dma_wait3A_1625 = arith.constant 0 : i32
    %dma_wait3A_1626 = tpu.memref_slice %arg7[%dma_wait3A_1619, %dma_wait3A_1625] : memref<32x8xi32, #tpu.memory_space<vmem>> -> memref<1x8xi32, #tpu.memory_space<vmem>>
    %dma_wait3A_1627 = tpu.memref_squeeze %dma_wait3A_1626 : memref<1x8xi32, #tpu.memory_space<vmem>> -> memref<8xi32, #tpu.memory_space<vmem>>
    %dma_wait3A_1628 = arith.constant 0 : i32
    %dma_wait3A_1629 = arith.constant 0 : i32
    %dma_wait3A_1630 = tpu.memref_slice %arg2[%dma_wait3A_1628, %dma_wait3A_1629] : memref<16384x4096xf32, #tpu.memory_space<hbm>> -> memref<16384x4096xf32, #tpu.memory_space<hbm>>
    tpu.wait_indirect_dma semaphore(%arg13 : memref<!tpu.dma_semaphore, #tpu.memory_space<semaphore_mem>>) src(%dma_wait3A_1630 : memref<16384x4096xf32, #tpu.memory_space<hbm>>) dst(%dma_wait3A_1624 : memref<8x4096xf32, #tpu.memory_space<vmem>>)
    %dma_wait3A_1631 = arith.constant 1 : i32
    %dma_wait3A_1632 = arith.constant 0 : i32
    %dma_wait3A_1633 = tpu.memref_slice %arg11[%dma_wait3A_1631, %dma_wait3A_1632] : memref<2x16384xf32, #tpu.memory_space<vmem>> -> memref<1x16384xf32, #tpu.memory_space<vmem>>
    %dma_wait3A_1634 = tpu.memref_squeeze %dma_wait3A_1633 : memref<1x16384xf32, #tpu.memory_space<vmem>> -> memref<16384xf32, #tpu.memory_space<vmem>>
    %dma_wait3A_1635 = arith.constant 0 : i32
    %dma_wait3A_1636 = tpu.memref_slice %arg6[%add3A_1533, %dma_wait3A_1635] : memref<1024x16384xf32, #tpu.memory_space<hbm>> -> memref<1x16384xf32, #tpu.memory_space<hbm>>
    %dma_wait3A_1637 = tpu.memref_squeeze %dma_wait3A_1636 : memref<1x16384xf32, #tpu.memory_space<hbm>> -> memref<16384xf32, #tpu.memory_space<hbm>>
    %dma_wait3A_1638 = arith.constant 0 : i32
    %dma_wait3A_1639 = tpu.memref_slice %arg6[%add3A_1533, %dma_wait3A_1638] : memref<1024x16384xf32, #tpu.memory_space<hbm>> -> memref<1x16384xf32, #tpu.memory_space<hbm>>
    %dma_wait3A_1640 = tpu.memref_squeeze %dma_wait3A_1639 : memref<1x16384xf32, #tpu.memory_space<hbm>> -> memref<16384xf32, #tpu.memory_space<hbm>>
    %dma_wait3A_1641 = arith.constant 0 : i32
    %dma_wait3A_1642 = tpu.memref_slice %arg11[%dma_wait3A_1631, %dma_wait3A_1641] : memref<2x16384xf32, #tpu.memory_space<vmem>> -> memref<1x16384xf32, #tpu.memory_space<vmem>>
    %dma_wait3A_1643 = tpu.memref_squeeze %dma_wait3A_1642 : memref<1x16384xf32, #tpu.memory_space<vmem>> -> memref<16384xf32, #tpu.memory_space<vmem>>
    tpu.wait_dma2 semaphore(%arg15 : memref<!tpu.dma_semaphore, #tpu.memory_space<semaphore_mem>>) src(%dma_wait3A_1643 : memref<16384xf32, #tpu.memory_space<vmem>>) dst(%dma_wait3A_1640 : memref<16384xf32, #tpu.memory_space<hbm>>)
    %scan3A_1644 = arith.constant 0 : i32
    %scan3A_1645 = arith.constant 1 : i32
    %scan3A_1646 = arith.constant 1 : i32
    %scan3A_1647 = arith.constant 0 : i32
    %scan3A_1648 = arith.constant 1024 : i32
    %scan3A_1649 = arith.addi %scan3A_1647, %scan3A_1648 : i32
    %scan3A_1650 = arith.constant 1 : i32
    scf.for %scan3A_1921 = %scan3A_1647 to %scan3A_1649 step %scan3A_1650  : i32 {
      %shift_right_arithmetic3A = arith.constant 8 : i32
      %shift_right_arithmetic3A_1922 = arith.shrsi %scan3A_1921, %shift_right_arithmetic3A : i32
      %and3A = arith.constant 255 : i32
      %and3A_1923 = arith.andi %scan3A_1921, %and3A : i32
      %mul3A_1924 = arith.constant 16 : i32
      %mul3A_1925 = arith.muli %and3A_1923, %mul3A_1924 : i32
      %get3A_1926 = arith.index_cast %mul3A_1925 : i32 to index
      %get3A_1927 = tpu.vector_load %arg8[%get3A_1926] {strides = array<i32>} : memref<4096xi32, #tpu.memory_space<vmem>>, vector<16xi32>,
      %shift_right_arithmetic3A_1928 = arith.constant 12 : i32
      %shift_right_arithmetic3A_1929 = vector.broadcast %shift_right_arithmetic3A_1928 : i32 to vector<16xi32>
      %shift_right_arithmetic3A_1930 = arith.shrsi %get3A_1927, %shift_right_arithmetic3A_1929 : vector<16xi32>
      %mul3A_1931 = arith.constant 2 : i32
      %mul3A_1932 = arith.muli %mul3A_1931, %shift_right_arithmetic3A_1922 : i32
      %add3A_1933 = vector.broadcast %mul3A_1932 : i32 to vector<16xi32>
      %add3A_1934 = arith.addi %shift_right_arithmetic3A_1930, %add3A_1933 : vector<16xi32>
      %and3A_1935 = arith.constant 4095 : i32
      %and3A_1936 = vector.broadcast %and3A_1935 : i32 to vector<16xi32>
      %and3A_1937 = arith.andi %get3A_1927, %and3A_1936 : vector<16xi32>
      %gather3A = arith.constant 0 : i32
      %gather3A_1938 = arith.constant 0 : i32
      %gather3A_1939 = tpu.memref_slice %arg10[%scan3A_1645, %gather3A, %gather3A_1938] : memref<2x8x4096xf32, #tpu.memory_space<vmem>> -> memref<1x8x4096xf32, #tpu.memory_space<vmem>>
      %gather3A_1940 = tpu.memref_squeeze %gather3A_1939 : memref<1x8x4096xf32, #tpu.memory_space<vmem>> -> memref<8x4096xf32, #tpu.memory_space<vmem>>
      %gather3A_1941 = tpu.vector_load_idx %gather3A_1940[%add3A_1934, %and3A_1937] : memref<8x4096xf32, #tpu.memory_space<vmem>>[vector<16xi32>, vector<16xi32>], vector<16xf32>,
      %mul3A_1942 = arith.mulf %gather3A_1941, %get3A_3 : vector<16xf32>
      %exp3A = math.exp %mul3A_1942 : vector<16xf32>
      %mul3A_1943 = arith.constant 4096 : i32
      %mul3A_1944 = arith.muli %shift_right_arithmetic3A_1922, %mul3A_1943 : i32
      %mul3A_1945 = arith.constant 16 : i32
      %mul3A_1946 = arith.muli %and3A_1923, %mul3A_1945 : i32
      %add3A_1947 = arith.addi %mul3A_1944, %mul3A_1946 : i32
      %swap3A = arith.constant 0 : i32
      %swap3A_1948 = tpu.memref_slice %arg11[%scan3A_1646, %swap3A] : memref<2x16384xf32, #tpu.memory_space<vmem>> -> memref<1x16384xf32, #tpu.memory_space<vmem>>
      %swap3A_1949 = tpu.memref_squeeze %swap3A_1948 : memref<1x16384xf32, #tpu.memory_space<vmem>> -> memref<16384xf32, #tpu.memory_space<vmem>>
      %swap3A_1950 = arith.index_cast %add3A_1947 : i32 to index
      %swap3A_1951 = tpu.vector_load %swap3A_1949[%swap3A_1950] {strides = array<i32>} : memref<16384xf32, #tpu.memory_space<vmem>>, vector<16xf32>,
      tpu.vector_store %swap3A_1949[%swap3A_1950], %exp3A {strides = array<i32>} : memref<16384xf32, #tpu.memory_space<vmem>>, vector<16xf32>,
    }
    %scan3A_1651 = arith.constant 1024 : i32
    %add3A_1652 = arith.constant 27 : i32
    %add3A_1653 = arith.addi %mul3A_2, %add3A_1652 : i32
    %dma_start3A_1654 = arith.constant 1 : i32
    %dma_start3A_1655 = arith.constant 0 : i32
    %dma_start3A_1656 = tpu.memref_slice %arg11[%dma_start3A_1654, %dma_start3A_1655] : memref<2x16384xf32, #tpu.memory_space<vmem>> -> memref<1x16384xf32, #tpu.memory_space<vmem>>
    %dma_start3A_1657 = tpu.memref_squeeze %dma_start3A_1656 : memref<1x16384xf32, #tpu.memory_space<vmem>> -> memref<16384xf32, #tpu.memory_space<vmem>>
    %dma_start3A_1658 = arith.constant 0 : i32
    %dma_start3A_1659 = tpu.memref_slice %arg6[%add3A_1653, %dma_start3A_1658] : memref<1024x16384xf32, #tpu.memory_space<hbm>> -> memref<1x16384xf32, #tpu.memory_space<hbm>>
    %dma_start3A_1660 = tpu.memref_squeeze %dma_start3A_1659 : memref<1x16384xf32, #tpu.memory_space<hbm>> -> memref<16384xf32, #tpu.memory_space<hbm>>
    %dma_start3A_1661 = arith.constant 0 : i32
    %dma_start3A_1662 = tpu.memref_slice %arg6[%add3A_1653, %dma_start3A_1661] : memref<1024x16384xf32, #tpu.memory_space<hbm>> -> memref<1x16384xf32, #tpu.memory_space<hbm>>
    %dma_start3A_1663 = tpu.memref_squeeze %dma_start3A_1662 : memref<1x16384xf32, #tpu.memory_space<hbm>> -> memref<16384xf32, #tpu.memory_space<hbm>>
    %dma_start3A_1664 = arith.constant 0 : i32
    %dma_start3A_1665 = tpu.memref_slice %arg11[%dma_start3A_1654, %dma_start3A_1664] : memref<2x16384xf32, #tpu.memory_space<vmem>> -> memref<1x16384xf32, #tpu.memory_space<vmem>>
    %dma_start3A_1666 = tpu.memref_squeeze %dma_start3A_1665 : memref<1x16384xf32, #tpu.memory_space<vmem>> -> memref<16384xf32, #tpu.memory_space<vmem>>
    tpu.enqueue_dma source(%dma_start3A_1666 : memref<16384xf32, #tpu.memory_space<vmem>>) target(%dma_start3A_1663 : memref<16384xf32, #tpu.memory_space<hbm>>) target_semaphore(%arg15 : memref<!tpu.dma_semaphore, #tpu.memory_space<semaphore_mem>>)
    %dma_start3A_1667 = arith.constant 29 : i32
    %dma_start3A_1668 = arith.constant 1 : i32
    %dma_start3A_1669 = arith.constant 0 : i32
    %dma_start3A_1670 = arith.constant 0 : i32
    %dma_start3A_1671 = tpu.memref_slice %arg10[%dma_start3A_1668, %dma_start3A_1669, %dma_start3A_1670] : memref<2x8x4096xf32, #tpu.memory_space<vmem>> -> memref<1x8x4096xf32, #tpu.memory_space<vmem>>
    %dma_start3A_1672 = tpu.memref_squeeze %dma_start3A_1671 : memref<1x8x4096xf32, #tpu.memory_space<vmem>> -> memref<8x4096xf32, #tpu.memory_space<vmem>>
    %dma_start3A_1673 = arith.constant 0 : i32
    %dma_start3A_1674 = tpu.memref_slice %arg7[%dma_start3A_1667, %dma_start3A_1673] : memref<32x8xi32, #tpu.memory_space<vmem>> -> memref<1x8xi32, #tpu.memory_space<vmem>>
    %dma_start3A_1675 = tpu.memref_squeeze %dma_start3A_1674 : memref<1x8xi32, #tpu.memory_space<vmem>> -> memref<8xi32, #tpu.memory_space<vmem>>
    %dma_start3A_1676 = arith.constant 0 : i32
    %dma_start3A_1677 = arith.constant 0 : i32
    %dma_start3A_1678 = tpu.memref_slice %arg2[%dma_start3A_1676, %dma_start3A_1677] : memref<16384x4096xf32, #tpu.memory_space<hbm>> -> memref<16384x4096xf32, #tpu.memory_space<hbm>>
    tpu.enqueue_indirect_dma source(%dma_start3A_1678 : memref<16384x4096xf32, #tpu.memory_space<hbm>>) target(%dma_start3A_1672 : memref<8x4096xf32, #tpu.memory_space<vmem>>) offsets(%dma_start3A_1675 : memref<8xi32, #tpu.memory_space<vmem>>) semaphore(%arg13 : memref<!tpu.dma_semaphore, #tpu.memory_space<semaphore_mem>>)
    %dma_wait3A_1679 = arith.constant 28 : i32
    %dma_wait3A_1680 = arith.constant 0 : i32
    %dma_wait3A_1681 = arith.constant 0 : i32
    %dma_wait3A_1682 = arith.constant 0 : i32
    %dma_wait3A_1683 = tpu.memref_slice %arg10[%dma_wait3A_1680, %dma_wait3A_1681, %dma_wait3A_1682] : memref<2x8x4096xf32, #tpu.memory_space<vmem>> -> memref<1x8x4096xf32, #tpu.memory_space<vmem>>
    %dma_wait3A_1684 = tpu.memref_squeeze %dma_wait3A_1683 : memref<1x8x4096xf32, #tpu.memory_space<vmem>> -> memref<8x4096xf32, #tpu.memory_space<vmem>>
    %dma_wait3A_1685 = arith.constant 0 : i32
    %dma_wait3A_1686 = tpu.memref_slice %arg7[%dma_wait3A_1679, %dma_wait3A_1685] : memref<32x8xi32, #tpu.memory_space<vmem>> -> memref<1x8xi32, #tpu.memory_space<vmem>>
    %dma_wait3A_1687 = tpu.memref_squeeze %dma_wait3A_1686 : memref<1x8xi32, #tpu.memory_space<vmem>> -> memref<8xi32, #tpu.memory_space<vmem>>
    %dma_wait3A_1688 = arith.constant 0 : i32
    %dma_wait3A_1689 = arith.constant 0 : i32
    %dma_wait3A_1690 = tpu.memref_slice %arg2[%dma_wait3A_1688, %dma_wait3A_1689] : memref<16384x4096xf32, #tpu.memory_space<hbm>> -> memref<16384x4096xf32, #tpu.memory_space<hbm>>
    tpu.wait_indirect_dma semaphore(%arg12 : memref<!tpu.dma_semaphore, #tpu.memory_space<semaphore_mem>>) src(%dma_wait3A_1690 : memref<16384x4096xf32, #tpu.memory_space<hbm>>) dst(%dma_wait3A_1684 : memref<8x4096xf32, #tpu.memory_space<vmem>>)
    %dma_wait3A_1691 = arith.constant 0 : i32
    %dma_wait3A_1692 = arith.constant 0 : i32
    %dma_wait3A_1693 = tpu.memref_slice %arg11[%dma_wait3A_1691, %dma_wait3A_1692] : memref<2x16384xf32, #tpu.memory_space<vmem>> -> memref<1x16384xf32, #tpu.memory_space<vmem>>
    %dma_wait3A_1694 = tpu.memref_squeeze %dma_wait3A_1693 : memref<1x16384xf32, #tpu.memory_space<vmem>> -> memref<16384xf32, #tpu.memory_space<vmem>>
    %dma_wait3A_1695 = arith.constant 0 : i32
    %dma_wait3A_1696 = tpu.memref_slice %arg6[%add3A_1593, %dma_wait3A_1695] : memref<1024x16384xf32, #tpu.memory_space<hbm>> -> memref<1x16384xf32, #tpu.memory_space<hbm>>
    %dma_wait3A_1697 = tpu.memref_squeeze %dma_wait3A_1696 : memref<1x16384xf32, #tpu.memory_space<hbm>> -> memref<16384xf32, #tpu.memory_space<hbm>>
    %dma_wait3A_1698 = arith.constant 0 : i32
    %dma_wait3A_1699 = tpu.memref_slice %arg6[%add3A_1593, %dma_wait3A_1698] : memref<1024x16384xf32, #tpu.memory_space<hbm>> -> memref<1x16384xf32, #tpu.memory_space<hbm>>
    %dma_wait3A_1700 = tpu.memref_squeeze %dma_wait3A_1699 : memref<1x16384xf32, #tpu.memory_space<hbm>> -> memref<16384xf32, #tpu.memory_space<hbm>>
    %dma_wait3A_1701 = arith.constant 0 : i32
    %dma_wait3A_1702 = tpu.memref_slice %arg11[%dma_wait3A_1691, %dma_wait3A_1701] : memref<2x16384xf32, #tpu.memory_space<vmem>> -> memref<1x16384xf32, #tpu.memory_space<vmem>>
    %dma_wait3A_1703 = tpu.memref_squeeze %dma_wait3A_1702 : memref<1x16384xf32, #tpu.memory_space<vmem>> -> memref<16384xf32, #tpu.memory_space<vmem>>
    tpu.wait_dma2 semaphore(%arg14 : memref<!tpu.dma_semaphore, #tpu.memory_space<semaphore_mem>>) src(%dma_wait3A_1703 : memref<16384xf32, #tpu.memory_space<vmem>>) dst(%dma_wait3A_1700 : memref<16384xf32, #tpu.memory_space<hbm>>)
    %scan3A_1704 = arith.constant 0 : i32
    %scan3A_1705 = arith.constant 0 : i32
    %scan3A_1706 = arith.constant 0 : i32
    %scan3A_1707 = arith.constant 0 : i32
    %scan3A_1708 = arith.constant 1024 : i32
    %scan3A_1709 = arith.addi %scan3A_1707, %scan3A_1708 : i32
    %scan3A_1710 = arith.constant 1 : i32
    scf.for %scan3A_1921 = %scan3A_1707 to %scan3A_1709 step %scan3A_1710  : i32 {
      %shift_right_arithmetic3A = arith.constant 8 : i32
      %shift_right_arithmetic3A_1922 = arith.shrsi %scan3A_1921, %shift_right_arithmetic3A : i32
      %and3A = arith.constant 255 : i32
      %and3A_1923 = arith.andi %scan3A_1921, %and3A : i32
      %mul3A_1924 = arith.constant 16 : i32
      %mul3A_1925 = arith.muli %and3A_1923, %mul3A_1924 : i32
      %get3A_1926 = arith.index_cast %mul3A_1925 : i32 to index
      %get3A_1927 = tpu.vector_load %arg8[%get3A_1926] {strides = array<i32>} : memref<4096xi32, #tpu.memory_space<vmem>>, vector<16xi32>,
      %shift_right_arithmetic3A_1928 = arith.constant 12 : i32
      %shift_right_arithmetic3A_1929 = vector.broadcast %shift_right_arithmetic3A_1928 : i32 to vector<16xi32>
      %shift_right_arithmetic3A_1930 = arith.shrsi %get3A_1927, %shift_right_arithmetic3A_1929 : vector<16xi32>
      %mul3A_1931 = arith.constant 2 : i32
      %mul3A_1932 = arith.muli %mul3A_1931, %shift_right_arithmetic3A_1922 : i32
      %add3A_1933 = vector.broadcast %mul3A_1932 : i32 to vector<16xi32>
      %add3A_1934 = arith.addi %shift_right_arithmetic3A_1930, %add3A_1933 : vector<16xi32>
      %and3A_1935 = arith.constant 4095 : i32
      %and3A_1936 = vector.broadcast %and3A_1935 : i32 to vector<16xi32>
      %and3A_1937 = arith.andi %get3A_1927, %and3A_1936 : vector<16xi32>
      %gather3A = arith.constant 0 : i32
      %gather3A_1938 = arith.constant 0 : i32
      %gather3A_1939 = tpu.memref_slice %arg10[%scan3A_1705, %gather3A, %gather3A_1938] : memref<2x8x4096xf32, #tpu.memory_space<vmem>> -> memref<1x8x4096xf32, #tpu.memory_space<vmem>>
      %gather3A_1940 = tpu.memref_squeeze %gather3A_1939 : memref<1x8x4096xf32, #tpu.memory_space<vmem>> -> memref<8x4096xf32, #tpu.memory_space<vmem>>
      %gather3A_1941 = tpu.vector_load_idx %gather3A_1940[%add3A_1934, %and3A_1937] : memref<8x4096xf32, #tpu.memory_space<vmem>>[vector<16xi32>, vector<16xi32>], vector<16xf32>,
      %mul3A_1942 = arith.mulf %gather3A_1941, %get3A_3 : vector<16xf32>
      %exp3A = math.exp %mul3A_1942 : vector<16xf32>
      %mul3A_1943 = arith.constant 4096 : i32
      %mul3A_1944 = arith.muli %shift_right_arithmetic3A_1922, %mul3A_1943 : i32
      %mul3A_1945 = arith.constant 16 : i32
      %mul3A_1946 = arith.muli %and3A_1923, %mul3A_1945 : i32
      %add3A_1947 = arith.addi %mul3A_1944, %mul3A_1946 : i32
      %swap3A = arith.constant 0 : i32
      %swap3A_1948 = tpu.memref_slice %arg11[%scan3A_1706, %swap3A] : memref<2x16384xf32, #tpu.memory_space<vmem>> -> memref<1x16384xf32, #tpu.memory_space<vmem>>
      %swap3A_1949 = tpu.memref_squeeze %swap3A_1948 : memref<1x16384xf32, #tpu.memory_space<vmem>> -> memref<16384xf32, #tpu.memory_space<vmem>>
      %swap3A_1950 = arith.index_cast %add3A_1947 : i32 to index
      %swap3A_1951 = tpu.vector_load %swap3A_1949[%swap3A_1950] {strides = array<i32>} : memref<16384xf32, #tpu.memory_space<vmem>>, vector<16xf32>,
      tpu.vector_store %swap3A_1949[%swap3A_1950], %exp3A {strides = array<i32>} : memref<16384xf32, #tpu.memory_space<vmem>>, vector<16xf32>,
    }
    %scan3A_1711 = arith.constant 1024 : i32
    %add3A_1712 = arith.constant 28 : i32
    %add3A_1713 = arith.addi %mul3A_2, %add3A_1712 : i32
    %dma_start3A_1714 = arith.constant 0 : i32
    %dma_start3A_1715 = arith.constant 0 : i32
    %dma_start3A_1716 = tpu.memref_slice %arg11[%dma_start3A_1714, %dma_start3A_1715] : memref<2x16384xf32, #tpu.memory_space<vmem>> -> memref<1x16384xf32, #tpu.memory_space<vmem>>
    %dma_start3A_1717 = tpu.memref_squeeze %dma_start3A_1716 : memref<1x16384xf32, #tpu.memory_space<vmem>> -> memref<16384xf32, #tpu.memory_space<vmem>>
    %dma_start3A_1718 = arith.constant 0 : i32
    %dma_start3A_1719 = tpu.memref_slice %arg6[%add3A_1713, %dma_start3A_1718] : memref<1024x16384xf32, #tpu.memory_space<hbm>> -> memref<1x16384xf32, #tpu.memory_space<hbm>>
    %dma_start3A_1720 = tpu.memref_squeeze %dma_start3A_1719 : memref<1x16384xf32, #tpu.memory_space<hbm>> -> memref<16384xf32, #tpu.memory_space<hbm>>
    %dma_start3A_1721 = arith.constant 0 : i32
    %dma_start3A_1722 = tpu.memref_slice %arg6[%add3A_1713, %dma_start3A_1721] : memref<1024x16384xf32, #tpu.memory_space<hbm>> -> memref<1x16384xf32, #tpu.memory_space<hbm>>
    %dma_start3A_1723 = tpu.memref_squeeze %dma_start3A_1722 : memref<1x16384xf32, #tpu.memory_space<hbm>> -> memref<16384xf32, #tpu.memory_space<hbm>>
    %dma_start3A_1724 = arith.constant 0 : i32
    %dma_start3A_1725 = tpu.memref_slice %arg11[%dma_start3A_1714, %dma_start3A_1724] : memref<2x16384xf32, #tpu.memory_space<vmem>> -> memref<1x16384xf32, #tpu.memory_space<vmem>>
    %dma_start3A_1726 = tpu.memref_squeeze %dma_start3A_1725 : memref<1x16384xf32, #tpu.memory_space<vmem>> -> memref<16384xf32, #tpu.memory_space<vmem>>
    tpu.enqueue_dma source(%dma_start3A_1726 : memref<16384xf32, #tpu.memory_space<vmem>>) target(%dma_start3A_1723 : memref<16384xf32, #tpu.memory_space<hbm>>) target_semaphore(%arg14 : memref<!tpu.dma_semaphore, #tpu.memory_space<semaphore_mem>>)
    %dma_start3A_1727 = arith.constant 30 : i32
    %dma_start3A_1728 = arith.constant 0 : i32
    %dma_start3A_1729 = arith.constant 0 : i32
    %dma_start3A_1730 = arith.constant 0 : i32
    %dma_start3A_1731 = tpu.memref_slice %arg10[%dma_start3A_1728, %dma_start3A_1729, %dma_start3A_1730] : memref<2x8x4096xf32, #tpu.memory_space<vmem>> -> memref<1x8x4096xf32, #tpu.memory_space<vmem>>
    %dma_start3A_1732 = tpu.memref_squeeze %dma_start3A_1731 : memref<1x8x4096xf32, #tpu.memory_space<vmem>> -> memref<8x4096xf32, #tpu.memory_space<vmem>>
    %dma_start3A_1733 = arith.constant 0 : i32
    %dma_start3A_1734 = tpu.memref_slice %arg7[%dma_start3A_1727, %dma_start3A_1733] : memref<32x8xi32, #tpu.memory_space<vmem>> -> memref<1x8xi32, #tpu.memory_space<vmem>>
    %dma_start3A_1735 = tpu.memref_squeeze %dma_start3A_1734 : memref<1x8xi32, #tpu.memory_space<vmem>> -> memref<8xi32, #tpu.memory_space<vmem>>
    %dma_start3A_1736 = arith.constant 0 : i32
    %dma_start3A_1737 = arith.constant 0 : i32
    %dma_start3A_1738 = tpu.memref_slice %arg2[%dma_start3A_1736, %dma_start3A_1737] : memref<16384x4096xf32, #tpu.memory_space<hbm>> -> memref<16384x4096xf32, #tpu.memory_space<hbm>>
    tpu.enqueue_indirect_dma source(%dma_start3A_1738 : memref<16384x4096xf32, #tpu.memory_space<hbm>>) target(%dma_start3A_1732 : memref<8x4096xf32, #tpu.memory_space<vmem>>) offsets(%dma_start3A_1735 : memref<8xi32, #tpu.memory_space<vmem>>) semaphore(%arg12 : memref<!tpu.dma_semaphore, #tpu.memory_space<semaphore_mem>>)
    %dma_wait3A_1739 = arith.constant 29 : i32
    %dma_wait3A_1740 = arith.constant 1 : i32
    %dma_wait3A_1741 = arith.constant 0 : i32
    %dma_wait3A_1742 = arith.constant 0 : i32
    %dma_wait3A_1743 = tpu.memref_slice %arg10[%dma_wait3A_1740, %dma_wait3A_1741, %dma_wait3A_1742] : memref<2x8x4096xf32, #tpu.memory_space<vmem>> -> memref<1x8x4096xf32, #tpu.memory_space<vmem>>
    %dma_wait3A_1744 = tpu.memref_squeeze %dma_wait3A_1743 : memref<1x8x4096xf32, #tpu.memory_space<vmem>> -> memref<8x4096xf32, #tpu.memory_space<vmem>>
    %dma_wait3A_1745 = arith.constant 0 : i32
    %dma_wait3A_1746 = tpu.memref_slice %arg7[%dma_wait3A_1739, %dma_wait3A_1745] : memref<32x8xi32, #tpu.memory_space<vmem>> -> memref<1x8xi32, #tpu.memory_space<vmem>>
    %dma_wait3A_1747 = tpu.memref_squeeze %dma_wait3A_1746 : memref<1x8xi32, #tpu.memory_space<vmem>> -> memref<8xi32, #tpu.memory_space<vmem>>
    %dma_wait3A_1748 = arith.constant 0 : i32
    %dma_wait3A_1749 = arith.constant 0 : i32
    %dma_wait3A_1750 = tpu.memref_slice %arg2[%dma_wait3A_1748, %dma_wait3A_1749] : memref<16384x4096xf32, #tpu.memory_space<hbm>> -> memref<16384x4096xf32, #tpu.memory_space<hbm>>
    tpu.wait_indirect_dma semaphore(%arg13 : memref<!tpu.dma_semaphore, #tpu.memory_space<semaphore_mem>>) src(%dma_wait3A_1750 : memref<16384x4096xf32, #tpu.memory_space<hbm>>) dst(%dma_wait3A_1744 : memref<8x4096xf32, #tpu.memory_space<vmem>>)
    %dma_wait3A_1751 = arith.constant 1 : i32
    %dma_wait3A_1752 = arith.constant 0 : i32
    %dma_wait3A_1753 = tpu.memref_slice %arg11[%dma_wait3A_1751, %dma_wait3A_1752] : memref<2x16384xf32, #tpu.memory_space<vmem>> -> memref<1x16384xf32, #tpu.memory_space<vmem>>
    %dma_wait3A_1754 = tpu.memref_squeeze %dma_wait3A_1753 : memref<1x16384xf32, #tpu.memory_space<vmem>> -> memref<16384xf32, #tpu.memory_space<vmem>>
    %dma_wait3A_1755 = arith.constant 0 : i32
    %dma_wait3A_1756 = tpu.memref_slice %arg6[%add3A_1653, %dma_wait3A_1755] : memref<1024x16384xf32, #tpu.memory_space<hbm>> -> memref<1x16384xf32, #tpu.memory_space<hbm>>
    %dma_wait3A_1757 = tpu.memref_squeeze %dma_wait3A_1756 : memref<1x16384xf32, #tpu.memory_space<hbm>> -> memref<16384xf32, #tpu.memory_space<hbm>>
    %dma_wait3A_1758 = arith.constant 0 : i32
    %dma_wait3A_1759 = tpu.memref_slice %arg6[%add3A_1653, %dma_wait3A_1758] : memref<1024x16384xf32, #tpu.memory_space<hbm>> -> memref<1x16384xf32, #tpu.memory_space<hbm>>
    %dma_wait3A_1760 = tpu.memref_squeeze %dma_wait3A_1759 : memref<1x16384xf32, #tpu.memory_space<hbm>> -> memref<16384xf32, #tpu.memory_space<hbm>>
    %dma_wait3A_1761 = arith.constant 0 : i32
    %dma_wait3A_1762 = tpu.memref_slice %arg11[%dma_wait3A_1751, %dma_wait3A_1761] : memref<2x16384xf32, #tpu.memory_space<vmem>> -> memref<1x16384xf32, #tpu.memory_space<vmem>>
    %dma_wait3A_1763 = tpu.memref_squeeze %dma_wait3A_1762 : memref<1x16384xf32, #tpu.memory_space<vmem>> -> memref<16384xf32, #tpu.memory_space<vmem>>
    tpu.wait_dma2 semaphore(%arg15 : memref<!tpu.dma_semaphore, #tpu.memory_space<semaphore_mem>>) src(%dma_wait3A_1763 : memref<16384xf32, #tpu.memory_space<vmem>>) dst(%dma_wait3A_1760 : memref<16384xf32, #tpu.memory_space<hbm>>)
    %scan3A_1764 = arith.constant 0 : i32
    %scan3A_1765 = arith.constant 1 : i32
    %scan3A_1766 = arith.constant 1 : i32
    %scan3A_1767 = arith.constant 0 : i32
    %scan3A_1768 = arith.constant 1024 : i32
    %scan3A_1769 = arith.addi %scan3A_1767, %scan3A_1768 : i32
    %scan3A_1770 = arith.constant 1 : i32
    scf.for %scan3A_1921 = %scan3A_1767 to %scan3A_1769 step %scan3A_1770  : i32 {
      %shift_right_arithmetic3A = arith.constant 8 : i32
      %shift_right_arithmetic3A_1922 = arith.shrsi %scan3A_1921, %shift_right_arithmetic3A : i32
      %and3A = arith.constant 255 : i32
      %and3A_1923 = arith.andi %scan3A_1921, %and3A : i32
      %mul3A_1924 = arith.constant 16 : i32
      %mul3A_1925 = arith.muli %and3A_1923, %mul3A_1924 : i32
      %get3A_1926 = arith.index_cast %mul3A_1925 : i32 to index
      %get3A_1927 = tpu.vector_load %arg8[%get3A_1926] {strides = array<i32>} : memref<4096xi32, #tpu.memory_space<vmem>>, vector<16xi32>,
      %shift_right_arithmetic3A_1928 = arith.constant 12 : i32
      %shift_right_arithmetic3A_1929 = vector.broadcast %shift_right_arithmetic3A_1928 : i32 to vector<16xi32>
      %shift_right_arithmetic3A_1930 = arith.shrsi %get3A_1927, %shift_right_arithmetic3A_1929 : vector<16xi32>
      %mul3A_1931 = arith.constant 2 : i32
      %mul3A_1932 = arith.muli %mul3A_1931, %shift_right_arithmetic3A_1922 : i32
      %add3A_1933 = vector.broadcast %mul3A_1932 : i32 to vector<16xi32>
      %add3A_1934 = arith.addi %shift_right_arithmetic3A_1930, %add3A_1933 : vector<16xi32>
      %and3A_1935 = arith.constant 4095 : i32
      %and3A_1936 = vector.broadcast %and3A_1935 : i32 to vector<16xi32>
      %and3A_1937 = arith.andi %get3A_1927, %and3A_1936 : vector<16xi32>
      %gather3A = arith.constant 0 : i32
      %gather3A_1938 = arith.constant 0 : i32
      %gather3A_1939 = tpu.memref_slice %arg10[%scan3A_1765, %gather3A, %gather3A_1938] : memref<2x8x4096xf32, #tpu.memory_space<vmem>> -> memref<1x8x4096xf32, #tpu.memory_space<vmem>>
      %gather3A_1940 = tpu.memref_squeeze %gather3A_1939 : memref<1x8x4096xf32, #tpu.memory_space<vmem>> -> memref<8x4096xf32, #tpu.memory_space<vmem>>
      %gather3A_1941 = tpu.vector_load_idx %gather3A_1940[%add3A_1934, %and3A_1937] : memref<8x4096xf32, #tpu.memory_space<vmem>>[vector<16xi32>, vector<16xi32>], vector<16xf32>,
      %mul3A_1942 = arith.mulf %gather3A_1941, %get3A_3 : vector<16xf32>
      %exp3A = math.exp %mul3A_1942 : vector<16xf32>
      %mul3A_1943 = arith.constant 4096 : i32
      %mul3A_1944 = arith.muli %shift_right_arithmetic3A_1922, %mul3A_1943 : i32
      %mul3A_1945 = arith.constant 16 : i32
      %mul3A_1946 = arith.muli %and3A_1923, %mul3A_1945 : i32
      %add3A_1947 = arith.addi %mul3A_1944, %mul3A_1946 : i32
      %swap3A = arith.constant 0 : i32
      %swap3A_1948 = tpu.memref_slice %arg11[%scan3A_1766, %swap3A] : memref<2x16384xf32, #tpu.memory_space<vmem>> -> memref<1x16384xf32, #tpu.memory_space<vmem>>
      %swap3A_1949 = tpu.memref_squeeze %swap3A_1948 : memref<1x16384xf32, #tpu.memory_space<vmem>> -> memref<16384xf32, #tpu.memory_space<vmem>>
      %swap3A_1950 = arith.index_cast %add3A_1947 : i32 to index
      %swap3A_1951 = tpu.vector_load %swap3A_1949[%swap3A_1950] {strides = array<i32>} : memref<16384xf32, #tpu.memory_space<vmem>>, vector<16xf32>,
      tpu.vector_store %swap3A_1949[%swap3A_1950], %exp3A {strides = array<i32>} : memref<16384xf32, #tpu.memory_space<vmem>>, vector<16xf32>,
    }
    %scan3A_1771 = arith.constant 1024 : i32
    %add3A_1772 = arith.constant 29 : i32
    %add3A_1773 = arith.addi %mul3A_2, %add3A_1772 : i32
    %dma_start3A_1774 = arith.constant 1 : i32
    %dma_start3A_1775 = arith.constant 0 : i32
    %dma_start3A_1776 = tpu.memref_slice %arg11[%dma_start3A_1774, %dma_start3A_1775] : memref<2x16384xf32, #tpu.memory_space<vmem>> -> memref<1x16384xf32, #tpu.memory_space<vmem>>
    %dma_start3A_1777 = tpu.memref_squeeze %dma_start3A_1776 : memref<1x16384xf32, #tpu.memory_space<vmem>> -> memref<16384xf32, #tpu.memory_space<vmem>>
    %dma_start3A_1778 = arith.constant 0 : i32
    %dma_start3A_1779 = tpu.memref_slice %arg6[%add3A_1773, %dma_start3A_1778] : memref<1024x16384xf32, #tpu.memory_space<hbm>> -> memref<1x16384xf32, #tpu.memory_space<hbm>>
    %dma_start3A_1780 = tpu.memref_squeeze %dma_start3A_1779 : memref<1x16384xf32, #tpu.memory_space<hbm>> -> memref<16384xf32, #tpu.memory_space<hbm>>
    %dma_start3A_1781 = arith.constant 0 : i32
    %dma_start3A_1782 = tpu.memref_slice %arg6[%add3A_1773, %dma_start3A_1781] : memref<1024x16384xf32, #tpu.memory_space<hbm>> -> memref<1x16384xf32, #tpu.memory_space<hbm>>
    %dma_start3A_1783 = tpu.memref_squeeze %dma_start3A_1782 : memref<1x16384xf32, #tpu.memory_space<hbm>> -> memref<16384xf32, #tpu.memory_space<hbm>>
    %dma_start3A_1784 = arith.constant 0 : i32
    %dma_start3A_1785 = tpu.memref_slice %arg11[%dma_start3A_1774, %dma_start3A_1784] : memref<2x16384xf32, #tpu.memory_space<vmem>> -> memref<1x16384xf32, #tpu.memory_space<vmem>>
    %dma_start3A_1786 = tpu.memref_squeeze %dma_start3A_1785 : memref<1x16384xf32, #tpu.memory_space<vmem>> -> memref<16384xf32, #tpu.memory_space<vmem>>
    tpu.enqueue_dma source(%dma_start3A_1786 : memref<16384xf32, #tpu.memory_space<vmem>>) target(%dma_start3A_1783 : memref<16384xf32, #tpu.memory_space<hbm>>) target_semaphore(%arg15 : memref<!tpu.dma_semaphore, #tpu.memory_space<semaphore_mem>>)
    %dma_start3A_1787 = arith.constant 31 : i32
    %dma_start3A_1788 = arith.constant 1 : i32
    %dma_start3A_1789 = arith.constant 0 : i32
    %dma_start3A_1790 = arith.constant 0 : i32
    %dma_start3A_1791 = tpu.memref_slice %arg10[%dma_start3A_1788, %dma_start3A_1789, %dma_start3A_1790] : memref<2x8x4096xf32, #tpu.memory_space<vmem>> -> memref<1x8x4096xf32, #tpu.memory_space<vmem>>
    %dma_start3A_1792 = tpu.memref_squeeze %dma_start3A_1791 : memref<1x8x4096xf32, #tpu.memory_space<vmem>> -> memref<8x4096xf32, #tpu.memory_space<vmem>>
    %dma_start3A_1793 = arith.constant 0 : i32
    %dma_start3A_1794 = tpu.memref_slice %arg7[%dma_start3A_1787, %dma_start3A_1793] : memref<32x8xi32, #tpu.memory_space<vmem>> -> memref<1x8xi32, #tpu.memory_space<vmem>>
    %dma_start3A_1795 = tpu.memref_squeeze %dma_start3A_1794 : memref<1x8xi32, #tpu.memory_space<vmem>> -> memref<8xi32, #tpu.memory_space<vmem>>
    %dma_start3A_1796 = arith.constant 0 : i32
    %dma_start3A_1797 = arith.constant 0 : i32
    %dma_start3A_1798 = tpu.memref_slice %arg2[%dma_start3A_1796, %dma_start3A_1797] : memref<16384x4096xf32, #tpu.memory_space<hbm>> -> memref<16384x4096xf32, #tpu.memory_space<hbm>>
    tpu.enqueue_indirect_dma source(%dma_start3A_1798 : memref<16384x4096xf32, #tpu.memory_space<hbm>>) target(%dma_start3A_1792 : memref<8x4096xf32, #tpu.memory_space<vmem>>) offsets(%dma_start3A_1795 : memref<8xi32, #tpu.memory_space<vmem>>) semaphore(%arg13 : memref<!tpu.dma_semaphore, #tpu.memory_space<semaphore_mem>>)
    %dma_wait3A_1799 = arith.constant 30 : i32
    %dma_wait3A_1800 = arith.constant 0 : i32
    %dma_wait3A_1801 = arith.constant 0 : i32
    %dma_wait3A_1802 = arith.constant 0 : i32
    %dma_wait3A_1803 = tpu.memref_slice %arg10[%dma_wait3A_1800, %dma_wait3A_1801, %dma_wait3A_1802] : memref<2x8x4096xf32, #tpu.memory_space<vmem>> -> memref<1x8x4096xf32, #tpu.memory_space<vmem>>
    %dma_wait3A_1804 = tpu.memref_squeeze %dma_wait3A_1803 : memref<1x8x4096xf32, #tpu.memory_space<vmem>> -> memref<8x4096xf32, #tpu.memory_space<vmem>>
    %dma_wait3A_1805 = arith.constant 0 : i32
    %dma_wait3A_1806 = tpu.memref_slice %arg7[%dma_wait3A_1799, %dma_wait3A_1805] : memref<32x8xi32, #tpu.memory_space<vmem>> -> memref<1x8xi32, #tpu.memory_space<vmem>>
    %dma_wait3A_1807 = tpu.memref_squeeze %dma_wait3A_1806 : memref<1x8xi32, #tpu.memory_space<vmem>> -> memref<8xi32, #tpu.memory_space<vmem>>
    %dma_wait3A_1808 = arith.constant 0 : i32
    %dma_wait3A_1809 = arith.constant 0 : i32
    %dma_wait3A_1810 = tpu.memref_slice %arg2[%dma_wait3A_1808, %dma_wait3A_1809] : memref<16384x4096xf32, #tpu.memory_space<hbm>> -> memref<16384x4096xf32, #tpu.memory_space<hbm>>
    tpu.wait_indirect_dma semaphore(%arg12 : memref<!tpu.dma_semaphore, #tpu.memory_space<semaphore_mem>>) src(%dma_wait3A_1810 : memref<16384x4096xf32, #tpu.memory_space<hbm>>) dst(%dma_wait3A_1804 : memref<8x4096xf32, #tpu.memory_space<vmem>>)
    %dma_wait3A_1811 = arith.constant 0 : i32
    %dma_wait3A_1812 = arith.constant 0 : i32
    %dma_wait3A_1813 = tpu.memref_slice %arg11[%dma_wait3A_1811, %dma_wait3A_1812] : memref<2x16384xf32, #tpu.memory_space<vmem>> -> memref<1x16384xf32, #tpu.memory_space<vmem>>
    %dma_wait3A_1814 = tpu.memref_squeeze %dma_wait3A_1813 : memref<1x16384xf32, #tpu.memory_space<vmem>> -> memref<16384xf32, #tpu.memory_space<vmem>>
    %dma_wait3A_1815 = arith.constant 0 : i32
    %dma_wait3A_1816 = tpu.memref_slice %arg6[%add3A_1713, %dma_wait3A_1815] : memref<1024x16384xf32, #tpu.memory_space<hbm>> -> memref<1x16384xf32, #tpu.memory_space<hbm>>
    %dma_wait3A_1817 = tpu.memref_squeeze %dma_wait3A_1816 : memref<1x16384xf32, #tpu.memory_space<hbm>> -> memref<16384xf32, #tpu.memory_space<hbm>>
    %dma_wait3A_1818 = arith.constant 0 : i32
    %dma_wait3A_1819 = tpu.memref_slice %arg6[%add3A_1713, %dma_wait3A_1818] : memref<1024x16384xf32, #tpu.memory_space<hbm>> -> memref<1x16384xf32, #tpu.memory_space<hbm>>
    %dma_wait3A_1820 = tpu.memref_squeeze %dma_wait3A_1819 : memref<1x16384xf32, #tpu.memory_space<hbm>> -> memref<16384xf32, #tpu.memory_space<hbm>>
    %dma_wait3A_1821 = arith.constant 0 : i32
    %dma_wait3A_1822 = tpu.memref_slice %arg11[%dma_wait3A_1811, %dma_wait3A_1821] : memref<2x16384xf32, #tpu.memory_space<vmem>> -> memref<1x16384xf32, #tpu.memory_space<vmem>>
    %dma_wait3A_1823 = tpu.memref_squeeze %dma_wait3A_1822 : memref<1x16384xf32, #tpu.memory_space<vmem>> -> memref<16384xf32, #tpu.memory_space<vmem>>
    tpu.wait_dma2 semaphore(%arg14 : memref<!tpu.dma_semaphore, #tpu.memory_space<semaphore_mem>>) src(%dma_wait3A_1823 : memref<16384xf32, #tpu.memory_space<vmem>>) dst(%dma_wait3A_1820 : memref<16384xf32, #tpu.memory_space<hbm>>)
    %scan3A_1824 = arith.constant 0 : i32
    %scan3A_1825 = arith.constant 0 : i32
    %scan3A_1826 = arith.constant 0 : i32
    %scan3A_1827 = arith.constant 0 : i32
    %scan3A_1828 = arith.constant 1024 : i32
    %scan3A_1829 = arith.addi %scan3A_1827, %scan3A_1828 : i32
    %scan3A_1830 = arith.constant 1 : i32
    scf.for %scan3A_1921 = %scan3A_1827 to %scan3A_1829 step %scan3A_1830  : i32 {
      %shift_right_arithmetic3A = arith.constant 8 : i32
      %shift_right_arithmetic3A_1922 = arith.shrsi %scan3A_1921, %shift_right_arithmetic3A : i32
      %and3A = arith.constant 255 : i32
      %and3A_1923 = arith.andi %scan3A_1921, %and3A : i32
      %mul3A_1924 = arith.constant 16 : i32
      %mul3A_1925 = arith.muli %and3A_1923, %mul3A_1924 : i32
      %get3A_1926 = arith.index_cast %mul3A_1925 : i32 to index
      %get3A_1927 = tpu.vector_load %arg8[%get3A_1926] {strides = array<i32>} : memref<4096xi32, #tpu.memory_space<vmem>>, vector<16xi32>,
      %shift_right_arithmetic3A_1928 = arith.constant 12 : i32
      %shift_right_arithmetic3A_1929 = vector.broadcast %shift_right_arithmetic3A_1928 : i32 to vector<16xi32>
      %shift_right_arithmetic3A_1930 = arith.shrsi %get3A_1927, %shift_right_arithmetic3A_1929 : vector<16xi32>
      %mul3A_1931 = arith.constant 2 : i32
      %mul3A_1932 = arith.muli %mul3A_1931, %shift_right_arithmetic3A_1922 : i32
      %add3A_1933 = vector.broadcast %mul3A_1932 : i32 to vector<16xi32>
      %add3A_1934 = arith.addi %shift_right_arithmetic3A_1930, %add3A_1933 : vector<16xi32>
      %and3A_1935 = arith.constant 4095 : i32
      %and3A_1936 = vector.broadcast %and3A_1935 : i32 to vector<16xi32>
      %and3A_1937 = arith.andi %get3A_1927, %and3A_1936 : vector<16xi32>
      %gather3A = arith.constant 0 : i32
      %gather3A_1938 = arith.constant 0 : i32
      %gather3A_1939 = tpu.memref_slice %arg10[%scan3A_1825, %gather3A, %gather3A_1938] : memref<2x8x4096xf32, #tpu.memory_space<vmem>> -> memref<1x8x4096xf32, #tpu.memory_space<vmem>>
      %gather3A_1940 = tpu.memref_squeeze %gather3A_1939 : memref<1x8x4096xf32, #tpu.memory_space<vmem>> -> memref<8x4096xf32, #tpu.memory_space<vmem>>
      %gather3A_1941 = tpu.vector_load_idx %gather3A_1940[%add3A_1934, %and3A_1937] : memref<8x4096xf32, #tpu.memory_space<vmem>>[vector<16xi32>, vector<16xi32>], vector<16xf32>,
      %mul3A_1942 = arith.mulf %gather3A_1941, %get3A_3 : vector<16xf32>
      %exp3A = math.exp %mul3A_1942 : vector<16xf32>
      %mul3A_1943 = arith.constant 4096 : i32
      %mul3A_1944 = arith.muli %shift_right_arithmetic3A_1922, %mul3A_1943 : i32
      %mul3A_1945 = arith.constant 16 : i32
      %mul3A_1946 = arith.muli %and3A_1923, %mul3A_1945 : i32
      %add3A_1947 = arith.addi %mul3A_1944, %mul3A_1946 : i32
      %swap3A = arith.constant 0 : i32
      %swap3A_1948 = tpu.memref_slice %arg11[%scan3A_1826, %swap3A] : memref<2x16384xf32, #tpu.memory_space<vmem>> -> memref<1x16384xf32, #tpu.memory_space<vmem>>
      %swap3A_1949 = tpu.memref_squeeze %swap3A_1948 : memref<1x16384xf32, #tpu.memory_space<vmem>> -> memref<16384xf32, #tpu.memory_space<vmem>>
      %swap3A_1950 = arith.index_cast %add3A_1947 : i32 to index
      %swap3A_1951 = tpu.vector_load %swap3A_1949[%swap3A_1950] {strides = array<i32>} : memref<16384xf32, #tpu.memory_space<vmem>>, vector<16xf32>,
      tpu.vector_store %swap3A_1949[%swap3A_1950], %exp3A {strides = array<i32>} : memref<16384xf32, #tpu.memory_space<vmem>>, vector<16xf32>,
    }
    %scan3A_1831 = arith.constant 1024 : i32
    %add3A_1832 = arith.constant 30 : i32
    %add3A_1833 = arith.addi %mul3A_2, %add3A_1832 : i32
    %dma_start3A_1834 = arith.constant 0 : i32
    %dma_start3A_1835 = arith.constant 0 : i32
    %dma_start3A_1836 = tpu.memref_slice %arg11[%dma_start3A_1834, %dma_start3A_1835] : memref<2x16384xf32, #tpu.memory_space<vmem>> -> memref<1x16384xf32, #tpu.memory_space<vmem>>
    %dma_start3A_1837 = tpu.memref_squeeze %dma_start3A_1836 : memref<1x16384xf32, #tpu.memory_space<vmem>> -> memref<16384xf32, #tpu.memory_space<vmem>>
    %dma_start3A_1838 = arith.constant 0 : i32
    %dma_start3A_1839 = tpu.memref_slice %arg6[%add3A_1833, %dma_start3A_1838] : memref<1024x16384xf32, #tpu.memory_space<hbm>> -> memref<1x16384xf32, #tpu.memory_space<hbm>>
    %dma_start3A_1840 = tpu.memref_squeeze %dma_start3A_1839 : memref<1x16384xf32, #tpu.memory_space<hbm>> -> memref<16384xf32, #tpu.memory_space<hbm>>
    %dma_start3A_1841 = arith.constant 0 : i32
    %dma_start3A_1842 = tpu.memref_slice %arg6[%add3A_1833, %dma_start3A_1841] : memref<1024x16384xf32, #tpu.memory_space<hbm>> -> memref<1x16384xf32, #tpu.memory_space<hbm>>
    %dma_start3A_1843 = tpu.memref_squeeze %dma_start3A_1842 : memref<1x16384xf32, #tpu.memory_space<hbm>> -> memref<16384xf32, #tpu.memory_space<hbm>>
    %dma_start3A_1844 = arith.constant 0 : i32
    %dma_start3A_1845 = tpu.memref_slice %arg11[%dma_start3A_1834, %dma_start3A_1844] : memref<2x16384xf32, #tpu.memory_space<vmem>> -> memref<1x16384xf32, #tpu.memory_space<vmem>>
    %dma_start3A_1846 = tpu.memref_squeeze %dma_start3A_1845 : memref<1x16384xf32, #tpu.memory_space<vmem>> -> memref<16384xf32, #tpu.memory_space<vmem>>
    tpu.enqueue_dma source(%dma_start3A_1846 : memref<16384xf32, #tpu.memory_space<vmem>>) target(%dma_start3A_1843 : memref<16384xf32, #tpu.memory_space<hbm>>) target_semaphore(%arg14 : memref<!tpu.dma_semaphore, #tpu.memory_space<semaphore_mem>>)
    %dma_wait3A_1847 = arith.constant 31 : i32
    %dma_wait3A_1848 = arith.constant 1 : i32
    %dma_wait3A_1849 = arith.constant 0 : i32
    %dma_wait3A_1850 = arith.constant 0 : i32
    %dma_wait3A_1851 = tpu.memref_slice %arg10[%dma_wait3A_1848, %dma_wait3A_1849, %dma_wait3A_1850] : memref<2x8x4096xf32, #tpu.memory_space<vmem>> -> memref<1x8x4096xf32, #tpu.memory_space<vmem>>
    %dma_wait3A_1852 = tpu.memref_squeeze %dma_wait3A_1851 : memref<1x8x4096xf32, #tpu.memory_space<vmem>> -> memref<8x4096xf32, #tpu.memory_space<vmem>>
    %dma_wait3A_1853 = arith.constant 0 : i32
    %dma_wait3A_1854 = tpu.memref_slice %arg7[%dma_wait3A_1847, %dma_wait3A_1853] : memref<32x8xi32, #tpu.memory_space<vmem>> -> memref<1x8xi32, #tpu.memory_space<vmem>>
    %dma_wait3A_1855 = tpu.memref_squeeze %dma_wait3A_1854 : memref<1x8xi32, #tpu.memory_space<vmem>> -> memref<8xi32, #tpu.memory_space<vmem>>
    %dma_wait3A_1856 = arith.constant 0 : i32
    %dma_wait3A_1857 = arith.constant 0 : i32
    %dma_wait3A_1858 = tpu.memref_slice %arg2[%dma_wait3A_1856, %dma_wait3A_1857] : memref<16384x4096xf32, #tpu.memory_space<hbm>> -> memref<16384x4096xf32, #tpu.memory_space<hbm>>
    tpu.wait_indirect_dma semaphore(%arg13 : memref<!tpu.dma_semaphore, #tpu.memory_space<semaphore_mem>>) src(%dma_wait3A_1858 : memref<16384x4096xf32, #tpu.memory_space<hbm>>) dst(%dma_wait3A_1852 : memref<8x4096xf32, #tpu.memory_space<vmem>>)
    %dma_wait3A_1859 = arith.constant 1 : i32
    %dma_wait3A_1860 = arith.constant 0 : i32
    %dma_wait3A_1861 = tpu.memref_slice %arg11[%dma_wait3A_1859, %dma_wait3A_1860] : memref<2x16384xf32, #tpu.memory_space<vmem>> -> memref<1x16384xf32, #tpu.memory_space<vmem>>
    %dma_wait3A_1862 = tpu.memref_squeeze %dma_wait3A_1861 : memref<1x16384xf32, #tpu.memory_space<vmem>> -> memref<16384xf32, #tpu.memory_space<vmem>>
    %dma_wait3A_1863 = arith.constant 0 : i32
    %dma_wait3A_1864 = tpu.memref_slice %arg6[%add3A_1773, %dma_wait3A_1863] : memref<1024x16384xf32, #tpu.memory_space<hbm>> -> memref<1x16384xf32, #tpu.memory_space<hbm>>
    %dma_wait3A_1865 = tpu.memref_squeeze %dma_wait3A_1864 : memref<1x16384xf32, #tpu.memory_space<hbm>> -> memref<16384xf32, #tpu.memory_space<hbm>>
    %dma_wait3A_1866 = arith.constant 0 : i32
    %dma_wait3A_1867 = tpu.memref_slice %arg6[%add3A_1773, %dma_wait3A_1866] : memref<1024x16384xf32, #tpu.memory_space<hbm>> -> memref<1x16384xf32, #tpu.memory_space<hbm>>
    %dma_wait3A_1868 = tpu.memref_squeeze %dma_wait3A_1867 : memref<1x16384xf32, #tpu.memory_space<hbm>> -> memref<16384xf32, #tpu.memory_space<hbm>>
    %dma_wait3A_1869 = arith.constant 0 : i32
    %dma_wait3A_1870 = tpu.memref_slice %arg11[%dma_wait3A_1859, %dma_wait3A_1869] : memref<2x16384xf32, #tpu.memory_space<vmem>> -> memref<1x16384xf32, #tpu.memory_space<vmem>>
    %dma_wait3A_1871 = tpu.memref_squeeze %dma_wait3A_1870 : memref<1x16384xf32, #tpu.memory_space<vmem>> -> memref<16384xf32, #tpu.memory_space<vmem>>
    tpu.wait_dma2 semaphore(%arg15 : memref<!tpu.dma_semaphore, #tpu.memory_space<semaphore_mem>>) src(%dma_wait3A_1871 : memref<16384xf32, #tpu.memory_space<vmem>>) dst(%dma_wait3A_1868 : memref<16384xf32, #tpu.memory_space<hbm>>)
    %scan3A_1872 = arith.constant 0 : i32
    %scan3A_1873 = arith.constant 1 : i32
    %scan3A_1874 = arith.constant 1 : i32
    %scan3A_1875 = arith.constant 0 : i32
    %scan3A_1876 = arith.constant 1024 : i32
    %scan3A_1877 = arith.addi %scan3A_1875, %scan3A_1876 : i32
    %scan3A_1878 = arith.constant 1 : i32
    scf.for %scan3A_1921 = %scan3A_1875 to %scan3A_1877 step %scan3A_1878  : i32 {
      %shift_right_arithmetic3A = arith.constant 8 : i32
      %shift_right_arithmetic3A_1922 = arith.shrsi %scan3A_1921, %shift_right_arithmetic3A : i32
      %and3A = arith.constant 255 : i32
      %and3A_1923 = arith.andi %scan3A_1921, %and3A : i32
      %mul3A_1924 = arith.constant 16 : i32
      %mul3A_1925 = arith.muli %and3A_1923, %mul3A_1924 : i32
      %get3A_1926 = arith.index_cast %mul3A_1925 : i32 to index
      %get3A_1927 = tpu.vector_load %arg8[%get3A_1926] {strides = array<i32>} : memref<4096xi32, #tpu.memory_space<vmem>>, vector<16xi32>,
      %shift_right_arithmetic3A_1928 = arith.constant 12 : i32
      %shift_right_arithmetic3A_1929 = vector.broadcast %shift_right_arithmetic3A_1928 : i32 to vector<16xi32>
      %shift_right_arithmetic3A_1930 = arith.shrsi %get3A_1927, %shift_right_arithmetic3A_1929 : vector<16xi32>
      %mul3A_1931 = arith.constant 2 : i32
      %mul3A_1932 = arith.muli %mul3A_1931, %shift_right_arithmetic3A_1922 : i32
      %add3A_1933 = vector.broadcast %mul3A_1932 : i32 to vector<16xi32>
      %add3A_1934 = arith.addi %shift_right_arithmetic3A_1930, %add3A_1933 : vector<16xi32>
      %and3A_1935 = arith.constant 4095 : i32
      %and3A_1936 = vector.broadcast %and3A_1935 : i32 to vector<16xi32>
      %and3A_1937 = arith.andi %get3A_1927, %and3A_1936 : vector<16xi32>
      %gather3A = arith.constant 0 : i32
      %gather3A_1938 = arith.constant 0 : i32
      %gather3A_1939 = tpu.memref_slice %arg10[%scan3A_1873, %gather3A, %gather3A_1938] : memref<2x8x4096xf32, #tpu.memory_space<vmem>> -> memref<1x8x4096xf32, #tpu.memory_space<vmem>>
      %gather3A_1940 = tpu.memref_squeeze %gather3A_1939 : memref<1x8x4096xf32, #tpu.memory_space<vmem>> -> memref<8x4096xf32, #tpu.memory_space<vmem>>
      %gather3A_1941 = tpu.vector_load_idx %gather3A_1940[%add3A_1934, %and3A_1937] : memref<8x4096xf32, #tpu.memory_space<vmem>>[vector<16xi32>, vector<16xi32>], vector<16xf32>,
      %mul3A_1942 = arith.mulf %gather3A_1941, %get3A_3 : vector<16xf32>
      %exp3A = math.exp %mul3A_1942 : vector<16xf32>
      %mul3A_1943 = arith.constant 4096 : i32
      %mul3A_1944 = arith.muli %shift_right_arithmetic3A_1922, %mul3A_1943 : i32
      %mul3A_1945 = arith.constant 16 : i32
      %mul3A_1946 = arith.muli %and3A_1923, %mul3A_1945 : i32
      %add3A_1947 = arith.addi %mul3A_1944, %mul3A_1946 : i32
      %swap3A = arith.constant 0 : i32
      %swap3A_1948 = tpu.memref_slice %arg11[%scan3A_1874, %swap3A] : memref<2x16384xf32, #tpu.memory_space<vmem>> -> memref<1x16384xf32, #tpu.memory_space<vmem>>
      %swap3A_1949 = tpu.memref_squeeze %swap3A_1948 : memref<1x16384xf32, #tpu.memory_space<vmem>> -> memref<16384xf32, #tpu.memory_space<vmem>>
      %swap3A_1950 = arith.index_cast %add3A_1947 : i32 to index
      %swap3A_1951 = tpu.vector_load %swap3A_1949[%swap3A_1950] {strides = array<i32>} : memref<16384xf32, #tpu.memory_space<vmem>>, vector<16xf32>,
      tpu.vector_store %swap3A_1949[%swap3A_1950], %exp3A {strides = array<i32>} : memref<16384xf32, #tpu.memory_space<vmem>>, vector<16xf32>,
    }
    %scan3A_1879 = arith.constant 1024 : i32
    %add3A_1880 = arith.constant 31 : i32
    %add3A_1881 = arith.addi %mul3A_2, %add3A_1880 : i32
    %dma_start3A_1882 = arith.constant 1 : i32
    %dma_start3A_1883 = arith.constant 0 : i32
    %dma_start3A_1884 = tpu.memref_slice %arg11[%dma_start3A_1882, %dma_start3A_1883] : memref<2x16384xf32, #tpu.memory_space<vmem>> -> memref<1x16384xf32, #tpu.memory_space<vmem>>
    %dma_start3A_1885 = tpu.memref_squeeze %dma_start3A_1884 : memref<1x16384xf32, #tpu.memory_space<vmem>> -> memref<16384xf32, #tpu.memory_space<vmem>>
    %dma_start3A_1886 = arith.constant 0 : i32
    %dma_start3A_1887 = tpu.memref_slice %arg6[%add3A_1881, %dma_start3A_1886] : memref<1024x16384xf32, #tpu.memory_space<hbm>> -> memref<1x16384xf32, #tpu.memory_space<hbm>>
    %dma_start3A_1888 = tpu.memref_squeeze %dma_start3A_1887 : memref<1x16384xf32, #tpu.memory_space<hbm>> -> memref<16384xf32, #tpu.memory_space<hbm>>
    %dma_start3A_1889 = arith.constant 0 : i32
    %dma_start3A_1890 = tpu.memref_slice %arg6[%add3A_1881, %dma_start3A_1889] : memref<1024x16384xf32, #tpu.memory_space<hbm>> -> memref<1x16384xf32, #tpu.memory_space<hbm>>
    %dma_start3A_1891 = tpu.memref_squeeze %dma_start3A_1890 : memref<1x16384xf32, #tpu.memory_space<hbm>> -> memref<16384xf32, #tpu.memory_space<hbm>>
    %dma_start3A_1892 = arith.constant 0 : i32
    %dma_start3A_1893 = tpu.memref_slice %arg11[%dma_start3A_1882, %dma_start3A_1892] : memref<2x16384xf32, #tpu.memory_space<vmem>> -> memref<1x16384xf32, #tpu.memory_space<vmem>>
    %dma_start3A_1894 = tpu.memref_squeeze %dma_start3A_1893 : memref<1x16384xf32, #tpu.memory_space<vmem>> -> memref<16384xf32, #tpu.memory_space<vmem>>
    tpu.enqueue_dma source(%dma_start3A_1894 : memref<16384xf32, #tpu.memory_space<vmem>>) target(%dma_start3A_1891 : memref<16384xf32, #tpu.memory_space<hbm>>) target_semaphore(%arg15 : memref<!tpu.dma_semaphore, #tpu.memory_space<semaphore_mem>>)
    %dma_wait3A_1895 = arith.constant 0 : i32
    %dma_wait3A_1896 = arith.constant 0 : i32
    %dma_wait3A_1897 = tpu.memref_slice %arg11[%dma_wait3A_1895, %dma_wait3A_1896] : memref<2x16384xf32, #tpu.memory_space<vmem>> -> memref<1x16384xf32, #tpu.memory_space<vmem>>
    %dma_wait3A_1898 = tpu.memref_squeeze %dma_wait3A_1897 : memref<1x16384xf32, #tpu.memory_space<vmem>> -> memref<16384xf32, #tpu.memory_space<vmem>>
    %dma_wait3A_1899 = arith.constant 0 : i32
    %dma_wait3A_1900 = tpu.memref_slice %arg6[%add3A_1833, %dma_wait3A_1899] : memref<1024x16384xf32, #tpu.memory_space<hbm>> -> memref<1x16384xf32, #tpu.memory_space<hbm>>
    %dma_wait3A_1901 = tpu.memref_squeeze %dma_wait3A_1900 : memref<1x16384xf32, #tpu.memory_space<hbm>> -> memref<16384xf32, #tpu.memory_space<hbm>>
    %dma_wait3A_1902 = arith.constant 0 : i32
    %dma_wait3A_1903 = tpu.memref_slice %arg6[%add3A_1833, %dma_wait3A_1902] : memref<1024x16384xf32, #tpu.memory_space<hbm>> -> memref<1x16384xf32, #tpu.memory_space<hbm>>
    %dma_wait3A_1904 = tpu.memref_squeeze %dma_wait3A_1903 : memref<1x16384xf32, #tpu.memory_space<hbm>> -> memref<16384xf32, #tpu.memory_space<hbm>>
    %dma_wait3A_1905 = arith.constant 0 : i32
    %dma_wait3A_1906 = tpu.memref_slice %arg11[%dma_wait3A_1895, %dma_wait3A_1905] : memref<2x16384xf32, #tpu.memory_space<vmem>> -> memref<1x16384xf32, #tpu.memory_space<vmem>>
    %dma_wait3A_1907 = tpu.memref_squeeze %dma_wait3A_1906 : memref<1x16384xf32, #tpu.memory_space<vmem>> -> memref<16384xf32, #tpu.memory_space<vmem>>
    tpu.wait_dma2 semaphore(%arg14 : memref<!tpu.dma_semaphore, #tpu.memory_space<semaphore_mem>>) src(%dma_wait3A_1907 : memref<16384xf32, #tpu.memory_space<vmem>>) dst(%dma_wait3A_1904 : memref<16384xf32, #tpu.memory_space<hbm>>)
    %dma_wait3A_1908 = arith.constant 1 : i32
    %dma_wait3A_1909 = arith.constant 0 : i32
    %dma_wait3A_1910 = tpu.memref_slice %arg11[%dma_wait3A_1908, %dma_wait3A_1909] : memref<2x16384xf32, #tpu.memory_space<vmem>> -> memref<1x16384xf32, #tpu.memory_space<vmem>>
    %dma_wait3A_1911 = tpu.memref_squeeze %dma_wait3A_1910 : memref<1x16384xf32, #tpu.memory_space<vmem>> -> memref<16384xf32, #tpu.memory_space<vmem>>
    %dma_wait3A_1912 = arith.constant 0 : i32
    %dma_wait3A_1913 = tpu.memref_slice %arg6[%add3A_1881, %dma_wait3A_1912] : memref<1024x16384xf32, #tpu.memory_space<hbm>> -> memref<1x16384xf32, #tpu.memory_space<hbm>>
    %dma_wait3A_1914 = tpu.memref_squeeze %dma_wait3A_1913 : memref<1x16384xf32, #tpu.memory_space<hbm>> -> memref<16384xf32, #tpu.memory_space<hbm>>
    %dma_wait3A_1915 = arith.constant 0 : i32
    %dma_wait3A_1916 = tpu.memref_slice %arg6[%add3A_1881, %dma_wait3A_1915] : memref<1024x16384xf32, #tpu.memory_space<hbm>> -> memref<1x16384xf32, #tpu.memory_space<hbm>>
    %dma_wait3A_1917 = tpu.memref_squeeze %dma_wait3A_1916 : memref<1x16384xf32, #tpu.memory_space<hbm>> -> memref<16384xf32, #tpu.memory_space<hbm>>
    %dma_wait3A_1918 = arith.constant 0 : i32
    %dma_wait3A_1919 = tpu.memref_slice %arg11[%dma_wait3A_1908, %dma_wait3A_1918] : memref<2x16384xf32, #tpu.memory_space<vmem>> -> memref<1x16384xf32, #tpu.memory_space<vmem>>
    %dma_wait3A_1920 = tpu.memref_squeeze %dma_wait3A_1919 : memref<1x16384xf32, #tpu.memory_space<vmem>> -> memref<16384xf32, #tpu.memory_space<vmem>>
    tpu.wait_dma2 semaphore(%arg15 : memref<!tpu.dma_semaphore, #tpu.memory_space<semaphore_mem>>) src(%dma_wait3A_1920 : memref<16384xf32, #tpu.memory_space<vmem>>) dst(%dma_wait3A_1917 : memref<16384xf32, #tpu.memory_space<hbm>>)
    return
  }
}

</mosaic_0001>

<sc_bundles>
// kernel: kernel.3.cloned.1.call-start
scs
__scs_entry_jumppad:
0x0: {  	(pc) =	sbr.rel $0x88, $3  }
0x1: {  	(tag) =	ssettag $0x0;
	lr =	simm.s32 $0x1  }
0x2: {  	[smem:$0x3F9D] =	sst lr;
	_ =	strace $0xD0000000  }
0x3: {  	_ = 	snop  }
0x4: {  	_ = 	snop  }
0x5: {  	_ = 	snop  }
0x6: {  	_ = 	snop  }
0x7: {  	_ = 	snop  }
__scs_overlays_trampoline_lowered:
0x8: {  	[smem:$0x3FAC] =	sst s0  }
0x9: {  	[smem:$0x3FAD] =	sst s1  }
0xa: {  	[smem:$0x3FAE] =	sst s2  }
0xb: {  	[smem:$0x3FAF] =	sst s3  }
0xc: {  	[smem:$0x3FB0] =	sst s4  }
0xd: {  	[smem:$0x3FB1] =	sst s5  }
0xe: {  	[smem:$0x3FB2] =	sst s6  }
0xf: {  	[smem:$0x3FB3] =	sst s7  }
0x10: {  	[smem:$0x3FB4] =	sst s8  }
0x11: {  	[smem:$0x3FB5] =	sst s9;
	s0 =	simm.s32 @!p0 $0x0  }
0x12: {  	s1 =	sld [smem:$0x3F9B];
	s0 =	simm.s32 @p0 $0x1  }
0x13: {  	[smem:$0x3FB6] =	sst s0;
	s0 =	simm.s32 @!p1 $0x0  }
0x14: {  	s2 =	sld [smem:$0x3F9A];
	s0 =	simm.s32 @p1 $0x1  }
0x15: {  	[smem:$0x3FB7] =	sst s0;
	s0 =	simm.s32 @!p2 $0x0  }
0x16: {  	s3 =	sld [smem:$0x3FDB];
	s0 =	simm.s32 @p2 $0x1  }
0x17: {  	s4 =	simm.s32 $0x1BF5;
	[smem:$0x3FB9] =	sst s0  }
0x18: {  	s0 =	sld [smem:$0x3F9C];
	_ =	swait.ge [sflag:s4], $0x0  }
0x19: {  	s7 =	sld [smem:$0x3F9D]  }
0x1a: {  	s8 =	sadd.s32 $0xFFFFE003, lr  }
0x1b: {  	s9 =	sadd.s32 $0xFFFFFEF7, lr;
	s5 =	simm.s32 $0xFFFFFFFF;
	p2 =	slt.u32 s8, $0xFFFFF086  }
0x1c: {  	p1 =	slt.u32 s9, $0xF7A;
	s5 =	simm.s32 @!p2 $0x0  }
0x1d: {  	s5 =	simm.s32 @p1 $0x1;
	p0 =	seq.s32 s7, s2  }
0x1e: {  	s7 =	smul.u32 @!p0 $0xF7A, s2;
	p2 =	seq.s32 @!p0 s5, $0x0  }
0x1f: {  	s9 =	smul.u32 $0xF7A, s1;
	s8 =	simm.s32 @!p0 $0x1BF5;
	p2 =	por !p2, p0  }
0x20: {  	[sflag:s8] =	ssyncset.s32 @!p0 $0xFFFFF086;
	s6 =	sadd.s32 @!p0 s3, s7;
	s7 =	simm.s32 @!p0 $0x108  }
0x21: {  	s3 =	sadd.s32 s3, s9;
	s6 =	sadd.s32 @!p0 $0x88, s6;
	s7 =	simm.s32 @p2 $0x1082  }
0x22: {  	[simem:s7], [sflag:s8] =	dma.local @!p0 [hbm:s6], $0xF7A  }
0x23: {  	s9 =	sor.u32 $0xD0000000, s2;
	s6 =	simm.s32 $0x108;
	_ =	swait.ge @!p0 [sflag:s8], $0x0  }
0x24: {  	s3 =	sadd.s32 $0x88, s3;
	s6 =	simm.s32 @!p1 $0x1082;
	[sflag:s4] =	ssyncset.s32 $0xFFFFF086  }
0x25: {  	[simem:s6], [sflag:s4] =	dma.local [hbm:s3], $0xF7A  }
0x26: {  	[smem:$0x3F9D] =	sst s1;
	(tag) =	ssettag s2;
	_ =	strace s9  }
0x27: {  	s1 =	sld [smem:$0x3FAD]  }
0x28: {  	s2 =	sld [smem:$0x3FAE]  }
0x29: {  	s4 =	sld [smem:$0x3FB0]  }
0x2a: {  	p0 =	seq.s32 s5, $0x0;
	s5 =	sld [smem:$0x3FB1]  }
0x2b: {  	s6 =	sld [smem:$0x3FB2]  }
0x2c: {  	s7 =	sld [smem:$0x3FB3]  }
0x2d: {  	s3 =	simm.s32 $0x108;
	s8 =	sld [smem:$0x3FB4]  }
0x2e: {  	s3 =	simm.s32 @!p0 $0x1082;
	s9 =	sld [smem:$0x3FB5]  }
0x2f: {  	lr =	sadd.s32 s0, s3;
	s0 =	sld [smem:$0x3FAC]  }
0x30: {  	s3 =	sld [smem:$0x3FAF]  }
0x31: {  	[smem:$0x3FB8] =	sst s10  }
0x32: {  	s10 =	sld [smem:$0x3FB6];
	_ =	sdelay $0x3  }
0x33: {  	p0 =	seq.s32 s10, $0x1;
	s10 =	sld [smem:$0x3FB8];
	_ =	sdelay $0x3  }
0x34: {  	[smem:$0x3FB8] =	sst s10  }
0x35: {  	s10 =	sld [smem:$0x3FB7];
	_ =	sdelay $0x3  }
0x36: {  	p1 =	seq.s32 s10, $0x1;
	s10 =	sld [smem:$0x3FB8];
	_ =	sdelay $0x3  }
0x37: {  	[smem:$0x3FB8] =	sst s10  }
0x38: {  	s10 =	sld [smem:$0x3FB9]  }
0x39: {  	_ = 	snop;
	(pc) =	sbr.ind lr, $3  }
0x3a: {  	_ = 	snop  }
0x3b: {  	_ = 	snop  }
0x3c: {  	p2 =	seq.s32 s10, $0x1;
	s10 =	sld [smem:$0x3FB8]  }
0x3d: {  	_ =	shalt  }
0x3e: {  	_ =	shalt  }
0x3f: {  	_ =	shalt  }
0x40: {  	_ =	shalt  }
0x41: {  	_ =	shalt  }
0x42: {  	_ =	shalt  }
0x43: {  	_ =	shalt  }
0x44: {  	_ =	shalt  }
0x45: {  	_ =	shalt  }
0x46: {  	_ =	shalt  }
0x47: {  	_ =	shalt  }
0x48: {  	_ =	shalt  }
0x49: {  	_ =	shalt  }
0x4a: {  	_ =	shalt  }
0x4b: {  	_ =	shalt  }
0x4c: {  	_ =	shalt  }
0x4d: {  	_ =	shalt  }
0x4e: {  	_ =	shalt  }
0x4f: {  	_ =	shalt  }
0x50: {  	_ =	shalt  }
0x51: {  	_ =	shalt  }
0x52: {  	_ =	shalt  }
0x53: {  	_ =	shalt  }
0x54: {  	_ =	shalt  }
0x55: {  	_ =	shalt  }
0x56: {  	_ =	shalt  }
0x57: {  	_ =	shalt  }
0x58: {  	_ =	shalt  }
0x59: {  	_ =	shalt  }
0x5a: {  	_ =	shalt  }
0x5b: {  	_ =	shalt  }
0x5c: {  	_ =	shalt  }
0x5d: {  	_ =	shalt  }
0x5e: {  	_ =	shalt  }
0x5f: {  	_ =	shalt  }
0x60: {  	_ =	shalt  }
0x61: {  	_ =	shalt  }
0x62: {  	_ =	shalt  }
0x63: {  	_ =	shalt  }
0x64: {  	_ =	shalt  }
0x65: {  	_ =	shalt  }
0x66: {  	_ =	shalt  }
0x67: {  	_ =	shalt  }
0x68: {  	_ =	shalt  }
0x69: {  	_ =	shalt  }
0x6a: {  	_ =	shalt  }
0x6b: {  	_ =	shalt  }
0x6c: {  	_ =	shalt  }
0x6d: {  	_ =	shalt  }
0x6e: {  	_ =	shalt  }
0x6f: {  	_ =	shalt  }
0x70: {  	_ =	shalt  }
0x71: {  	_ =	shalt  }
0x72: {  	_ =	shalt  }
0x73: {  	_ =	shalt  }
0x74: {  	_ =	shalt  }
0x75: {  	_ =	shalt  }
0x76: {  	_ =	shalt  }
0x77: {  	_ =	shalt  }
0x78: {  	_ =	shalt  }
0x79: {  	_ =	shalt  }
0x7a: {  	_ =	shalt  }
0x7b: {  	_ =	shalt  }
0x7c: {  	_ =	shalt  }
0x7d: {  	_ =	shalt  }
0x7e: {  	_ =	shalt  }
0x7f: {  	_ =	shalt  }
0x80: {  	_ =	shalt  }
0x81: {  	_ =	shalt  }
0x82: {  	_ =	shalt  }
0x83: {  	_ =	shalt  }
0x84: {  	_ =	shalt  }
0x85: {  	_ =	shalt  }
0x86: {  	_ =	shalt  }
0x87: {  	_ =	shalt  }
.Lfunc_end0:
.L_simem_size_0:
called_computation.1_lowered:
.L_overlay_start_0:
0x88: {  	s2 =	sld [smem:$0x3FD9]  }
0x89: {  	s3 =	sld [smem:$0x3FFE];
	_ =	sdelay $0x1  }
0x8a: {  	s1 =	srdreg.scid  }
0x8b: {  	s0 =	sand.u32 $0x1, s1  }
0x8c: {  	s17 =	sshll.u32 s0, $0xA;
	s2 =	sadd.s32 s3, s2  }
0x8d: {  	s2 =	sadd.s32 s2, s17  }
0x8e: {  	[smem:$0x3FC4] =	sst s2  }
0x8f: {  	_ = 	snop  }
0x90: {  	s2 =	sld [smem:$0x3FC8]  }
0x91: {  	s18 =	sld [smem:$0x3FD0];
	(tm) =	ssettm $0x1  }
0x92: {  	s4 =	sld [smem:$0x3FFB];
	_ =	sdelay $0x3  }
0x93: {  	_ =	strace s4  }
0x94: {  	s4 =	sld [smem:$0x3FFC];
	_ =	sdelay $0x3  }
0x95: {  	_ =	strace s4  }
0x96: {  	s4 =	sld [smem:$0x3FFD];
	_ =	sdelay $0x3  }
0x97: {  	_ =	strace s4  }
0x98: {  	_ =	strace $0x8FFFFFFF  }
0x99: {  	s19 =	sld [smem:$0x3FDB];
	_ =	sdelay $0x1  }
0x9a: {  	s5 =	simm.s32 $_scs_section_size  }
0x9b: {  	s6 =	simm.s32 $_size__tile_overlayer_lowered;
	s7 =	simm.s32 $_tile_overlayer_lowered  }
0x9c: {  	s22 =	simm.s32 $0x1BFF;
	s21 =	sshll.u32 s7, $0x1;
	s4 =	sadd.s32 s5, s19  }
0x9d: {  	s8 =	simm.s32 $0x0;
	s20 =	sshll.u32 s6, $0x1;
	s6 =	sadd.s32 s21, s4  }
0x9e: {  	[timem:s8], [sflag:s22] =	dma.local [hbm:s6], s20  }
0x9f: {  	_ =	swait.ge [sflag:s22], s20  }
0xa0: {  	s5 =	ssub.s32 $0x0, s20;
	[sflag:s22] =	ssyncset.done $0x0  }
0xa1: {  	[sflag:s22] =	ssyncadd.s32 s5;
	_ =	sdelay $0x1  }
0xa2: {  	s23 =	simm.s32 $0x1B8B  }
0xa3: {  	_ =	swait.ge [sflag:s23], $0x1  }
0xa4: {  	[sflag:s23] =	ssyncset.done $0x0  }
0xa5: {  	s25 =	simm.s32 $0x1B8E;
	s24 =	sld [smem:$0x3FFE];
	[sflag:s23] =	ssyncadd.s32 $0xFFFFFFFF  }
0xa6: {  	s26 =	simm.s32 $execute0_lowered;
	[smem:$0x3FD2] =	sst s25  }
0xa7: {  	s6 =	sshll.u32 s26, $0x1;
	_ =	strace $0x80000049;
	[dreg:$0x1] =	wrdreg $0xFFFFFFFF  }
0xa8: {  	s28 =	simm.s32 $_size_execute0_lowered;
	s4 =	sadd.s32 s4, s6;
	[dreg:$0x0] =	wrdreg $0x0  }
0xa9: {  	s6 =	sshll.u32 s28, $0x1;
	[dreg:$0x2] =	wrdreg s4  }
0xaa: {  	[dreg:$0x3] =	wrdreg s6  }
0xab: {  	[dreg:$0x4] =	wrdreg $0xC0  }
0xac: {  	_ =	task [dreg:s8], $0x5FFFF  }
0xad: {  	[dreg:$0x1] =	wrdreg $0xFFFFFFFF  }
0xae: {  	[dreg:$0x0] =	wrdreg $0x60  }
0xaf: {  	[dreg:$0x2] =	wrdreg s24  }
0xb0: {  	[dreg:$0x3] =	wrdreg s18  }
0xb1: {  	[dreg:$0x4] =	wrdreg s2  }
0xb2: {  	[dreg:$0x5] =	wrdreg $0x9  }
0xb3: {  	_ =	task.clear_ibuf [dreg:s8], $0x6FFFF;
	_ =	strace $0x90000049  }
0xb4: {  	s29 =	simm.s32 $0x9;
	_ =	strace $0x8000004B  }
0xb5: {  	_ =	swait.ge [sflag:s29], $0x1  }
0xb6: {  	[sflag:s29] =	ssyncadd.s32 $0xFFFFFFFF  }
0xb7: {  	_ =	strace $0x9000004B  }
0xb8: {  	_ =	sfence  }
0xb9: {  	s30 =	sld [smem:$0x0];
	_ =	sdelay $0x2  }
0xba: {  	s31 =	sshll.u32 s1, $0xD;
	s1 =	sshrl.u32 s1, $0x2  }
0xbb: {  	s3 =	sand.u32 $0x4000, s31;
	s1 =	sadd.s32 s1, s30  }
0xbc: {  	s0 =	sor.u32 s3, s0;
	s1 =	sshll.u32 s1, $0x11  }
0xbd: {  	s0 =	sor.u32 s1, s0  }
0xbe: {  	s0 =	sadd.s32 $0x8F2B, s0  }
0xbf: {  	[sflag:s0] =	ssyncadd.remote.s32 $0x1  }
0xc0: {  	_ =	sfence.sel $0xFFFF  }
0xc1: {  	[dreg:$0x0] =	wrdreg $0xFFFFFFFF;
	(pc) =	sbr.abs _section_cstart, $3  }
0xc2: {  	[dreg:$0x1] =	wrdreg $0xFFFFFFFF  }
0xc3: {  	_ =	task.clear_ibuf [dreg:s8], $0x2FFFF;
	_ =	strace $0x9FFFFFFF  }
0xc4: {  	(tm) =	ssettm $0x7FFFFFFF  }
0xc5: {  	_ =	shalt  }
tec
execute0_lowered:
.L_overlay_start_1:
0x0: {  	(tag) =	ssettag $0x1  }
0x1: {  	s1 =	srdreg.scid  }
0x2: {  	s3 =	stileid.u32;
	s1 =	sand.u32 $0x1, s1  }
0x3: {  	s0 =	rddreg [dreg:$0x0];
	s4 =	sshll.u32 s3, $0x6;
	s5 =	sshll.u32 s1, $0x5  }
0x4: {  	s2 =	rddreg [dreg:$0x1];
	s3 =	simm.s32 $0x0;
	s5 =	sor.u32 s5, s4  }
0x5: {  	[smem:$0x7FF] =	sst s3;
	s6 =	sshll.u32 s5, $0xB  }
0x6: {  	s4 =	sadd.s32 $0xC00, s0;
	s9 =	sadd.s32 s6, s0;
	s0 =	sadd.s32 $0x800E00, s0  }
0x7: {  	_ =	strace $0x8000004A;
	[dreg:$0x4] =	wrdreg s0;
	s28 =	sadd.s32 $0x801800, s9  }
0x8: {  	s6 =	sadd.s32 $0x801000, s9;
	[dreg:$0x5] =	wrdreg s28  }
0x9: {  	s7 =	sadd.s32 $0x802000, s9;
	[dreg:$0x6] =	wrdreg s6  }
0xa: {  	s8 =	sadd.s32 $0x802800, s9;
	[dreg:$0x7] =	wrdreg s7  }
0xb: {  	s10 =	sadd.s32 $0x803000, s9;
	[dreg:$0x8] =	wrdreg s8  }
0xc: {  	s11 =	sadd.s32 $0x803800, s9;
	[dreg:$0x9] =	wrdreg s10  }
0xd: {  	s12 =	sadd.s32 $0x804000, s9;
	[dreg:$0xa] =	wrdreg s11  }
0xe: {  	s26 =	ssub.s32 $0x2, s1;
	s14 =	sadd.s32 $0x805800, s9;
	[dreg:$0xb] =	wrdreg s12  }
0xf: {  	s13 =	sshrl.u32 s26, $0x1;
	s15 =	sadd.s32 $0x805000, s9;
	[dreg:$0xd] =	wrdreg s14  }
0x10: {  	s30 =	sadd.s32 s2, s5;
	s16 =	sadd.s32 $0x806000, s9;
	[dreg:$0xe] =	wrdreg s15  }
0x11: {  	s17 =	sadd.s32 $0x806800, s9;
	s18 =	sadd.s32 $0x807000, s9;
	[dreg:$0xf] =	wrdreg s16  }
0x12: {  	s19 =	sadd.s32 $0x807800, s9;
	s20 =	sadd.s32 $0x808000, s9;
	[dreg:$0x10] =	wrdreg s17  }
0x13: {  	s21 =	sadd.s32 $0x808800, s9;
	s22 =	sadd.s32 $0x809800, s9;
	[dreg:$0x11] =	wrdreg s18  }
0x14: {  	s23 =	sadd.s32 $0x809000, s9;
	s24 =	sadd.s32 $0x80A000, s9;
	[dreg:$0x12] =	wrdreg s19  }
0x15: {  	s25 =	sadd.s32 $0x80A800, s9;
	s29 =	sadd.s32 $0x80C000, s9;
	[dreg:$0x13] =	wrdreg s20  }
0x16: {  	s31 =	sadd.s32 $0x80C800, s9;
	s1 =	sadd.s32 $0x80D800, s9;
	[dreg:$0x14] =	wrdreg s21  }
0x17: {  	s0 =	sadd.s32 $0x80D000, s9;
	s2 =	sadd.s32 $0x80E000, s9;
	[dreg:$0x15] =	wrdreg s22  }
0x18: {  	s5 =	sadd.s32 $0x80E800, s9;
	s6 =	sadd.s32 $0x804800, s9;
	[dreg:$0x16] =	wrdreg s23  }
0x19: {  	s10 =	ssub.s32 s26, s13;
	[dreg:$0x17] =	wrdreg s24;
	s26 =	sadd.s32 $0x80B000, s9  }
0x1a: {  	[dreg:$0x18] =	wrdreg s25;
	s28 =	sadd.s32 $0x80B800, s9;
	s7 =	sadd.s32 $0x80F800, s9  }
0x1b: {  	s8 =	sadd.s32 $0x810000, s9;
	s11 =	simm.s32 $0x5;
	s12 =	simm.s32 $0x8  }
0x1c: {  	s13 =	simm.s32 $0x1110;
	s14 =	simm.s32 $0x9110;
	s15 =	simm.s32 $0x1  }
0x1d: {  	s16 =	simm.s32 $0x11110;
	s17 =	simm.s32 $0x2;
	[dreg:$0xc] =	wrdreg s6  }
0x1e: {  	s18 =	simm.s32 $0x15110;
	s19 =	simm.s32 $0x3;
	[dreg:$0x19] =	wrdreg s26  }
0x1f: {  	s20 =	simm.s32 $0x4;
	s21 =	simm.s32 $0x0;
	[dreg:$0x1a] =	wrdreg s28  }
0x20: {  	s6 =	sadd.s32 $0x80F000, s9;
	s9 =	sadd.s32 $0x810800, s9;
	s10 =	smax.u32 s10, $0x1  }
.LBB2_1:
0x21: {  	[tilespmem:s3], [sflag:$0x5] =	stream.linear.gather [hbm4b:s30+s3], $0x100, $0x38;
	[tilespmem:$0x19110] =	vst v63  }
0x22: {  	_ =	swait.ge [sflag:s11], $0x100  }
0x23: {  	[sflag:s11] =	ssyncset.done $0x0  }
0x24: {  	[sflag:s11] =	ssyncadd.s32 $0xFFFFFF00  }
0x25: {  	s23 =	simm.s32 $0x100;
	s22 =	rddreg [dreg:$0x2]  }
0x26: {  	[tilespmem:s23], [sflag:$0x5] =	stream.linear.gather [hbm4b:s22+s3], $0x1000, $0x38;
	[tilespmem:$0x19110] =	vst v63  }
0x27: {  	_ =	swait.ge [sflag:s11], $0x1000  }
0x28: {  	[sflag:s11] =	ssyncset.done $0x0  }
0x29: {  	s28 =	simm.s32 $0x1100;
	s26 =	rddreg [dreg:$0x4];
	[sflag:s11] =	ssyncadd.s32 $0xFFFFF000  }
0x2a: {  	[tilespmem:s28], [sflag:$0x5] =	stream.linear.gather [hbm4b:s26+s3], $0x10, $0x38;
	[tilespmem:$0x19110] =	vst v63  }
0x2b: {  	_ =	swait.ge [sflag:s11], $0x10  }
0x2c: {  	[sflag:s11] =	ssyncset.done $0x0  }
0x2d: {  	[sflag:s11] =	ssyncadd.s32 $0xFFFFFFF0  }
0x2e: {  	v0 =	vld [tilespmem:$0x1100];
	[tilespmem:s13], [sflag:$0x1] =	stream.indirect.gather [hbm4b:s4+s12], $0x1000, s3, s12, $0xb8  }
0x2f: {  	_ = 	snop  }
0x30: {  	[tilespmem:s14], [sflag:$0x2] =	stream.indirect.gather [hbm4b:s4+s12], $0x1000, s12, s12, $0xb8;
	[tilespmem:$0x19110] =	vst v63  }
0x31: {  	s24 =	simm.s32 $0x1;
	_ =	swait.ge [sflag:s15], $0x8000  }
0x32: {  	s25 =	simm.s32 $0x0;
	s22 =	sand.u32 $0xFF0, s3;
	[sflag:s15] =	ssyncset.done $0x0  }
0x33: {  	s23 =	simm.s32 $0x0;
	s26 =	simm.s32 $0x0;
	[sflag:s15] =	ssyncadd.s32 $0xFFFF8000  }
.LBB2_2:
0x34: {  	p0 =	sne.s32 s24, $0x3FF;
	v1 =	vld [tilespmem:s22+$0x100];
	s26 =	sand.u32 $0x1FFFFFE, s26  }
0x35: {  	v2 =	vmov s26  }
0x36: {  	v2 =	vshll.u32 v2, $0xC  }
0x37: {  	v2 =	vbroadcast v2, $0x0;
	_ =	sdelay $0x1  }
0x38: {  	v1 =	vadd.s32 v2, v1;
	_ =	sdelay $0x4  }
0x39: {  	v1 =	vld.idx.msk [tilespmem:v1+s13+$0x0], $0xffff;
	_ =	sdelay $0x5  }
0x3a: {  	v1 =	vmul.f32 v1, v0;
	_ =	sdelay $0x1  }
0x3b: {  	v1 =	vmul.f32 $1.442695020e+00, v1;
	_ =	sdelay $0x1  }
0x3c: {  	(erf) = vpow2.f32 v1;
	_ =	sdelay $0x5  }
.Ltmp0:
0x3d: {  	(pc) =	sbr.rel @p0 .LBB2_2-.Ltmp0, $4  }
0x3e: {  	s26 =	sshll.u32 s23, $0x4;
	s23 =	smov.u32 s24  }
0x3f: {  	s26 =	sand.u32 $0x3FFFF000, s26  }
0x40: {  	s25 =	sadd.s32 $0x10, s25;
	s28 =	sor.u32 s22, s26;
	v1 =	vpop (erf)  }
0x41: {  	s24 =	sadd.s32 $0x1, s24;
	s22 =	sand.u32 $0xFF0, s25;
	s26 =	sshrl.u32 s23, $0x7;
	[tilespmem:s28+$0x11110] =	vst v1  }
0x42: {  	v1 =	vld [tilespmem:s22+$0x100];
	s24 =	sand.u32 $0x1FFFFFE, s26  }
0x43: {  	v2 =	vmov s24  }
0x44: {  	v2 =	vshll.u32 v2, $0xC  }
0x45: {  	v2 =	vbroadcast v2, $0x0;
	_ =	sdelay $0x1  }
0x46: {  	v1 =	vadd.s32 v2, v1;
	_ =	sdelay $0x4  }
0x47: {  	v1 =	vld.idx.msk [tilespmem:v1+s13+$0x0], $0xffff;
	_ =	sdelay $0x4  }
0x48: {  	v1 =	vmul.f32 v1, v0;
	_ =	sdelay $0x1  }
0x49: {  	v1 =	vmul.f32 $1.442695020e+00, v1;
	_ =	sdelay $0x1  }
0x4a: {  	(erf) = vpow2.f32 v1;
	_ =	sdelay $0x6  }
0x4b: {  	s23 =	sshll.u32 s23, $0x4  }
0x4c: {  	s23 =	sand.u32 $0x3FFFF000, s23  }
0x4d: {  	s25 =	sor.u32 s22, s23;
	v1 =	vpop (erf)  }
0x4e: {  	s26 =	rddreg [dreg:$0x6];
	s22 =	simm.s32 $0x0;
	[tilespmem:s25+$0x11110] =	vst v1  }
0x4f: {  	[hbm4b:s26+s22] =	stream.linear.scatter [tilespmem:s16], [sflag:$0x3], $0x4000, $0x38;
	[tilespmem:$0x19110] =	vst v63  }
0x50: {  	s28 =	simm.s32 $0x10  }
0x51: {  	[tilespmem:s13], [sflag:$0x1] =	stream.indirect.gather [hbm4b:s4+s12], $0x1000, s28, s12, $0xb8;
	[tilespmem:$0x19110] =	vst v63  }
0x52: {  	_ =	swait.ge [sflag:s17], $0x8000  }
0x53: {  	s24 =	simm.s32 $0x1;
	s23 =	sand.u32 $0xFF0, s22;
	[sflag:s17] =	ssyncset.done $0x0  }
0x54: {  	s25 =	simm.s32 $0x0;
	s26 =	simm.s32 $0x0;
	[sflag:s17] =	ssyncadd.s32 $0xFFFF8000  }
.LBB2_4:
0x55: {  	p0 =	sne.s32 s24, $0x3FF;
	v1 =	vld [tilespmem:s23+$0x100];
	s26 =	sand.u32 $0x1FFFFFE, s26  }
0x56: {  	v2 =	vmov s26  }
0x57: {  	v2 =	vshll.u32 v2, $0xC  }
0x58: {  	v2 =	vbroadcast v2, $0x0;
	_ =	sdelay $0x1  }
0x59: {  	v1 =	vadd.s32 v2, v1;
	_ =	sdelay $0x4  }
0x5a: {  	v1 =	vld.idx.msk [tilespmem:v1+s14+$0x0], $0xffff;
	_ =	sdelay $0x5  }
0x5b: {  	v1 =	vmul.f32 v1, v0;
	_ =	sdelay $0x1  }
0x5c: {  	v1 =	vmul.f32 $1.442695020e+00, v1;
	_ =	sdelay $0x1  }
0x5d: {  	(erf) = vpow2.f32 v1;
	_ =	sdelay $0x5  }
.Ltmp1:
0x5e: {  	(pc) =	sbr.rel @p0 .LBB2_4-.Ltmp1, $4  }
0x5f: {  	s26 =	sshll.u32 s22, $0x4;
	s22 =	smov.u32 s24  }
0x60: {  	s26 =	sand.u32 $0x3FFFF000, s26  }
0x61: {  	s25 =	sadd.s32 $0x10, s25;
	s28 =	sor.u32 s23, s26;
	v1 =	vpop (erf)  }
0x62: {  	s24 =	sadd.s32 $0x1, s24;
	s23 =	sand.u32 $0xFF0, s25;
	s26 =	sshrl.u32 s22, $0x7;
	[tilespmem:s28+$0x15110] =	vst v1  }
0x63: {  	v1 =	vld [tilespmem:s23+$0x100];
	s24 =	sand.u32 $0x1FFFFFE, s26  }
0x64: {  	v2 =	vmov s24  }
0x65: {  	v2 =	vshll.u32 v2, $0xC  }
0x66: {  	v2 =	vbroadcast v2, $0x0;
	_ =	sdelay $0x1  }
0x67: {  	v1 =	vadd.s32 v2, v1;
	_ =	sdelay $0x4  }
0x68: {  	v1 =	vld.idx.msk [tilespmem:v1+s14+$0x0], $0xffff;
	_ =	sdelay $0x4  }
0x69: {  	v1 =	vmul.f32 v1, v0;
	_ =	sdelay $0x1  }
0x6a: {  	v1 =	vmul.f32 $1.442695020e+00, v1;
	_ =	sdelay $0x1  }
0x6b: {  	(erf) = vpow2.f32 v1;
	_ =	sdelay $0x6  }
0x6c: {  	s22 =	sshll.u32 s22, $0x4  }
0x6d: {  	s22 =	sand.u32 $0x3FFFF000, s22  }
0x6e: {  	s22 =	sor.u32 s23, s22;
	v1 =	vpop (erf)  }
0x6f: {  	s26 =	rddreg [dreg:$0x5];
	[tilespmem:s22+$0x15110] =	vst v1;
	s22 =	simm.s32 $0x0  }
0x70: {  	[hbm4b:s26+s22] =	stream.linear.scatter [tilespmem:s18], [sflag:$0x4], $0x4000, $0x38;
	[tilespmem:$0x19110] =	vst v63  }
0x71: {  	s28 =	simm.s32 $0x18  }
0x72: {  	[tilespmem:s14], [sflag:$0x2] =	stream.indirect.gather [hbm4b:s4+s12], $0x1000, s28, s12, $0xb8;
	[tilespmem:$0x19110] =	vst v63  }
0x73: {  	_ =	swait.ge [sflag:s15], $0x8000  }
0x74: {  	[sflag:s15] =	ssyncset.done $0x0  }
0x75: {  	[sflag:s15] =	ssyncadd.s32 $0xFFFF8000  }
0x76: {  	_ =	swait.ge [sflag:s19], $0x4000  }
0x77: {  	s25 =	simm.s32 $0x0;
	s24 =	simm.s32 $0x1;
	[sflag:s19] =	ssyncset.done $0x0  }
0x78: {  	s23 =	sand.u32 $0xFF0, s22;
	s26 =	simm.s32 $0x0;
	[sflag:s19] =	ssyncadd.s32 $0xFFFFC000  }
.LBB2_6:
0x79: {  	p0 =	sne.s32 s24, $0x3FF;
	v1 =	vld [tilespmem:s23+$0x100];
	s26 =	sand.u32 $0x1FFFFFE, s26  }
0x7a: {  	v2 =	vmov s26  }
0x7b: {  	v2 =	vshll.u32 v2, $0xC  }
0x7c: {  	v2 =	vbroadcast v2, $0x0;
	_ =	sdelay $0x1  }
0x7d: {  	v1 =	vadd.s32 v2, v1;
	_ =	sdelay $0x4  }
0x7e: {  	v1 =	vld.idx.msk [tilespmem:v1+s13+$0x0], $0xffff;
	_ =	sdelay $0x5  }
0x7f: {  	v1 =	vmul.f32 v1, v0;
	_ =	sdelay $0x1  }
0x80: {  	v1 =	vmul.f32 $1.442695020e+00, v1;
	_ =	sdelay $0x1  }
0x81: {  	(erf) = vpow2.f32 v1;
	_ =	sdelay $0x5  }
.Ltmp2:
0x82: {  	(pc) =	sbr.rel @p0 .LBB2_6-.Ltmp2, $4  }
0x83: {  	s26 =	sshll.u32 s22, $0x4;
	s22 =	smov.u32 s24  }
0x84: {  	s26 =	sand.u32 $0x3FFFF000, s26  }
0x85: {  	s25 =	sadd.s32 $0x10, s25;
	s28 =	sor.u32 s23, s26;
	v1 =	vpop (erf)  }
0x86: {  	s24 =	sadd.s32 $0x1, s24;
	s23 =	sand.u32 $0xFF0, s25;
	s26 =	sshrl.u32 s22, $0x7;
	[tilespmem:s28+$0x11110] =	vst v1  }
0x87: {  	v1 =	vld [tilespmem:s23+$0x100];
	s24 =	sand.u32 $0x1FFFFFE, s26  }
0x88: {  	v2 =	vmov s24  }
0x89: {  	v2 =	vshll.u32 v2, $0xC  }
0x8a: {  	v2 =	vbroadcast v2, $0x0;
	_ =	sdelay $0x1  }
0x8b: {  	v1 =	vadd.s32 v2, v1;
	_ =	sdelay $0x4  }
0x8c: {  	v1 =	vld.idx.msk [tilespmem:v1+s13+$0x0], $0xffff;
	_ =	sdelay $0x4  }
0x8d: {  	v1 =	vmul.f32 v1, v0;
	_ =	sdelay $0x1  }
0x8e: {  	v1 =	vmul.f32 $1.442695020e+00, v1;
	_ =	sdelay $0x1  }
0x8f: {  	(erf) = vpow2.f32 v1;
	_ =	sdelay $0x6  }
0x90: {  	s22 =	sshll.u32 s22, $0x4  }
0x91: {  	s22 =	sand.u32 $0x3FFFF000, s22  }
0x92: {  	s22 =	sor.u32 s23, s22;
	v1 =	vpop (erf)  }
0x93: {  	s26 =	rddreg [dreg:$0x7];
	[tilespmem:s22+$0x11110] =	vst v1;
	s22 =	simm.s32 $0x0  }
0x94: {  	[hbm4b:s26+s22] =	stream.linear.scatter [tilespmem:s16], [sflag:$0x3], $0x4000, $0x38;
	[tilespmem:$0x19110] =	vst v63  }
0x95: {  	s28 =	simm.s32 $0x20  }
0x96: {  	[tilespmem:s13], [sflag:$0x1] =	stream.indirect.gather [hbm4b:s4+s12], $0x1000, s28, s12, $0xb8;
	[tilespmem:$0x19110] =	vst v63  }
0x97: {  	_ =	swait.ge [sflag:s17], $0x8000  }
0x98: {  	[sflag:s17] =	ssyncset.done $0x0  }
0x99: {  	[sflag:s17] =	ssyncadd.s32 $0xFFFF8000  }
0x9a: {  	_ =	swait.ge [sflag:s20], $0x4000  }
0x9b: {  	s25 =	simm.s32 $0x0;
	s24 =	simm.s32 $0x1;
	[sflag:s20] =	ssyncset.done $0x0  }
0x9c: {  	s23 =	sand.u32 $0xFF0, s22;
	s26 =	simm.s32 $0x0;
	[sflag:s20] =	ssyncadd.s32 $0xFFFFC000  }
.LBB2_8:
0x9d: {  	p0 =	sne.s32 s24, $0x3FF;
	v1 =	vld [tilespmem:s23+$0x100];
	s26 =	sand.u32 $0x1FFFFFE, s26  }
0x9e: {  	v2 =	vmov s26  }
0x9f: {  	v2 =	vshll.u32 v2, $0xC  }
0xa0: {  	v2 =	vbroadcast v2, $0x0;
	_ =	sdelay $0x1  }
0xa1: {  	v1 =	vadd.s32 v2, v1;
	_ =	sdelay $0x4  }
0xa2: {  	v1 =	vld.idx.msk [tilespmem:v1+s14+$0x0], $0xffff;
	_ =	sdelay $0x5  }
0xa3: {  	v1 =	vmul.f32 v1, v0;
	_ =	sdelay $0x1  }
0xa4: {  	v1 =	vmul.f32 $1.442695020e+00, v1;
	_ =	sdelay $0x1  }
0xa5: {  	(erf) = vpow2.f32 v1;
	_ =	sdelay $0x5  }
.Ltmp3:
0xa6: {  	(pc) =	sbr.rel @p0 .LBB2_8-.Ltmp3, $4  }
0xa7: {  	s26 =	sshll.u32 s22, $0x4;
	s22 =	smov.u32 s24  }
0xa8: {  	s26 =	sand.u32 $0x3FFFF000, s26  }
0xa9: {  	s25 =	sadd.s32 $0x10, s25;
	s28 =	sor.u32 s23, s26;
	v1 =	vpop (erf)  }
0xaa: {  	s24 =	sadd.s32 $0x1, s24;
	s23 =	sand.u32 $0xFF0, s25;
	s26 =	sshrl.u32 s22, $0x7;
	[tilespmem:s28+$0x15110] =	vst v1  }
0xab: {  	v1 =	vld [tilespmem:s23+$0x100];
	s24 =	sand.u32 $0x1FFFFFE, s26  }
0xac: {  	v2 =	vmov s24  }
0xad: {  	v2 =	vshll.u32 v2, $0xC  }
0xae: {  	v2 =	vbroadcast v2, $0x0;
	_ =	sdelay $0x1  }
0xaf: {  	v1 =	vadd.s32 v2, v1;
	_ =	sdelay $0x4  }
0xb0: {  	v1 =	vld.idx.msk [tilespmem:v1+s14+$0x0], $0xffff;
	_ =	sdelay $0x4  }
0xb1: {  	v1 =	vmul.f32 v1, v0;
	_ =	sdelay $0x1  }
0xb2: {  	v1 =	vmul.f32 $1.442695020e+00, v1;
	_ =	sdelay $0x1  }
0xb3: {  	(erf) = vpow2.f32 v1;
	_ =	sdelay $0x6  }
0xb4: {  	s22 =	sshll.u32 s22, $0x4  }
0xb5: {  	s22 =	sand.u32 $0x3FFFF000, s22  }
0xb6: {  	s22 =	sor.u32 s23, s22;
	v1 =	vpop (erf)  }
0xb7: {  	s26 =	rddreg [dreg:$0x8];
	[tilespmem:s22+$0x15110] =	vst v1;
	s22 =	simm.s32 $0x0  }
0xb8: {  	[hbm4b:s26+s22] =	stream.linear.scatter [tilespmem:s18], [sflag:$0x4], $0x4000, $0x38;
	[tilespmem:$0x19110] =	vst v63  }
0xb9: {  	s28 =	simm.s32 $0x28  }
0xba: {  	[tilespmem:s14], [sflag:$0x2] =	stream.indirect.gather [hbm4b:s4+s12], $0x1000, s28, s12, $0xb8;
	[tilespmem:$0x19110] =	vst v63  }
0xbb: {  	_ =	swait.ge [sflag:s15], $0x8000  }
0xbc: {  	[sflag:s15] =	ssyncset.done $0x0  }
0xbd: {  	[sflag:s15] =	ssyncadd.s32 $0xFFFF8000  }
0xbe: {  	_ =	swait.ge [sflag:s19], $0x4000  }
0xbf: {  	s25 =	simm.s32 $0x0;
	s24 =	simm.s32 $0x1;
	[sflag:s19] =	ssyncset.done $0x0  }
0xc0: {  	s23 =	sand.u32 $0xFF0, s22;
	s26 =	simm.s32 $0x0;
	[sflag:s19] =	ssyncadd.s32 $0xFFFFC000  }
.LBB2_10:
0xc1: {  	p0 =	sne.s32 s24, $0x3FF;
	v1 =	vld [tilespmem:s23+$0x100];
	s26 =	sand.u32 $0x1FFFFFE, s26  }
0xc2: {  	v2 =	vmov s26  }
0xc3: {  	v2 =	vshll.u32 v2, $0xC  }
0xc4: {  	v2 =	vbroadcast v2, $0x0;
	_ =	sdelay $0x1  }
0xc5: {  	v1 =	vadd.s32 v2, v1;
	_ =	sdelay $0x4  }
0xc6: {  	v1 =	vld.idx.msk [tilespmem:v1+s13+$0x0], $0xffff;
	_ =	sdelay $0x5  }
0xc7: {  	v1 =	vmul.f32 v1, v0;
	_ =	sdelay $0x1  }
0xc8: {  	v1 =	vmul.f32 $1.442695020e+00, v1;
	_ =	sdelay $0x1  }
0xc9: {  	(erf) = vpow2.f32 v1;
	_ =	sdelay $0x5  }
.Ltmp4:
0xca: {  	(pc) =	sbr.rel @p0 .LBB2_10-.Ltmp4, $4  }
0xcb: {  	s26 =	sshll.u32 s22, $0x4;
	s22 =	smov.u32 s24  }
0xcc: {  	s26 =	sand.u32 $0x3FFFF000, s26  }
0xcd: {  	s25 =	sadd.s32 $0x10, s25;
	s28 =	sor.u32 s23, s26;
	v1 =	vpop (erf)  }
0xce: {  	s24 =	sadd.s32 $0x1, s24;
	s23 =	sand.u32 $0xFF0, s25;
	s26 =	sshrl.u32 s22, $0x7;
	[tilespmem:s28+$0x11110] =	vst v1  }
0xcf: {  	v1 =	vld [tilespmem:s23+$0x100];
	s24 =	sand.u32 $0x1FFFFFE, s26  }
0xd0: {  	v2 =	vmov s24  }
0xd1: {  	v2 =	vshll.u32 v2, $0xC  }
0xd2: {  	v2 =	vbroadcast v2, $0x0;
	_ =	sdelay $0x1  }
0xd3: {  	v1 =	vadd.s32 v2, v1;
	_ =	sdelay $0x4  }
0xd4: {  	v1 =	vld.idx.msk [tilespmem:v1+s13+$0x0], $0xffff;
	_ =	sdelay $0x4  }
0xd5: {  	v1 =	vmul.f32 v1, v0;
	_ =	sdelay $0x1  }
0xd6: {  	v1 =	vmul.f32 $1.442695020e+00, v1;
	_ =	sdelay $0x1  }
0xd7: {  	(erf) = vpow2.f32 v1;
	_ =	sdelay $0x6  }
0xd8: {  	s22 =	sshll.u32 s22, $0x4  }
0xd9: {  	s22 =	sand.u32 $0x3FFFF000, s22  }
0xda: {  	s22 =	sor.u32 s23, s22;
	v1 =	vpop (erf)  }
0xdb: {  	s26 =	rddreg [dreg:$0x9];
	[tilespmem:s22+$0x11110] =	vst v1;
	s22 =	simm.s32 $0x0  }
0xdc: {  	[hbm4b:s26+s22] =	stream.linear.scatter [tilespmem:s16], [sflag:$0x3], $0x4000, $0x38;
	[tilespmem:$0x19110] =	vst v63  }
0xdd: {  	s28 =	simm.s32 $0x30  }
0xde: {  	[tilespmem:s13], [sflag:$0x1] =	stream.indirect.gather [hbm4b:s4+s12], $0x1000, s28, s12, $0xb8;
	[tilespmem:$0x19110] =	vst v63  }
0xdf: {  	_ =	swait.ge [sflag:s17], $0x8000  }
0xe0: {  	[sflag:s17] =	ssyncset.done $0x0  }
0xe1: {  	[sflag:s17] =	ssyncadd.s32 $0xFFFF8000  }
0xe2: {  	_ =	swait.ge [sflag:s20], $0x4000  }
0xe3: {  	s25 =	simm.s32 $0x0;
	s24 =	simm.s32 $0x1;
	[sflag:s20] =	ssyncset.done $0x0  }
0xe4: {  	s23 =	sand.u32 $0xFF0, s22;
	s26 =	simm.s32 $0x0;
	[sflag:s20] =	ssyncadd.s32 $0xFFFFC000  }
.LBB2_12:
0xe5: {  	p0 =	sne.s32 s24, $0x3FF;
	v1 =	vld [tilespmem:s23+$0x100];
	s26 =	sand.u32 $0x1FFFFFE, s26  }
0xe6: {  	v2 =	vmov s26  }
0xe7: {  	v2 =	vshll.u32 v2, $0xC  }
0xe8: {  	v2 =	vbroadcast v2, $0x0;
	_ =	sdelay $0x1  }
0xe9: {  	v1 =	vadd.s32 v2, v1;
	_ =	sdelay $0x4  }
0xea: {  	v1 =	vld.idx.msk [tilespmem:v1+s14+$0x0], $0xffff;
	_ =	sdelay $0x5  }
0xeb: {  	v1 =	vmul.f32 v1, v0;
	_ =	sdelay $0x1  }
0xec: {  	v1 =	vmul.f32 $1.442695020e+00, v1;
	_ =	sdelay $0x1  }
0xed: {  	(erf) = vpow2.f32 v1;
	_ =	sdelay $0x5  }
.Ltmp5:
0xee: {  	(pc) =	sbr.rel @p0 .LBB2_12-.Ltmp5, $4  }
0xef: {  	s26 =	sshll.u32 s22, $0x4;
	s22 =	smov.u32 s24  }
0xf0: {  	s26 =	sand.u32 $0x3FFFF000, s26  }
0xf1: {  	s25 =	sadd.s32 $0x10, s25;
	s28 =	sor.u32 s23, s26;
	v1 =	vpop (erf)  }
0xf2: {  	s24 =	sadd.s32 $0x1, s24;
	s23 =	sand.u32 $0xFF0, s25;
	s26 =	sshrl.u32 s22, $0x7;
	[tilespmem:s28+$0x15110] =	vst v1  }
0xf3: {  	v1 =	vld [tilespmem:s23+$0x100];
	s24 =	sand.u32 $0x1FFFFFE, s26  }
0xf4: {  	v2 =	vmov s24  }
0xf5: {  	v2 =	vshll.u32 v2, $0xC  }
0xf6: {  	v2 =	vbroadcast v2, $0x0;
	_ =	sdelay $0x1  }
0xf7: {  	v1 =	vadd.s32 v2, v1;
	_ =	sdelay $0x4  }
0xf8: {  	v1 =	vld.idx.msk [tilespmem:v1+s14+$0x0], $0xffff;
	_ =	sdelay $0x4  }
0xf9: {  	v1 =	vmul.f32 v1, v0;
	_ =	sdelay $0x1  }
0xfa: {  	v1 =	vmul.f32 $1.442695020e+00, v1;
	_ =	sdelay $0x1  }
0xfb: {  	(erf) = vpow2.f32 v1;
	_ =	sdelay $0x6  }
0xfc: {  	s22 =	sshll.u32 s22, $0x4  }
0xfd: {  	s22 =	sand.u32 $0x3FFFF000, s22  }
0xfe: {  	s22 =	sor.u32 s23, s22;
	v1 =	vpop (erf)  }
0xff: {  	s26 =	rddreg [dreg:$0xa];
	[tilespmem:s22+$0x15110] =	vst v1;
	s22 =	simm.s32 $0x0  }
0x100: {  	[hbm4b:s26+s22] =	stream.linear.scatter [tilespmem:s18], [sflag:$0x4], $0x4000, $0x38;
	[tilespmem:$0x19110] =	vst v63  }
0x101: {  	s28 =	simm.s32 $0x38  }
0x102: {  	[tilespmem:s14], [sflag:$0x2] =	stream.indirect.gather [hbm4b:s4+s12], $0x1000, s28, s12, $0xb8;
	[tilespmem:$0x19110] =	vst v63  }
0x103: {  	_ =	swait.ge [sflag:s15], $0x8000  }
0x104: {  	[sflag:s15] =	ssyncset.done $0x0  }
0x105: {  	[sflag:s15] =	ssyncadd.s32 $0xFFFF8000  }
0x106: {  	_ =	swait.ge [sflag:s19], $0x4000  }
0x107: {  	s25 =	simm.s32 $0x0;
	s24 =	simm.s32 $0x1;
	[sflag:s19] =	ssyncset.done $0x0  }
0x108: {  	s23 =	sand.u32 $0xFF0, s22;
	s26 =	simm.s32 $0x0;
	[sflag:s19] =	ssyncadd.s32 $0xFFFFC000  }
.LBB2_14:
0x109: {  	p0 =	sne.s32 s24, $0x3FF;
	v1 =	vld [tilespmem:s23+$0x100];
	s26 =	sand.u32 $0x1FFFFFE, s26  }
0x10a: {  	v2 =	vmov s26  }
0x10b: {  	v2 =	vshll.u32 v2, $0xC  }
0x10c: {  	v2 =	vbroadcast v2, $0x0;
	_ =	sdelay $0x1  }
0x10d: {  	v1 =	vadd.s32 v2, v1;
	_ =	sdelay $0x4  }
0x10e: {  	v1 =	vld.idx.msk [tilespmem:v1+s13+$0x0], $0xffff;
	_ =	sdelay $0x5  }
0x10f: {  	v1 =	vmul.f32 v1, v0;
	_ =	sdelay $0x1  }
0x110: {  	v1 =	vmul.f32 $1.442695020e+00, v1;
	_ =	sdelay $0x1  }
0x111: {  	(erf) = vpow2.f32 v1;
	_ =	sdelay $0x5  }
.Ltmp6:
0x112: {  	(pc) =	sbr.rel @p0 .LBB2_14-.Ltmp6, $4  }
0x113: {  	s26 =	sshll.u32 s22, $0x4;
	s22 =	smov.u32 s24  }
0x114: {  	s26 =	sand.u32 $0x3FFFF000, s26  }
0x115: {  	s25 =	sadd.s32 $0x10, s25;
	s28 =	sor.u32 s23, s26;
	v1 =	vpop (erf)  }
0x116: {  	s24 =	sadd.s32 $0x1, s24;
	s23 =	sand.u32 $0xFF0, s25;
	s26 =	sshrl.u32 s22, $0x7;
	[tilespmem:s28+$0x11110] =	vst v1  }
0x117: {  	v1 =	vld [tilespmem:s23+$0x100];
	s24 =	sand.u32 $0x1FFFFFE, s26  }
0x118: {  	v2 =	vmov s24  }
0x119: {  	v2 =	vshll.u32 v2, $0xC  }
0x11a: {  	v2 =	vbroadcast v2, $0x0;
	_ =	sdelay $0x1  }
0x11b: {  	v1 =	vadd.s32 v2, v1;
	_ =	sdelay $0x4  }
0x11c: {  	v1 =	vld.idx.msk [tilespmem:v1+s13+$0x0], $0xffff;
	_ =	sdelay $0x4  }
0x11d: {  	v1 =	vmul.f32 v1, v0;
	_ =	sdelay $0x1  }
0x11e: {  	v1 =	vmul.f32 $1.442695020e+00, v1;
	_ =	sdelay $0x1  }
0x11f: {  	(erf) = vpow2.f32 v1;
	_ =	sdelay $0x6  }
0x120: {  	s22 =	sshll.u32 s22, $0x4  }
0x121: {  	s22 =	sand.u32 $0x3FFFF000, s22  }
0x122: {  	s22 =	sor.u32 s23, s22;
	v1 =	vpop (erf)  }
0x123: {  	s26 =	rddreg [dreg:$0xb];
	[tilespmem:s22+$0x11110] =	vst v1;
	s22 =	simm.s32 $0x0  }
0x124: {  	[hbm4b:s26+s22] =	stream.linear.scatter [tilespmem:s16], [sflag:$0x3], $0x4000, $0x38;
	[tilespmem:$0x19110] =	vst v63  }
0x125: {  	s28 =	simm.s32 $0x40  }
0x126: {  	[tilespmem:s13], [sflag:$0x1] =	stream.indirect.gather [hbm4b:s4+s12], $0x1000, s28, s12, $0xb8;
	[tilespmem:$0x19110] =	vst v63  }
0x127: {  	_ =	swait.ge [sflag:s17], $0x8000  }
0x128: {  	[sflag:s17] =	ssyncset.done $0x0  }
0x129: {  	[sflag:s17] =	ssyncadd.s32 $0xFFFF8000  }
0x12a: {  	_ =	swait.ge [sflag:s20], $0x4000  }
0x12b: {  	s25 =	simm.s32 $0x0;
	s24 =	simm.s32 $0x1;
	[sflag:s20] =	ssyncset.done $0x0  }
0x12c: {  	s23 =	sand.u32 $0xFF0, s22;
	s26 =	simm.s32 $0x0;
	[sflag:s20] =	ssyncadd.s32 $0xFFFFC000  }
.LBB2_16:
0x12d: {  	p0 =	sne.s32 s24, $0x3FF;
	v1 =	vld [tilespmem:s23+$0x100];
	s26 =	sand.u32 $0x1FFFFFE, s26  }
0x12e: {  	v2 =	vmov s26  }
0x12f: {  	v2 =	vshll.u32 v2, $0xC  }
0x130: {  	v2 =	vbroadcast v2, $0x0;
	_ =	sdelay $0x1  }
0x131: {  	v1 =	vadd.s32 v2, v1;
	_ =	sdelay $0x4  }
0x132: {  	v1 =	vld.idx.msk [tilespmem:v1+s14+$0x0], $0xffff;
	_ =	sdelay $0x5  }
0x133: {  	v1 =	vmul.f32 v1, v0;
	_ =	sdelay $0x1  }
0x134: {  	v1 =	vmul.f32 $1.442695020e+00, v1;
	_ =	sdelay $0x1  }
0x135: {  	(erf) = vpow2.f32 v1;
	_ =	sdelay $0x5  }
.Ltmp7:
0x136: {  	(pc) =	sbr.rel @p0 .LBB2_16-.Ltmp7, $4  }
0x137: {  	s26 =	sshll.u32 s22, $0x4;
	s22 =	smov.u32 s24  }
0x138: {  	s26 =	sand.u32 $0x3FFFF000, s26  }
0x139: {  	s25 =	sadd.s32 $0x10, s25;
	s28 =	sor.u32 s23, s26;
	v1 =	vpop (erf)  }
0x13a: {  	s24 =	sadd.s32 $0x1, s24;
	s23 =	sand.u32 $0xFF0, s25;
	s26 =	sshrl.u32 s22, $0x7;
	[tilespmem:s28+$0x15110] =	vst v1  }
0x13b: {  	v1 =	vld [tilespmem:s23+$0x100];
	s24 =	sand.u32 $0x1FFFFFE, s26  }
0x13c: {  	v2 =	vmov s24  }
0x13d: {  	v2 =	vshll.u32 v2, $0xC  }
0x13e: {  	v2 =	vbroadcast v2, $0x0;
	_ =	sdelay $0x1  }
0x13f: {  	v1 =	vadd.s32 v2, v1;
	_ =	sdelay $0x4  }
0x140: {  	v1 =	vld.idx.msk [tilespmem:v1+s14+$0x0], $0xffff;
	_ =	sdelay $0x4  }
0x141: {  	v1 =	vmul.f32 v1, v0;
	_ =	sdelay $0x1  }
0x142: {  	v1 =	vmul.f32 $1.442695020e+00, v1;
	_ =	sdelay $0x1  }
0x143: {  	(erf) = vpow2.f32 v1;
	_ =	sdelay $0x6  }
0x144: {  	s22 =	sshll.u32 s22, $0x4  }
0x145: {  	s22 =	sand.u32 $0x3FFFF000, s22  }
0x146: {  	s22 =	sor.u32 s23, s22;
	v1 =	vpop (erf)  }
0x147: {  	s26 =	rddreg [dreg:$0xc];
	[tilespmem:s22+$0x15110] =	vst v1;
	s22 =	simm.s32 $0x0  }
0x148: {  	[hbm4b:s26+s22] =	stream.linear.scatter [tilespmem:s18], [sflag:$0x4], $0x4000, $0x38;
	[tilespmem:$0x19110] =	vst v63  }
0x149: {  	s28 =	simm.s32 $0x48  }
0x14a: {  	[tilespmem:s14], [sflag:$0x2] =	stream.indirect.gather [hbm4b:s4+s12], $0x1000, s28, s12, $0xb8;
	[tilespmem:$0x19110] =	vst v63  }
0x14b: {  	_ =	swait.ge [sflag:s15], $0x8000  }
0x14c: {  	[sflag:s15] =	ssyncset.done $0x0  }
0x14d: {  	[sflag:s15] =	ssyncadd.s32 $0xFFFF8000  }
0x14e: {  	_ =	swait.ge [sflag:s19], $0x4000  }
0x14f: {  	s25 =	simm.s32 $0x0;
	s24 =	simm.s32 $0x1;
	[sflag:s19] =	ssyncset.done $0x0  }
0x150: {  	s23 =	sand.u32 $0xFF0, s22;
	s26 =	simm.s32 $0x0;
	[sflag:s19] =	ssyncadd.s32 $0xFFFFC000  }
.LBB2_18:
0x151: {  	p0 =	sne.s32 s24, $0x3FF;
	v1 =	vld [tilespmem:s23+$0x100];
	s26 =	sand.u32 $0x1FFFFFE, s26  }
0x152: {  	v2 =	vmov s26  }
0x153: {  	v2 =	vshll.u32 v2, $0xC  }
0x154: {  	v2 =	vbroadcast v2, $0x0;
	_ =	sdelay $0x1  }
0x155: {  	v1 =	vadd.s32 v2, v1;
	_ =	sdelay $0x4  }
0x156: {  	v1 =	vld.idx.msk [tilespmem:v1+s13+$0x0], $0xffff;
	_ =	sdelay $0x5  }
0x157: {  	v1 =	vmul.f32 v1, v0;
	_ =	sdelay $0x1  }
0x158: {  	v1 =	vmul.f32 $1.442695020e+00, v1;
	_ =	sdelay $0x1  }
0x159: {  	(erf) = vpow2.f32 v1;
	_ =	sdelay $0x5  }
.Ltmp8:
0x15a: {  	(pc) =	sbr.rel @p0 .LBB2_18-.Ltmp8, $4  }
0x15b: {  	s26 =	sshll.u32 s22, $0x4;
	s22 =	smov.u32 s24  }
0x15c: {  	s26 =	sand.u32 $0x3FFFF000, s26  }
0x15d: {  	s25 =	sadd.s32 $0x10, s25;
	s28 =	sor.u32 s23, s26;
	v1 =	vpop (erf)  }
0x15e: {  	s24 =	sadd.s32 $0x1, s24;
	s23 =	sand.u32 $0xFF0, s25;
	s26 =	sshrl.u32 s22, $0x7;
	[tilespmem:s28+$0x11110] =	vst v1  }
0x15f: {  	v1 =	vld [tilespmem:s23+$0x100];
	s24 =	sand.u32 $0x1FFFFFE, s26  }
0x160: {  	v2 =	vmov s24  }
0x161: {  	v2 =	vshll.u32 v2, $0xC  }
0x162: {  	v2 =	vbroadcast v2, $0x0;
	_ =	sdelay $0x1  }
0x163: {  	v1 =	vadd.s32 v2, v1;
	_ =	sdelay $0x4  }
0x164: {  	v1 =	vld.idx.msk [tilespmem:v1+s13+$0x0], $0xffff;
	_ =	sdelay $0x4  }
0x165: {  	v1 =	vmul.f32 v1, v0;
	_ =	sdelay $0x1  }
0x166: {  	v1 =	vmul.f32 $1.442695020e+00, v1;
	_ =	sdelay $0x1  }
0x167: {  	(erf) = vpow2.f32 v1;
	_ =	sdelay $0x6  }
0x168: {  	s22 =	sshll.u32 s22, $0x4  }
0x169: {  	s22 =	sand.u32 $0x3FFFF000, s22  }
0x16a: {  	s22 =	sor.u32 s23, s22;
	v1 =	vpop (erf)  }
0x16b: {  	s26 =	rddreg [dreg:$0xe];
	[tilespmem:s22+$0x11110] =	vst v1;
	s22 =	simm.s32 $0x0  }
0x16c: {  	[hbm4b:s26+s22] =	stream.linear.scatter [tilespmem:s16], [sflag:$0x3], $0x4000, $0x38;
	[tilespmem:$0x19110] =	vst v63  }
0x16d: {  	s28 =	simm.s32 $0x50  }
0x16e: {  	[tilespmem:s13], [sflag:$0x1] =	stream.indirect.gather [hbm4b:s4+s12], $0x1000, s28, s12, $0xb8;
	[tilespmem:$0x19110] =	vst v63  }
0x16f: {  	_ =	swait.ge [sflag:s17], $0x8000  }
0x170: {  	[sflag:s17] =	ssyncset.done $0x0  }
0x171: {  	[sflag:s17] =	ssyncadd.s32 $0xFFFF8000  }
0x172: {  	_ =	swait.ge [sflag:s20], $0x4000  }
0x173: {  	s25 =	simm.s32 $0x0;
	s24 =	simm.s32 $0x1;
	[sflag:s20] =	ssyncset.done $0x0  }
0x174: {  	s23 =	sand.u32 $0xFF0, s22;
	s26 =	simm.s32 $0x0;
	[sflag:s20] =	ssyncadd.s32 $0xFFFFC000  }
.LBB2_20:
0x175: {  	p0 =	sne.s32 s24, $0x3FF;
	v1 =	vld [tilespmem:s23+$0x100];
	s26 =	sand.u32 $0x1FFFFFE, s26  }
0x176: {  	v2 =	vmov s26  }
0x177: {  	v2 =	vshll.u32 v2, $0xC  }
0x178: {  	v2 =	vbroadcast v2, $0x0;
	_ =	sdelay $0x1  }
0x179: {  	v1 =	vadd.s32 v2, v1;
	_ =	sdelay $0x4  }
0x17a: {  	v1 =	vld.idx.msk [tilespmem:v1+s14+$0x0], $0xffff;
	_ =	sdelay $0x5  }
0x17b: {  	v1 =	vmul.f32 v1, v0;
	_ =	sdelay $0x1  }
0x17c: {  	v1 =	vmul.f32 $1.442695020e+00, v1;
	_ =	sdelay $0x1  }
0x17d: {  	(erf) = vpow2.f32 v1;
	_ =	sdelay $0x5  }
.Ltmp9:
0x17e: {  	(pc) =	sbr.rel @p0 .LBB2_20-.Ltmp9, $4  }
0x17f: {  	s26 =	sshll.u32 s22, $0x4;
	s22 =	smov.u32 s24  }
0x180: {  	s26 =	sand.u32 $0x3FFFF000, s26  }
0x181: {  	s25 =	sadd.s32 $0x10, s25;
	s28 =	sor.u32 s23, s26;
	v1 =	vpop (erf)  }
0x182: {  	s24 =	sadd.s32 $0x1, s24;
	s23 =	sand.u32 $0xFF0, s25;
	s26 =	sshrl.u32 s22, $0x7;
	[tilespmem:s28+$0x15110] =	vst v1  }
0x183: {  	v1 =	vld [tilespmem:s23+$0x100];
	s24 =	sand.u32 $0x1FFFFFE, s26  }
0x184: {  	v2 =	vmov s24  }
0x185: {  	v2 =	vshll.u32 v2, $0xC  }
0x186: {  	v2 =	vbroadcast v2, $0x0;
	_ =	sdelay $0x1  }
0x187: {  	v1 =	vadd.s32 v2, v1;
	_ =	sdelay $0x4  }
0x188: {  	v1 =	vld.idx.msk [tilespmem:v1+s14+$0x0], $0xffff;
	_ =	sdelay $0x4  }
0x189: {  	v1 =	vmul.f32 v1, v0;
	_ =	sdelay $0x1  }
0x18a: {  	v1 =	vmul.f32 $1.442695020e+00, v1;
	_ =	sdelay $0x1  }
0x18b: {  	(erf) = vpow2.f32 v1;
	_ =	sdelay $0x6  }
0x18c: {  	s22 =	sshll.u32 s22, $0x4  }
0x18d: {  	s22 =	sand.u32 $0x3FFFF000, s22  }
0x18e: {  	s22 =	sor.u32 s23, s22;
	v1 =	vpop (erf)  }
0x18f: {  	s26 =	rddreg [dreg:$0xd];
	[tilespmem:s22+$0x15110] =	vst v1;
	s22 =	simm.s32 $0x0  }
0x190: {  	[hbm4b:s26+s22] =	stream.linear.scatter [tilespmem:s18], [sflag:$0x4], $0x4000, $0x38;
	[tilespmem:$0x19110] =	vst v63  }
0x191: {  	s28 =	simm.s32 $0x58  }
0x192: {  	[tilespmem:s14], [sflag:$0x2] =	stream.indirect.gather [hbm4b:s4+s12], $0x1000, s28, s12, $0xb8;
	[tilespmem:$0x19110] =	vst v63  }
0x193: {  	_ =	swait.ge [sflag:s15], $0x8000  }
0x194: {  	[sflag:s15] =	ssyncset.done $0x0  }
0x195: {  	[sflag:s15] =	ssyncadd.s32 $0xFFFF8000  }
0x196: {  	_ =	swait.ge [sflag:s19], $0x4000  }
0x197: {  	s25 =	simm.s32 $0x0;
	s24 =	simm.s32 $0x1;
	[sflag:s19] =	ssyncset.done $0x0  }
0x198: {  	s23 =	sand.u32 $0xFF0, s22;
	s26 =	simm.s32 $0x0;
	[sflag:s19] =	ssyncadd.s32 $0xFFFFC000  }
.LBB2_22:
0x199: {  	p0 =	sne.s32 s24, $0x3FF;
	v1 =	vld [tilespmem:s23+$0x100];
	s26 =	sand.u32 $0x1FFFFFE, s26  }
0x19a: {  	v2 =	vmov s26  }
0x19b: {  	v2 =	vshll.u32 v2, $0xC  }
0x19c: {  	v2 =	vbroadcast v2, $0x0;
	_ =	sdelay $0x1  }
0x19d: {  	v1 =	vadd.s32 v2, v1;
	_ =	sdelay $0x4  }
0x19e: {  	v1 =	vld.idx.msk [tilespmem:v1+s13+$0x0], $0xffff;
	_ =	sdelay $0x5  }
0x19f: {  	v1 =	vmul.f32 v1, v0;
	_ =	sdelay $0x1  }
0x1a0: {  	v1 =	vmul.f32 $1.442695020e+00, v1;
	_ =	sdelay $0x1  }
0x1a1: {  	(erf) = vpow2.f32 v1;
	_ =	sdelay $0x5  }
.Ltmp10:
0x1a2: {  	(pc) =	sbr.rel @p0 .LBB2_22-.Ltmp10, $4  }
0x1a3: {  	s26 =	sshll.u32 s22, $0x4;
	s22 =	smov.u32 s24  }
0x1a4: {  	s26 =	sand.u32 $0x3FFFF000, s26  }
0x1a5: {  	s25 =	sadd.s32 $0x10, s25;
	s28 =	sor.u32 s23, s26;
	v1 =	vpop (erf)  }
0x1a6: {  	s24 =	sadd.s32 $0x1, s24;
	s23 =	sand.u32 $0xFF0, s25;
	s26 =	sshrl.u32 s22, $0x7;
	[tilespmem:s28+$0x11110] =	vst v1  }
0x1a7: {  	v1 =	vld [tilespmem:s23+$0x100];
	s24 =	sand.u32 $0x1FFFFFE, s26  }
0x1a8: {  	v2 =	vmov s24  }
0x1a9: {  	v2 =	vshll.u32 v2, $0xC  }
0x1aa: {  	v2 =	vbroadcast v2, $0x0;
	_ =	sdelay $0x1  }
0x1ab: {  	v1 =	vadd.s32 v2, v1;
	_ =	sdelay $0x4  }
0x1ac: {  	v1 =	vld.idx.msk [tilespmem:v1+s13+$0x0], $0xffff;
	_ =	sdelay $0x4  }
0x1ad: {  	v1 =	vmul.f32 v1, v0;
	_ =	sdelay $0x1  }
0x1ae: {  	v1 =	vmul.f32 $1.442695020e+00, v1;
	_ =	sdelay $0x1  }
0x1af: {  	(erf) = vpow2.f32 v1;
	_ =	sdelay $0x6  }
0x1b0: {  	s22 =	sshll.u32 s22, $0x4  }
0x1b1: {  	s22 =	sand.u32 $0x3FFFF000, s22  }
0x1b2: {  	s22 =	sor.u32 s23, s22;
	v1 =	vpop (erf)  }
0x1b3: {  	s26 =	rddreg [dreg:$0xf];
	[tilespmem:s22+$0x11110] =	vst v1;
	s22 =	simm.s32 $0x0  }
0x1b4: {  	[hbm4b:s26+s22] =	stream.linear.scatter [tilespmem:s16], [sflag:$0x3], $0x4000, $0x38;
	[tilespmem:$0x19110] =	vst v63  }
0x1b5: {  	s28 =	simm.s32 $0x60  }
0x1b6: {  	[tilespmem:s13], [sflag:$0x1] =	stream.indirect.gather [hbm4b:s4+s12], $0x1000, s28, s12, $0xb8;
	[tilespmem:$0x19110] =	vst v63  }
0x1b7: {  	_ =	swait.ge [sflag:s17], $0x8000  }
0x1b8: {  	[sflag:s17] =	ssyncset.done $0x0  }
0x1b9: {  	[sflag:s17] =	ssyncadd.s32 $0xFFFF8000  }
0x1ba: {  	_ =	swait.ge [sflag:s20], $0x4000  }
0x1bb: {  	s25 =	simm.s32 $0x0;
	s24 =	simm.s32 $0x1;
	[sflag:s20] =	ssyncset.done $0x0  }
0x1bc: {  	s23 =	sand.u32 $0xFF0, s22;
	s26 =	simm.s32 $0x0;
	[sflag:s20] =	ssyncadd.s32 $0xFFFFC000  }
.LBB2_24:
0x1bd: {  	p0 =	sne.s32 s24, $0x3FF;
	v1 =	vld [tilespmem:s23+$0x100];
	s26 =	sand.u32 $0x1FFFFFE, s26  }
0x1be: {  	v2 =	vmov s26  }
0x1bf: {  	v2 =	vshll.u32 v2, $0xC  }
0x1c0: {  	v2 =	vbroadcast v2, $0x0;
	_ =	sdelay $0x1  }
0x1c1: {  	v1 =	vadd.s32 v2, v1;
	_ =	sdelay $0x4  }
0x1c2: {  	v1 =	vld.idx.msk [tilespmem:v1+s14+$0x0], $0xffff;
	_ =	sdelay $0x5  }
0x1c3: {  	v1 =	vmul.f32 v1, v0;
	_ =	sdelay $0x1  }
0x1c4: {  	v1 =	vmul.f32 $1.442695020e+00, v1;
	_ =	sdelay $0x1  }
0x1c5: {  	(erf) = vpow2.f32 v1;
	_ =	sdelay $0x5  }
.Ltmp11:
0x1c6: {  	(pc) =	sbr.rel @p0 .LBB2_24-.Ltmp11, $4  }
0x1c7: {  	s26 =	sshll.u32 s22, $0x4;
	s22 =	smov.u32 s24  }
0x1c8: {  	s26 =	sand.u32 $0x3FFFF000, s26  }
0x1c9: {  	s25 =	sadd.s32 $0x10, s25;
	s28 =	sor.u32 s23, s26;
	v1 =	vpop (erf)  }
0x1ca: {  	s24 =	sadd.s32 $0x1, s24;
	s23 =	sand.u32 $0xFF0, s25;
	s26 =	sshrl.u32 s22, $0x7;
	[tilespmem:s28+$0x15110] =	vst v1  }
0x1cb: {  	v1 =	vld [tilespmem:s23+$0x100];
	s24 =	sand.u32 $0x1FFFFFE, s26  }
0x1cc: {  	v2 =	vmov s24  }
0x1cd: {  	v2 =	vshll.u32 v2, $0xC  }
0x1ce: {  	v2 =	vbroadcast v2, $0x0;
	_ =	sdelay $0x1  }
0x1cf: {  	v1 =	vadd.s32 v2, v1;
	_ =	sdelay $0x4  }
0x1d0: {  	v1 =	vld.idx.msk [tilespmem:v1+s14+$0x0], $0xffff;
	_ =	sdelay $0x4  }
0x1d1: {  	v1 =	vmul.f32 v1, v0;
	_ =	sdelay $0x1  }
0x1d2: {  	v1 =	vmul.f32 $1.442695020e+00, v1;
	_ =	sdelay $0x1  }
0x1d3: {  	(erf) = vpow2.f32 v1;
	_ =	sdelay $0x6  }
0x1d4: {  	s22 =	sshll.u32 s22, $0x4  }
0x1d5: {  	s22 =	sand.u32 $0x3FFFF000, s22  }
0x1d6: {  	s22 =	sor.u32 s23, s22;
	v1 =	vpop (erf)  }
0x1d7: {  	s26 =	rddreg [dreg:$0x10];
	[tilespmem:s22+$0x15110] =	vst v1;
	s22 =	simm.s32 $0x0  }
0x1d8: {  	[hbm4b:s26+s22] =	stream.linear.scatter [tilespmem:s18], [sflag:$0x4], $0x4000, $0x38;
	[tilespmem:$0x19110] =	vst v63  }
0x1d9: {  	s28 =	simm.s32 $0x68  }
0x1da: {  	[tilespmem:s14], [sflag:$0x2] =	stream.indirect.gather [hbm4b:s4+s12], $0x1000, s28, s12, $0xb8;
	[tilespmem:$0x19110] =	vst v63  }
0x1db: {  	_ =	swait.ge [sflag:s15], $0x8000  }
0x1dc: {  	[sflag:s15] =	ssyncset.done $0x0  }
0x1dd: {  	[sflag:s15] =	ssyncadd.s32 $0xFFFF8000  }
0x1de: {  	_ =	swait.ge [sflag:s19], $0x4000  }
0x1df: {  	s25 =	simm.s32 $0x0;
	s24 =	simm.s32 $0x1;
	[sflag:s19] =	ssyncset.done $0x0  }
0x1e0: {  	s23 =	sand.u32 $0xFF0, s22;
	s26 =	simm.s32 $0x0;
	[sflag:s19] =	ssyncadd.s32 $0xFFFFC000  }
.LBB2_26:
0x1e1: {  	p0 =	sne.s32 s24, $0x3FF;
	v1 =	vld [tilespmem:s23+$0x100];
	s26 =	sand.u32 $0x1FFFFFE, s26  }
0x1e2: {  	v2 =	vmov s26  }
0x1e3: {  	v2 =	vshll.u32 v2, $0xC  }
0x1e4: {  	v2 =	vbroadcast v2, $0x0;
	_ =	sdelay $0x1  }
0x1e5: {  	v1 =	vadd.s32 v2, v1;
	_ =	sdelay $0x4  }
0x1e6: {  	v1 =	vld.idx.msk [tilespmem:v1+s13+$0x0], $0xffff;
	_ =	sdelay $0x5  }
0x1e7: {  	v1 =	vmul.f32 v1, v0;
	_ =	sdelay $0x1  }
0x1e8: {  	v1 =	vmul.f32 $1.442695020e+00, v1;
	_ =	sdelay $0x1  }
0x1e9: {  	(erf) = vpow2.f32 v1;
	_ =	sdelay $0x5  }
.Ltmp12:
0x1ea: {  	(pc) =	sbr.rel @p0 .LBB2_26-.Ltmp12, $4  }
0x1eb: {  	s26 =	sshll.u32 s22, $0x4;
	s22 =	smov.u32 s24  }
0x1ec: {  	s26 =	sand.u32 $0x3FFFF000, s26  }
0x1ed: {  	s25 =	sadd.s32 $0x10, s25;
	s28 =	sor.u32 s23, s26;
	v1 =	vpop (erf)  }
0x1ee: {  	s24 =	sadd.s32 $0x1, s24;
	s23 =	sand.u32 $0xFF0, s25;
	s26 =	sshrl.u32 s22, $0x7;
	[tilespmem:s28+$0x11110] =	vst v1  }
0x1ef: {  	v1 =	vld [tilespmem:s23+$0x100];
	s24 =	sand.u32 $0x1FFFFFE, s26  }
0x1f0: {  	v2 =	vmov s24  }
0x1f1: {  	v2 =	vshll.u32 v2, $0xC  }
0x1f2: {  	v2 =	vbroadcast v2, $0x0;
	_ =	sdelay $0x1  }
0x1f3: {  	v1 =	vadd.s32 v2, v1;
	_ =	sdelay $0x4  }
0x1f4: {  	v1 =	vld.idx.msk [tilespmem:v1+s13+$0x0], $0xffff;
	_ =	sdelay $0x4  }
0x1f5: {  	v1 =	vmul.f32 v1, v0;
	_ =	sdelay $0x1  }
0x1f6: {  	v1 =	vmul.f32 $1.442695020e+00, v1;
	_ =	sdelay $0x1  }
0x1f7: {  	(erf) = vpow2.f32 v1;
	_ =	sdelay $0x6  }
0x1f8: {  	s22 =	sshll.u32 s22, $0x4  }
0x1f9: {  	s22 =	sand.u32 $0x3FFFF000, s22  }
0x1fa: {  	s22 =	sor.u32 s23, s22;
	v1 =	vpop (erf)  }
0x1fb: {  	s26 =	rddreg [dreg:$0x11];
	[tilespmem:s22+$0x11110] =	vst v1;
	s22 =	simm.s32 $0x0  }
0x1fc: {  	[hbm4b:s26+s22] =	stream.linear.scatter [tilespmem:s16], [sflag:$0x3], $0x4000, $0x38;
	[tilespmem:$0x19110] =	vst v63  }
0x1fd: {  	s28 =	simm.s32 $0x70  }
0x1fe: {  	[tilespmem:s13], [sflag:$0x1] =	stream.indirect.gather [hbm4b:s4+s12], $0x1000, s28, s12, $0xb8;
	[tilespmem:$0x19110] =	vst v63  }
0x1ff: {  	_ =	swait.ge [sflag:s17], $0x8000  }
0x200: {  	[sflag:s17] =	ssyncset.done $0x0  }
0x201: {  	[sflag:s17] =	ssyncadd.s32 $0xFFFF8000  }
0x202: {  	_ =	swait.ge [sflag:s20], $0x4000  }
0x203: {  	s25 =	simm.s32 $0x0;
	s24 =	simm.s32 $0x1;
	[sflag:s20] =	ssyncset.done $0x0  }
0x204: {  	s23 =	sand.u32 $0xFF0, s22;
	s26 =	simm.s32 $0x0;
	[sflag:s20] =	ssyncadd.s32 $0xFFFFC000  }
.LBB2_28:
0x205: {  	p0 =	sne.s32 s24, $0x3FF;
	v1 =	vld [tilespmem:s23+$0x100];
	s26 =	sand.u32 $0x1FFFFFE, s26  }
0x206: {  	v2 =	vmov s26  }
0x207: {  	v2 =	vshll.u32 v2, $0xC  }
0x208: {  	v2 =	vbroadcast v2, $0x0;
	_ =	sdelay $0x1  }
0x209: {  	v1 =	vadd.s32 v2, v1;
	_ =	sdelay $0x4  }
0x20a: {  	v1 =	vld.idx.msk [tilespmem:v1+s14+$0x0], $0xffff;
	_ =	sdelay $0x5  }
0x20b: {  	v1 =	vmul.f32 v1, v0;
	_ =	sdelay $0x1  }
0x20c: {  	v1 =	vmul.f32 $1.442695020e+00, v1;
	_ =	sdelay $0x1  }
0x20d: {  	(erf) = vpow2.f32 v1;
	_ =	sdelay $0x5  }
.Ltmp13:
0x20e: {  	(pc) =	sbr.rel @p0 .LBB2_28-.Ltmp13, $4  }
0x20f: {  	s26 =	sshll.u32 s22, $0x4;
	s22 =	smov.u32 s24  }
0x210: {  	s26 =	sand.u32 $0x3FFFF000, s26  }
0x211: {  	s25 =	sadd.s32 $0x10, s25;
	s28 =	sor.u32 s23, s26;
	v1 =	vpop (erf)  }
0x212: {  	s24 =	sadd.s32 $0x1, s24;
	s23 =	sand.u32 $0xFF0, s25;
	s26 =	sshrl.u32 s22, $0x7;
	[tilespmem:s28+$0x15110] =	vst v1  }
0x213: {  	v1 =	vld [tilespmem:s23+$0x100];
	s24 =	sand.u32 $0x1FFFFFE, s26  }
0x214: {  	v2 =	vmov s24  }
0x215: {  	v2 =	vshll.u32 v2, $0xC  }
0x216: {  	v2 =	vbroadcast v2, $0x0;
	_ =	sdelay $0x1  }
0x217: {  	v1 =	vadd.s32 v2, v1;
	_ =	sdelay $0x4  }
0x218: {  	v1 =	vld.idx.msk [tilespmem:v1+s14+$0x0], $0xffff;
	_ =	sdelay $0x4  }
0x219: {  	v1 =	vmul.f32 v1, v0;
	_ =	sdelay $0x1  }
0x21a: {  	v1 =	vmul.f32 $1.442695020e+00, v1;
	_ =	sdelay $0x1  }
0x21b: {  	(erf) = vpow2.f32 v1;
	_ =	sdelay $0x6  }
0x21c: {  	s22 =	sshll.u32 s22, $0x4  }
0x21d: {  	s22 =	sand.u32 $0x3FFFF000, s22  }
0x21e: {  	s22 =	sor.u32 s23, s22;
	v1 =	vpop (erf)  }
0x21f: {  	s26 =	rddreg [dreg:$0x12];
	[tilespmem:s22+$0x15110] =	vst v1;
	s22 =	simm.s32 $0x0  }
0x220: {  	[hbm4b:s26+s22] =	stream.linear.scatter [tilespmem:s18], [sflag:$0x4], $0x4000, $0x38;
	[tilespmem:$0x19110] =	vst v63  }
0x221: {  	s28 =	simm.s32 $0x78  }
0x222: {  	[tilespmem:s14], [sflag:$0x2] =	stream.indirect.gather [hbm4b:s4+s12], $0x1000, s28, s12, $0xb8;
	[tilespmem:$0x19110] =	vst v63  }
0x223: {  	_ =	swait.ge [sflag:s15], $0x8000  }
0x224: {  	[sflag:s15] =	ssyncset.done $0x0  }
0x225: {  	[sflag:s15] =	ssyncadd.s32 $0xFFFF8000  }
0x226: {  	_ =	swait.ge [sflag:s19], $0x4000  }
0x227: {  	s25 =	simm.s32 $0x0;
	s24 =	simm.s32 $0x1;
	[sflag:s19] =	ssyncset.done $0x0  }
0x228: {  	s23 =	sand.u32 $0xFF0, s22;
	s26 =	simm.s32 $0x0;
	[sflag:s19] =	ssyncadd.s32 $0xFFFFC000  }
.LBB2_30:
0x229: {  	p0 =	sne.s32 s24, $0x3FF;
	v1 =	vld [tilespmem:s23+$0x100];
	s26 =	sand.u32 $0x1FFFFFE, s26  }
0x22a: {  	v2 =	vmov s26  }
0x22b: {  	v2 =	vshll.u32 v2, $0xC  }
0x22c: {  	v2 =	vbroadcast v2, $0x0;
	_ =	sdelay $0x1  }
0x22d: {  	v1 =	vadd.s32 v2, v1;
	_ =	sdelay $0x4  }
0x22e: {  	v1 =	vld.idx.msk [tilespmem:v1+s13+$0x0], $0xffff;
	_ =	sdelay $0x5  }
0x22f: {  	v1 =	vmul.f32 v1, v0;
	_ =	sdelay $0x1  }
0x230: {  	v1 =	vmul.f32 $1.442695020e+00, v1;
	_ =	sdelay $0x1  }
0x231: {  	(erf) = vpow2.f32 v1;
	_ =	sdelay $0x5  }
.Ltmp14:
0x232: {  	(pc) =	sbr.rel @p0 .LBB2_30-.Ltmp14, $4  }
0x233: {  	s26 =	sshll.u32 s22, $0x4;
	s22 =	smov.u32 s24  }
0x234: {  	s26 =	sand.u32 $0x3FFFF000, s26  }
0x235: {  	s25 =	sadd.s32 $0x10, s25;
	s28 =	sor.u32 s23, s26;
	v1 =	vpop (erf)  }
0x236: {  	s24 =	sadd.s32 $0x1, s24;
	s23 =	sand.u32 $0xFF0, s25;
	s26 =	sshrl.u32 s22, $0x7;
	[tilespmem:s28+$0x11110] =	vst v1  }
0x237: {  	v1 =	vld [tilespmem:s23+$0x100];
	s24 =	sand.u32 $0x1FFFFFE, s26  }
0x238: {  	v2 =	vmov s24  }
0x239: {  	v2 =	vshll.u32 v2, $0xC  }
0x23a: {  	v2 =	vbroadcast v2, $0x0;
	_ =	sdelay $0x1  }
0x23b: {  	v1 =	vadd.s32 v2, v1;
	_ =	sdelay $0x4  }
0x23c: {  	v1 =	vld.idx.msk [tilespmem:v1+s13+$0x0], $0xffff;
	_ =	sdelay $0x4  }
0x23d: {  	v1 =	vmul.f32 v1, v0;
	_ =	sdelay $0x1  }
0x23e: {  	v1 =	vmul.f32 $1.442695020e+00, v1;
	_ =	sdelay $0x1  }
0x23f: {  	(erf) = vpow2.f32 v1;
	_ =	sdelay $0x6  }
0x240: {  	s22 =	sshll.u32 s22, $0x4  }
0x241: {  	s22 =	sand.u32 $0x3FFFF000, s22  }
0x242: {  	s22 =	sor.u32 s23, s22;
	v1 =	vpop (erf)  }
0x243: {  	s26 =	rddreg [dreg:$0x13];
	[tilespmem:s22+$0x11110] =	vst v1;
	s22 =	simm.s32 $0x0  }
0x244: {  	[hbm4b:s26+s22] =	stream.linear.scatter [tilespmem:s16], [sflag:$0x3], $0x4000, $0x38;
	[tilespmem:$0x19110] =	vst v63  }
0x245: {  	s28 =	simm.s32 $0x80  }
0x246: {  	[tilespmem:s13], [sflag:$0x1] =	stream.indirect.gather [hbm4b:s4+s12], $0x1000, s28, s12, $0xb8;
	[tilespmem:$0x19110] =	vst v63  }
0x247: {  	_ =	swait.ge [sflag:s17], $0x8000  }
0x248: {  	[sflag:s17] =	ssyncset.done $0x0  }
0x249: {  	[sflag:s17] =	ssyncadd.s32 $0xFFFF8000  }
0x24a: {  	_ =	swait.ge [sflag:s20], $0x4000  }
0x24b: {  	s25 =	simm.s32 $0x0;
	s24 =	simm.s32 $0x1;
	[sflag:s20] =	ssyncset.done $0x0  }
0x24c: {  	s23 =	sand.u32 $0xFF0, s22;
	s26 =	simm.s32 $0x0;
	[sflag:s20] =	ssyncadd.s32 $0xFFFFC000  }
.LBB2_32:
0x24d: {  	p0 =	sne.s32 s24, $0x3FF;
	v1 =	vld [tilespmem:s23+$0x100];
	s26 =	sand.u32 $0x1FFFFFE, s26  }
0x24e: {  	v2 =	vmov s26  }
0x24f: {  	v2 =	vshll.u32 v2, $0xC  }
0x250: {  	v2 =	vbroadcast v2, $0x0;
	_ =	sdelay $0x1  }
0x251: {  	v1 =	vadd.s32 v2, v1;
	_ =	sdelay $0x4  }
0x252: {  	v1 =	vld.idx.msk [tilespmem:v1+s14+$0x0], $0xffff;
	_ =	sdelay $0x5  }
0x253: {  	v1 =	vmul.f32 v1, v0;
	_ =	sdelay $0x1  }
0x254: {  	v1 =	vmul.f32 $1.442695020e+00, v1;
	_ =	sdelay $0x1  }
0x255: {  	(erf) = vpow2.f32 v1;
	_ =	sdelay $0x5  }
.Ltmp15:
0x256: {  	(pc) =	sbr.rel @p0 .LBB2_32-.Ltmp15, $4  }
0x257: {  	s26 =	sshll.u32 s22, $0x4;
	s22 =	smov.u32 s24  }
0x258: {  	s26 =	sand.u32 $0x3FFFF000, s26  }
0x259: {  	s25 =	sadd.s32 $0x10, s25;
	s28 =	sor.u32 s23, s26;
	v1 =	vpop (erf)  }
0x25a: {  	s24 =	sadd.s32 $0x1, s24;
	s23 =	sand.u32 $0xFF0, s25;
	s26 =	sshrl.u32 s22, $0x7;
	[tilespmem:s28+$0x15110] =	vst v1  }
0x25b: {  	v1 =	vld [tilespmem:s23+$0x100];
	s24 =	sand.u32 $0x1FFFFFE, s26  }
0x25c: {  	v2 =	vmov s24  }
0x25d: {  	v2 =	vshll.u32 v2, $0xC  }
0x25e: {  	v2 =	vbroadcast v2, $0x0;
	_ =	sdelay $0x1  }
0x25f: {  	v1 =	vadd.s32 v2, v1;
	_ =	sdelay $0x4  }
0x260: {  	v1 =	vld.idx.msk [tilespmem:v1+s14+$0x0], $0xffff;
	_ =	sdelay $0x4  }
0x261: {  	v1 =	vmul.f32 v1, v0;
	_ =	sdelay $0x1  }
0x262: {  	v1 =	vmul.f32 $1.442695020e+00, v1;
	_ =	sdelay $0x1  }
0x263: {  	(erf) = vpow2.f32 v1;
	_ =	sdelay $0x6  }
0x264: {  	s22 =	sshll.u32 s22, $0x4  }
0x265: {  	s22 =	sand.u32 $0x3FFFF000, s22  }
0x266: {  	s22 =	sor.u32 s23, s22;
	v1 =	vpop (erf)  }
0x267: {  	s26 =	rddreg [dreg:$0x14];
	[tilespmem:s22+$0x15110] =	vst v1;
	s22 =	simm.s32 $0x0  }
0x268: {  	[hbm4b:s26+s22] =	stream.linear.scatter [tilespmem:s18], [sflag:$0x4], $0x4000, $0x38;
	[tilespmem:$0x19110] =	vst v63  }
0x269: {  	s28 =	simm.s32 $0x88  }
0x26a: {  	[tilespmem:s14], [sflag:$0x2] =	stream.indirect.gather [hbm4b:s4+s12], $0x1000, s28, s12, $0xb8;
	[tilespmem:$0x19110] =	vst v63  }
0x26b: {  	_ =	swait.ge [sflag:s15], $0x8000  }
0x26c: {  	[sflag:s15] =	ssyncset.done $0x0  }
0x26d: {  	[sflag:s15] =	ssyncadd.s32 $0xFFFF8000  }
0x26e: {  	_ =	swait.ge [sflag:s19], $0x4000  }
0x26f: {  	s25 =	simm.s32 $0x0;
	s24 =	simm.s32 $0x1;
	[sflag:s19] =	ssyncset.done $0x0  }
0x270: {  	s23 =	sand.u32 $0xFF0, s22;
	s26 =	simm.s32 $0x0;
	[sflag:s19] =	ssyncadd.s32 $0xFFFFC000  }
.LBB2_34:
0x271: {  	p0 =	sne.s32 s24, $0x3FF;
	v1 =	vld [tilespmem:s23+$0x100];
	s26 =	sand.u32 $0x1FFFFFE, s26  }
0x272: {  	v2 =	vmov s26  }
0x273: {  	v2 =	vshll.u32 v2, $0xC  }
0x274: {  	v2 =	vbroadcast v2, $0x0;
	_ =	sdelay $0x1  }
0x275: {  	v1 =	vadd.s32 v2, v1;
	_ =	sdelay $0x4  }
0x276: {  	v1 =	vld.idx.msk [tilespmem:v1+s13+$0x0], $0xffff;
	_ =	sdelay $0x5  }
0x277: {  	v1 =	vmul.f32 v1, v0;
	_ =	sdelay $0x1  }
0x278: {  	v1 =	vmul.f32 $1.442695020e+00, v1;
	_ =	sdelay $0x1  }
0x279: {  	(erf) = vpow2.f32 v1;
	_ =	sdelay $0x5  }
.Ltmp16:
0x27a: {  	(pc) =	sbr.rel @p0 .LBB2_34-.Ltmp16, $4  }
0x27b: {  	s26 =	sshll.u32 s22, $0x4;
	s22 =	smov.u32 s24  }
0x27c: {  	s26 =	sand.u32 $0x3FFFF000, s26  }
0x27d: {  	s25 =	sadd.s32 $0x10, s25;
	s28 =	sor.u32 s23, s26;
	v1 =	vpop (erf)  }
0x27e: {  	s24 =	sadd.s32 $0x1, s24;
	s23 =	sand.u32 $0xFF0, s25;
	s26 =	sshrl.u32 s22, $0x7;
	[tilespmem:s28+$0x11110] =	vst v1  }
0x27f: {  	v1 =	vld [tilespmem:s23+$0x100];
	s24 =	sand.u32 $0x1FFFFFE, s26  }
0x280: {  	v2 =	vmov s24  }
0x281: {  	v2 =	vshll.u32 v2, $0xC  }
0x282: {  	v2 =	vbroadcast v2, $0x0;
	_ =	sdelay $0x1  }
0x283: {  	v1 =	vadd.s32 v2, v1;
	_ =	sdelay $0x4  }
0x284: {  	v1 =	vld.idx.msk [tilespmem:v1+s13+$0x0], $0xffff;
	_ =	sdelay $0x4  }
0x285: {  	v1 =	vmul.f32 v1, v0;
	_ =	sdelay $0x1  }
0x286: {  	v1 =	vmul.f32 $1.442695020e+00, v1;
	_ =	sdelay $0x1  }
0x287: {  	(erf) = vpow2.f32 v1;
	_ =	sdelay $0x6  }
0x288: {  	s22 =	sshll.u32 s22, $0x4  }
0x289: {  	s22 =	sand.u32 $0x3FFFF000, s22  }
0x28a: {  	s22 =	sor.u32 s23, s22;
	v1 =	vpop (erf)  }
0x28b: {  	s26 =	rddreg [dreg:$0x16];
	[tilespmem:s22+$0x11110] =	vst v1;
	s22 =	simm.s32 $0x0  }
0x28c: {  	[hbm4b:s26+s22] =	stream.linear.scatter [tilespmem:s16], [sflag:$0x3], $0x4000, $0x38;
	[tilespmem:$0x19110] =	vst v63  }
0x28d: {  	s28 =	simm.s32 $0x90  }
0x28e: {  	[tilespmem:s13], [sflag:$0x1] =	stream.indirect.gather [hbm4b:s4+s12], $0x1000, s28, s12, $0xb8;
	[tilespmem:$0x19110] =	vst v63  }
0x28f: {  	_ =	swait.ge [sflag:s17], $0x8000  }
0x290: {  	[sflag:s17] =	ssyncset.done $0x0  }
0x291: {  	[sflag:s17] =	ssyncadd.s32 $0xFFFF8000  }
0x292: {  	_ =	swait.ge [sflag:s20], $0x4000  }
0x293: {  	s25 =	simm.s32 $0x0;
	s24 =	simm.s32 $0x1;
	[sflag:s20] =	ssyncset.done $0x0  }
0x294: {  	s23 =	sand.u32 $0xFF0, s22;
	s26 =	simm.s32 $0x0;
	[sflag:s20] =	ssyncadd.s32 $0xFFFFC000  }
.LBB2_36:
0x295: {  	p0 =	sne.s32 s24, $0x3FF;
	v1 =	vld [tilespmem:s23+$0x100];
	s26 =	sand.u32 $0x1FFFFFE, s26  }
0x296: {  	v2 =	vmov s26  }
0x297: {  	v2 =	vshll.u32 v2, $0xC  }
0x298: {  	v2 =	vbroadcast v2, $0x0;
	_ =	sdelay $0x1  }
0x299: {  	v1 =	vadd.s32 v2, v1;
	_ =	sdelay $0x4  }
0x29a: {  	v1 =	vld.idx.msk [tilespmem:v1+s14+$0x0], $0xffff;
	_ =	sdelay $0x5  }
0x29b: {  	v1 =	vmul.f32 v1, v0;
	_ =	sdelay $0x1  }
0x29c: {  	v1 =	vmul.f32 $1.442695020e+00, v1;
	_ =	sdelay $0x1  }
0x29d: {  	(erf) = vpow2.f32 v1;
	_ =	sdelay $0x5  }
.Ltmp17:
0x29e: {  	(pc) =	sbr.rel @p0 .LBB2_36-.Ltmp17, $4  }
0x29f: {  	s26 =	sshll.u32 s22, $0x4;
	s22 =	smov.u32 s24  }
0x2a0: {  	s26 =	sand.u32 $0x3FFFF000, s26  }
0x2a1: {  	s25 =	sadd.s32 $0x10, s25;
	s28 =	sor.u32 s23, s26;
	v1 =	vpop (erf)  }
0x2a2: {  	s24 =	sadd.s32 $0x1, s24;
	s23 =	sand.u32 $0xFF0, s25;
	s26 =	sshrl.u32 s22, $0x7;
	[tilespmem:s28+$0x15110] =	vst v1  }
0x2a3: {  	v1 =	vld [tilespmem:s23+$0x100];
	s24 =	sand.u32 $0x1FFFFFE, s26  }
0x2a4: {  	v2 =	vmov s24  }
0x2a5: {  	v2 =	vshll.u32 v2, $0xC  }
0x2a6: {  	v2 =	vbroadcast v2, $0x0;
	_ =	sdelay $0x1  }
0x2a7: {  	v1 =	vadd.s32 v2, v1;
	_ =	sdelay $0x4  }
0x2a8: {  	v1 =	vld.idx.msk [tilespmem:v1+s14+$0x0], $0xffff;
	_ =	sdelay $0x4  }
0x2a9: {  	v1 =	vmul.f32 v1, v0;
	_ =	sdelay $0x1  }
0x2aa: {  	v1 =	vmul.f32 $1.442695020e+00, v1;
	_ =	sdelay $0x1  }
0x2ab: {  	(erf) = vpow2.f32 v1;
	_ =	sdelay $0x6  }
0x2ac: {  	s22 =	sshll.u32 s22, $0x4  }
0x2ad: {  	s22 =	sand.u32 $0x3FFFF000, s22  }
0x2ae: {  	s22 =	sor.u32 s23, s22;
	v1 =	vpop (erf)  }
0x2af: {  	s26 =	rddreg [dreg:$0x15];
	[tilespmem:s22+$0x15110] =	vst v1;
	s22 =	simm.s32 $0x0  }
0x2b0: {  	[hbm4b:s26+s22] =	stream.linear.scatter [tilespmem:s18], [sflag:$0x4], $0x4000, $0x38;
	[tilespmem:$0x19110] =	vst v63  }
0x2b1: {  	s28 =	simm.s32 $0x98  }
0x2b2: {  	[tilespmem:s14], [sflag:$0x2] =	stream.indirect.gather [hbm4b:s4+s12], $0x1000, s28, s12, $0xb8;
	[tilespmem:$0x19110] =	vst v63  }
0x2b3: {  	_ =	swait.ge [sflag:s15], $0x8000  }
0x2b4: {  	[sflag:s15] =	ssyncset.done $0x0  }
0x2b5: {  	[sflag:s15] =	ssyncadd.s32 $0xFFFF8000  }
0x2b6: {  	_ =	swait.ge [sflag:s19], $0x4000  }
0x2b7: {  	s25 =	simm.s32 $0x0;
	s24 =	simm.s32 $0x1;
	[sflag:s19] =	ssyncset.done $0x0  }
0x2b8: {  	s23 =	sand.u32 $0xFF0, s22;
	s26 =	simm.s32 $0x0;
	[sflag:s19] =	ssyncadd.s32 $0xFFFFC000  }
.LBB2_38:
0x2b9: {  	p0 =	sne.s32 s24, $0x3FF;
	v1 =	vld [tilespmem:s23+$0x100];
	s26 =	sand.u32 $0x1FFFFFE, s26  }
0x2ba: {  	v2 =	vmov s26  }
0x2bb: {  	v2 =	vshll.u32 v2, $0xC  }
0x2bc: {  	v2 =	vbroadcast v2, $0x0;
	_ =	sdelay $0x1  }
0x2bd: {  	v1 =	vadd.s32 v2, v1;
	_ =	sdelay $0x4  }
0x2be: {  	v1 =	vld.idx.msk [tilespmem:v1+s13+$0x0], $0xffff;
	_ =	sdelay $0x5  }
0x2bf: {  	v1 =	vmul.f32 v1, v0;
	_ =	sdelay $0x1  }
0x2c0: {  	v1 =	vmul.f32 $1.442695020e+00, v1;
	_ =	sdelay $0x1  }
0x2c1: {  	(erf) = vpow2.f32 v1;
	_ =	sdelay $0x5  }
.Ltmp18:
0x2c2: {  	(pc) =	sbr.rel @p0 .LBB2_38-.Ltmp18, $4  }
0x2c3: {  	s26 =	sshll.u32 s22, $0x4;
	s22 =	smov.u32 s24  }
0x2c4: {  	s26 =	sand.u32 $0x3FFFF000, s26  }
0x2c5: {  	s25 =	sadd.s32 $0x10, s25;
	s28 =	sor.u32 s23, s26;
	v1 =	vpop (erf)  }
0x2c6: {  	s24 =	sadd.s32 $0x1, s24;
	s23 =	sand.u32 $0xFF0, s25;
	s26 =	sshrl.u32 s22, $0x7;
	[tilespmem:s28+$0x11110] =	vst v1  }
0x2c7: {  	v1 =	vld [tilespmem:s23+$0x100];
	s24 =	sand.u32 $0x1FFFFFE, s26  }
0x2c8: {  	v2 =	vmov s24  }
0x2c9: {  	v2 =	vshll.u32 v2, $0xC  }
0x2ca: {  	v2 =	vbroadcast v2, $0x0;
	_ =	sdelay $0x1  }
0x2cb: {  	v1 =	vadd.s32 v2, v1;
	_ =	sdelay $0x4  }
0x2cc: {  	v1 =	vld.idx.msk [tilespmem:v1+s13+$0x0], $0xffff;
	_ =	sdelay $0x4  }
0x2cd: {  	v1 =	vmul.f32 v1, v0;
	_ =	sdelay $0x1  }
0x2ce: {  	v1 =	vmul.f32 $1.442695020e+00, v1;
	_ =	sdelay $0x1  }
0x2cf: {  	(erf) = vpow2.f32 v1;
	_ =	sdelay $0x6  }
0x2d0: {  	s22 =	sshll.u32 s22, $0x4  }
0x2d1: {  	s22 =	sand.u32 $0x3FFFF000, s22  }
0x2d2: {  	s22 =	sor.u32 s23, s22;
	v1 =	vpop (erf)  }
0x2d3: {  	s26 =	rddreg [dreg:$0x17];
	[tilespmem:s22+$0x11110] =	vst v1;
	s22 =	simm.s32 $0x0  }
0x2d4: {  	[hbm4b:s26+s22] =	stream.linear.scatter [tilespmem:s16], [sflag:$0x3], $0x4000, $0x38;
	[tilespmem:$0x19110] =	vst v63  }
0x2d5: {  	s28 =	simm.s32 $0xA0  }
0x2d6: {  	[tilespmem:s13], [sflag:$0x1] =	stream.indirect.gather [hbm4b:s4+s12], $0x1000, s28, s12, $0xb8;
	[tilespmem:$0x19110] =	vst v63  }
0x2d7: {  	_ =	swait.ge [sflag:s17], $0x8000  }
0x2d8: {  	[sflag:s17] =	ssyncset.done $0x0  }
0x2d9: {  	[sflag:s17] =	ssyncadd.s32 $0xFFFF8000  }
0x2da: {  	_ =	swait.ge [sflag:s20], $0x4000  }
0x2db: {  	s25 =	simm.s32 $0x0;
	s24 =	simm.s32 $0x1;
	[sflag:s20] =	ssyncset.done $0x0  }
0x2dc: {  	s23 =	sand.u32 $0xFF0, s22;
	s26 =	simm.s32 $0x0;
	[sflag:s20] =	ssyncadd.s32 $0xFFFFC000  }
.LBB2_40:
0x2dd: {  	p0 =	sne.s32 s24, $0x3FF;
	v1 =	vld [tilespmem:s23+$0x100];
	s26 =	sand.u32 $0x1FFFFFE, s26  }
0x2de: {  	v2 =	vmov s26  }
0x2df: {  	v2 =	vshll.u32 v2, $0xC  }
0x2e0: {  	v2 =	vbroadcast v2, $0x0;
	_ =	sdelay $0x1  }
0x2e1: {  	v1 =	vadd.s32 v2, v1;
	_ =	sdelay $0x4  }
0x2e2: {  	v1 =	vld.idx.msk [tilespmem:v1+s14+$0x0], $0xffff;
	_ =	sdelay $0x5  }
0x2e3: {  	v1 =	vmul.f32 v1, v0;
	_ =	sdelay $0x1  }
0x2e4: {  	v1 =	vmul.f32 $1.442695020e+00, v1;
	_ =	sdelay $0x1  }
0x2e5: {  	(erf) = vpow2.f32 v1;
	_ =	sdelay $0x5  }
.Ltmp19:
0x2e6: {  	(pc) =	sbr.rel @p0 .LBB2_40-.Ltmp19, $4  }
0x2e7: {  	s26 =	sshll.u32 s22, $0x4;
	s22 =	smov.u32 s24  }
0x2e8: {  	s26 =	sand.u32 $0x3FFFF000, s26  }
0x2e9: {  	s25 =	sadd.s32 $0x10, s25;
	s28 =	sor.u32 s23, s26;
	v1 =	vpop (erf)  }
0x2ea: {  	s24 =	sadd.s32 $0x1, s24;
	s23 =	sand.u32 $0xFF0, s25;
	s26 =	sshrl.u32 s22, $0x7;
	[tilespmem:s28+$0x15110] =	vst v1  }
0x2eb: {  	v1 =	vld [tilespmem:s23+$0x100];
	s24 =	sand.u32 $0x1FFFFFE, s26  }
0x2ec: {  	v2 =	vmov s24  }
0x2ed: {  	v2 =	vshll.u32 v2, $0xC  }
0x2ee: {  	v2 =	vbroadcast v2, $0x0;
	_ =	sdelay $0x1  }
0x2ef: {  	v1 =	vadd.s32 v2, v1;
	_ =	sdelay $0x4  }
0x2f0: {  	v1 =	vld.idx.msk [tilespmem:v1+s14+$0x0], $0xffff;
	_ =	sdelay $0x4  }
0x2f1: {  	v1 =	vmul.f32 v1, v0;
	_ =	sdelay $0x1  }
0x2f2: {  	v1 =	vmul.f32 $1.442695020e+00, v1;
	_ =	sdelay $0x1  }
0x2f3: {  	(erf) = vpow2.f32 v1;
	_ =	sdelay $0x6  }
0x2f4: {  	s22 =	sshll.u32 s22, $0x4  }
0x2f5: {  	s22 =	sand.u32 $0x3FFFF000, s22  }
0x2f6: {  	s22 =	sor.u32 s23, s22;
	v1 =	vpop (erf)  }
0x2f7: {  	s26 =	rddreg [dreg:$0x18];
	[tilespmem:s22+$0x15110] =	vst v1;
	s22 =	simm.s32 $0x0  }
0x2f8: {  	[hbm4b:s26+s22] =	stream.linear.scatter [tilespmem:s18], [sflag:$0x4], $0x4000, $0x38;
	[tilespmem:$0x19110] =	vst v63  }
0x2f9: {  	s28 =	simm.s32 $0xA8  }
0x2fa: {  	[tilespmem:s14], [sflag:$0x2] =	stream.indirect.gather [hbm4b:s4+s12], $0x1000, s28, s12, $0xb8;
	[tilespmem:$0x19110] =	vst v63  }
0x2fb: {  	_ =	swait.ge [sflag:s15], $0x8000  }
0x2fc: {  	[sflag:s15] =	ssyncset.done $0x0  }
0x2fd: {  	[sflag:s15] =	ssyncadd.s32 $0xFFFF8000  }
0x2fe: {  	_ =	swait.ge [sflag:s19], $0x4000  }
0x2ff: {  	s25 =	simm.s32 $0x0;
	s24 =	simm.s32 $0x1;
	[sflag:s19] =	ssyncset.done $0x0  }
0x300: {  	s23 =	sand.u32 $0xFF0, s22;
	s26 =	simm.s32 $0x0;
	[sflag:s19] =	ssyncadd.s32 $0xFFFFC000  }
.LBB2_42:
0x301: {  	p0 =	sne.s32 s24, $0x3FF;
	v1 =	vld [tilespmem:s23+$0x100];
	s26 =	sand.u32 $0x1FFFFFE, s26  }
0x302: {  	v2 =	vmov s26  }
0x303: {  	v2 =	vshll.u32 v2, $0xC  }
0x304: {  	v2 =	vbroadcast v2, $0x0;
	_ =	sdelay $0x1  }
0x305: {  	v1 =	vadd.s32 v2, v1;
	_ =	sdelay $0x4  }
0x306: {  	v1 =	vld.idx.msk [tilespmem:v1+s13+$0x0], $0xffff;
	_ =	sdelay $0x5  }
0x307: {  	v1 =	vmul.f32 v1, v0;
	_ =	sdelay $0x1  }
0x308: {  	v1 =	vmul.f32 $1.442695020e+00, v1;
	_ =	sdelay $0x1  }
0x309: {  	(erf) = vpow2.f32 v1;
	_ =	sdelay $0x5  }
.Ltmp20:
0x30a: {  	(pc) =	sbr.rel @p0 .LBB2_42-.Ltmp20, $4  }
0x30b: {  	s26 =	sshll.u32 s22, $0x4;
	s22 =	smov.u32 s24  }
0x30c: {  	s26 =	sand.u32 $0x3FFFF000, s26  }
0x30d: {  	s25 =	sadd.s32 $0x10, s25;
	s28 =	sor.u32 s23, s26;
	v1 =	vpop (erf)  }
0x30e: {  	s24 =	sadd.s32 $0x1, s24;
	s23 =	sand.u32 $0xFF0, s25;
	s26 =	sshrl.u32 s22, $0x7;
	[tilespmem:s28+$0x11110] =	vst v1  }
0x30f: {  	v1 =	vld [tilespmem:s23+$0x100];
	s24 =	sand.u32 $0x1FFFFFE, s26  }
0x310: {  	v2 =	vmov s24  }
0x311: {  	v2 =	vshll.u32 v2, $0xC  }
0x312: {  	v2 =	vbroadcast v2, $0x0;
	_ =	sdelay $0x1  }
0x313: {  	v1 =	vadd.s32 v2, v1;
	_ =	sdelay $0x4  }
0x314: {  	v1 =	vld.idx.msk [tilespmem:v1+s13+$0x0], $0xffff;
	_ =	sdelay $0x4  }
0x315: {  	v1 =	vmul.f32 v1, v0;
	_ =	sdelay $0x1  }
0x316: {  	v1 =	vmul.f32 $1.442695020e+00, v1;
	_ =	sdelay $0x1  }
0x317: {  	(erf) = vpow2.f32 v1;
	_ =	sdelay $0x6  }
0x318: {  	s22 =	sshll.u32 s22, $0x4  }
0x319: {  	s22 =	sand.u32 $0x3FFFF000, s22  }
0x31a: {  	s22 =	sor.u32 s23, s22;
	v1 =	vpop (erf)  }
0x31b: {  	s26 =	rddreg [dreg:$0x19];
	[tilespmem:s22+$0x11110] =	vst v1;
	s22 =	simm.s32 $0x0  }
0x31c: {  	[hbm4b:s26+s22] =	stream.linear.scatter [tilespmem:s16], [sflag:$0x3], $0x4000, $0x38;
	[tilespmem:$0x19110] =	vst v63  }
0x31d: {  	s28 =	simm.s32 $0xB0  }
0x31e: {  	[tilespmem:s13], [sflag:$0x1] =	stream.indirect.gather [hbm4b:s4+s12], $0x1000, s28, s12, $0xb8;
	[tilespmem:$0x19110] =	vst v63  }
0x31f: {  	_ =	swait.ge [sflag:s17], $0x8000  }
0x320: {  	[sflag:s17] =	ssyncset.done $0x0  }
0x321: {  	[sflag:s17] =	ssyncadd.s32 $0xFFFF8000  }
0x322: {  	_ =	swait.ge [sflag:s20], $0x4000  }
0x323: {  	s25 =	simm.s32 $0x0;
	s24 =	simm.s32 $0x1;
	[sflag:s20] =	ssyncset.done $0x0  }
0x324: {  	s23 =	sand.u32 $0xFF0, s22;
	s26 =	simm.s32 $0x0;
	[sflag:s20] =	ssyncadd.s32 $0xFFFFC000  }
.LBB2_44:
0x325: {  	p0 =	sne.s32 s24, $0x3FF;
	v1 =	vld [tilespmem:s23+$0x100];
	s26 =	sand.u32 $0x1FFFFFE, s26  }
0x326: {  	v2 =	vmov s26  }
0x327: {  	v2 =	vshll.u32 v2, $0xC  }
0x328: {  	v2 =	vbroadcast v2, $0x0;
	_ =	sdelay $0x1  }
0x329: {  	v1 =	vadd.s32 v2, v1;
	_ =	sdelay $0x4  }
0x32a: {  	v1 =	vld.idx.msk [tilespmem:v1+s14+$0x0], $0xffff;
	_ =	sdelay $0x5  }
0x32b: {  	v1 =	vmul.f32 v1, v0;
	_ =	sdelay $0x1  }
0x32c: {  	v1 =	vmul.f32 $1.442695020e+00, v1;
	_ =	sdelay $0x1  }
0x32d: {  	(erf) = vpow2.f32 v1;
	_ =	sdelay $0x5  }
.Ltmp21:
0x32e: {  	(pc) =	sbr.rel @p0 .LBB2_44-.Ltmp21, $4  }
0x32f: {  	s26 =	sshll.u32 s22, $0x4;
	s22 =	smov.u32 s24  }
0x330: {  	s26 =	sand.u32 $0x3FFFF000, s26  }
0x331: {  	s25 =	sadd.s32 $0x10, s25;
	s28 =	sor.u32 s23, s26;
	v1 =	vpop (erf)  }
0x332: {  	s24 =	sadd.s32 $0x1, s24;
	s23 =	sand.u32 $0xFF0, s25;
	s26 =	sshrl.u32 s22, $0x7;
	[tilespmem:s28+$0x15110] =	vst v1  }
0x333: {  	v1 =	vld [tilespmem:s23+$0x100];
	s24 =	sand.u32 $0x1FFFFFE, s26  }
0x334: {  	v2 =	vmov s24  }
0x335: {  	v2 =	vshll.u32 v2, $0xC  }
0x336: {  	v2 =	vbroadcast v2, $0x0;
	_ =	sdelay $0x1  }
0x337: {  	v1 =	vadd.s32 v2, v1;
	_ =	sdelay $0x4  }
0x338: {  	v1 =	vld.idx.msk [tilespmem:v1+s14+$0x0], $0xffff;
	_ =	sdelay $0x4  }
0x339: {  	v1 =	vmul.f32 v1, v0;
	_ =	sdelay $0x1  }
0x33a: {  	v1 =	vmul.f32 $1.442695020e+00, v1;
	_ =	sdelay $0x1  }
0x33b: {  	(erf) = vpow2.f32 v1;
	_ =	sdelay $0x6  }
0x33c: {  	s22 =	sshll.u32 s22, $0x4  }
0x33d: {  	s22 =	sand.u32 $0x3FFFF000, s22  }
0x33e: {  	s22 =	sor.u32 s23, s22;
	v1 =	vpop (erf)  }
0x33f: {  	s26 =	rddreg [dreg:$0x1a];
	[tilespmem:s22+$0x15110] =	vst v1;
	s22 =	simm.s32 $0x0  }
0x340: {  	[hbm4b:s26+s22] =	stream.linear.scatter [tilespmem:s18], [sflag:$0x4], $0x4000, $0x38;
	[tilespmem:$0x19110] =	vst v63  }
0x341: {  	s28 =	simm.s32 $0xB8  }
0x342: {  	[tilespmem:s14], [sflag:$0x2] =	stream.indirect.gather [hbm4b:s4+s12], $0x1000, s28, s12, $0xb8;
	[tilespmem:$0x19110] =	vst v63  }
0x343: {  	_ =	swait.ge [sflag:s15], $0x8000  }
0x344: {  	[sflag:s15] =	ssyncset.done $0x0  }
0x345: {  	[sflag:s15] =	ssyncadd.s32 $0xFFFF8000  }
0x346: {  	_ =	swait.ge [sflag:s19], $0x4000  }
0x347: {  	s25 =	simm.s32 $0x0;
	s24 =	simm.s32 $0x1;
	[sflag:s19] =	ssyncset.done $0x0  }
0x348: {  	s23 =	sand.u32 $0xFF0, s22;
	s26 =	simm.s32 $0x0;
	[sflag:s19] =	ssyncadd.s32 $0xFFFFC000  }
.LBB2_46:
0x349: {  	p0 =	sne.s32 s24, $0x3FF;
	v1 =	vld [tilespmem:s23+$0x100];
	s26 =	sand.u32 $0x1FFFFFE, s26  }
0x34a: {  	v2 =	vmov s26  }
0x34b: {  	v2 =	vshll.u32 v2, $0xC  }
0x34c: {  	v2 =	vbroadcast v2, $0x0;
	_ =	sdelay $0x1  }
0x34d: {  	v1 =	vadd.s32 v2, v1;
	_ =	sdelay $0x4  }
0x34e: {  	v1 =	vld.idx.msk [tilespmem:v1+s13+$0x0], $0xffff;
	_ =	sdelay $0x5  }
0x34f: {  	v1 =	vmul.f32 v1, v0;
	_ =	sdelay $0x1  }
0x350: {  	v1 =	vmul.f32 $1.442695020e+00, v1;
	_ =	sdelay $0x1  }
0x351: {  	(erf) = vpow2.f32 v1;
	_ =	sdelay $0x5  }
.Ltmp22:
0x352: {  	(pc) =	sbr.rel @p0 .LBB2_46-.Ltmp22, $4  }
0x353: {  	s26 =	sshll.u32 s22, $0x4;
	s22 =	smov.u32 s24  }
0x354: {  	s26 =	sand.u32 $0x3FFFF000, s26  }
0x355: {  	s25 =	sadd.s32 $0x10, s25;
	s28 =	sor.u32 s23, s26;
	v1 =	vpop (erf)  }
0x356: {  	s24 =	sadd.s32 $0x1, s24;
	s23 =	sand.u32 $0xFF0, s25;
	s26 =	sshrl.u32 s22, $0x7;
	[tilespmem:s28+$0x11110] =	vst v1  }
0x357: {  	v1 =	vld [tilespmem:s23+$0x100];
	s24 =	sand.u32 $0x1FFFFFE, s26  }
0x358: {  	v2 =	vmov s24  }
0x359: {  	v2 =	vshll.u32 v2, $0xC  }
0x35a: {  	v2 =	vbroadcast v2, $0x0;
	_ =	sdelay $0x1  }
0x35b: {  	v1 =	vadd.s32 v2, v1;
	_ =	sdelay $0x4  }
0x35c: {  	v1 =	vld.idx.msk [tilespmem:v1+s13+$0x0], $0xffff;
	_ =	sdelay $0x4  }
0x35d: {  	v1 =	vmul.f32 v1, v0;
	_ =	sdelay $0x1  }
0x35e: {  	v1 =	vmul.f32 $1.442695020e+00, v1;
	_ =	sdelay $0x1  }
0x35f: {  	(erf) = vpow2.f32 v1;
	_ =	sdelay $0x6  }
0x360: {  	s22 =	sshll.u32 s22, $0x4  }
0x361: {  	s22 =	sand.u32 $0x3FFFF000, s22  }
0x362: {  	s22 =	sor.u32 s23, s22;
	v1 =	vpop (erf)  }
0x363: {  	[tilespmem:s22+$0x11110] =	vst v1;
	s22 =	simm.s32 $0x0  }
0x364: {  	[hbm4b:s29+s22] =	stream.linear.scatter [tilespmem:s16], [sflag:$0x3], $0x4000, $0x38;
	[tilespmem:$0x19110] =	vst v63  }
0x365: {  	s28 =	simm.s32 $0xC0  }
0x366: {  	[tilespmem:s13], [sflag:$0x1] =	stream.indirect.gather [hbm4b:s4+s12], $0x1000, s28, s12, $0xb8;
	[tilespmem:$0x19110] =	vst v63  }
0x367: {  	_ =	swait.ge [sflag:s17], $0x8000  }
0x368: {  	[sflag:s17] =	ssyncset.done $0x0  }
0x369: {  	[sflag:s17] =	ssyncadd.s32 $0xFFFF8000  }
0x36a: {  	_ =	swait.ge [sflag:s20], $0x4000  }
0x36b: {  	s26 =	simm.s32 $0x0;
	s25 =	simm.s32 $0x0;
	[sflag:s20] =	ssyncset.done $0x0  }
0x36c: {  	s24 =	simm.s32 $0x1;
	s23 =	sand.u32 $0xFF0, s22;
	[sflag:s20] =	ssyncadd.s32 $0xFFFFC000  }
.LBB2_48:
0x36d: {  	p0 =	sne.s32 s24, $0x3FF;
	v1 =	vld [tilespmem:s23+$0x100];
	s26 =	sand.u32 $0x1FFFFFE, s26  }
0x36e: {  	v2 =	vmov s26  }
0x36f: {  	v2 =	vshll.u32 v2, $0xC  }
0x370: {  	v2 =	vbroadcast v2, $0x0;
	_ =	sdelay $0x1  }
0x371: {  	v1 =	vadd.s32 v2, v1;
	_ =	sdelay $0x4  }
0x372: {  	v1 =	vld.idx.msk [tilespmem:v1+s14+$0x0], $0xffff;
	_ =	sdelay $0x5  }
0x373: {  	v1 =	vmul.f32 v1, v0;
	_ =	sdelay $0x1  }
0x374: {  	v1 =	vmul.f32 $1.442695020e+00, v1;
	_ =	sdelay $0x1  }
0x375: {  	(erf) = vpow2.f32 v1;
	_ =	sdelay $0x5  }
.Ltmp23:
0x376: {  	(pc) =	sbr.rel @p0 .LBB2_48-.Ltmp23, $4  }
0x377: {  	s26 =	sshll.u32 s22, $0x4;
	s22 =	smov.u32 s24  }
0x378: {  	s26 =	sand.u32 $0x3FFFF000, s26  }
0x379: {  	s25 =	sadd.s32 $0x10, s25;
	s28 =	sor.u32 s23, s26;
	v1 =	vpop (erf)  }
0x37a: {  	s24 =	sadd.s32 $0x1, s24;
	s23 =	sand.u32 $0xFF0, s25;
	s26 =	sshrl.u32 s22, $0x7;
	[tilespmem:s28+$0x15110] =	vst v1  }
0x37b: {  	v1 =	vld [tilespmem:s23+$0x100];
	s24 =	sand.u32 $0x1FFFFFE, s26  }
0x37c: {  	v2 =	vmov s24  }
0x37d: {  	v2 =	vshll.u32 v2, $0xC  }
0x37e: {  	v2 =	vbroadcast v2, $0x0;
	_ =	sdelay $0x1  }
0x37f: {  	v1 =	vadd.s32 v2, v1;
	_ =	sdelay $0x4  }
0x380: {  	v1 =	vld.idx.msk [tilespmem:v1+s14+$0x0], $0xffff;
	_ =	sdelay $0x4  }
0x381: {  	v1 =	vmul.f32 v1, v0;
	_ =	sdelay $0x1  }
0x382: {  	v1 =	vmul.f32 $1.442695020e+00, v1;
	_ =	sdelay $0x1  }
0x383: {  	(erf) = vpow2.f32 v1;
	_ =	sdelay $0x6  }
0x384: {  	s22 =	sshll.u32 s22, $0x4  }
0x385: {  	s22 =	sand.u32 $0x3FFFF000, s22  }
0x386: {  	s22 =	sor.u32 s23, s22;
	v1 =	vpop (erf)  }
0x387: {  	[tilespmem:s22+$0x15110] =	vst v1;
	s22 =	simm.s32 $0x0  }
0x388: {  	[hbm4b:s31+s22] =	stream.linear.scatter [tilespmem:s18], [sflag:$0x4], $0x4000, $0x38;
	[tilespmem:$0x19110] =	vst v63  }
0x389: {  	s28 =	simm.s32 $0xC8  }
0x38a: {  	[tilespmem:s14], [sflag:$0x2] =	stream.indirect.gather [hbm4b:s4+s12], $0x1000, s28, s12, $0xb8;
	[tilespmem:$0x19110] =	vst v63  }
0x38b: {  	_ =	swait.ge [sflag:s15], $0x8000  }
0x38c: {  	[sflag:s15] =	ssyncset.done $0x0  }
0x38d: {  	[sflag:s15] =	ssyncadd.s32 $0xFFFF8000  }
0x38e: {  	_ =	swait.ge [sflag:s19], $0x4000  }
0x38f: {  	s26 =	simm.s32 $0x0;
	s25 =	simm.s32 $0x0;
	[sflag:s19] =	ssyncset.done $0x0  }
0x390: {  	s24 =	simm.s32 $0x1;
	s23 =	sand.u32 $0xFF0, s22;
	[sflag:s19] =	ssyncadd.s32 $0xFFFFC000  }
.LBB2_50:
0x391: {  	p0 =	sne.s32 s24, $0x3FF;
	v1 =	vld [tilespmem:s23+$0x100];
	s26 =	sand.u32 $0x1FFFFFE, s26  }
0x392: {  	v2 =	vmov s26  }
0x393: {  	v2 =	vshll.u32 v2, $0xC  }
0x394: {  	v2 =	vbroadcast v2, $0x0;
	_ =	sdelay $0x1  }
0x395: {  	v1 =	vadd.s32 v2, v1;
	_ =	sdelay $0x4  }
0x396: {  	v1 =	vld.idx.msk [tilespmem:v1+s13+$0x0], $0xffff;
	_ =	sdelay $0x5  }
0x397: {  	v1 =	vmul.f32 v1, v0;
	_ =	sdelay $0x1  }
0x398: {  	v1 =	vmul.f32 $1.442695020e+00, v1;
	_ =	sdelay $0x1  }
0x399: {  	(erf) = vpow2.f32 v1;
	_ =	sdelay $0x5  }
.Ltmp24:
0x39a: {  	(pc) =	sbr.rel @p0 .LBB2_50-.Ltmp24, $4  }
0x39b: {  	s26 =	sshll.u32 s22, $0x4;
	s22 =	smov.u32 s24  }
0x39c: {  	s26 =	sand.u32 $0x3FFFF000, s26  }
0x39d: {  	s25 =	sadd.s32 $0x10, s25;
	s28 =	sor.u32 s23, s26;
	v1 =	vpop (erf)  }
0x39e: {  	s24 =	sadd.s32 $0x1, s24;
	s23 =	sand.u32 $0xFF0, s25;
	s26 =	sshrl.u32 s22, $0x7;
	[tilespmem:s28+$0x11110] =	vst v1  }
0x39f: {  	v1 =	vld [tilespmem:s23+$0x100];
	s24 =	sand.u32 $0x1FFFFFE, s26  }
0x3a0: {  	v2 =	vmov s24  }
0x3a1: {  	v2 =	vshll.u32 v2, $0xC  }
0x3a2: {  	v2 =	vbroadcast v2, $0x0;
	_ =	sdelay $0x1  }
0x3a3: {  	v1 =	vadd.s32 v2, v1;
	_ =	sdelay $0x4  }
0x3a4: {  	v1 =	vld.idx.msk [tilespmem:v1+s13+$0x0], $0xffff;
	_ =	sdelay $0x4  }
0x3a5: {  	v1 =	vmul.f32 v1, v0;
	_ =	sdelay $0x1  }
0x3a6: {  	v1 =	vmul.f32 $1.442695020e+00, v1;
	_ =	sdelay $0x1  }
0x3a7: {  	(erf) = vpow2.f32 v1;
	_ =	sdelay $0x6  }
0x3a8: {  	s22 =	sshll.u32 s22, $0x4  }
0x3a9: {  	s22 =	sand.u32 $0x3FFFF000, s22  }
0x3aa: {  	s22 =	sor.u32 s23, s22;
	v1 =	vpop (erf)  }
0x3ab: {  	[tilespmem:s22+$0x11110] =	vst v1;
	s22 =	simm.s32 $0x0  }
0x3ac: {  	[hbm4b:s0+s22] =	stream.linear.scatter [tilespmem:s16], [sflag:$0x3], $0x4000, $0x38;
	[tilespmem:$0x19110] =	vst v63  }
0x3ad: {  	s28 =	simm.s32 $0xD0  }
0x3ae: {  	[tilespmem:s13], [sflag:$0x1] =	stream.indirect.gather [hbm4b:s4+s12], $0x1000, s28, s12, $0xb8;
	[tilespmem:$0x19110] =	vst v63  }
0x3af: {  	_ =	swait.ge [sflag:s17], $0x8000  }
0x3b0: {  	[sflag:s17] =	ssyncset.done $0x0  }
0x3b1: {  	[sflag:s17] =	ssyncadd.s32 $0xFFFF8000  }
0x3b2: {  	_ =	swait.ge [sflag:s20], $0x4000  }
0x3b3: {  	s26 =	simm.s32 $0x0;
	s25 =	simm.s32 $0x0;
	[sflag:s20] =	ssyncset.done $0x0  }
0x3b4: {  	s24 =	simm.s32 $0x1;
	s23 =	sand.u32 $0xFF0, s22;
	[sflag:s20] =	ssyncadd.s32 $0xFFFFC000  }
.LBB2_52:
0x3b5: {  	p0 =	sne.s32 s24, $0x3FF;
	v1 =	vld [tilespmem:s23+$0x100];
	s26 =	sand.u32 $0x1FFFFFE, s26  }
0x3b6: {  	v2 =	vmov s26  }
0x3b7: {  	v2 =	vshll.u32 v2, $0xC  }
0x3b8: {  	v2 =	vbroadcast v2, $0x0;
	_ =	sdelay $0x1  }
0x3b9: {  	v1 =	vadd.s32 v2, v1;
	_ =	sdelay $0x4  }
0x3ba: {  	v1 =	vld.idx.msk [tilespmem:v1+s14+$0x0], $0xffff;
	_ =	sdelay $0x5  }
0x3bb: {  	v1 =	vmul.f32 v1, v0;
	_ =	sdelay $0x1  }
0x3bc: {  	v1 =	vmul.f32 $1.442695020e+00, v1;
	_ =	sdelay $0x1  }
0x3bd: {  	(erf) = vpow2.f32 v1;
	_ =	sdelay $0x5  }
.Ltmp25:
0x3be: {  	(pc) =	sbr.rel @p0 .LBB2_52-.Ltmp25, $4  }
0x3bf: {  	s26 =	sshll.u32 s22, $0x4;
	s22 =	smov.u32 s24  }
0x3c0: {  	s26 =	sand.u32 $0x3FFFF000, s26  }
0x3c1: {  	s25 =	sadd.s32 $0x10, s25;
	s28 =	sor.u32 s23, s26;
	v1 =	vpop (erf)  }
0x3c2: {  	s24 =	sadd.s32 $0x1, s24;
	s23 =	sand.u32 $0xFF0, s25;
	s26 =	sshrl.u32 s22, $0x7;
	[tilespmem:s28+$0x15110] =	vst v1  }
0x3c3: {  	v1 =	vld [tilespmem:s23+$0x100];
	s24 =	sand.u32 $0x1FFFFFE, s26  }
0x3c4: {  	v2 =	vmov s24  }
0x3c5: {  	v2 =	vshll.u32 v2, $0xC  }
0x3c6: {  	v2 =	vbroadcast v2, $0x0;
	_ =	sdelay $0x1  }
0x3c7: {  	v1 =	vadd.s32 v2, v1;
	_ =	sdelay $0x4  }
0x3c8: {  	v1 =	vld.idx.msk [tilespmem:v1+s14+$0x0], $0xffff;
	_ =	sdelay $0x4  }
0x3c9: {  	v1 =	vmul.f32 v1, v0;
	_ =	sdelay $0x1  }
0x3ca: {  	v1 =	vmul.f32 $1.442695020e+00, v1;
	_ =	sdelay $0x1  }
0x3cb: {  	(erf) = vpow2.f32 v1;
	_ =	sdelay $0x6  }
0x3cc: {  	s22 =	sshll.u32 s22, $0x4  }
0x3cd: {  	s22 =	sand.u32 $0x3FFFF000, s22  }
0x3ce: {  	s22 =	sor.u32 s23, s22;
	v1 =	vpop (erf)  }
0x3cf: {  	[tilespmem:s22+$0x15110] =	vst v1;
	s22 =	simm.s32 $0x0  }
0x3d0: {  	[hbm4b:s1+s22] =	stream.linear.scatter [tilespmem:s18], [sflag:$0x4], $0x4000, $0x38;
	[tilespmem:$0x19110] =	vst v63  }
0x3d1: {  	s28 =	simm.s32 $0xD8  }
0x3d2: {  	[tilespmem:s14], [sflag:$0x2] =	stream.indirect.gather [hbm4b:s4+s12], $0x1000, s28, s12, $0xb8;
	[tilespmem:$0x19110] =	vst v63  }
0x3d3: {  	_ =	swait.ge [sflag:s15], $0x8000  }
0x3d4: {  	[sflag:s15] =	ssyncset.done $0x0  }
0x3d5: {  	[sflag:s15] =	ssyncadd.s32 $0xFFFF8000  }
0x3d6: {  	_ =	swait.ge [sflag:s19], $0x4000  }
0x3d7: {  	s26 =	simm.s32 $0x0;
	s25 =	simm.s32 $0x0;
	[sflag:s19] =	ssyncset.done $0x0  }
0x3d8: {  	s24 =	simm.s32 $0x1;
	s23 =	sand.u32 $0xFF0, s22;
	[sflag:s19] =	ssyncadd.s32 $0xFFFFC000  }
.LBB2_54:
0x3d9: {  	p0 =	sne.s32 s24, $0x3FF;
	v1 =	vld [tilespmem:s23+$0x100];
	s26 =	sand.u32 $0x1FFFFFE, s26  }
0x3da: {  	v2 =	vmov s26  }
0x3db: {  	v2 =	vshll.u32 v2, $0xC  }
0x3dc: {  	v2 =	vbroadcast v2, $0x0;
	_ =	sdelay $0x1  }
0x3dd: {  	v1 =	vadd.s32 v2, v1;
	_ =	sdelay $0x4  }
0x3de: {  	v1 =	vld.idx.msk [tilespmem:v1+s13+$0x0], $0xffff;
	_ =	sdelay $0x5  }
0x3df: {  	v1 =	vmul.f32 v1, v0;
	_ =	sdelay $0x1  }
0x3e0: {  	v1 =	vmul.f32 $1.442695020e+00, v1;
	_ =	sdelay $0x1  }
0x3e1: {  	(erf) = vpow2.f32 v1;
	_ =	sdelay $0x5  }
.Ltmp26:
0x3e2: {  	(pc) =	sbr.rel @p0 .LBB2_54-.Ltmp26, $4  }
0x3e3: {  	s26 =	sshll.u32 s22, $0x4;
	s22 =	smov.u32 s24  }
0x3e4: {  	s26 =	sand.u32 $0x3FFFF000, s26  }
0x3e5: {  	s25 =	sadd.s32 $0x10, s25;
	s28 =	sor.u32 s23, s26;
	v1 =	vpop (erf)  }
0x3e6: {  	s24 =	sadd.s32 $0x1, s24;
	s23 =	sand.u32 $0xFF0, s25;
	s26 =	sshrl.u32 s22, $0x7;
	[tilespmem:s28+$0x11110] =	vst v1  }
0x3e7: {  	v1 =	vld [tilespmem:s23+$0x100];
	s24 =	sand.u32 $0x1FFFFFE, s26  }
0x3e8: {  	v2 =	vmov s24  }
0x3e9: {  	v2 =	vshll.u32 v2, $0xC  }
0x3ea: {  	v2 =	vbroadcast v2, $0x0;
	_ =	sdelay $0x1  }
0x3eb: {  	v1 =	vadd.s32 v2, v1;
	_ =	sdelay $0x4  }
0x3ec: {  	v1 =	vld.idx.msk [tilespmem:v1+s13+$0x0], $0xffff;
	_ =	sdelay $0x4  }
0x3ed: {  	v1 =	vmul.f32 v1, v0;
	_ =	sdelay $0x1  }
0x3ee: {  	v1 =	vmul.f32 $1.442695020e+00, v1;
	_ =	sdelay $0x1  }
0x3ef: {  	(erf) = vpow2.f32 v1;
	_ =	sdelay $0x6  }
0x3f0: {  	s22 =	sshll.u32 s22, $0x4  }
0x3f1: {  	s22 =	sand.u32 $0x3FFFF000, s22  }
0x3f2: {  	s22 =	sor.u32 s23, s22;
	v1 =	vpop (erf)  }
0x3f3: {  	[tilespmem:s22+$0x11110] =	vst v1;
	s22 =	simm.s32 $0x0  }
0x3f4: {  	[hbm4b:s2+s22] =	stream.linear.scatter [tilespmem:s16], [sflag:$0x3], $0x4000, $0x38;
	[tilespmem:$0x19110] =	vst v63  }
0x3f5: {  	s28 =	simm.s32 $0xE0  }
0x3f6: {  	[tilespmem:s13], [sflag:$0x1] =	stream.indirect.gather [hbm4b:s4+s12], $0x1000, s28, s12, $0xb8;
	[tilespmem:$0x19110] =	vst v63  }
0x3f7: {  	_ =	swait.ge [sflag:s17], $0x8000  }
0x3f8: {  	[sflag:s17] =	ssyncset.done $0x0  }
0x3f9: {  	[sflag:s17] =	ssyncadd.s32 $0xFFFF8000  }
0x3fa: {  	_ =	swait.ge [sflag:s20], $0x4000  }
0x3fb: {  	s26 =	simm.s32 $0x0;
	s25 =	simm.s32 $0x0;
	[sflag:s20] =	ssyncset.done $0x0  }
0x3fc: {  	s24 =	simm.s32 $0x1;
	s23 =	sand.u32 $0xFF0, s22;
	[sflag:s20] =	ssyncadd.s32 $0xFFFFC000  }
.LBB2_56:
0x3fd: {  	p0 =	sne.s32 s24, $0x3FF;
	v1 =	vld [tilespmem:s23+$0x100];
	s26 =	sand.u32 $0x1FFFFFE, s26  }
0x3fe: {  	v2 =	vmov s26  }
0x3ff: {  	v2 =	vshll.u32 v2, $0xC  }
0x400: {  	v2 =	vbroadcast v2, $0x0;
	_ =	sdelay $0x1  }
0x401: {  	v1 =	vadd.s32 v2, v1;
	_ =	sdelay $0x4  }
0x402: {  	v1 =	vld.idx.msk [tilespmem:v1+s14+$0x0], $0xffff;
	_ =	sdelay $0x5  }
0x403: {  	v1 =	vmul.f32 v1, v0;
	_ =	sdelay $0x1  }
0x404: {  	v1 =	vmul.f32 $1.442695020e+00, v1;
	_ =	sdelay $0x1  }
0x405: {  	(erf) = vpow2.f32 v1;
	_ =	sdelay $0x5  }
.Ltmp27:
0x406: {  	(pc) =	sbr.rel @p0 .LBB2_56-.Ltmp27, $4  }
0x407: {  	s26 =	sshll.u32 s22, $0x4;
	s22 =	smov.u32 s24  }
0x408: {  	s26 =	sand.u32 $0x3FFFF000, s26  }
0x409: {  	s25 =	sadd.s32 $0x10, s25;
	s28 =	sor.u32 s23, s26;
	v1 =	vpop (erf)  }
0x40a: {  	s24 =	sadd.s32 $0x1, s24;
	s23 =	sand.u32 $0xFF0, s25;
	s26 =	sshrl.u32 s22, $0x7;
	[tilespmem:s28+$0x15110] =	vst v1  }
0x40b: {  	v1 =	vld [tilespmem:s23+$0x100];
	s24 =	sand.u32 $0x1FFFFFE, s26  }
0x40c: {  	v2 =	vmov s24  }
0x40d: {  	v2 =	vshll.u32 v2, $0xC  }
0x40e: {  	v2 =	vbroadcast v2, $0x0;
	_ =	sdelay $0x1  }
0x40f: {  	v1 =	vadd.s32 v2, v1;
	_ =	sdelay $0x4  }
0x410: {  	v1 =	vld.idx.msk [tilespmem:v1+s14+$0x0], $0xffff;
	_ =	sdelay $0x4  }
0x411: {  	v1 =	vmul.f32 v1, v0;
	_ =	sdelay $0x1  }
0x412: {  	v1 =	vmul.f32 $1.442695020e+00, v1;
	_ =	sdelay $0x1  }
0x413: {  	(erf) = vpow2.f32 v1;
	_ =	sdelay $0x6  }
0x414: {  	s22 =	sshll.u32 s22, $0x4  }
0x415: {  	s22 =	sand.u32 $0x3FFFF000, s22  }
0x416: {  	s22 =	sor.u32 s23, s22;
	v1 =	vpop (erf)  }
0x417: {  	[tilespmem:s22+$0x15110] =	vst v1;
	s22 =	simm.s32 $0x0  }
0x418: {  	[hbm4b:s5+s22] =	stream.linear.scatter [tilespmem:s18], [sflag:$0x4], $0x4000, $0x38;
	[tilespmem:$0x19110] =	vst v63  }
0x419: {  	s28 =	simm.s32 $0xE8  }
0x41a: {  	[tilespmem:s14], [sflag:$0x2] =	stream.indirect.gather [hbm4b:s4+s12], $0x1000, s28, s12, $0xb8;
	[tilespmem:$0x19110] =	vst v63  }
0x41b: {  	_ =	swait.ge [sflag:s15], $0x8000  }
0x41c: {  	[sflag:s15] =	ssyncset.done $0x0  }
0x41d: {  	[sflag:s15] =	ssyncadd.s32 $0xFFFF8000  }
0x41e: {  	_ =	swait.ge [sflag:s19], $0x4000  }
0x41f: {  	s26 =	simm.s32 $0x0;
	s25 =	simm.s32 $0x0;
	[sflag:s19] =	ssyncset.done $0x0  }
0x420: {  	s24 =	simm.s32 $0x1;
	s23 =	sand.u32 $0xFF0, s22;
	[sflag:s19] =	ssyncadd.s32 $0xFFFFC000  }
.LBB2_58:
0x421: {  	p0 =	sne.s32 s24, $0x3FF;
	v1 =	vld [tilespmem:s23+$0x100];
	s26 =	sand.u32 $0x1FFFFFE, s26  }
0x422: {  	v2 =	vmov s26  }
0x423: {  	v2 =	vshll.u32 v2, $0xC  }
0x424: {  	v2 =	vbroadcast v2, $0x0;
	_ =	sdelay $0x1  }
0x425: {  	v1 =	vadd.s32 v2, v1;
	_ =	sdelay $0x4  }
0x426: {  	v1 =	vld.idx.msk [tilespmem:v1+s13+$0x0], $0xffff;
	_ =	sdelay $0x5  }
0x427: {  	v1 =	vmul.f32 v1, v0;
	_ =	sdelay $0x1  }
0x428: {  	v1 =	vmul.f32 $1.442695020e+00, v1;
	_ =	sdelay $0x1  }
0x429: {  	(erf) = vpow2.f32 v1;
	_ =	sdelay $0x5  }
.Ltmp28:
0x42a: {  	(pc) =	sbr.rel @p0 .LBB2_58-.Ltmp28, $4  }
0x42b: {  	s26 =	sshll.u32 s22, $0x4;
	s22 =	smov.u32 s24  }
0x42c: {  	s26 =	sand.u32 $0x3FFFF000, s26  }
0x42d: {  	s25 =	sadd.s32 $0x10, s25;
	s28 =	sor.u32 s23, s26;
	v1 =	vpop (erf)  }
0x42e: {  	s24 =	sadd.s32 $0x1, s24;
	s23 =	sand.u32 $0xFF0, s25;
	s26 =	sshrl.u32 s22, $0x7;
	[tilespmem:s28+$0x11110] =	vst v1  }
0x42f: {  	v1 =	vld [tilespmem:s23+$0x100];
	s24 =	sand.u32 $0x1FFFFFE, s26  }
0x430: {  	v2 =	vmov s24  }
0x431: {  	v2 =	vshll.u32 v2, $0xC  }
0x432: {  	v2 =	vbroadcast v2, $0x0;
	_ =	sdelay $0x1  }
0x433: {  	v1 =	vadd.s32 v2, v1;
	_ =	sdelay $0x4  }
0x434: {  	v1 =	vld.idx.msk [tilespmem:v1+s13+$0x0], $0xffff;
	_ =	sdelay $0x4  }
0x435: {  	v1 =	vmul.f32 v1, v0;
	_ =	sdelay $0x1  }
0x436: {  	v1 =	vmul.f32 $1.442695020e+00, v1;
	_ =	sdelay $0x1  }
0x437: {  	(erf) = vpow2.f32 v1;
	_ =	sdelay $0x6  }
0x438: {  	s22 =	sshll.u32 s22, $0x4  }
0x439: {  	s22 =	sand.u32 $0x3FFFF000, s22  }
0x43a: {  	s22 =	sor.u32 s23, s22;
	v1 =	vpop (erf)  }
0x43b: {  	[tilespmem:s22+$0x11110] =	vst v1;
	s22 =	simm.s32 $0x0  }
0x43c: {  	[hbm4b:s6+s22] =	stream.linear.scatter [tilespmem:s16], [sflag:$0x3], $0x4000, $0x38;
	[tilespmem:$0x19110] =	vst v63  }
0x43d: {  	s28 =	simm.s32 $0xF0  }
0x43e: {  	[tilespmem:s13], [sflag:$0x1] =	stream.indirect.gather [hbm4b:s4+s12], $0x1000, s28, s12, $0xb8;
	[tilespmem:$0x19110] =	vst v63  }
0x43f: {  	_ =	swait.ge [sflag:s17], $0x8000  }
0x440: {  	[sflag:s17] =	ssyncset.done $0x0  }
0x441: {  	[sflag:s17] =	ssyncadd.s32 $0xFFFF8000  }
0x442: {  	_ =	swait.ge [sflag:s20], $0x4000  }
0x443: {  	s26 =	simm.s32 $0x0;
	s25 =	simm.s32 $0x0;
	[sflag:s20] =	ssyncset.done $0x0  }
0x444: {  	s24 =	simm.s32 $0x1;
	s23 =	sand.u32 $0xFF0, s22;
	[sflag:s20] =	ssyncadd.s32 $0xFFFFC000  }
.LBB2_60:
0x445: {  	p0 =	sne.s32 s24, $0x3FF;
	v1 =	vld [tilespmem:s23+$0x100];
	s26 =	sand.u32 $0x1FFFFFE, s26  }
0x446: {  	v2 =	vmov s26  }
0x447: {  	v2 =	vshll.u32 v2, $0xC  }
0x448: {  	v2 =	vbroadcast v2, $0x0;
	_ =	sdelay $0x1  }
0x449: {  	v1 =	vadd.s32 v2, v1;
	_ =	sdelay $0x4  }
0x44a: {  	v1 =	vld.idx.msk [tilespmem:v1+s14+$0x0], $0xffff;
	_ =	sdelay $0x5  }
0x44b: {  	v1 =	vmul.f32 v1, v0;
	_ =	sdelay $0x1  }
0x44c: {  	v1 =	vmul.f32 $1.442695020e+00, v1;
	_ =	sdelay $0x1  }
0x44d: {  	(erf) = vpow2.f32 v1;
	_ =	sdelay $0x5  }
.Ltmp29:
0x44e: {  	(pc) =	sbr.rel @p0 .LBB2_60-.Ltmp29, $4  }
0x44f: {  	s26 =	sshll.u32 s22, $0x4;
	s22 =	smov.u32 s24  }
0x450: {  	s26 =	sand.u32 $0x3FFFF000, s26  }
0x451: {  	s25 =	sadd.s32 $0x10, s25;
	s28 =	sor.u32 s23, s26;
	v1 =	vpop (erf)  }
0x452: {  	s24 =	sadd.s32 $0x1, s24;
	s23 =	sand.u32 $0xFF0, s25;
	s26 =	sshrl.u32 s22, $0x7;
	[tilespmem:s28+$0x15110] =	vst v1  }
0x453: {  	v1 =	vld [tilespmem:s23+$0x100];
	s24 =	sand.u32 $0x1FFFFFE, s26  }
0x454: {  	v2 =	vmov s24  }
0x455: {  	v2 =	vshll.u32 v2, $0xC  }
0x456: {  	v2 =	vbroadcast v2, $0x0;
	_ =	sdelay $0x1  }
0x457: {  	v1 =	vadd.s32 v2, v1;
	_ =	sdelay $0x4  }
0x458: {  	v1 =	vld.idx.msk [tilespmem:v1+s14+$0x0], $0xffff;
	_ =	sdelay $0x4  }
0x459: {  	v1 =	vmul.f32 v1, v0;
	_ =	sdelay $0x1  }
0x45a: {  	v1 =	vmul.f32 $1.442695020e+00, v1;
	_ =	sdelay $0x1  }
0x45b: {  	(erf) = vpow2.f32 v1;
	_ =	sdelay $0x6  }
0x45c: {  	s22 =	sshll.u32 s22, $0x4  }
0x45d: {  	s22 =	sand.u32 $0x3FFFF000, s22  }
0x45e: {  	s22 =	sor.u32 s23, s22;
	v1 =	vpop (erf)  }
0x45f: {  	[tilespmem:s22+$0x15110] =	vst v1;
	s22 =	simm.s32 $0x0  }
0x460: {  	[hbm4b:s7+s22] =	stream.linear.scatter [tilespmem:s18], [sflag:$0x4], $0x4000, $0x38;
	[tilespmem:$0x19110] =	vst v63  }
0x461: {  	s28 =	simm.s32 $0xF8  }
0x462: {  	[tilespmem:s14], [sflag:$0x2] =	stream.indirect.gather [hbm4b:s4+s12], $0x1000, s28, s12, $0xb8;
	[tilespmem:$0x19110] =	vst v63  }
0x463: {  	_ =	swait.ge [sflag:s15], $0x8000  }
0x464: {  	[sflag:s15] =	ssyncset.done $0x0  }
0x465: {  	[sflag:s15] =	ssyncadd.s32 $0xFFFF8000  }
0x466: {  	_ =	swait.ge [sflag:s19], $0x4000  }
0x467: {  	s26 =	simm.s32 $0x0;
	s25 =	simm.s32 $0x0;
	[sflag:s19] =	ssyncset.done $0x0  }
0x468: {  	s24 =	simm.s32 $0x1;
	s23 =	sand.u32 $0xFF0, s22;
	[sflag:s19] =	ssyncadd.s32 $0xFFFFC000  }
.LBB2_62:
0x469: {  	p0 =	sne.s32 s24, $0x3FF;
	v1 =	vld [tilespmem:s23+$0x100];
	s26 =	sand.u32 $0x1FFFFFE, s26  }
0x46a: {  	v2 =	vmov s26  }
0x46b: {  	v2 =	vshll.u32 v2, $0xC  }
0x46c: {  	v2 =	vbroadcast v2, $0x0;
	_ =	sdelay $0x1  }
0x46d: {  	v1 =	vadd.s32 v2, v1;
	_ =	sdelay $0x4  }
0x46e: {  	v1 =	vld.idx.msk [tilespmem:v1+s13+$0x0], $0xffff;
	_ =	sdelay $0x5  }
0x46f: {  	v1 =	vmul.f32 v1, v0;
	_ =	sdelay $0x1  }
0x470: {  	v1 =	vmul.f32 $1.442695020e+00, v1;
	_ =	sdelay $0x1  }
0x471: {  	(erf) = vpow2.f32 v1;
	_ =	sdelay $0x5  }
.Ltmp30:
0x472: {  	(pc) =	sbr.rel @p0 .LBB2_62-.Ltmp30, $4  }
0x473: {  	s26 =	sshll.u32 s22, $0x4;
	s22 =	smov.u32 s24  }
0x474: {  	s26 =	sand.u32 $0x3FFFF000, s26  }
0x475: {  	s25 =	sadd.s32 $0x10, s25;
	s28 =	sor.u32 s23, s26;
	v1 =	vpop (erf)  }
0x476: {  	s24 =	sadd.s32 $0x1, s24;
	s23 =	sand.u32 $0xFF0, s25;
	s26 =	sshrl.u32 s22, $0x7;
	[tilespmem:s28+$0x11110] =	vst v1  }
0x477: {  	v1 =	vld [tilespmem:s23+$0x100];
	s24 =	sand.u32 $0x1FFFFFE, s26  }
0x478: {  	v2 =	vmov s24  }
0x479: {  	v2 =	vshll.u32 v2, $0xC  }
0x47a: {  	v2 =	vbroadcast v2, $0x0;
	_ =	sdelay $0x1  }
0x47b: {  	v1 =	vadd.s32 v2, v1;
	_ =	sdelay $0x4  }
0x47c: {  	v1 =	vld.idx.msk [tilespmem:v1+s13+$0x0], $0xffff;
	_ =	sdelay $0x4  }
0x47d: {  	v1 =	vmul.f32 v1, v0;
	_ =	sdelay $0x1  }
0x47e: {  	v1 =	vmul.f32 $1.442695020e+00, v1;
	_ =	sdelay $0x1  }
0x47f: {  	(erf) = vpow2.f32 v1;
	_ =	sdelay $0x6  }
0x480: {  	s22 =	sshll.u32 s22, $0x4  }
0x481: {  	s22 =	sand.u32 $0x3FFFF000, s22  }
0x482: {  	s22 =	sor.u32 s23, s22;
	v1 =	vpop (erf)  }
0x483: {  	[tilespmem:s22+$0x11110] =	vst v1;
	s22 =	simm.s32 $0x0  }
0x484: {  	[hbm4b:s8+s22] =	stream.linear.scatter [tilespmem:s16], [sflag:$0x3], $0x4000, $0x38;
	[tilespmem:$0x19110] =	vst v63  }
0x485: {  	_ =	swait.ge [sflag:s17], $0x8000  }
0x486: {  	[sflag:s17] =	ssyncset.done $0x0  }
0x487: {  	[sflag:s17] =	ssyncadd.s32 $0xFFFF8000  }
0x488: {  	_ =	swait.ge [sflag:s20], $0x4000  }
0x489: {  	s26 =	simm.s32 $0x0;
	s25 =	simm.s32 $0x0;
	[sflag:s20] =	ssyncset.done $0x0  }
0x48a: {  	s24 =	simm.s32 $0x1;
	s23 =	sand.u32 $0xFF0, s22;
	[sflag:s20] =	ssyncadd.s32 $0xFFFFC000  }
.LBB2_64:
0x48b: {  	p0 =	sne.s32 s24, $0x3FF;
	v1 =	vld [tilespmem:s23+$0x100];
	s26 =	sand.u32 $0x1FFFFFE, s26  }
0x48c: {  	v2 =	vmov s26  }
0x48d: {  	v2 =	vshll.u32 v2, $0xC  }
0x48e: {  	v2 =	vbroadcast v2, $0x0;
	_ =	sdelay $0x1  }
0x48f: {  	v1 =	vadd.s32 v2, v1;
	_ =	sdelay $0x4  }
0x490: {  	v1 =	vld.idx.msk [tilespmem:v1+s14+$0x0], $0xffff;
	_ =	sdelay $0x5  }
0x491: {  	v1 =	vmul.f32 v1, v0;
	_ =	sdelay $0x1  }
0x492: {  	v1 =	vmul.f32 $1.442695020e+00, v1;
	_ =	sdelay $0x1  }
0x493: {  	(erf) = vpow2.f32 v1;
	_ =	sdelay $0x5  }
.Ltmp31:
0x494: {  	(pc) =	sbr.rel @p0 .LBB2_64-.Ltmp31, $4  }
0x495: {  	s26 =	sshll.u32 s22, $0x4;
	s22 =	smov.u32 s24  }
0x496: {  	s26 =	sand.u32 $0x3FFFF000, s26  }
0x497: {  	s25 =	sadd.s32 $0x10, s25;
	s28 =	sor.u32 s23, s26;
	v1 =	vpop (erf)  }
0x498: {  	s24 =	sadd.s32 $0x1, s24;
	s23 =	sand.u32 $0xFF0, s25;
	s26 =	sshrl.u32 s22, $0x7;
	[tilespmem:s28+$0x15110] =	vst v1  }
0x499: {  	v1 =	vld [tilespmem:s23+$0x100];
	s24 =	sand.u32 $0x1FFFFFE, s26  }
0x49a: {  	v2 =	vmov s24  }
0x49b: {  	v2 =	vshll.u32 v2, $0xC  }
0x49c: {  	v2 =	vbroadcast v2, $0x0;
	_ =	sdelay $0x1  }
0x49d: {  	v1 =	vadd.s32 v2, v1;
	_ =	sdelay $0x4  }
0x49e: {  	v1 =	vld.idx.msk [tilespmem:v1+s14+$0x0], $0xffff;
	_ =	sdelay $0x4  }
0x49f: {  	v0 =	vmul.f32 v1, v0;
	_ =	sdelay $0x1  }
0x4a0: {  	v0 =	vmul.f32 $1.442695020e+00, v0;
	_ =	sdelay $0x1  }
0x4a1: {  	(erf) = vpow2.f32 v0;
	_ =	sdelay $0x6  }
0x4a2: {  	s22 =	sshll.u32 s22, $0x4  }
0x4a3: {  	s22 =	sand.u32 $0x3FFFF000, s22  }
0x4a4: {  	s22 =	sor.u32 s23, s22;
	v0 =	vpop (erf)  }
0x4a5: {  	s21 =	sadd.s32 $0x1, s21;
	[tilespmem:s22+$0x15110] =	vst v0  }
0x4a6: {  	[hbm4b:s9+s3] =	stream.linear.scatter [tilespmem:s18], [sflag:$0x4], $0x4000, $0x38;
	[tilespmem:$0x19110] =	vst v63  }
0x4a7: {  	p0 =	sne.s32 s21, s10;
	_ =	swait.ge [sflag:s19], $0x4000  }
.Ltmp32:
0x4a8: {  	[sflag:s19] =	ssyncset.done $0x0;
	(pc) =	sbr.rel @p0 .LBB2_1-.Ltmp32, $4  }
0x4a9: {  	[sflag:s19] =	ssyncadd.s32 $0xFFFFC000  }
0x4aa: {  	_ =	swait.ge [sflag:s20], $0x4000  }
0x4ab: {  	[sflag:s20] =	ssyncset.done $0x0  }
0x4ac: {  	[sflag:s20] =	ssyncadd.s32 $0xFFFFC000  }
0x4ad: {  	_ =	sfence.sel $0x180000  }
0x4ae: {  	[bflag:$0x0] =	sbarrier.arrive $0xFFFF  }
0x4af: {  	_ =	strace $0x9000004A  }
0x4b0: {  	s0 =	stileid.u32;
	[bflag:$0x2] =	sbarrier.arrive $0xFFFF  }
0x4b1: {  	p0 =	sne.s32 s0, $0x0;
	s0 =	rddreg [dreg:$0x3]  }
0x4b2: {  	s0 =	sadd.s32 @!p0 $0x100000, s0  }
0x4b3: {  	[sflag:s0] =	ssyncadd.tile.s32 @!p0 $0x1;
	_ =	shalt  }
.Lfunc_end2:
_tile_overlayer_lowered:
.L_overlay_start_2:
0x4b4: {  	(tag) =	ssettag $0x2  }
0x4b5: {  	s0 =	rddreg [dreg:$0x0];
	s2 =	stileid.u32  }
0x4b6: {  	s1 =	rddreg [dreg:$0x1];
	p0 =	sne.s32 s2, $0x0  }
0x4b7: {  	s3 =	rddreg [dreg:$0x2];
	[bflag:$0x3] =	sbarrier.arrive $0xFFFF;
	s2 =	simm.s32 @!p0 $0x1C05  }
0x4b8: {  	[timem:s3], [sflag:s2] =	dma.local @!p0 [hbm:s0], s1  }
0x4b9: {  	s0 =	simm.s32 @!p0 $0x5  }
0x4ba: {  	_ =	swait.ge @!p0 [sflag:s0], s1  }
0x4bb: {  	s1 =	ssub.s32 @!p0 $0x0, s1;
	[sflag:s0] =	ssyncset.done @!p0 $0x0  }
0x4bc: {  	[sflag:s0] =	ssyncadd.s32 @!p0 s1  }
0x4bd: {  	[bflag:$0x3] =	sbarrier.arrive $0xFFFF  }
0x4be: {  	_ =	shalt  }

// kernel: sparse-core-data-format-call.cloned.1.call-start
scs
called_computation_lowered:
.L_overlay_start_0:
0x0: {  	s2 =	sld [smem:$0x3FD9]  }
0x1: {  	s3 =	sld [smem:$0x3FFE];
	_ =	sdelay $0x1  }
0x2: {  	s1 =	srdreg.scid  }
0x3: {  	s0 =	sand.u32 $0x1, s1  }
0x4: {  	s18 =	sshll.u32 s0, $0xA;
	s2 =	sadd.s32 s3, s2  }
0x5: {  	s2 =	sadd.s32 s2, s18  }
0x6: {  	[smem:$0x3FC4] =	sst s2  }
0x7: {  	_ = 	snop  }
0x8: {  	s2 =	sld [smem:$0x3FC7];
	(tm) =	ssettm $0x1  }
0x9: {  	s19 =	sld [smem:$0x3FFB];
	_ =	sdelay $0x3  }
0xa: {  	_ =	strace s19  }
0xb: {  	s3 =	sld [smem:$0x3FFC];
	_ =	sdelay $0x3  }
0xc: {  	_ =	strace s3  }
0xd: {  	s3 =	sld [smem:$0x3FFD];
	_ =	sdelay $0x3  }
0xe: {  	_ =	strace s3  }
0xf: {  	_ =	strace $0x8FFFFFFF  }
0x10: {  	s20 =	sld [smem:$0x3FDB];
	_ =	sdelay $0x1  }
0x11: {  	s4 =	simm.s32 $_scs_section_size  }
0x12: {  	s5 =	simm.s32 $_size__tile_overlayer_lowered;
	s6 =	simm.s32 $_tile_overlayer_lowered  }
0x13: {  	s23 =	simm.s32 $0x1BFF;
	s22 =	sshll.u32 s6, $0x1;
	s3 =	sadd.s32 s4, s20  }
0x14: {  	s7 =	simm.s32 $0x0;
	s21 =	sshll.u32 s5, $0x1;
	s5 =	sadd.s32 s22, s3  }
0x15: {  	[timem:s7], [sflag:s23] =	dma.local [hbm:s5], s21  }
0x16: {  	_ =	swait.ge [sflag:s23], s21  }
0x17: {  	s4 =	ssub.s32 $0x0, s21;
	[sflag:s23] =	ssyncset.done $0x0  }
0x18: {  	[sflag:s23] =	ssyncadd.s32 s4;
	_ =	sdelay $0x1  }
0x19: {  	s24 =	simm.s32 $0x1B8B  }
0x1a: {  	_ =	swait.ge [sflag:s24], $0x1  }
0x1b: {  	[sflag:s24] =	ssyncset.done $0x0  }
0x1c: {  	s26 =	simm.s32 $0x1B8E;
	s25 =	sld [smem:$0x3FFE];
	[sflag:s24] =	ssyncadd.s32 $0xFFFFFFFF  }
0x1d: {  	s27 =	simm.s32 $execute0_lowered;
	[smem:$0x3FD2] =	sst s26  }
0x1e: {  	s5 =	sshll.u32 s27, $0x1;
	_ =	strace $0x80000046;
	[dreg:$0x1] =	wrdreg $0xFFFFFFFF  }
0x1f: {  	s28 =	simm.s32 $_size_execute0_lowered;
	s3 =	sadd.s32 s3, s5;
	[dreg:$0x0] =	wrdreg $0x0  }
0x20: {  	s5 =	sshll.u32 s28, $0x1;
	[dreg:$0x2] =	wrdreg s3  }
0x21: {  	[dreg:$0x3] =	wrdreg s5  }
0x22: {  	[dreg:$0x4] =	wrdreg $0xC0  }
0x23: {  	_ =	task [dreg:s7], $0x5FFFF  }
0x24: {  	[dreg:$0x1] =	wrdreg $0xFFFFFFFF  }
0x25: {  	[dreg:$0x0] =	wrdreg $0x60  }
0x26: {  	[dreg:$0x2] =	wrdreg s2  }
0x27: {  	[dreg:$0x3] =	wrdreg s25  }
0x28: {  	[dreg:$0x4] =	wrdreg $0x9  }
0x29: {  	_ =	task.clear_ibuf [dreg:s7], $0x5FFFF;
	_ =	strace $0x90000046  }
0x2a: {  	s29 =	simm.s32 $0x9;
	_ =	strace $0x80000048  }
0x2b: {  	_ =	swait.ge [sflag:s29], $0x1  }
0x2c: {  	[sflag:s29] =	ssyncadd.s32 $0xFFFFFFFF  }
0x2d: {  	_ =	strace $0x90000048  }
0x2e: {  	_ =	sfence  }
0x2f: {  	s30 =	sld [smem:$0x0];
	_ =	sdelay $0x2  }
0x30: {  	s31 =	sshll.u32 s1, $0xD;
	s1 =	sshrl.u32 s1, $0x2  }
0x31: {  	s3 =	sand.u32 $0x4000, s31;
	s1 =	sadd.s32 s1, s30  }
0x32: {  	s0 =	sor.u32 s3, s0;
	s1 =	sshll.u32 s1, $0x11  }
0x33: {  	s0 =	sor.u32 s1, s0  }
0x34: {  	s0 =	sadd.s32 $0x8F2B, s0  }
0x35: {  	[sflag:s0] =	ssyncadd.remote.s32 $0x1  }
0x36: {  	_ =	sfence.sel $0xFFFF  }
0x37: {  	[dreg:$0x0] =	wrdreg $0xFFFFFFFF;
	(pc) =	sbr.abs _section_cstart, $3  }
0x38: {  	[dreg:$0x1] =	wrdreg $0xFFFFFFFF  }
0x39: {  	_ =	task.clear_ibuf [dreg:s7], $0x2FFFF;
	_ =	strace $0x9FFFFFFF  }
0x3a: {  	(tm) =	ssettm $0x7FFFFFFF  }
0x3b: {  	_ =	shalt  }
tec
execute0_lowered:
.L_overlay_start_1:
0x0: {  	(tag) =	ssettag $0x1  }
0x1: {  	s2 =	rddreg [dreg:$0x0]  }
0x2: {  	s1 =	rddreg [dreg:$0x1]  }
0x3: {  	s0 =	rddreg [dreg:$0x2];
	_ =	strace $0x80000047;
	s4 =	srdreg.scid  }
0x4: {  	s6 =	simm.s32 $0x2;
	s11 =	simm.s32 $0x0;
	p0 =	por $0x0, $0x0  }
.Ltmp0:
0x5: {  	s7 =	simm.s32 $0x2000;
	s12 =	simm.s32 $0x0;
	(pc) =	sbr.rel .LBB1_1-.Ltmp0, $4  }
0x6: {  	s9 =	simm.s32 $0x0;
	s3 =	sadd.s32 $0xC00, s1;
	s5 =	sshll.u32 s4, $0x4  }
0x7: {  	s1 =	stileid.u32;
	s4 =	simm.s32 $0x1;
	s5 =	sand.u32 $0x10, s5  }
0x8: {  	s8 =	simm.s32 $0x0;
	[sflag:s4] =	ssyncpa.u1 $0x0;
	s5 =	sor.u32 s1, s5  }
0x9: {  	[sflag:s6] =	ssyncpa.u1 $0x0;
	s6 =	simm.s32 $0x800;
	s10 =	smov.u32 s5  }
.LBB1_7:
0xa: {  	s13 =	sadd.s32 $0x10, s9  }
0xb: {  	s11 =	sadd.s32 $0x20, s10;
	s15 =	smov.u32 s10;
	p2 =	sgt.s32 s13, $0x3F  }
0xc: {  	p1 =	slt.u32 s8, $0x2;
	s15 =	smov.u32 @p2 s11  }
0xd: {  	s8 =	sadd.s32 $0x1, s8;
	s13 =	simm.s32 @p2 $0x0;
	p2 =	sgt.s32 s15, $0x3FF  }
0xe: {  	s15 =	smov.u32 @p2 s5;
	p2 =	sne.s32 s8, $0x82  }
.Ltmp1:
0xf: {  	_ = 	snop;
	(pc) =	sbr.rel @!p2 .LBB1_8-.Ltmp1, $4  }
0x10: {  	s14 =	simm.s32 @!p1 $0x2  }
0x11: {  	s12 =	smov.u32 s10;
	_ =	swait.ge @!p1 [sflag:s14], $0x4000  }
0x12: {  	p0 =	por !p0, !p0;
	s11 =	smov.u32 s9;
	[sflag:s14] =	ssyncset.done @!p1 $0x0  }
0x13: {  	s9 =	smov.u32 s13;
	[sflag:s14] =	ssyncadd.s32 @!p1 $0xFFFFC000;
	s10 =	smov.u32 s15  }
.LBB1_1:
0x14: {  	p1 =	sgt.u32 s8, $0x7F  }
0x15: {  	s13 =	sxor.u32 @!p1 $0xFFFFFFFF, s8;
	s14 =	sshll.u32 @!p1 s10, $0xD  }
0x16: {  	s15 =	sshll.u32 @!p1 s9, $0x7;
	s13 =	sshll.u32 @!p1 s13, $0xE;
	s14 =	sadd.s32 @!p1 s2, s14  }
0x17: {  	s13 =	sand.u32 @!p1 $0x4000, s13;
	s14 =	sadd.s32 @!p1 s15, s14;
	s15 =	simm.s32 @!p1 $0x0  }
0x18: {  	[tilespmem:s13], [sflag:$0x1] =	stream.linear.gather @!p1 [hbm4b:s14+s15], $0x4000, $0x38;
	[tilespmem:$0x10000] =	vst v63  }
0x19: {  	p1 =	seq.s32 s8, $0x0  }
0x1a: {  	p2 =	seq.s32 @!p1 s8, $0x81  }
0x1b: {  	p1 =	por p1, p2  }
.Ltmp2:
0x1c: {  	_ = 	snop;
	(pc) =	sbr.rel @p1 .LBB1_7-.Ltmp2, $1  }
0x1d: {  	_ =	sdelay $0x3  }
0x1e: {  	s13 =	simm.s32 $0x1;
	_ =	swait.ge [sflag:s4], $0x4000;
	s16 =	sshll.u32 s8, $0xE  }
0x1f: {  	s13 =	simm.s32 @!p0 $0x0;
	[sflag:s4] =	ssyncset.done $0x0;
	s31 =	sand.u32 $0x4000, s16  }
0x20: {  	s16 =	simm.s32 $0x0;
	s14 =	sshll.u32 s13, $0xE;
	[sflag:s4] =	ssyncadd.s32 $0xFFFFC000  }
0x21: {  	s13 =	sor.u32 $0x8040, s14;
	s15 =	sor.u32 $0x40, s14;
	s14 =	sor.u32 $0x8000, s31  }
.LBB1_3:
0x22: {  	v0 =	vmov s15;
	_ =	sdelay $0x3  }
0x23: {  	s18 =	simm.s32 $0x0  }
0x24: {  	v6 =	vld.idx.msk [tilespmem:v0+s18+$0x30 ss:$0x1], $0xffff  }
0x25: {  	v7 =	vld.idx.msk [tilespmem:v0+s18+$0xFFFFFFC0 ss:$0x1], $0xffff  }
0x26: {  	v5 =	vld.idx.msk [tilespmem:v0+s18+$0xFFFFFFD0 ss:$0x1], $0xffff  }
0x27: {  	v4 =	vld.idx.msk [tilespmem:v0+s18+$0xFFFFFFE0 ss:$0x1], $0xffff  }
0x28: {  	v3 =	vld.idx.msk [tilespmem:v0+s18+$0xFFFFFFF0 ss:$0x1], $0xffff  }
0x29: {  	v1 =	vld.idx.msk [tilespmem:v0+s18+$0x0 ss:$0x1], $0xffff  }
0x2a: {  	v2 =	vld.idx.msk [tilespmem:v0+s18+$0x10 ss:$0x1], $0xffff;
	[tilespmem:s13+$0x30] =	vst v6  }
0x2b: {  	s17 =	simm.s32 $0x80;
	s19 =	simm.s32 $0x400;
	[tilespmem:s13+$0xFFFFFFC0] =	vst v7;
	v6 =	vld.idx.msk [tilespmem:v0+s18+$0x20 ss:$0x1], $0xffff;
	s18 =	smov.u32 s13  }
.LBB1_4:
0x2c: {  	p1 =	sne.s32 s19, $0xE00;
	v7 =	vld.idx.msk [tilespmem:v0+s17+$0x30 ss:$0x1], $0xffff;
	[tilespmem:s18+$0xFFFFFFD0] =	vst v5  }
0x2d: {  	v8 =	vld.idx.msk [tilespmem:v0+s17+$0xFFFFFFC0 ss:$0x1], $0xffff;
	[tilespmem:s18+$0xFFFFFFE0] =	vst v4  }
0x2e: {  	v5 =	vld.idx.msk [tilespmem:v0+s17+$0xFFFFFFD0 ss:$0x1], $0xffff;
	[tilespmem:s18+$0xFFFFFFF0] =	vst v3  }
.Ltmp3:
0x2f: {  	v4 =	vld.idx.msk [tilespmem:v0+s17+$0xFFFFFFE0 ss:$0x1], $0xffff;
	[tilespmem:s18+$0x0] =	vst v1;
	(pc) =	sbr.rel @p1 .LBB1_4-.Ltmp3, $4  }
0x30: {  	v3 =	vld.idx.msk [tilespmem:v0+s17+$0xFFFFFFF0 ss:$0x1], $0xffff;
	[tilespmem:s18+$0x10] =	vst v2  }
0x31: {  	v1 =	vld.idx.msk [tilespmem:v0+s17+$0x0 ss:$0x1], $0xffff;
	[tilespmem:s18+$0x20] =	vst v6;
	s18 =	sadd.s32 $0x800, s18  }
0x32: {  	v2 =	vld.idx.msk [tilespmem:v0+s17+$0x10 ss:$0x1], $0xffff;
	[tilespmem:s18+$0x30] =	vst v7  }
0x33: {  	[tilespmem:s18+$0xFFFFFFC0] =	vst v8;
	v6 =	vld.idx.msk [tilespmem:v0+s17+$0x20 ss:$0x1], $0xffff;
	s17 =	sshra.s32 s19, $0x2;
	s19 =	sadd.s32 $0x200, s19  }
0x34: {  	_ =	sdelay $0x2  }
0x35: {  	[tilespmem:s18+$0xFFFFFFD0] =	vst v5  }
0x36: {  	v56 =	vld.idx.msk [tilespmem:v0+s17+$0x30 ss:$0x1], $0xffff;
	[tilespmem:s18+$0xFFFFFFE0] =	vst v4  }
0x37: {  	v57 =	vld.idx.msk [tilespmem:v0+s17+$0xFFFFFFC0 ss:$0x1], $0xffff;
	[tilespmem:s18+$0xFFFFFFF0] =	vst v3  }
0x38: {  	v58 =	vld.idx.msk [tilespmem:v0+s17+$0xFFFFFFD0 ss:$0x1], $0xffff;
	[tilespmem:s18+$0x0] =	vst v1  }
0x39: {  	v59 =	vld.idx.msk [tilespmem:v0+s17+$0xFFFFFFE0 ss:$0x1], $0xffff;
	[tilespmem:s18+$0x10] =	vst v2  }
0x3a: {  	v60 =	vld.idx.msk [tilespmem:v0+s17+$0xFFFFFFF0 ss:$0x1], $0xffff;
	s31 =	sadd.s32 $0x800, s18;
	[tilespmem:s18+$0x20] =	vst v6  }
0x3b: {  	v61 =	vld.idx.msk [tilespmem:v0+s17+$0x0 ss:$0x1], $0xffff;
	[tilespmem:s31+$0x30] =	vst v56  }
0x3c: {  	v62 =	vld.idx.msk [tilespmem:v0+s17+$0x10 ss:$0x1], $0xffff;
	s16 =	sadd.s32 $0x1, s16;
	[tilespmem:s31+$0xFFFFFFC0] =	vst v57  }
0x3d: {  	v63 =	vld.idx.msk [tilespmem:v0+s17+$0x20 ss:$0x1], $0xffff;
	p1 =	sne.s32 s16, $0x10;
	[tilespmem:s31+$0xFFFFFFD0] =	vst v58  }
.Ltmp4:
0x3e: {  	[tilespmem:s31+$0xFFFFFFE0] =	vst v59;
	(pc) =	sbr.rel @p1 .LBB1_3-.Ltmp4, $4  }
0x3f: {  	[tilespmem:s31+$0xFFFFFFF0] =	vst v60  }
0x40: {  	[tilespmem:s31+$0x0] =	vst v61  }
0x41: {  	[tilespmem:s31+$0x10] =	vst v62  }
0x42: {  	s13 =	sadd.s32 $0x80, s13;
	s15 =	sadd.s32 $0x400, s15;
	[tilespmem:s31+$0x20] =	vst v63  }
.Ltmp5:
0x43: {  	(pc) =	sbr.rel .LBB1_7-.Ltmp5, $4  }
0x44: {  	s12 =	sshll.u32 s12, $0xD;
	s11 =	sshll.u32 s11, $0x4  }
0x45: {  	s11 =	sand.u32 $0x3F0, s11;
	s12 =	sadd.s32 s3, s12  }
0x46: {  	s11 =	sadd.s32 s11, s12  }
0x47: {  	[hbm4b:s11+s6] =	stream.strided.scatter [tilespmem:s14], [sflag:$0x2], $0x4000, s7, s6, $0x38;
	[tilespmem:$0x10000] =	vst v63  }
.LBB1_8:
0x48: {  	_ =	sfence.sel $0x180000  }
0x49: {  	s2 =	simm.s32 $0x1;
	[bflag:$0x0] =	sbarrier.arrive $0xFFFF  }
0x4a: {  	s31 =	simm.s32 $0x2;
	[sflag:s2] =	ssyncpa.u1 $0x1  }
0x4b: {  	[sflag:s31] =	ssyncpa.u1 $0x1  }
0x4c: {  	p0 =	sne.s32 s1, $0x0;
	_ =	strace $0x90000047  }
0x4d: {  	s0 =	sadd.s32 @!p0 $0x100000, s0;
	[bflag:$0x2] =	sbarrier.arrive $0xFFFF  }
0x4e: {  	[sflag:s0] =	ssyncadd.tile.s32 @!p0 $0x1;
	_ =	shalt  }
.Lfunc_end1:
_tile_overlayer_lowered:
.L_overlay_start_2:
0x4f: {  	(tag) =	ssettag $0x2  }
0x50: {  	s0 =	rddreg [dreg:$0x0];
	s2 =	stileid.u32  }
0x51: {  	s1 =	rddreg [dreg:$0x1];
	p0 =	sne.s32 s2, $0x0  }
0x52: {  	s3 =	rddreg [dreg:$0x2];
	[bflag:$0x3] =	sbarrier.arrive $0xFFFF;
	s2 =	simm.s32 @!p0 $0x1C01  }
0x53: {  	[timem:s3], [sflag:s2] =	dma.local @!p0 [hbm:s0], s1  }
0x54: {  	s0 =	simm.s32 @!p0 $0x1  }
0x55: {  	_ =	swait.ge @!p0 [sflag:s0], s1  }
0x56: {  	s1 =	ssub.s32 @!p0 $0x0, s1;
	[sflag:s0] =	ssyncset.done @!p0 $0x0  }
0x57: {  	[sflag:s0] =	ssyncadd.s32 @!p0 s1  }
0x58: {  	[bflag:$0x3] =	sbarrier.arrive $0xFFFF  }
0x59: {  	_ =	shalt  }

</sc_bundles>
